<compile_context>
chip_gen: v7x
topology: tpu7x:2x2x1
jax: 0.10.2.dev20260603
libtpu: 0.0.44.dev20260713+nightly
codegen_flags: <defaults>
</compile_context>

<pallas_src>
import functools

import jax
import jax.numpy as jnp
from jax import lax
from jax.experimental import pallas as pl
from jax.experimental.pallas import tpu as pltpu
from jax.experimental.pallas import tpu_sc as plsc

NUM_EMB = 8192
DIM = 1024
B = 4 * 8192

_info = plsc.get_sparse_core_info()
_NC = _info.num_cores
_NS = _info.num_subcores
NW = _NC * _NS
BPW = B // NW
C = 24
NB = 5
_SIZES = [C] * (BPW // C) + ([BPW % C] if BPW % C else [])
_OFFS = [sum(_SIZES[:i]) for i in range(len(_SIZES))]
NCHUNK = len(_SIZES)
_LEAD = NB - 1


def _emb_body(x_hbm, w_hbm, out_hbm, idx_v, bufs, sgs, sos):
    wid = lax.axis_index("s") * _NC + lax.axis_index("c")
    base = wid * BPW
    _head = min(_LEAD * C, BPW)
    pltpu.sync_copy(x_hbm.at[pl.ds(base, _head)], idx_v.at[pl.ds(0, _head)])

    last_put = [None] * NB

    def gather_start(g, b):
        n = _SIZES[g]
        pltpu.make_async_copy(
            w_hbm.at[idx_v.at[pl.ds(_OFFS[g], n)]],
            bufs[b].at[pl.ds(0, n)], sgs[b]
        ).start()

    def gather_wait(g, b):
        n = _SIZES[g]
        pltpu.make_async_copy(
            w_hbm.at[idx_v.at[pl.ds(0, n)]],
            bufs[b].at[pl.ds(0, n)], sgs[b]
        ).wait()

    def put_start(g, b):
        n = _SIZES[g]
        pltpu.make_async_copy(
            bufs[b].at[pl.ds(0, n)],
            out_hbm.at[pl.ds(base + _OFFS[g], n)], sos[b]
        ).start()
        last_put[b] = g

    def put_wait(b):
        n = _SIZES[last_put[b]]
        pltpu.make_async_copy(
            bufs[b].at[pl.ds(0, n)],
            out_hbm.at[pl.ds(base, n)], sos[b]
        ).wait()

    for g in range(_LEAD):
        gather_start(g, g % NB)
    pltpu.sync_copy(
        x_hbm.at[pl.ds(base + _head, BPW - _head)],
        idx_v.at[pl.ds(_head, BPW - _head)],
    )
    for g in range(NCHUNK):
        b = g % NB
        gather_wait(g, b)
        put_start(g, b)
        h = g + _LEAD
        if h < NCHUNK:
            if h >= NB:
                put_wait(h % NB)
            gather_start(h, h % NB)
    for k in range(NCHUNK - NB, NCHUNK):
        put_wait(k % NB)


def _emb_entry(x_hbm, w_hbm, out_hbm, idx_v, b0, b1, b2, b3, b4,
               g0, g1, g2, g3, g4, o0, o1, o2, o3, o4):
    _emb_body(x_hbm, w_hbm, out_hbm, idx_v,
              (b0, b1, b2, b3, b4),
              (g0, g1, g2, g3, g4),
              (o0, o1, o2, o3, o4))


@jax.jit
def _emb(x_flat, weight):
    mesh = plsc.VectorSubcoreMesh(core_axis_name="c", subcore_axis_name="s")
    fn = functools.partial(
        pl.kernel,
        mesh=mesh,
        out_type=jax.ShapeDtypeStruct((B, DIM), jnp.float32),
        scratch_types=(
            [pltpu.VMEM((BPW,), jnp.int32)]
            + [pltpu.VMEM((C, DIM), jnp.float32)] * NB
            + [pltpu.SemaphoreType.DMA] * (2 * NB)
        ),
    )(_emb_entry)
    return fn(x_flat, weight)


def kernel(x, weight):
    out = _emb(x.reshape(-1), weight)
    return out.reshape(x.shape + (weight.shape[1],))

# --- scband reference (transcript-rebuilt; emitter-appended) ---
"""Pipeline reference for scband-position-embedding-4810363372562 (READ-ONLY COPY).

The authoritative reference and input builder live on the scoring server;
editing this copy changes nothing except your own understanding.
"""

import jax, jax.numpy as jnp
import numpy as np

NUM_EMBEDDINGS = 8192
EMBEDDING_DIM = 1024


def setup_inputs(seed: int = 0) -> dict:
    key = jax.random.key(seed)
    k_idx, k_w = jax.random.split(key)
    # position indices: int ids in [0, num_embeddings)
    x = jax.random.randint(k_idx, (4, 8192), 0, NUM_EMBEDDINGS, dtype=jnp.int32)
    # xavier-normal initialized embedding table: std = sqrt(2 / (fan_in + fan_out))
    std = float(np.sqrt(2.0 / (NUM_EMBEDDINGS + EMBEDDING_DIM)))
    weight = jax.random.normal(k_w, (NUM_EMBEDDINGS, EMBEDDING_DIM), dtype=jnp.float32) * std
    return {"x": x, "weight": weight}


def reference(x, weight):
    # nn.Embedding forward == row gather from the table
    embeddings = jnp.take(weight, x, axis=0)
    return embeddings

if __name__ == "__main__":
    import jax
    _d = setup_inputs()
    print(jax.jit(kernel)(*tuple(_d.values())))

</pallas_src>

<mosaic_0001>
#map = affine_map<(d0, d1) -> (0)>
#map1 = affine_map<(d0, d1) -> (0, 0)>
module attributes {stable_mosaic.version = 14 : i64} {
  func.func @_emb_entry(%arg0: i32, %arg1: i32, %arg2: memref<32768xi32, #tpu.memory_space<hbm>>, %arg3: memref<8192x1024xf32, #tpu.memory_space<hbm>>, %arg4: memref<32768x1024xf32, #tpu.memory_space<hbm>>, %arg5: memref<1024xi32, #tpu.memory_space<vmem>>, %arg6: memref<24x1024xf32, #tpu.memory_space<vmem>>, %arg7: memref<24x1024xf32, #tpu.memory_space<vmem>>, %arg8: memref<24x1024xf32, #tpu.memory_space<vmem>>, %arg9: memref<24x1024xf32, #tpu.memory_space<vmem>>, %arg10: memref<24x1024xf32, #tpu.memory_space<vmem>>, %arg11: memref<!tpu.dma_semaphore, #tpu.memory_space<semaphore_mem>>, %arg12: memref<!tpu.dma_semaphore, #tpu.memory_space<semaphore_mem>>, %arg13: memref<!tpu.dma_semaphore, #tpu.memory_space<semaphore_mem>>, %arg14: memref<!tpu.dma_semaphore, #tpu.memory_space<semaphore_mem>>, %arg15: memref<!tpu.dma_semaphore, #tpu.memory_space<semaphore_mem>>, %arg16: memref<!tpu.dma_semaphore, #tpu.memory_space<semaphore_mem>>, %arg17: memref<!tpu.dma_semaphore, #tpu.memory_space<semaphore_mem>>, %arg18: memref<!tpu.dma_semaphore, #tpu.memory_space<semaphore_mem>>, %arg19: memref<!tpu.dma_semaphore, #tpu.memory_space<semaphore_mem>>, %arg20: memref<!tpu.dma_semaphore, #tpu.memory_space<semaphore_mem>>) attributes {dimension_semantics = [#tpu.dimension_semantics<core_parallel>, #tpu.dimension_semantics<subcore_parallel>], iteration_bounds = array<i64: 2, 16>, scalar_prefetch = 0 : i64, scratch_operands = 16 : i64, tpu.core_type = #tpu.core_type<sc_vector_subcore>, window_params = [{transform_indices = #map}, {transform_indices = #map1}, {transform_indices = #map1}]} {
    %mul3A = arith.constant 2 : i32
    %mul3A_0 = arith.muli %arg1, %mul3A : i32
    %add3A = arith.addi %mul3A_0, %arg0 : i32
    %mul3A_1 = arith.constant 1024 : i32
    %mul3A_2 = arith.muli %add3A, %mul3A_1 : i32
    "tpu.region"() ({
      %run_scoped3A = tpu.sem_alloc : memref<!tpu.dma_semaphore, #tpu.memory_space<semaphore_mem>>
      %dma_start3A_1637 = arith.constant 0 : i32
      %dma_start3A_1638 = tpu.memref_slice %arg5[%dma_start3A_1637] : memref<1024xi32, #tpu.memory_space<vmem>> -> memref<96xi32, #tpu.memory_space<vmem>>
      %dma_start3A_1639 = tpu.memref_slice %arg2[%mul3A_2] : memref<32768xi32, #tpu.memory_space<hbm>> -> memref<96xi32, #tpu.memory_space<hbm>>
      %dma_start3A_1640 = arith.constant 0 : i32
      %dma_start3A_1641 = tpu.memref_slice %arg5[%dma_start3A_1640] : memref<1024xi32, #tpu.memory_space<vmem>> -> memref<96xi32, #tpu.memory_space<vmem>>
      %dma_start3A_1642 = tpu.memref_slice %arg2[%mul3A_2] : memref<32768xi32, #tpu.memory_space<hbm>> -> memref<96xi32, #tpu.memory_space<hbm>>
      tpu.enqueue_dma source(%dma_start3A_1642 : memref<96xi32, #tpu.memory_space<hbm>>) target(%dma_start3A_1641 : memref<96xi32, #tpu.memory_space<vmem>>) target_semaphore(%run_scoped3A : memref<!tpu.dma_semaphore, #tpu.memory_space<semaphore_mem>>)
      %dma_wait3A_1643 = arith.constant 0 : i32
      %dma_wait3A_1644 = tpu.memref_slice %arg5[%dma_wait3A_1643] : memref<1024xi32, #tpu.memory_space<vmem>> -> memref<96xi32, #tpu.memory_space<vmem>>
      %dma_wait3A_1645 = tpu.memref_slice %arg2[%mul3A_2] : memref<32768xi32, #tpu.memory_space<hbm>> -> memref<96xi32, #tpu.memory_space<hbm>>
      %dma_wait3A_1646 = arith.constant 0 : i32
      %dma_wait3A_1647 = tpu.memref_slice %arg5[%dma_wait3A_1646] : memref<1024xi32, #tpu.memory_space<vmem>> -> memref<96xi32, #tpu.memory_space<vmem>>
      %dma_wait3A_1648 = tpu.memref_slice %arg2[%mul3A_2] : memref<32768xi32, #tpu.memory_space<hbm>> -> memref<96xi32, #tpu.memory_space<hbm>>
      tpu.wait_dma2 semaphore(%run_scoped3A : memref<!tpu.dma_semaphore, #tpu.memory_space<semaphore_mem>>) src(%dma_wait3A_1648 : memref<96xi32, #tpu.memory_space<hbm>>) dst(%dma_wait3A_1647 : memref<96xi32, #tpu.memory_space<vmem>>)
      tpu.yield
    }) : () -> ()
    %dma_start3A = arith.constant 0 : i32
    %dma_start3A_3 = arith.constant 0 : i32
    %dma_start3A_4 = tpu.memref_slice %arg6[%dma_start3A, %dma_start3A_3] : memref<24x1024xf32, #tpu.memory_space<vmem>> -> memref<24x1024xf32, #tpu.memory_space<vmem>>
    %dma_start3A_5 = arith.constant 0 : i32
    %dma_start3A_6 = tpu.memref_slice %arg5[%dma_start3A_5] : memref<1024xi32, #tpu.memory_space<vmem>> -> memref<24xi32, #tpu.memory_space<vmem>>
    %dma_start3A_7 = arith.constant 0 : i32
    %dma_start3A_8 = arith.constant 0 : i32
    %dma_start3A_9 = tpu.memref_slice %arg3[%dma_start3A_7, %dma_start3A_8] : memref<8192x1024xf32, #tpu.memory_space<hbm>> -> memref<8192x1024xf32, #tpu.memory_space<hbm>>
    tpu.enqueue_indirect_dma source(%dma_start3A_9 : memref<8192x1024xf32, #tpu.memory_space<hbm>>) target(%dma_start3A_4 : memref<24x1024xf32, #tpu.memory_space<vmem>>) offsets(%dma_start3A_6 : memref<24xi32, #tpu.memory_space<vmem>>) semaphore(%arg11 : memref<!tpu.dma_semaphore, #tpu.memory_space<semaphore_mem>>)
    %dma_start3A_10 = arith.constant 0 : i32
    %dma_start3A_11 = arith.constant 0 : i32
    %dma_start3A_12 = tpu.memref_slice %arg7[%dma_start3A_10, %dma_start3A_11] : memref<24x1024xf32, #tpu.memory_space<vmem>> -> memref<24x1024xf32, #tpu.memory_space<vmem>>
    %dma_start3A_13 = arith.constant 24 : i32
    %dma_start3A_14 = tpu.memref_slice %arg5[%dma_start3A_13] : memref<1024xi32, #tpu.memory_space<vmem>> -> memref<24xi32, #tpu.memory_space<vmem>>
    %dma_start3A_15 = arith.constant 0 : i32
    %dma_start3A_16 = arith.constant 0 : i32
    %dma_start3A_17 = tpu.memref_slice %arg3[%dma_start3A_15, %dma_start3A_16] : memref<8192x1024xf32, #tpu.memory_space<hbm>> -> memref<8192x1024xf32, #tpu.memory_space<hbm>>
    tpu.enqueue_indirect_dma source(%dma_start3A_17 : memref<8192x1024xf32, #tpu.memory_space<hbm>>) target(%dma_start3A_12 : memref<24x1024xf32, #tpu.memory_space<vmem>>) offsets(%dma_start3A_14 : memref<24xi32, #tpu.memory_space<vmem>>) semaphore(%arg12 : memref<!tpu.dma_semaphore, #tpu.memory_space<semaphore_mem>>)
    %dma_start3A_18 = arith.constant 0 : i32
    %dma_start3A_19 = arith.constant 0 : i32
    %dma_start3A_20 = tpu.memref_slice %arg8[%dma_start3A_18, %dma_start3A_19] : memref<24x1024xf32, #tpu.memory_space<vmem>> -> memref<24x1024xf32, #tpu.memory_space<vmem>>
    %dma_start3A_21 = arith.constant 48 : i32
    %dma_start3A_22 = tpu.memref_slice %arg5[%dma_start3A_21] : memref<1024xi32, #tpu.memory_space<vmem>> -> memref<24xi32, #tpu.memory_space<vmem>>
    %dma_start3A_23 = arith.constant 0 : i32
    %dma_start3A_24 = arith.constant 0 : i32
    %dma_start3A_25 = tpu.memref_slice %arg3[%dma_start3A_23, %dma_start3A_24] : memref<8192x1024xf32, #tpu.memory_space<hbm>> -> memref<8192x1024xf32, #tpu.memory_space<hbm>>
    tpu.enqueue_indirect_dma source(%dma_start3A_25 : memref<8192x1024xf32, #tpu.memory_space<hbm>>) target(%dma_start3A_20 : memref<24x1024xf32, #tpu.memory_space<vmem>>) offsets(%dma_start3A_22 : memref<24xi32, #tpu.memory_space<vmem>>) semaphore(%arg13 : memref<!tpu.dma_semaphore, #tpu.memory_space<semaphore_mem>>)
    %dma_start3A_26 = arith.constant 0 : i32
    %dma_start3A_27 = arith.constant 0 : i32
    %dma_start3A_28 = tpu.memref_slice %arg9[%dma_start3A_26, %dma_start3A_27] : memref<24x1024xf32, #tpu.memory_space<vmem>> -> memref<24x1024xf32, #tpu.memory_space<vmem>>
    %dma_start3A_29 = arith.constant 72 : i32
    %dma_start3A_30 = tpu.memref_slice %arg5[%dma_start3A_29] : memref<1024xi32, #tpu.memory_space<vmem>> -> memref<24xi32, #tpu.memory_space<vmem>>
    %dma_start3A_31 = arith.constant 0 : i32
    %dma_start3A_32 = arith.constant 0 : i32
    %dma_start3A_33 = tpu.memref_slice %arg3[%dma_start3A_31, %dma_start3A_32] : memref<8192x1024xf32, #tpu.memory_space<hbm>> -> memref<8192x1024xf32, #tpu.memory_space<hbm>>
    tpu.enqueue_indirect_dma source(%dma_start3A_33 : memref<8192x1024xf32, #tpu.memory_space<hbm>>) target(%dma_start3A_28 : memref<24x1024xf32, #tpu.memory_space<vmem>>) offsets(%dma_start3A_30 : memref<24xi32, #tpu.memory_space<vmem>>) semaphore(%arg14 : memref<!tpu.dma_semaphore, #tpu.memory_space<semaphore_mem>>)
    %add3A_34 = arith.constant 96 : i32
    %add3A_35 = arith.addi %mul3A_2, %add3A_34 : i32
    "tpu.region"() ({
      %run_scoped3A = tpu.sem_alloc : memref<!tpu.dma_semaphore, #tpu.memory_space<semaphore_mem>>
      %dma_start3A_1637 = arith.constant 96 : i32
      %dma_start3A_1638 = tpu.memref_slice %arg5[%dma_start3A_1637] : memref<1024xi32, #tpu.memory_space<vmem>> -> memref<928xi32, #tpu.memory_space<vmem>>
      %dma_start3A_1639 = tpu.memref_slice %arg2[%add3A_35] : memref<32768xi32, #tpu.memory_space<hbm>> -> memref<928xi32, #tpu.memory_space<hbm>>
      %dma_start3A_1640 = arith.constant 96 : i32
      %dma_start3A_1641 = tpu.memref_slice %arg5[%dma_start3A_1640] : memref<1024xi32, #tpu.memory_space<vmem>> -> memref<928xi32, #tpu.memory_space<vmem>>
      %dma_start3A_1642 = tpu.memref_slice %arg2[%add3A_35] : memref<32768xi32, #tpu.memory_space<hbm>> -> memref<928xi32, #tpu.memory_space<hbm>>
      tpu.enqueue_dma source(%dma_start3A_1642 : memref<928xi32, #tpu.memory_space<hbm>>) target(%dma_start3A_1641 : memref<928xi32, #tpu.memory_space<vmem>>) target_semaphore(%run_scoped3A : memref<!tpu.dma_semaphore, #tpu.memory_space<semaphore_mem>>)
      %dma_wait3A_1643 = arith.constant 96 : i32
      %dma_wait3A_1644 = tpu.memref_slice %arg5[%dma_wait3A_1643] : memref<1024xi32, #tpu.memory_space<vmem>> -> memref<928xi32, #tpu.memory_space<vmem>>
      %dma_wait3A_1645 = tpu.memref_slice %arg2[%add3A_35] : memref<32768xi32, #tpu.memory_space<hbm>> -> memref<928xi32, #tpu.memory_space<hbm>>
      %dma_wait3A_1646 = arith.constant 96 : i32
      %dma_wait3A_1647 = tpu.memref_slice %arg5[%dma_wait3A_1646] : memref<1024xi32, #tpu.memory_space<vmem>> -> memref<928xi32, #tpu.memory_space<vmem>>
      %dma_wait3A_1648 = tpu.memref_slice %arg2[%add3A_35] : memref<32768xi32, #tpu.memory_space<hbm>> -> memref<928xi32, #tpu.memory_space<hbm>>
      tpu.wait_dma2 semaphore(%run_scoped3A : memref<!tpu.dma_semaphore, #tpu.memory_space<semaphore_mem>>) src(%dma_wait3A_1648 : memref<928xi32, #tpu.memory_space<hbm>>) dst(%dma_wait3A_1647 : memref<928xi32, #tpu.memory_space<vmem>>)
      tpu.yield
    }) : () -> ()
    %dma_wait3A = arith.constant 0 : i32
    %dma_wait3A_36 = arith.constant 0 : i32
    %dma_wait3A_37 = tpu.memref_slice %arg6[%dma_wait3A, %dma_wait3A_36] : memref<24x1024xf32, #tpu.memory_space<vmem>> -> memref<24x1024xf32, #tpu.memory_space<vmem>>
    %dma_wait3A_38 = arith.constant 0 : i32
    %dma_wait3A_39 = tpu.memref_slice %arg5[%dma_wait3A_38] : memref<1024xi32, #tpu.memory_space<vmem>> -> memref<24xi32, #tpu.memory_space<vmem>>
    %dma_wait3A_40 = arith.constant 0 : i32
    %dma_wait3A_41 = arith.constant 0 : i32
    %dma_wait3A_42 = tpu.memref_slice %arg3[%dma_wait3A_40, %dma_wait3A_41] : memref<8192x1024xf32, #tpu.memory_space<hbm>> -> memref<8192x1024xf32, #tpu.memory_space<hbm>>
    tpu.wait_indirect_dma semaphore(%arg11 : memref<!tpu.dma_semaphore, #tpu.memory_space<semaphore_mem>>) src(%dma_wait3A_42 : memref<8192x1024xf32, #tpu.memory_space<hbm>>) dst(%dma_wait3A_37 : memref<24x1024xf32, #tpu.memory_space<vmem>>)
    %add3A_43 = arith.constant 0 : i32
    %add3A_44 = arith.addi %mul3A_2, %add3A_43 : i32
    %dma_start3A_45 = arith.constant 0 : i32
    %dma_start3A_46 = arith.constant 0 : i32
    %dma_start3A_47 = tpu.memref_slice %arg6[%dma_start3A_45, %dma_start3A_46] : memref<24x1024xf32, #tpu.memory_space<vmem>> -> memref<24x1024xf32, #tpu.memory_space<vmem>>
    %dma_start3A_48 = arith.constant 0 : i32
    %dma_start3A_49 = tpu.memref_slice %arg4[%add3A_44, %dma_start3A_48] : memref<32768x1024xf32, #tpu.memory_space<hbm>> -> memref<24x1024xf32, #tpu.memory_space<hbm>>
    %dma_start3A_50 = arith.constant 0 : i32
    %dma_start3A_51 = tpu.memref_slice %arg4[%add3A_44, %dma_start3A_50] : memref<32768x1024xf32, #tpu.memory_space<hbm>> -> memref<24x1024xf32, #tpu.memory_space<hbm>>
    %dma_start3A_52 = arith.constant 0 : i32
    %dma_start3A_53 = arith.constant 0 : i32
    %dma_start3A_54 = tpu.memref_slice %arg6[%dma_start3A_52, %dma_start3A_53] : memref<24x1024xf32, #tpu.memory_space<vmem>> -> memref<24x1024xf32, #tpu.memory_space<vmem>>
    tpu.enqueue_dma source(%dma_start3A_54 : memref<24x1024xf32, #tpu.memory_space<vmem>>) target(%dma_start3A_51 : memref<24x1024xf32, #tpu.memory_space<hbm>>) target_semaphore(%arg16 : memref<!tpu.dma_semaphore, #tpu.memory_space<semaphore_mem>>)
    %dma_start3A_55 = arith.constant 0 : i32
    %dma_start3A_56 = arith.constant 0 : i32
    %dma_start3A_57 = tpu.memref_slice %arg10[%dma_start3A_55, %dma_start3A_56] : memref<24x1024xf32, #tpu.memory_space<vmem>> -> memref<24x1024xf32, #tpu.memory_space<vmem>>
    %dma_start3A_58 = arith.constant 96 : i32
    %dma_start3A_59 = tpu.memref_slice %arg5[%dma_start3A_58] : memref<1024xi32, #tpu.memory_space<vmem>> -> memref<24xi32, #tpu.memory_space<vmem>>
    %dma_start3A_60 = arith.constant 0 : i32
    %dma_start3A_61 = arith.constant 0 : i32
    %dma_start3A_62 = tpu.memref_slice %arg3[%dma_start3A_60, %dma_start3A_61] : memref<8192x1024xf32, #tpu.memory_space<hbm>> -> memref<8192x1024xf32, #tpu.memory_space<hbm>>
    tpu.enqueue_indirect_dma source(%dma_start3A_62 : memref<8192x1024xf32, #tpu.memory_space<hbm>>) target(%dma_start3A_57 : memref<24x1024xf32, #tpu.memory_space<vmem>>) offsets(%dma_start3A_59 : memref<24xi32, #tpu.memory_space<vmem>>) semaphore(%arg15 : memref<!tpu.dma_semaphore, #tpu.memory_space<semaphore_mem>>)
    %dma_wait3A_63 = arith.constant 0 : i32
    %dma_wait3A_64 = arith.constant 0 : i32
    %dma_wait3A_65 = tpu.memref_slice %arg7[%dma_wait3A_63, %dma_wait3A_64] : memref<24x1024xf32, #tpu.memory_space<vmem>> -> memref<24x1024xf32, #tpu.memory_space<vmem>>
    %dma_wait3A_66 = arith.constant 0 : i32
    %dma_wait3A_67 = tpu.memref_slice %arg5[%dma_wait3A_66] : memref<1024xi32, #tpu.memory_space<vmem>> -> memref<24xi32, #tpu.memory_space<vmem>>
    %dma_wait3A_68 = arith.constant 0 : i32
    %dma_wait3A_69 = arith.constant 0 : i32
    %dma_wait3A_70 = tpu.memref_slice %arg3[%dma_wait3A_68, %dma_wait3A_69] : memref<8192x1024xf32, #tpu.memory_space<hbm>> -> memref<8192x1024xf32, #tpu.memory_space<hbm>>
    tpu.wait_indirect_dma semaphore(%arg12 : memref<!tpu.dma_semaphore, #tpu.memory_space<semaphore_mem>>) src(%dma_wait3A_70 : memref<8192x1024xf32, #tpu.memory_space<hbm>>) dst(%dma_wait3A_65 : memref<24x1024xf32, #tpu.memory_space<vmem>>)
    %add3A_71 = arith.constant 24 : i32
    %add3A_72 = arith.addi %mul3A_2, %add3A_71 : i32
    %dma_start3A_73 = arith.constant 0 : i32
    %dma_start3A_74 = arith.constant 0 : i32
    %dma_start3A_75 = tpu.memref_slice %arg7[%dma_start3A_73, %dma_start3A_74] : memref<24x1024xf32, #tpu.memory_space<vmem>> -> memref<24x1024xf32, #tpu.memory_space<vmem>>
    %dma_start3A_76 = arith.constant 0 : i32
    %dma_start3A_77 = tpu.memref_slice %arg4[%add3A_72, %dma_start3A_76] : memref<32768x1024xf32, #tpu.memory_space<hbm>> -> memref<24x1024xf32, #tpu.memory_space<hbm>>
    %dma_start3A_78 = arith.constant 0 : i32
    %dma_start3A_79 = tpu.memref_slice %arg4[%add3A_72, %dma_start3A_78] : memref<32768x1024xf32, #tpu.memory_space<hbm>> -> memref<24x1024xf32, #tpu.memory_space<hbm>>
    %dma_start3A_80 = arith.constant 0 : i32
    %dma_start3A_81 = arith.constant 0 : i32
    %dma_start3A_82 = tpu.memref_slice %arg7[%dma_start3A_80, %dma_start3A_81] : memref<24x1024xf32, #tpu.memory_space<vmem>> -> memref<24x1024xf32, #tpu.memory_space<vmem>>
    tpu.enqueue_dma source(%dma_start3A_82 : memref<24x1024xf32, #tpu.memory_space<vmem>>) target(%dma_start3A_79 : memref<24x1024xf32, #tpu.memory_space<hbm>>) target_semaphore(%arg17 : memref<!tpu.dma_semaphore, #tpu.memory_space<semaphore_mem>>)
    %dma_wait3A_83 = arith.constant 0 : i32
    %dma_wait3A_84 = arith.constant 0 : i32
    %dma_wait3A_85 = tpu.memref_slice %arg6[%dma_wait3A_83, %dma_wait3A_84] : memref<24x1024xf32, #tpu.memory_space<vmem>> -> memref<24x1024xf32, #tpu.memory_space<vmem>>
    %dma_wait3A_86 = arith.constant 0 : i32
    %dma_wait3A_87 = tpu.memref_slice %arg4[%mul3A_2, %dma_wait3A_86] : memref<32768x1024xf32, #tpu.memory_space<hbm>> -> memref<24x1024xf32, #tpu.memory_space<hbm>>
    %dma_wait3A_88 = arith.constant 0 : i32
    %dma_wait3A_89 = tpu.memref_slice %arg4[%mul3A_2, %dma_wait3A_88] : memref<32768x1024xf32, #tpu.memory_space<hbm>> -> memref<24x1024xf32, #tpu.memory_space<hbm>>
    %dma_wait3A_90 = arith.constant 0 : i32
    %dma_wait3A_91 = arith.constant 0 : i32
    %dma_wait3A_92 = tpu.memref_slice %arg6[%dma_wait3A_90, %dma_wait3A_91] : memref<24x1024xf32, #tpu.memory_space<vmem>> -> memref<24x1024xf32, #tpu.memory_space<vmem>>
    tpu.wait_dma2 semaphore(%arg16 : memref<!tpu.dma_semaphore, #tpu.memory_space<semaphore_mem>>) src(%dma_wait3A_92 : memref<24x1024xf32, #tpu.memory_space<vmem>>) dst(%dma_wait3A_89 : memref<24x1024xf32, #tpu.memory_space<hbm>>)
    %dma_start3A_93 = arith.constant 0 : i32
    %dma_start3A_94 = arith.constant 0 : i32
    %dma_start3A_95 = tpu.memref_slice %arg6[%dma_start3A_93, %dma_start3A_94] : memref<24x1024xf32, #tpu.memory_space<vmem>> -> memref<24x1024xf32, #tpu.memory_space<vmem>>
    %dma_start3A_96 = arith.constant 120 : i32
    %dma_start3A_97 = tpu.memref_slice %arg5[%dma_start3A_96] : memref<1024xi32, #tpu.memory_space<vmem>> -> memref<24xi32, #tpu.memory_space<vmem>>
    %dma_start3A_98 = arith.constant 0 : i32
    %dma_start3A_99 = arith.constant 0 : i32
    %dma_start3A_100 = tpu.memref_slice %arg3[%dma_start3A_98, %dma_start3A_99] : memref<8192x1024xf32, #tpu.memory_space<hbm>> -> memref<8192x1024xf32, #tpu.memory_space<hbm>>
    tpu.enqueue_indirect_dma source(%dma_start3A_100 : memref<8192x1024xf32, #tpu.memory_space<hbm>>) target(%dma_start3A_95 : memref<24x1024xf32, #tpu.memory_space<vmem>>) offsets(%dma_start3A_97 : memref<24xi32, #tpu.memory_space<vmem>>) semaphore(%arg11 : memref<!tpu.dma_semaphore, #tpu.memory_space<semaphore_mem>>)
    %dma_wait3A_101 = arith.constant 0 : i32
    %dma_wait3A_102 = arith.constant 0 : i32
    %dma_wait3A_103 = tpu.memref_slice %arg8[%dma_wait3A_101, %dma_wait3A_102] : memref<24x1024xf32, #tpu.memory_space<vmem>> -> memref<24x1024xf32, #tpu.memory_space<vmem>>
    %dma_wait3A_104 = arith.constant 0 : i32
    %dma_wait3A_105 = tpu.memref_slice %arg5[%dma_wait3A_104] : memref<1024xi32, #tpu.memory_space<vmem>> -> memref<24xi32, #tpu.memory_space<vmem>>
    %dma_wait3A_106 = arith.constant 0 : i32
    %dma_wait3A_107 = arith.constant 0 : i32
    %dma_wait3A_108 = tpu.memref_slice %arg3[%dma_wait3A_106, %dma_wait3A_107] : memref<8192x1024xf32, #tpu.memory_space<hbm>> -> memref<8192x1024xf32, #tpu.memory_space<hbm>>
    tpu.wait_indirect_dma semaphore(%arg13 : memref<!tpu.dma_semaphore, #tpu.memory_space<semaphore_mem>>) src(%dma_wait3A_108 : memref<8192x1024xf32, #tpu.memory_space<hbm>>) dst(%dma_wait3A_103 : memref<24x1024xf32, #tpu.memory_space<vmem>>)
    %add3A_109 = arith.constant 48 : i32
    %add3A_110 = arith.addi %mul3A_2, %add3A_109 : i32
    %dma_start3A_111 = arith.constant 0 : i32
    %dma_start3A_112 = arith.constant 0 : i32
    %dma_start3A_113 = tpu.memref_slice %arg8[%dma_start3A_111, %dma_start3A_112] : memref<24x1024xf32, #tpu.memory_space<vmem>> -> memref<24x1024xf32, #tpu.memory_space<vmem>>
    %dma_start3A_114 = arith.constant 0 : i32
    %dma_start3A_115 = tpu.memref_slice %arg4[%add3A_110, %dma_start3A_114] : memref<32768x1024xf32, #tpu.memory_space<hbm>> -> memref<24x1024xf32, #tpu.memory_space<hbm>>
    %dma_start3A_116 = arith.constant 0 : i32
    %dma_start3A_117 = tpu.memref_slice %arg4[%add3A_110, %dma_start3A_116] : memref<32768x1024xf32, #tpu.memory_space<hbm>> -> memref<24x1024xf32, #tpu.memory_space<hbm>>
    %dma_start3A_118 = arith.constant 0 : i32
    %dma_start3A_119 = arith.constant 0 : i32
    %dma_start3A_120 = tpu.memref_slice %arg8[%dma_start3A_118, %dma_start3A_119] : memref<24x1024xf32, #tpu.memory_space<vmem>> -> memref<24x1024xf32, #tpu.memory_space<vmem>>
    tpu.enqueue_dma source(%dma_start3A_120 : memref<24x1024xf32, #tpu.memory_space<vmem>>) target(%dma_start3A_117 : memref<24x1024xf32, #tpu.memory_space<hbm>>) target_semaphore(%arg18 : memref<!tpu.dma_semaphore, #tpu.memory_space<semaphore_mem>>)
    %dma_wait3A_121 = arith.constant 0 : i32
    %dma_wait3A_122 = arith.constant 0 : i32
    %dma_wait3A_123 = tpu.memref_slice %arg7[%dma_wait3A_121, %dma_wait3A_122] : memref<24x1024xf32, #tpu.memory_space<vmem>> -> memref<24x1024xf32, #tpu.memory_space<vmem>>
    %dma_wait3A_124 = arith.constant 0 : i32
    %dma_wait3A_125 = tpu.memref_slice %arg4[%mul3A_2, %dma_wait3A_124] : memref<32768x1024xf32, #tpu.memory_space<hbm>> -> memref<24x1024xf32, #tpu.memory_space<hbm>>
    %dma_wait3A_126 = arith.constant 0 : i32
    %dma_wait3A_127 = tpu.memref_slice %arg4[%mul3A_2, %dma_wait3A_126] : memref<32768x1024xf32, #tpu.memory_space<hbm>> -> memref<24x1024xf32, #tpu.memory_space<hbm>>
    %dma_wait3A_128 = arith.constant 0 : i32
    %dma_wait3A_129 = arith.constant 0 : i32
    %dma_wait3A_130 = tpu.memref_slice %arg7[%dma_wait3A_128, %dma_wait3A_129] : memref<24x1024xf32, #tpu.memory_space<vmem>> -> memref<24x1024xf32, #tpu.memory_space<vmem>>
    tpu.wait_dma2 semaphore(%arg17 : memref<!tpu.dma_semaphore, #tpu.memory_space<semaphore_mem>>) src(%dma_wait3A_130 : memref<24x1024xf32, #tpu.memory_space<vmem>>) dst(%dma_wait3A_127 : memref<24x1024xf32, #tpu.memory_space<hbm>>)
    %dma_start3A_131 = arith.constant 0 : i32
    %dma_start3A_132 = arith.constant 0 : i32
    %dma_start3A_133 = tpu.memref_slice %arg7[%dma_start3A_131, %dma_start3A_132] : memref<24x1024xf32, #tpu.memory_space<vmem>> -> memref<24x1024xf32, #tpu.memory_space<vmem>>
    %dma_start3A_134 = arith.constant 144 : i32
    %dma_start3A_135 = tpu.memref_slice %arg5[%dma_start3A_134] : memref<1024xi32, #tpu.memory_space<vmem>> -> memref<24xi32, #tpu.memory_space<vmem>>
    %dma_start3A_136 = arith.constant 0 : i32
    %dma_start3A_137 = arith.constant 0 : i32
    %dma_start3A_138 = tpu.memref_slice %arg3[%dma_start3A_136, %dma_start3A_137] : memref<8192x1024xf32, #tpu.memory_space<hbm>> -> memref<8192x1024xf32, #tpu.memory_space<hbm>>
    tpu.enqueue_indirect_dma source(%dma_start3A_138 : memref<8192x1024xf32, #tpu.memory_space<hbm>>) target(%dma_start3A_133 : memref<24x1024xf32, #tpu.memory_space<vmem>>) offsets(%dma_start3A_135 : memref<24xi32, #tpu.memory_space<vmem>>) semaphore(%arg12 : memref<!tpu.dma_semaphore, #tpu.memory_space<semaphore_mem>>)
    %dma_wait3A_139 = arith.constant 0 : i32
    %dma_wait3A_140 = arith.constant 0 : i32
    %dma_wait3A_141 = tpu.memref_slice %arg9[%dma_wait3A_139, %dma_wait3A_140] : memref<24x1024xf32, #tpu.memory_space<vmem>> -> memref<24x1024xf32, #tpu.memory_space<vmem>>
    %dma_wait3A_142 = arith.constant 0 : i32
    %dma_wait3A_143 = tpu.memref_slice %arg5[%dma_wait3A_142] : memref<1024xi32, #tpu.memory_space<vmem>> -> memref<24xi32, #tpu.memory_space<vmem>>
    %dma_wait3A_144 = arith.constant 0 : i32
    %dma_wait3A_145 = arith.constant 0 : i32
    %dma_wait3A_146 = tpu.memref_slice %arg3[%dma_wait3A_144, %dma_wait3A_145] : memref<8192x1024xf32, #tpu.memory_space<hbm>> -> memref<8192x1024xf32, #tpu.memory_space<hbm>>
    tpu.wait_indirect_dma semaphore(%arg14 : memref<!tpu.dma_semaphore, #tpu.memory_space<semaphore_mem>>) src(%dma_wait3A_146 : memref<8192x1024xf32, #tpu.memory_space<hbm>>) dst(%dma_wait3A_141 : memref<24x1024xf32, #tpu.memory_space<vmem>>)
    %add3A_147 = arith.constant 72 : i32
    %add3A_148 = arith.addi %mul3A_2, %add3A_147 : i32
    %dma_start3A_149 = arith.constant 0 : i32
    %dma_start3A_150 = arith.constant 0 : i32
    %dma_start3A_151 = tpu.memref_slice %arg9[%dma_start3A_149, %dma_start3A_150] : memref<24x1024xf32, #tpu.memory_space<vmem>> -> memref<24x1024xf32, #tpu.memory_space<vmem>>
    %dma_start3A_152 = arith.constant 0 : i32
    %dma_start3A_153 = tpu.memref_slice %arg4[%add3A_148, %dma_start3A_152] : memref<32768x1024xf32, #tpu.memory_space<hbm>> -> memref<24x1024xf32, #tpu.memory_space<hbm>>
    %dma_start3A_154 = arith.constant 0 : i32
    %dma_start3A_155 = tpu.memref_slice %arg4[%add3A_148, %dma_start3A_154] : memref<32768x1024xf32, #tpu.memory_space<hbm>> -> memref<24x1024xf32, #tpu.memory_space<hbm>>
    %dma_start3A_156 = arith.constant 0 : i32
    %dma_start3A_157 = arith.constant 0 : i32
    %dma_start3A_158 = tpu.memref_slice %arg9[%dma_start3A_156, %dma_start3A_157] : memref<24x1024xf32, #tpu.memory_space<vmem>> -> memref<24x1024xf32, #tpu.memory_space<vmem>>
    tpu.enqueue_dma source(%dma_start3A_158 : memref<24x1024xf32, #tpu.memory_space<vmem>>) target(%dma_start3A_155 : memref<24x1024xf32, #tpu.memory_space<hbm>>) target_semaphore(%arg19 : memref<!tpu.dma_semaphore, #tpu.memory_space<semaphore_mem>>)
    %dma_wait3A_159 = arith.constant 0 : i32
    %dma_wait3A_160 = arith.constant 0 : i32
    %dma_wait3A_161 = tpu.memref_slice %arg8[%dma_wait3A_159, %dma_wait3A_160] : memref<24x1024xf32, #tpu.memory_space<vmem>> -> memref<24x1024xf32, #tpu.memory_space<vmem>>
    %dma_wait3A_162 = arith.constant 0 : i32
    %dma_wait3A_163 = tpu.memref_slice %arg4[%mul3A_2, %dma_wait3A_162] : memref<32768x1024xf32, #tpu.memory_space<hbm>> -> memref<24x1024xf32, #tpu.memory_space<hbm>>
    %dma_wait3A_164 = arith.constant 0 : i32
    %dma_wait3A_165 = tpu.memref_slice %arg4[%mul3A_2, %dma_wait3A_164] : memref<32768x1024xf32, #tpu.memory_space<hbm>> -> memref<24x1024xf32, #tpu.memory_space<hbm>>
    %dma_wait3A_166 = arith.constant 0 : i32
    %dma_wait3A_167 = arith.constant 0 : i32
    %dma_wait3A_168 = tpu.memref_slice %arg8[%dma_wait3A_166, %dma_wait3A_167] : memref<24x1024xf32, #tpu.memory_space<vmem>> -> memref<24x1024xf32, #tpu.memory_space<vmem>>
    tpu.wait_dma2 semaphore(%arg18 : memref<!tpu.dma_semaphore, #tpu.memory_space<semaphore_mem>>) src(%dma_wait3A_168 : memref<24x1024xf32, #tpu.memory_space<vmem>>) dst(%dma_wait3A_165 : memref<24x1024xf32, #tpu.memory_space<hbm>>)
    %dma_start3A_169 = arith.constant 0 : i32
    %dma_start3A_170 = arith.constant 0 : i32
    %dma_start3A_171 = tpu.memref_slice %arg8[%dma_start3A_169, %dma_start3A_170] : memref<24x1024xf32, #tpu.memory_space<vmem>> -> memref<24x1024xf32, #tpu.memory_space<vmem>>
    %dma_start3A_172 = arith.constant 168 : i32
    %dma_start3A_173 = tpu.memref_slice %arg5[%dma_start3A_172] : memref<1024xi32, #tpu.memory_space<vmem>> -> memref<24xi32, #tpu.memory_space<vmem>>
    %dma_start3A_174 = arith.constant 0 : i32
    %dma_start3A_175 = arith.constant 0 : i32
    %dma_start3A_176 = tpu.memref_slice %arg3[%dma_start3A_174, %dma_start3A_175] : memref<8192x1024xf32, #tpu.memory_space<hbm>> -> memref<8192x1024xf32, #tpu.memory_space<hbm>>
    tpu.enqueue_indirect_dma source(%dma_start3A_176 : memref<8192x1024xf32, #tpu.memory_space<hbm>>) target(%dma_start3A_171 : memref<24x1024xf32, #tpu.memory_space<vmem>>) offsets(%dma_start3A_173 : memref<24xi32, #tpu.memory_space<vmem>>) semaphore(%arg13 : memref<!tpu.dma_semaphore, #tpu.memory_space<semaphore_mem>>)
    %dma_wait3A_177 = arith.constant 0 : i32
    %dma_wait3A_178 = arith.constant 0 : i32
    %dma_wait3A_179 = tpu.memref_slice %arg10[%dma_wait3A_177, %dma_wait3A_178] : memref<24x1024xf32, #tpu.memory_space<vmem>> -> memref<24x1024xf32, #tpu.memory_space<vmem>>
    %dma_wait3A_180 = arith.constant 0 : i32
    %dma_wait3A_181 = tpu.memref_slice %arg5[%dma_wait3A_180] : memref<1024xi32, #tpu.memory_space<vmem>> -> memref<24xi32, #tpu.memory_space<vmem>>
    %dma_wait3A_182 = arith.constant 0 : i32
    %dma_wait3A_183 = arith.constant 0 : i32
    %dma_wait3A_184 = tpu.memref_slice %arg3[%dma_wait3A_182, %dma_wait3A_183] : memref<8192x1024xf32, #tpu.memory_space<hbm>> -> memref<8192x1024xf32, #tpu.memory_space<hbm>>
    tpu.wait_indirect_dma semaphore(%arg15 : memref<!tpu.dma_semaphore, #tpu.memory_space<semaphore_mem>>) src(%dma_wait3A_184 : memref<8192x1024xf32, #tpu.memory_space<hbm>>) dst(%dma_wait3A_179 : memref<24x1024xf32, #tpu.memory_space<vmem>>)
    %add3A_185 = arith.constant 96 : i32
    %add3A_186 = arith.addi %mul3A_2, %add3A_185 : i32
    %dma_start3A_187 = arith.constant 0 : i32
    %dma_start3A_188 = arith.constant 0 : i32
    %dma_start3A_189 = tpu.memref_slice %arg10[%dma_start3A_187, %dma_start3A_188] : memref<24x1024xf32, #tpu.memory_space<vmem>> -> memref<24x1024xf32, #tpu.memory_space<vmem>>
    %dma_start3A_190 = arith.constant 0 : i32
    %dma_start3A_191 = tpu.memref_slice %arg4[%add3A_186, %dma_start3A_190] : memref<32768x1024xf32, #tpu.memory_space<hbm>> -> memref<24x1024xf32, #tpu.memory_space<hbm>>
    %dma_start3A_192 = arith.constant 0 : i32
    %dma_start3A_193 = tpu.memref_slice %arg4[%add3A_186, %dma_start3A_192] : memref<32768x1024xf32, #tpu.memory_space<hbm>> -> memref<24x1024xf32, #tpu.memory_space<hbm>>
    %dma_start3A_194 = arith.constant 0 : i32
    %dma_start3A_195 = arith.constant 0 : i32
    %dma_start3A_196 = tpu.memref_slice %arg10[%dma_start3A_194, %dma_start3A_195] : memref<24x1024xf32, #tpu.memory_space<vmem>> -> memref<24x1024xf32, #tpu.memory_space<vmem>>
    tpu.enqueue_dma source(%dma_start3A_196 : memref<24x1024xf32, #tpu.memory_space<vmem>>) target(%dma_start3A_193 : memref<24x1024xf32, #tpu.memory_space<hbm>>) target_semaphore(%arg20 : memref<!tpu.dma_semaphore, #tpu.memory_space<semaphore_mem>>)
    %dma_wait3A_197 = arith.constant 0 : i32
    %dma_wait3A_198 = arith.constant 0 : i32
    %dma_wait3A_199 = tpu.memref_slice %arg9[%dma_wait3A_197, %dma_wait3A_198] : memref<24x1024xf32, #tpu.memory_space<vmem>> -> memref<24x1024xf32, #tpu.memory_space<vmem>>
    %dma_wait3A_200 = arith.constant 0 : i32
    %dma_wait3A_201 = tpu.memref_slice %arg4[%mul3A_2, %dma_wait3A_200] : memref<32768x1024xf32, #tpu.memory_space<hbm>> -> memref<24x1024xf32, #tpu.memory_space<hbm>>
    %dma_wait3A_202 = arith.constant 0 : i32
    %dma_wait3A_203 = tpu.memref_slice %arg4[%mul3A_2, %dma_wait3A_202] : memref<32768x1024xf32, #tpu.memory_space<hbm>> -> memref<24x1024xf32, #tpu.memory_space<hbm>>
    %dma_wait3A_204 = arith.constant 0 : i32
    %dma_wait3A_205 = arith.constant 0 : i32
    %dma_wait3A_206 = tpu.memref_slice %arg9[%dma_wait3A_204, %dma_wait3A_205] : memref<24x1024xf32, #tpu.memory_space<vmem>> -> memref<24x1024xf32, #tpu.memory_space<vmem>>
    tpu.wait_dma2 semaphore(%arg19 : memref<!tpu.dma_semaphore, #tpu.memory_space<semaphore_mem>>) src(%dma_wait3A_206 : memref<24x1024xf32, #tpu.memory_space<vmem>>) dst(%dma_wait3A_203 : memref<24x1024xf32, #tpu.memory_space<hbm>>)
    %dma_start3A_207 = arith.constant 0 : i32
    %dma_start3A_208 = arith.constant 0 : i32
    %dma_start3A_209 = tpu.memref_slice %arg9[%dma_start3A_207, %dma_start3A_208] : memref<24x1024xf32, #tpu.memory_space<vmem>> -> memref<24x1024xf32, #tpu.memory_space<vmem>>
    %dma_start3A_210 = arith.constant 192 : i32
    %dma_start3A_211 = tpu.memref_slice %arg5[%dma_start3A_210] : memref<1024xi32, #tpu.memory_space<vmem>> -> memref<24xi32, #tpu.memory_space<vmem>>
    %dma_start3A_212 = arith.constant 0 : i32
    %dma_start3A_213 = arith.constant 0 : i32
    %dma_start3A_214 = tpu.memref_slice %arg3[%dma_start3A_212, %dma_start3A_213] : memref<8192x1024xf32, #tpu.memory_space<hbm>> -> memref<8192x1024xf32, #tpu.memory_space<hbm>>
    tpu.enqueue_indirect_dma source(%dma_start3A_214 : memref<8192x1024xf32, #tpu.memory_space<hbm>>) target(%dma_start3A_209 : memref<24x1024xf32, #tpu.memory_space<vmem>>) offsets(%dma_start3A_211 : memref<24xi32, #tpu.memory_space<vmem>>) semaphore(%arg14 : memref<!tpu.dma_semaphore, #tpu.memory_space<semaphore_mem>>)
    %dma_wait3A_215 = arith.constant 0 : i32
    %dma_wait3A_216 = arith.constant 0 : i32
    %dma_wait3A_217 = tpu.memref_slice %arg6[%dma_wait3A_215, %dma_wait3A_216] : memref<24x1024xf32, #tpu.memory_space<vmem>> -> memref<24x1024xf32, #tpu.memory_space<vmem>>
    %dma_wait3A_218 = arith.constant 0 : i32
    %dma_wait3A_219 = tpu.memref_slice %arg5[%dma_wait3A_218] : memref<1024xi32, #tpu.memory_space<vmem>> -> memref<24xi32, #tpu.memory_space<vmem>>
    %dma_wait3A_220 = arith.constant 0 : i32
    %dma_wait3A_221 = arith.constant 0 : i32
    %dma_wait3A_222 = tpu.memref_slice %arg3[%dma_wait3A_220, %dma_wait3A_221] : memref<8192x1024xf32, #tpu.memory_space<hbm>> -> memref<8192x1024xf32, #tpu.memory_space<hbm>>
    tpu.wait_indirect_dma semaphore(%arg11 : memref<!tpu.dma_semaphore, #tpu.memory_space<semaphore_mem>>) src(%dma_wait3A_222 : memref<8192x1024xf32, #tpu.memory_space<hbm>>) dst(%dma_wait3A_217 : memref<24x1024xf32, #tpu.memory_space<vmem>>)
    %add3A_223 = arith.constant 120 : i32
    %add3A_224 = arith.addi %mul3A_2, %add3A_223 : i32
    %dma_start3A_225 = arith.constant 0 : i32
    %dma_start3A_226 = arith.constant 0 : i32
    %dma_start3A_227 = tpu.memref_slice %arg6[%dma_start3A_225, %dma_start3A_226] : memref<24x1024xf32, #tpu.memory_space<vmem>> -> memref<24x1024xf32, #tpu.memory_space<vmem>>
    %dma_start3A_228 = arith.constant 0 : i32
    %dma_start3A_229 = tpu.memref_slice %arg4[%add3A_224, %dma_start3A_228] : memref<32768x1024xf32, #tpu.memory_space<hbm>> -> memref<24x1024xf32, #tpu.memory_space<hbm>>
    %dma_start3A_230 = arith.constant 0 : i32
    %dma_start3A_231 = tpu.memref_slice %arg4[%add3A_224, %dma_start3A_230] : memref<32768x1024xf32, #tpu.memory_space<hbm>> -> memref<24x1024xf32, #tpu.memory_space<hbm>>
    %dma_start3A_232 = arith.constant 0 : i32
    %dma_start3A_233 = arith.constant 0 : i32
    %dma_start3A_234 = tpu.memref_slice %arg6[%dma_start3A_232, %dma_start3A_233] : memref<24x1024xf32, #tpu.memory_space<vmem>> -> memref<24x1024xf32, #tpu.memory_space<vmem>>
    tpu.enqueue_dma source(%dma_start3A_234 : memref<24x1024xf32, #tpu.memory_space<vmem>>) target(%dma_start3A_231 : memref<24x1024xf32, #tpu.memory_space<hbm>>) target_semaphore(%arg16 : memref<!tpu.dma_semaphore, #tpu.memory_space<semaphore_mem>>)
    %dma_wait3A_235 = arith.constant 0 : i32
    %dma_wait3A_236 = arith.constant 0 : i32
    %dma_wait3A_237 = tpu.memref_slice %arg10[%dma_wait3A_235, %dma_wait3A_236] : memref<24x1024xf32, #tpu.memory_space<vmem>> -> memref<24x1024xf32, #tpu.memory_space<vmem>>
    %dma_wait3A_238 = arith.constant 0 : i32
    %dma_wait3A_239 = tpu.memref_slice %arg4[%mul3A_2, %dma_wait3A_238] : memref<32768x1024xf32, #tpu.memory_space<hbm>> -> memref<24x1024xf32, #tpu.memory_space<hbm>>
    %dma_wait3A_240 = arith.constant 0 : i32
    %dma_wait3A_241 = tpu.memref_slice %arg4[%mul3A_2, %dma_wait3A_240] : memref<32768x1024xf32, #tpu.memory_space<hbm>> -> memref<24x1024xf32, #tpu.memory_space<hbm>>
    %dma_wait3A_242 = arith.constant 0 : i32
    %dma_wait3A_243 = arith.constant 0 : i32
    %dma_wait3A_244 = tpu.memref_slice %arg10[%dma_wait3A_242, %dma_wait3A_243] : memref<24x1024xf32, #tpu.memory_space<vmem>> -> memref<24x1024xf32, #tpu.memory_space<vmem>>
    tpu.wait_dma2 semaphore(%arg20 : memref<!tpu.dma_semaphore, #tpu.memory_space<semaphore_mem>>) src(%dma_wait3A_244 : memref<24x1024xf32, #tpu.memory_space<vmem>>) dst(%dma_wait3A_241 : memref<24x1024xf32, #tpu.memory_space<hbm>>)
    %dma_start3A_245 = arith.constant 0 : i32
    %dma_start3A_246 = arith.constant 0 : i32
    %dma_start3A_247 = tpu.memref_slice %arg10[%dma_start3A_245, %dma_start3A_246] : memref<24x1024xf32, #tpu.memory_space<vmem>> -> memref<24x1024xf32, #tpu.memory_space<vmem>>
    %dma_start3A_248 = arith.constant 216 : i32
    %dma_start3A_249 = tpu.memref_slice %arg5[%dma_start3A_248] : memref<1024xi32, #tpu.memory_space<vmem>> -> memref<24xi32, #tpu.memory_space<vmem>>
    %dma_start3A_250 = arith.constant 0 : i32
    %dma_start3A_251 = arith.constant 0 : i32
    %dma_start3A_252 = tpu.memref_slice %arg3[%dma_start3A_250, %dma_start3A_251] : memref<8192x1024xf32, #tpu.memory_space<hbm>> -> memref<8192x1024xf32, #tpu.memory_space<hbm>>
    tpu.enqueue_indirect_dma source(%dma_start3A_252 : memref<8192x1024xf32, #tpu.memory_space<hbm>>) target(%dma_start3A_247 : memref<24x1024xf32, #tpu.memory_space<vmem>>) offsets(%dma_start3A_249 : memref<24xi32, #tpu.memory_space<vmem>>) semaphore(%arg15 : memref<!tpu.dma_semaphore, #tpu.memory_space<semaphore_mem>>)
    %dma_wait3A_253 = arith.constant 0 : i32
    %dma_wait3A_254 = arith.constant 0 : i32
    %dma_wait3A_255 = tpu.memref_slice %arg7[%dma_wait3A_253, %dma_wait3A_254] : memref<24x1024xf32, #tpu.memory_space<vmem>> -> memref<24x1024xf32, #tpu.memory_space<vmem>>
    %dma_wait3A_256 = arith.constant 0 : i32
    %dma_wait3A_257 = tpu.memref_slice %arg5[%dma_wait3A_256] : memref<1024xi32, #tpu.memory_space<vmem>> -> memref<24xi32, #tpu.memory_space<vmem>>
    %dma_wait3A_258 = arith.constant 0 : i32
    %dma_wait3A_259 = arith.constant 0 : i32
    %dma_wait3A_260 = tpu.memref_slice %arg3[%dma_wait3A_258, %dma_wait3A_259] : memref<8192x1024xf32, #tpu.memory_space<hbm>> -> memref<8192x1024xf32, #tpu.memory_space<hbm>>
    tpu.wait_indirect_dma semaphore(%arg12 : memref<!tpu.dma_semaphore, #tpu.memory_space<semaphore_mem>>) src(%dma_wait3A_260 : memref<8192x1024xf32, #tpu.memory_space<hbm>>) dst(%dma_wait3A_255 : memref<24x1024xf32, #tpu.memory_space<vmem>>)
    %add3A_261 = arith.constant 144 : i32
    %add3A_262 = arith.addi %mul3A_2, %add3A_261 : i32
    %dma_start3A_263 = arith.constant 0 : i32
    %dma_start3A_264 = arith.constant 0 : i32
    %dma_start3A_265 = tpu.memref_slice %arg7[%dma_start3A_263, %dma_start3A_264] : memref<24x1024xf32, #tpu.memory_space<vmem>> -> memref<24x1024xf32, #tpu.memory_space<vmem>>
    %dma_start3A_266 = arith.constant 0 : i32
    %dma_start3A_267 = tpu.memref_slice %arg4[%add3A_262, %dma_start3A_266] : memref<32768x1024xf32, #tpu.memory_space<hbm>> -> memref<24x1024xf32, #tpu.memory_space<hbm>>
    %dma_start3A_268 = arith.constant 0 : i32
    %dma_start3A_269 = tpu.memref_slice %arg4[%add3A_262, %dma_start3A_268] : memref<32768x1024xf32, #tpu.memory_space<hbm>> -> memref<24x1024xf32, #tpu.memory_space<hbm>>
    %dma_start3A_270 = arith.constant 0 : i32
    %dma_start3A_271 = arith.constant 0 : i32
    %dma_start3A_272 = tpu.memref_slice %arg7[%dma_start3A_270, %dma_start3A_271] : memref<24x1024xf32, #tpu.memory_space<vmem>> -> memref<24x1024xf32, #tpu.memory_space<vmem>>
    tpu.enqueue_dma source(%dma_start3A_272 : memref<24x1024xf32, #tpu.memory_space<vmem>>) target(%dma_start3A_269 : memref<24x1024xf32, #tpu.memory_space<hbm>>) target_semaphore(%arg17 : memref<!tpu.dma_semaphore, #tpu.memory_space<semaphore_mem>>)
    %dma_wait3A_273 = arith.constant 0 : i32
    %dma_wait3A_274 = arith.constant 0 : i32
    %dma_wait3A_275 = tpu.memref_slice %arg6[%dma_wait3A_273, %dma_wait3A_274] : memref<24x1024xf32, #tpu.memory_space<vmem>> -> memref<24x1024xf32, #tpu.memory_space<vmem>>
    %dma_wait3A_276 = arith.constant 0 : i32
    %dma_wait3A_277 = tpu.memref_slice %arg4[%mul3A_2, %dma_wait3A_276] : memref<32768x1024xf32, #tpu.memory_space<hbm>> -> memref<24x1024xf32, #tpu.memory_space<hbm>>
    %dma_wait3A_278 = arith.constant 0 : i32
    %dma_wait3A_279 = tpu.memref_slice %arg4[%mul3A_2, %dma_wait3A_278] : memref<32768x1024xf32, #tpu.memory_space<hbm>> -> memref<24x1024xf32, #tpu.memory_space<hbm>>
    %dma_wait3A_280 = arith.constant 0 : i32
    %dma_wait3A_281 = arith.constant 0 : i32
    %dma_wait3A_282 = tpu.memref_slice %arg6[%dma_wait3A_280, %dma_wait3A_281] : memref<24x1024xf32, #tpu.memory_space<vmem>> -> memref<24x1024xf32, #tpu.memory_space<vmem>>
    tpu.wait_dma2 semaphore(%arg16 : memref<!tpu.dma_semaphore, #tpu.memory_space<semaphore_mem>>) src(%dma_wait3A_282 : memref<24x1024xf32, #tpu.memory_space<vmem>>) dst(%dma_wait3A_279 : memref<24x1024xf32, #tpu.memory_space<hbm>>)
    %dma_start3A_283 = arith.constant 0 : i32
    %dma_start3A_284 = arith.constant 0 : i32
    %dma_start3A_285 = tpu.memref_slice %arg6[%dma_start3A_283, %dma_start3A_284] : memref<24x1024xf32, #tpu.memory_space<vmem>> -> memref<24x1024xf32, #tpu.memory_space<vmem>>
    %dma_start3A_286 = arith.constant 240 : i32
    %dma_start3A_287 = tpu.memref_slice %arg5[%dma_start3A_286] : memref<1024xi32, #tpu.memory_space<vmem>> -> memref<24xi32, #tpu.memory_space<vmem>>
    %dma_start3A_288 = arith.constant 0 : i32
    %dma_start3A_289 = arith.constant 0 : i32
    %dma_start3A_290 = tpu.memref_slice %arg3[%dma_start3A_288, %dma_start3A_289] : memref<8192x1024xf32, #tpu.memory_space<hbm>> -> memref<8192x1024xf32, #tpu.memory_space<hbm>>
    tpu.enqueue_indirect_dma source(%dma_start3A_290 : memref<8192x1024xf32, #tpu.memory_space<hbm>>) target(%dma_start3A_285 : memref<24x1024xf32, #tpu.memory_space<vmem>>) offsets(%dma_start3A_287 : memref<24xi32, #tpu.memory_space<vmem>>) semaphore(%arg11 : memref<!tpu.dma_semaphore, #tpu.memory_space<semaphore_mem>>)
    %dma_wait3A_291 = arith.constant 0 : i32
    %dma_wait3A_292 = arith.constant 0 : i32
    %dma_wait3A_293 = tpu.memref_slice %arg8[%dma_wait3A_291, %dma_wait3A_292] : memref<24x1024xf32, #tpu.memory_space<vmem>> -> memref<24x1024xf32, #tpu.memory_space<vmem>>
    %dma_wait3A_294 = arith.constant 0 : i32
    %dma_wait3A_295 = tpu.memref_slice %arg5[%dma_wait3A_294] : memref<1024xi32, #tpu.memory_space<vmem>> -> memref<24xi32, #tpu.memory_space<vmem>>
    %dma_wait3A_296 = arith.constant 0 : i32
    %dma_wait3A_297 = arith.constant 0 : i32
    %dma_wait3A_298 = tpu.memref_slice %arg3[%dma_wait3A_296, %dma_wait3A_297] : memref<8192x1024xf32, #tpu.memory_space<hbm>> -> memref<8192x1024xf32, #tpu.memory_space<hbm>>
    tpu.wait_indirect_dma semaphore(%arg13 : memref<!tpu.dma_semaphore, #tpu.memory_space<semaphore_mem>>) src(%dma_wait3A_298 : memref<8192x1024xf32, #tpu.memory_space<hbm>>) dst(%dma_wait3A_293 : memref<24x1024xf32, #tpu.memory_space<vmem>>)
    %add3A_299 = arith.constant 168 : i32
    %add3A_300 = arith.addi %mul3A_2, %add3A_299 : i32
    %dma_start3A_301 = arith.constant 0 : i32
    %dma_start3A_302 = arith.constant 0 : i32
    %dma_start3A_303 = tpu.memref_slice %arg8[%dma_start3A_301, %dma_start3A_302] : memref<24x1024xf32, #tpu.memory_space<vmem>> -> memref<24x1024xf32, #tpu.memory_space<vmem>>
    %dma_start3A_304 = arith.constant 0 : i32
    %dma_start3A_305 = tpu.memref_slice %arg4[%add3A_300, %dma_start3A_304] : memref<32768x1024xf32, #tpu.memory_space<hbm>> -> memref<24x1024xf32, #tpu.memory_space<hbm>>
    %dma_start3A_306 = arith.constant 0 : i32
    %dma_start3A_307 = tpu.memref_slice %arg4[%add3A_300, %dma_start3A_306] : memref<32768x1024xf32, #tpu.memory_space<hbm>> -> memref<24x1024xf32, #tpu.memory_space<hbm>>
    %dma_start3A_308 = arith.constant 0 : i32
    %dma_start3A_309 = arith.constant 0 : i32
    %dma_start3A_310 = tpu.memref_slice %arg8[%dma_start3A_308, %dma_start3A_309] : memref<24x1024xf32, #tpu.memory_space<vmem>> -> memref<24x1024xf32, #tpu.memory_space<vmem>>
    tpu.enqueue_dma source(%dma_start3A_310 : memref<24x1024xf32, #tpu.memory_space<vmem>>) target(%dma_start3A_307 : memref<24x1024xf32, #tpu.memory_space<hbm>>) target_semaphore(%arg18 : memref<!tpu.dma_semaphore, #tpu.memory_space<semaphore_mem>>)
    %dma_wait3A_311 = arith.constant 0 : i32
    %dma_wait3A_312 = arith.constant 0 : i32
    %dma_wait3A_313 = tpu.memref_slice %arg7[%dma_wait3A_311, %dma_wait3A_312] : memref<24x1024xf32, #tpu.memory_space<vmem>> -> memref<24x1024xf32, #tpu.memory_space<vmem>>
    %dma_wait3A_314 = arith.constant 0 : i32
    %dma_wait3A_315 = tpu.memref_slice %arg4[%mul3A_2, %dma_wait3A_314] : memref<32768x1024xf32, #tpu.memory_space<hbm>> -> memref<24x1024xf32, #tpu.memory_space<hbm>>
    %dma_wait3A_316 = arith.constant 0 : i32
    %dma_wait3A_317 = tpu.memref_slice %arg4[%mul3A_2, %dma_wait3A_316] : memref<32768x1024xf32, #tpu.memory_space<hbm>> -> memref<24x1024xf32, #tpu.memory_space<hbm>>
    %dma_wait3A_318 = arith.constant 0 : i32
    %dma_wait3A_319 = arith.constant 0 : i32
    %dma_wait3A_320 = tpu.memref_slice %arg7[%dma_wait3A_318, %dma_wait3A_319] : memref<24x1024xf32, #tpu.memory_space<vmem>> -> memref<24x1024xf32, #tpu.memory_space<vmem>>
    tpu.wait_dma2 semaphore(%arg17 : memref<!tpu.dma_semaphore, #tpu.memory_space<semaphore_mem>>) src(%dma_wait3A_320 : memref<24x1024xf32, #tpu.memory_space<vmem>>) dst(%dma_wait3A_317 : memref<24x1024xf32, #tpu.memory_space<hbm>>)
    %dma_start3A_321 = arith.constant 0 : i32
    %dma_start3A_322 = arith.constant 0 : i32
    %dma_start3A_323 = tpu.memref_slice %arg7[%dma_start3A_321, %dma_start3A_322] : memref<24x1024xf32, #tpu.memory_space<vmem>> -> memref<24x1024xf32, #tpu.memory_space<vmem>>
    %dma_start3A_324 = arith.constant 264 : i32
    %dma_start3A_325 = tpu.memref_slice %arg5[%dma_start3A_324] : memref<1024xi32, #tpu.memory_space<vmem>> -> memref<24xi32, #tpu.memory_space<vmem>>
    %dma_start3A_326 = arith.constant 0 : i32
    %dma_start3A_327 = arith.constant 0 : i32
    %dma_start3A_328 = tpu.memref_slice %arg3[%dma_start3A_326, %dma_start3A_327] : memref<8192x1024xf32, #tpu.memory_space<hbm>> -> memref<8192x1024xf32, #tpu.memory_space<hbm>>
    tpu.enqueue_indirect_dma source(%dma_start3A_328 : memref<8192x1024xf32, #tpu.memory_space<hbm>>) target(%dma_start3A_323 : memref<24x1024xf32, #tpu.memory_space<vmem>>) offsets(%dma_start3A_325 : memref<24xi32, #tpu.memory_space<vmem>>) semaphore(%arg12 : memref<!tpu.dma_semaphore, #tpu.memory_space<semaphore_mem>>)
    %dma_wait3A_329 = arith.constant 0 : i32
    %dma_wait3A_330 = arith.constant 0 : i32
    %dma_wait3A_331 = tpu.memref_slice %arg9[%dma_wait3A_329, %dma_wait3A_330] : memref<24x1024xf32, #tpu.memory_space<vmem>> -> memref<24x1024xf32, #tpu.memory_space<vmem>>
    %dma_wait3A_332 = arith.constant 0 : i32
    %dma_wait3A_333 = tpu.memref_slice %arg5[%dma_wait3A_332] : memref<1024xi32, #tpu.memory_space<vmem>> -> memref<24xi32, #tpu.memory_space<vmem>>
    %dma_wait3A_334 = arith.constant 0 : i32
    %dma_wait3A_335 = arith.constant 0 : i32
    %dma_wait3A_336 = tpu.memref_slice %arg3[%dma_wait3A_334, %dma_wait3A_335] : memref<8192x1024xf32, #tpu.memory_space<hbm>> -> memref<8192x1024xf32, #tpu.memory_space<hbm>>
    tpu.wait_indirect_dma semaphore(%arg14 : memref<!tpu.dma_semaphore, #tpu.memory_space<semaphore_mem>>) src(%dma_wait3A_336 : memref<8192x1024xf32, #tpu.memory_space<hbm>>) dst(%dma_wait3A_331 : memref<24x1024xf32, #tpu.memory_space<vmem>>)
    %add3A_337 = arith.constant 192 : i32
    %add3A_338 = arith.addi %mul3A_2, %add3A_337 : i32
    %dma_start3A_339 = arith.constant 0 : i32
    %dma_start3A_340 = arith.constant 0 : i32
    %dma_start3A_341 = tpu.memref_slice %arg9[%dma_start3A_339, %dma_start3A_340] : memref<24x1024xf32, #tpu.memory_space<vmem>> -> memref<24x1024xf32, #tpu.memory_space<vmem>>
    %dma_start3A_342 = arith.constant 0 : i32
    %dma_start3A_343 = tpu.memref_slice %arg4[%add3A_338, %dma_start3A_342] : memref<32768x1024xf32, #tpu.memory_space<hbm>> -> memref<24x1024xf32, #tpu.memory_space<hbm>>
    %dma_start3A_344 = arith.constant 0 : i32
    %dma_start3A_345 = tpu.memref_slice %arg4[%add3A_338, %dma_start3A_344] : memref<32768x1024xf32, #tpu.memory_space<hbm>> -> memref<24x1024xf32, #tpu.memory_space<hbm>>
    %dma_start3A_346 = arith.constant 0 : i32
    %dma_start3A_347 = arith.constant 0 : i32
    %dma_start3A_348 = tpu.memref_slice %arg9[%dma_start3A_346, %dma_start3A_347] : memref<24x1024xf32, #tpu.memory_space<vmem>> -> memref<24x1024xf32, #tpu.memory_space<vmem>>
    tpu.enqueue_dma source(%dma_start3A_348 : memref<24x1024xf32, #tpu.memory_space<vmem>>) target(%dma_start3A_345 : memref<24x1024xf32, #tpu.memory_space<hbm>>) target_semaphore(%arg19 : memref<!tpu.dma_semaphore, #tpu.memory_space<semaphore_mem>>)
    %dma_wait3A_349 = arith.constant 0 : i32
    %dma_wait3A_350 = arith.constant 0 : i32
    %dma_wait3A_351 = tpu.memref_slice %arg8[%dma_wait3A_349, %dma_wait3A_350] : memref<24x1024xf32, #tpu.memory_space<vmem>> -> memref<24x1024xf32, #tpu.memory_space<vmem>>
    %dma_wait3A_352 = arith.constant 0 : i32
    %dma_wait3A_353 = tpu.memref_slice %arg4[%mul3A_2, %dma_wait3A_352] : memref<32768x1024xf32, #tpu.memory_space<hbm>> -> memref<24x1024xf32, #tpu.memory_space<hbm>>
    %dma_wait3A_354 = arith.constant 0 : i32
    %dma_wait3A_355 = tpu.memref_slice %arg4[%mul3A_2, %dma_wait3A_354] : memref<32768x1024xf32, #tpu.memory_space<hbm>> -> memref<24x1024xf32, #tpu.memory_space<hbm>>
    %dma_wait3A_356 = arith.constant 0 : i32
    %dma_wait3A_357 = arith.constant 0 : i32
    %dma_wait3A_358 = tpu.memref_slice %arg8[%dma_wait3A_356, %dma_wait3A_357] : memref<24x1024xf32, #tpu.memory_space<vmem>> -> memref<24x1024xf32, #tpu.memory_space<vmem>>
    tpu.wait_dma2 semaphore(%arg18 : memref<!tpu.dma_semaphore, #tpu.memory_space<semaphore_mem>>) src(%dma_wait3A_358 : memref<24x1024xf32, #tpu.memory_space<vmem>>) dst(%dma_wait3A_355 : memref<24x1024xf32, #tpu.memory_space<hbm>>)
    %dma_start3A_359 = arith.constant 0 : i32
    %dma_start3A_360 = arith.constant 0 : i32
    %dma_start3A_361 = tpu.memref_slice %arg8[%dma_start3A_359, %dma_start3A_360] : memref<24x1024xf32, #tpu.memory_space<vmem>> -> memref<24x1024xf32, #tpu.memory_space<vmem>>
    %dma_start3A_362 = arith.constant 288 : i32
    %dma_start3A_363 = tpu.memref_slice %arg5[%dma_start3A_362] : memref<1024xi32, #tpu.memory_space<vmem>> -> memref<24xi32, #tpu.memory_space<vmem>>
    %dma_start3A_364 = arith.constant 0 : i32
    %dma_start3A_365 = arith.constant 0 : i32
    %dma_start3A_366 = tpu.memref_slice %arg3[%dma_start3A_364, %dma_start3A_365] : memref<8192x1024xf32, #tpu.memory_space<hbm>> -> memref<8192x1024xf32, #tpu.memory_space<hbm>>
    tpu.enqueue_indirect_dma source(%dma_start3A_366 : memref<8192x1024xf32, #tpu.memory_space<hbm>>) target(%dma_start3A_361 : memref<24x1024xf32, #tpu.memory_space<vmem>>) offsets(%dma_start3A_363 : memref<24xi32, #tpu.memory_space<vmem>>) semaphore(%arg13 : memref<!tpu.dma_semaphore, #tpu.memory_space<semaphore_mem>>)
    %dma_wait3A_367 = arith.constant 0 : i32
    %dma_wait3A_368 = arith.constant 0 : i32
    %dma_wait3A_369 = tpu.memref_slice %arg10[%dma_wait3A_367, %dma_wait3A_368] : memref<24x1024xf32, #tpu.memory_space<vmem>> -> memref<24x1024xf32, #tpu.memory_space<vmem>>
    %dma_wait3A_370 = arith.constant 0 : i32
    %dma_wait3A_371 = tpu.memref_slice %arg5[%dma_wait3A_370] : memref<1024xi32, #tpu.memory_space<vmem>> -> memref<24xi32, #tpu.memory_space<vmem>>
    %dma_wait3A_372 = arith.constant 0 : i32
    %dma_wait3A_373 = arith.constant 0 : i32
    %dma_wait3A_374 = tpu.memref_slice %arg3[%dma_wait3A_372, %dma_wait3A_373] : memref<8192x1024xf32, #tpu.memory_space<hbm>> -> memref<8192x1024xf32, #tpu.memory_space<hbm>>
    tpu.wait_indirect_dma semaphore(%arg15 : memref<!tpu.dma_semaphore, #tpu.memory_space<semaphore_mem>>) src(%dma_wait3A_374 : memref<8192x1024xf32, #tpu.memory_space<hbm>>) dst(%dma_wait3A_369 : memref<24x1024xf32, #tpu.memory_space<vmem>>)
    %add3A_375 = arith.constant 216 : i32
    %add3A_376 = arith.addi %mul3A_2, %add3A_375 : i32
    %dma_start3A_377 = arith.constant 0 : i32
    %dma_start3A_378 = arith.constant 0 : i32
    %dma_start3A_379 = tpu.memref_slice %arg10[%dma_start3A_377, %dma_start3A_378] : memref<24x1024xf32, #tpu.memory_space<vmem>> -> memref<24x1024xf32, #tpu.memory_space<vmem>>
    %dma_start3A_380 = arith.constant 0 : i32
    %dma_start3A_381 = tpu.memref_slice %arg4[%add3A_376, %dma_start3A_380] : memref<32768x1024xf32, #tpu.memory_space<hbm>> -> memref<24x1024xf32, #tpu.memory_space<hbm>>
    %dma_start3A_382 = arith.constant 0 : i32
    %dma_start3A_383 = tpu.memref_slice %arg4[%add3A_376, %dma_start3A_382] : memref<32768x1024xf32, #tpu.memory_space<hbm>> -> memref<24x1024xf32, #tpu.memory_space<hbm>>
    %dma_start3A_384 = arith.constant 0 : i32
    %dma_start3A_385 = arith.constant 0 : i32
    %dma_start3A_386 = tpu.memref_slice %arg10[%dma_start3A_384, %dma_start3A_385] : memref<24x1024xf32, #tpu.memory_space<vmem>> -> memref<24x1024xf32, #tpu.memory_space<vmem>>
    tpu.enqueue_dma source(%dma_start3A_386 : memref<24x1024xf32, #tpu.memory_space<vmem>>) target(%dma_start3A_383 : memref<24x1024xf32, #tpu.memory_space<hbm>>) target_semaphore(%arg20 : memref<!tpu.dma_semaphore, #tpu.memory_space<semaphore_mem>>)
    %dma_wait3A_387 = arith.constant 0 : i32
    %dma_wait3A_388 = arith.constant 0 : i32
    %dma_wait3A_389 = tpu.memref_slice %arg9[%dma_wait3A_387, %dma_wait3A_388] : memref<24x1024xf32, #tpu.memory_space<vmem>> -> memref<24x1024xf32, #tpu.memory_space<vmem>>
    %dma_wait3A_390 = arith.constant 0 : i32
    %dma_wait3A_391 = tpu.memref_slice %arg4[%mul3A_2, %dma_wait3A_390] : memref<32768x1024xf32, #tpu.memory_space<hbm>> -> memref<24x1024xf32, #tpu.memory_space<hbm>>
    %dma_wait3A_392 = arith.constant 0 : i32
    %dma_wait3A_393 = tpu.memref_slice %arg4[%mul3A_2, %dma_wait3A_392] : memref<32768x1024xf32, #tpu.memory_space<hbm>> -> memref<24x1024xf32, #tpu.memory_space<hbm>>
    %dma_wait3A_394 = arith.constant 0 : i32
    %dma_wait3A_395 = arith.constant 0 : i32
    %dma_wait3A_396 = tpu.memref_slice %arg9[%dma_wait3A_394, %dma_wait3A_395] : memref<24x1024xf32, #tpu.memory_space<vmem>> -> memref<24x1024xf32, #tpu.memory_space<vmem>>
    tpu.wait_dma2 semaphore(%arg19 : memref<!tpu.dma_semaphore, #tpu.memory_space<semaphore_mem>>) src(%dma_wait3A_396 : memref<24x1024xf32, #tpu.memory_space<vmem>>) dst(%dma_wait3A_393 : memref<24x1024xf32, #tpu.memory_space<hbm>>)
    %dma_start3A_397 = arith.constant 0 : i32
    %dma_start3A_398 = arith.constant 0 : i32
    %dma_start3A_399 = tpu.memref_slice %arg9[%dma_start3A_397, %dma_start3A_398] : memref<24x1024xf32, #tpu.memory_space<vmem>> -> memref<24x1024xf32, #tpu.memory_space<vmem>>
    %dma_start3A_400 = arith.constant 312 : i32
    %dma_start3A_401 = tpu.memref_slice %arg5[%dma_start3A_400] : memref<1024xi32, #tpu.memory_space<vmem>> -> memref<24xi32, #tpu.memory_space<vmem>>
    %dma_start3A_402 = arith.constant 0 : i32
    %dma_start3A_403 = arith.constant 0 : i32
    %dma_start3A_404 = tpu.memref_slice %arg3[%dma_start3A_402, %dma_start3A_403] : memref<8192x1024xf32, #tpu.memory_space<hbm>> -> memref<8192x1024xf32, #tpu.memory_space<hbm>>
    tpu.enqueue_indirect_dma source(%dma_start3A_404 : memref<8192x1024xf32, #tpu.memory_space<hbm>>) target(%dma_start3A_399 : memref<24x1024xf32, #tpu.memory_space<vmem>>) offsets(%dma_start3A_401 : memref<24xi32, #tpu.memory_space<vmem>>) semaphore(%arg14 : memref<!tpu.dma_semaphore, #tpu.memory_space<semaphore_mem>>)
    %dma_wait3A_405 = arith.constant 0 : i32
    %dma_wait3A_406 = arith.constant 0 : i32
    %dma_wait3A_407 = tpu.memref_slice %arg6[%dma_wait3A_405, %dma_wait3A_406] : memref<24x1024xf32, #tpu.memory_space<vmem>> -> memref<24x1024xf32, #tpu.memory_space<vmem>>
    %dma_wait3A_408 = arith.constant 0 : i32
    %dma_wait3A_409 = tpu.memref_slice %arg5[%dma_wait3A_408] : memref<1024xi32, #tpu.memory_space<vmem>> -> memref<24xi32, #tpu.memory_space<vmem>>
    %dma_wait3A_410 = arith.constant 0 : i32
    %dma_wait3A_411 = arith.constant 0 : i32
    %dma_wait3A_412 = tpu.memref_slice %arg3[%dma_wait3A_410, %dma_wait3A_411] : memref<8192x1024xf32, #tpu.memory_space<hbm>> -> memref<8192x1024xf32, #tpu.memory_space<hbm>>
    tpu.wait_indirect_dma semaphore(%arg11 : memref<!tpu.dma_semaphore, #tpu.memory_space<semaphore_mem>>) src(%dma_wait3A_412 : memref<8192x1024xf32, #tpu.memory_space<hbm>>) dst(%dma_wait3A_407 : memref<24x1024xf32, #tpu.memory_space<vmem>>)
    %add3A_413 = arith.constant 240 : i32
    %add3A_414 = arith.addi %mul3A_2, %add3A_413 : i32
    %dma_start3A_415 = arith.constant 0 : i32
    %dma_start3A_416 = arith.constant 0 : i32
    %dma_start3A_417 = tpu.memref_slice %arg6[%dma_start3A_415, %dma_start3A_416] : memref<24x1024xf32, #tpu.memory_space<vmem>> -> memref<24x1024xf32, #tpu.memory_space<vmem>>
    %dma_start3A_418 = arith.constant 0 : i32
    %dma_start3A_419 = tpu.memref_slice %arg4[%add3A_414, %dma_start3A_418] : memref<32768x1024xf32, #tpu.memory_space<hbm>> -> memref<24x1024xf32, #tpu.memory_space<hbm>>
    %dma_start3A_420 = arith.constant 0 : i32
    %dma_start3A_421 = tpu.memref_slice %arg4[%add3A_414, %dma_start3A_420] : memref<32768x1024xf32, #tpu.memory_space<hbm>> -> memref<24x1024xf32, #tpu.memory_space<hbm>>
    %dma_start3A_422 = arith.constant 0 : i32
    %dma_start3A_423 = arith.constant 0 : i32
    %dma_start3A_424 = tpu.memref_slice %arg6[%dma_start3A_422, %dma_start3A_423] : memref<24x1024xf32, #tpu.memory_space<vmem>> -> memref<24x1024xf32, #tpu.memory_space<vmem>>
    tpu.enqueue_dma source(%dma_start3A_424 : memref<24x1024xf32, #tpu.memory_space<vmem>>) target(%dma_start3A_421 : memref<24x1024xf32, #tpu.memory_space<hbm>>) target_semaphore(%arg16 : memref<!tpu.dma_semaphore, #tpu.memory_space<semaphore_mem>>)
    %dma_wait3A_425 = arith.constant 0 : i32
    %dma_wait3A_426 = arith.constant 0 : i32
    %dma_wait3A_427 = tpu.memref_slice %arg10[%dma_wait3A_425, %dma_wait3A_426] : memref<24x1024xf32, #tpu.memory_space<vmem>> -> memref<24x1024xf32, #tpu.memory_space<vmem>>
    %dma_wait3A_428 = arith.constant 0 : i32
    %dma_wait3A_429 = tpu.memref_slice %arg4[%mul3A_2, %dma_wait3A_428] : memref<32768x1024xf32, #tpu.memory_space<hbm>> -> memref<24x1024xf32, #tpu.memory_space<hbm>>
    %dma_wait3A_430 = arith.constant 0 : i32
    %dma_wait3A_431 = tpu.memref_slice %arg4[%mul3A_2, %dma_wait3A_430] : memref<32768x1024xf32, #tpu.memory_space<hbm>> -> memref<24x1024xf32, #tpu.memory_space<hbm>>
    %dma_wait3A_432 = arith.constant 0 : i32
    %dma_wait3A_433 = arith.constant 0 : i32
    %dma_wait3A_434 = tpu.memref_slice %arg10[%dma_wait3A_432, %dma_wait3A_433] : memref<24x1024xf32, #tpu.memory_space<vmem>> -> memref<24x1024xf32, #tpu.memory_space<vmem>>
    tpu.wait_dma2 semaphore(%arg20 : memref<!tpu.dma_semaphore, #tpu.memory_space<semaphore_mem>>) src(%dma_wait3A_434 : memref<24x1024xf32, #tpu.memory_space<vmem>>) dst(%dma_wait3A_431 : memref<24x1024xf32, #tpu.memory_space<hbm>>)
    %dma_start3A_435 = arith.constant 0 : i32
    %dma_start3A_436 = arith.constant 0 : i32
    %dma_start3A_437 = tpu.memref_slice %arg10[%dma_start3A_435, %dma_start3A_436] : memref<24x1024xf32, #tpu.memory_space<vmem>> -> memref<24x1024xf32, #tpu.memory_space<vmem>>
    %dma_start3A_438 = arith.constant 336 : i32
    %dma_start3A_439 = tpu.memref_slice %arg5[%dma_start3A_438] : memref<1024xi32, #tpu.memory_space<vmem>> -> memref<24xi32, #tpu.memory_space<vmem>>
    %dma_start3A_440 = arith.constant 0 : i32
    %dma_start3A_441 = arith.constant 0 : i32
    %dma_start3A_442 = tpu.memref_slice %arg3[%dma_start3A_440, %dma_start3A_441] : memref<8192x1024xf32, #tpu.memory_space<hbm>> -> memref<8192x1024xf32, #tpu.memory_space<hbm>>
    tpu.enqueue_indirect_dma source(%dma_start3A_442 : memref<8192x1024xf32, #tpu.memory_space<hbm>>) target(%dma_start3A_437 : memref<24x1024xf32, #tpu.memory_space<vmem>>) offsets(%dma_start3A_439 : memref<24xi32, #tpu.memory_space<vmem>>) semaphore(%arg15 : memref<!tpu.dma_semaphore, #tpu.memory_space<semaphore_mem>>)
    %dma_wait3A_443 = arith.constant 0 : i32
    %dma_wait3A_444 = arith.constant 0 : i32
    %dma_wait3A_445 = tpu.memref_slice %arg7[%dma_wait3A_443, %dma_wait3A_444] : memref<24x1024xf32, #tpu.memory_space<vmem>> -> memref<24x1024xf32, #tpu.memory_space<vmem>>
    %dma_wait3A_446 = arith.constant 0 : i32
    %dma_wait3A_447 = tpu.memref_slice %arg5[%dma_wait3A_446] : memref<1024xi32, #tpu.memory_space<vmem>> -> memref<24xi32, #tpu.memory_space<vmem>>
    %dma_wait3A_448 = arith.constant 0 : i32
    %dma_wait3A_449 = arith.constant 0 : i32
    %dma_wait3A_450 = tpu.memref_slice %arg3[%dma_wait3A_448, %dma_wait3A_449] : memref<8192x1024xf32, #tpu.memory_space<hbm>> -> memref<8192x1024xf32, #tpu.memory_space<hbm>>
    tpu.wait_indirect_dma semaphore(%arg12 : memref<!tpu.dma_semaphore, #tpu.memory_space<semaphore_mem>>) src(%dma_wait3A_450 : memref<8192x1024xf32, #tpu.memory_space<hbm>>) dst(%dma_wait3A_445 : memref<24x1024xf32, #tpu.memory_space<vmem>>)
    %add3A_451 = arith.constant 264 : i32
    %add3A_452 = arith.addi %mul3A_2, %add3A_451 : i32
    %dma_start3A_453 = arith.constant 0 : i32
    %dma_start3A_454 = arith.constant 0 : i32
    %dma_start3A_455 = tpu.memref_slice %arg7[%dma_start3A_453, %dma_start3A_454] : memref<24x1024xf32, #tpu.memory_space<vmem>> -> memref<24x1024xf32, #tpu.memory_space<vmem>>
    %dma_start3A_456 = arith.constant 0 : i32
    %dma_start3A_457 = tpu.memref_slice %arg4[%add3A_452, %dma_start3A_456] : memref<32768x1024xf32, #tpu.memory_space<hbm>> -> memref<24x1024xf32, #tpu.memory_space<hbm>>
    %dma_start3A_458 = arith.constant 0 : i32
    %dma_start3A_459 = tpu.memref_slice %arg4[%add3A_452, %dma_start3A_458] : memref<32768x1024xf32, #tpu.memory_space<hbm>> -> memref<24x1024xf32, #tpu.memory_space<hbm>>
    %dma_start3A_460 = arith.constant 0 : i32
    %dma_start3A_461 = arith.constant 0 : i32
    %dma_start3A_462 = tpu.memref_slice %arg7[%dma_start3A_460, %dma_start3A_461] : memref<24x1024xf32, #tpu.memory_space<vmem>> -> memref<24x1024xf32, #tpu.memory_space<vmem>>
    tpu.enqueue_dma source(%dma_start3A_462 : memref<24x1024xf32, #tpu.memory_space<vmem>>) target(%dma_start3A_459 : memref<24x1024xf32, #tpu.memory_space<hbm>>) target_semaphore(%arg17 : memref<!tpu.dma_semaphore, #tpu.memory_space<semaphore_mem>>)
    %dma_wait3A_463 = arith.constant 0 : i32
    %dma_wait3A_464 = arith.constant 0 : i32
    %dma_wait3A_465 = tpu.memref_slice %arg6[%dma_wait3A_463, %dma_wait3A_464] : memref<24x1024xf32, #tpu.memory_space<vmem>> -> memref<24x1024xf32, #tpu.memory_space<vmem>>
    %dma_wait3A_466 = arith.constant 0 : i32
    %dma_wait3A_467 = tpu.memref_slice %arg4[%mul3A_2, %dma_wait3A_466] : memref<32768x1024xf32, #tpu.memory_space<hbm>> -> memref<24x1024xf32, #tpu.memory_space<hbm>>
    %dma_wait3A_468 = arith.constant 0 : i32
    %dma_wait3A_469 = tpu.memref_slice %arg4[%mul3A_2, %dma_wait3A_468] : memref<32768x1024xf32, #tpu.memory_space<hbm>> -> memref<24x1024xf32, #tpu.memory_space<hbm>>
    %dma_wait3A_470 = arith.constant 0 : i32
    %dma_wait3A_471 = arith.constant 0 : i32
    %dma_wait3A_472 = tpu.memref_slice %arg6[%dma_wait3A_470, %dma_wait3A_471] : memref<24x1024xf32, #tpu.memory_space<vmem>> -> memref<24x1024xf32, #tpu.memory_space<vmem>>
    tpu.wait_dma2 semaphore(%arg16 : memref<!tpu.dma_semaphore, #tpu.memory_space<semaphore_mem>>) src(%dma_wait3A_472 : memref<24x1024xf32, #tpu.memory_space<vmem>>) dst(%dma_wait3A_469 : memref<24x1024xf32, #tpu.memory_space<hbm>>)
    %dma_start3A_473 = arith.constant 0 : i32
    %dma_start3A_474 = arith.constant 0 : i32
    %dma_start3A_475 = tpu.memref_slice %arg6[%dma_start3A_473, %dma_start3A_474] : memref<24x1024xf32, #tpu.memory_space<vmem>> -> memref<24x1024xf32, #tpu.memory_space<vmem>>
    %dma_start3A_476 = arith.constant 360 : i32
    %dma_start3A_477 = tpu.memref_slice %arg5[%dma_start3A_476] : memref<1024xi32, #tpu.memory_space<vmem>> -> memref<24xi32, #tpu.memory_space<vmem>>
    %dma_start3A_478 = arith.constant 0 : i32
    %dma_start3A_479 = arith.constant 0 : i32
    %dma_start3A_480 = tpu.memref_slice %arg3[%dma_start3A_478, %dma_start3A_479] : memref<8192x1024xf32, #tpu.memory_space<hbm>> -> memref<8192x1024xf32, #tpu.memory_space<hbm>>
    tpu.enqueue_indirect_dma source(%dma_start3A_480 : memref<8192x1024xf32, #tpu.memory_space<hbm>>) target(%dma_start3A_475 : memref<24x1024xf32, #tpu.memory_space<vmem>>) offsets(%dma_start3A_477 : memref<24xi32, #tpu.memory_space<vmem>>) semaphore(%arg11 : memref<!tpu.dma_semaphore, #tpu.memory_space<semaphore_mem>>)
    %dma_wait3A_481 = arith.constant 0 : i32
    %dma_wait3A_482 = arith.constant 0 : i32
    %dma_wait3A_483 = tpu.memref_slice %arg8[%dma_wait3A_481, %dma_wait3A_482] : memref<24x1024xf32, #tpu.memory_space<vmem>> -> memref<24x1024xf32, #tpu.memory_space<vmem>>
    %dma_wait3A_484 = arith.constant 0 : i32
    %dma_wait3A_485 = tpu.memref_slice %arg5[%dma_wait3A_484] : memref<1024xi32, #tpu.memory_space<vmem>> -> memref<24xi32, #tpu.memory_space<vmem>>
    %dma_wait3A_486 = arith.constant 0 : i32
    %dma_wait3A_487 = arith.constant 0 : i32
    %dma_wait3A_488 = tpu.memref_slice %arg3[%dma_wait3A_486, %dma_wait3A_487] : memref<8192x1024xf32, #tpu.memory_space<hbm>> -> memref<8192x1024xf32, #tpu.memory_space<hbm>>
    tpu.wait_indirect_dma semaphore(%arg13 : memref<!tpu.dma_semaphore, #tpu.memory_space<semaphore_mem>>) src(%dma_wait3A_488 : memref<8192x1024xf32, #tpu.memory_space<hbm>>) dst(%dma_wait3A_483 : memref<24x1024xf32, #tpu.memory_space<vmem>>)
    %add3A_489 = arith.constant 288 : i32
    %add3A_490 = arith.addi %mul3A_2, %add3A_489 : i32
    %dma_start3A_491 = arith.constant 0 : i32
    %dma_start3A_492 = arith.constant 0 : i32
    %dma_start3A_493 = tpu.memref_slice %arg8[%dma_start3A_491, %dma_start3A_492] : memref<24x1024xf32, #tpu.memory_space<vmem>> -> memref<24x1024xf32, #tpu.memory_space<vmem>>
    %dma_start3A_494 = arith.constant 0 : i32
    %dma_start3A_495 = tpu.memref_slice %arg4[%add3A_490, %dma_start3A_494] : memref<32768x1024xf32, #tpu.memory_space<hbm>> -> memref<24x1024xf32, #tpu.memory_space<hbm>>
    %dma_start3A_496 = arith.constant 0 : i32
    %dma_start3A_497 = tpu.memref_slice %arg4[%add3A_490, %dma_start3A_496] : memref<32768x1024xf32, #tpu.memory_space<hbm>> -> memref<24x1024xf32, #tpu.memory_space<hbm>>
    %dma_start3A_498 = arith.constant 0 : i32
    %dma_start3A_499 = arith.constant 0 : i32
    %dma_start3A_500 = tpu.memref_slice %arg8[%dma_start3A_498, %dma_start3A_499] : memref<24x1024xf32, #tpu.memory_space<vmem>> -> memref<24x1024xf32, #tpu.memory_space<vmem>>
    tpu.enqueue_dma source(%dma_start3A_500 : memref<24x1024xf32, #tpu.memory_space<vmem>>) target(%dma_start3A_497 : memref<24x1024xf32, #tpu.memory_space<hbm>>) target_semaphore(%arg18 : memref<!tpu.dma_semaphore, #tpu.memory_space<semaphore_mem>>)
    %dma_wait3A_501 = arith.constant 0 : i32
    %dma_wait3A_502 = arith.constant 0 : i32
    %dma_wait3A_503 = tpu.memref_slice %arg7[%dma_wait3A_501, %dma_wait3A_502] : memref<24x1024xf32, #tpu.memory_space<vmem>> -> memref<24x1024xf32, #tpu.memory_space<vmem>>
    %dma_wait3A_504 = arith.constant 0 : i32
    %dma_wait3A_505 = tpu.memref_slice %arg4[%mul3A_2, %dma_wait3A_504] : memref<32768x1024xf32, #tpu.memory_space<hbm>> -> memref<24x1024xf32, #tpu.memory_space<hbm>>
    %dma_wait3A_506 = arith.constant 0 : i32
    %dma_wait3A_507 = tpu.memref_slice %arg4[%mul3A_2, %dma_wait3A_506] : memref<32768x1024xf32, #tpu.memory_space<hbm>> -> memref<24x1024xf32, #tpu.memory_space<hbm>>
    %dma_wait3A_508 = arith.constant 0 : i32
    %dma_wait3A_509 = arith.constant 0 : i32
    %dma_wait3A_510 = tpu.memref_slice %arg7[%dma_wait3A_508, %dma_wait3A_509] : memref<24x1024xf32, #tpu.memory_space<vmem>> -> memref<24x1024xf32, #tpu.memory_space<vmem>>
    tpu.wait_dma2 semaphore(%arg17 : memref<!tpu.dma_semaphore, #tpu.memory_space<semaphore_mem>>) src(%dma_wait3A_510 : memref<24x1024xf32, #tpu.memory_space<vmem>>) dst(%dma_wait3A_507 : memref<24x1024xf32, #tpu.memory_space<hbm>>)
    %dma_start3A_511 = arith.constant 0 : i32
    %dma_start3A_512 = arith.constant 0 : i32
    %dma_start3A_513 = tpu.memref_slice %arg7[%dma_start3A_511, %dma_start3A_512] : memref<24x1024xf32, #tpu.memory_space<vmem>> -> memref<24x1024xf32, #tpu.memory_space<vmem>>
    %dma_start3A_514 = arith.constant 384 : i32
    %dma_start3A_515 = tpu.memref_slice %arg5[%dma_start3A_514] : memref<1024xi32, #tpu.memory_space<vmem>> -> memref<24xi32, #tpu.memory_space<vmem>>
    %dma_start3A_516 = arith.constant 0 : i32
    %dma_start3A_517 = arith.constant 0 : i32
    %dma_start3A_518 = tpu.memref_slice %arg3[%dma_start3A_516, %dma_start3A_517] : memref<8192x1024xf32, #tpu.memory_space<hbm>> -> memref<8192x1024xf32, #tpu.memory_space<hbm>>
    tpu.enqueue_indirect_dma source(%dma_start3A_518 : memref<8192x1024xf32, #tpu.memory_space<hbm>>) target(%dma_start3A_513 : memref<24x1024xf32, #tpu.memory_space<vmem>>) offsets(%dma_start3A_515 : memref<24xi32, #tpu.memory_space<vmem>>) semaphore(%arg12 : memref<!tpu.dma_semaphore, #tpu.memory_space<semaphore_mem>>)
    %dma_wait3A_519 = arith.constant 0 : i32
    %dma_wait3A_520 = arith.constant 0 : i32
    %dma_wait3A_521 = tpu.memref_slice %arg9[%dma_wait3A_519, %dma_wait3A_520] : memref<24x1024xf32, #tpu.memory_space<vmem>> -> memref<24x1024xf32, #tpu.memory_space<vmem>>
    %dma_wait3A_522 = arith.constant 0 : i32
    %dma_wait3A_523 = tpu.memref_slice %arg5[%dma_wait3A_522] : memref<1024xi32, #tpu.memory_space<vmem>> -> memref<24xi32, #tpu.memory_space<vmem>>
    %dma_wait3A_524 = arith.constant 0 : i32
    %dma_wait3A_525 = arith.constant 0 : i32
    %dma_wait3A_526 = tpu.memref_slice %arg3[%dma_wait3A_524, %dma_wait3A_525] : memref<8192x1024xf32, #tpu.memory_space<hbm>> -> memref<8192x1024xf32, #tpu.memory_space<hbm>>
    tpu.wait_indirect_dma semaphore(%arg14 : memref<!tpu.dma_semaphore, #tpu.memory_space<semaphore_mem>>) src(%dma_wait3A_526 : memref<8192x1024xf32, #tpu.memory_space<hbm>>) dst(%dma_wait3A_521 : memref<24x1024xf32, #tpu.memory_space<vmem>>)
    %add3A_527 = arith.constant 312 : i32
    %add3A_528 = arith.addi %mul3A_2, %add3A_527 : i32
    %dma_start3A_529 = arith.constant 0 : i32
    %dma_start3A_530 = arith.constant 0 : i32
    %dma_start3A_531 = tpu.memref_slice %arg9[%dma_start3A_529, %dma_start3A_530] : memref<24x1024xf32, #tpu.memory_space<vmem>> -> memref<24x1024xf32, #tpu.memory_space<vmem>>
    %dma_start3A_532 = arith.constant 0 : i32
    %dma_start3A_533 = tpu.memref_slice %arg4[%add3A_528, %dma_start3A_532] : memref<32768x1024xf32, #tpu.memory_space<hbm>> -> memref<24x1024xf32, #tpu.memory_space<hbm>>
    %dma_start3A_534 = arith.constant 0 : i32
    %dma_start3A_535 = tpu.memref_slice %arg4[%add3A_528, %dma_start3A_534] : memref<32768x1024xf32, #tpu.memory_space<hbm>> -> memref<24x1024xf32, #tpu.memory_space<hbm>>
    %dma_start3A_536 = arith.constant 0 : i32
    %dma_start3A_537 = arith.constant 0 : i32
    %dma_start3A_538 = tpu.memref_slice %arg9[%dma_start3A_536, %dma_start3A_537] : memref<24x1024xf32, #tpu.memory_space<vmem>> -> memref<24x1024xf32, #tpu.memory_space<vmem>>
    tpu.enqueue_dma source(%dma_start3A_538 : memref<24x1024xf32, #tpu.memory_space<vmem>>) target(%dma_start3A_535 : memref<24x1024xf32, #tpu.memory_space<hbm>>) target_semaphore(%arg19 : memref<!tpu.dma_semaphore, #tpu.memory_space<semaphore_mem>>)
    %dma_wait3A_539 = arith.constant 0 : i32
    %dma_wait3A_540 = arith.constant 0 : i32
    %dma_wait3A_541 = tpu.memref_slice %arg8[%dma_wait3A_539, %dma_wait3A_540] : memref<24x1024xf32, #tpu.memory_space<vmem>> -> memref<24x1024xf32, #tpu.memory_space<vmem>>
    %dma_wait3A_542 = arith.constant 0 : i32
    %dma_wait3A_543 = tpu.memref_slice %arg4[%mul3A_2, %dma_wait3A_542] : memref<32768x1024xf32, #tpu.memory_space<hbm>> -> memref<24x1024xf32, #tpu.memory_space<hbm>>
    %dma_wait3A_544 = arith.constant 0 : i32
    %dma_wait3A_545 = tpu.memref_slice %arg4[%mul3A_2, %dma_wait3A_544] : memref<32768x1024xf32, #tpu.memory_space<hbm>> -> memref<24x1024xf32, #tpu.memory_space<hbm>>
    %dma_wait3A_546 = arith.constant 0 : i32
    %dma_wait3A_547 = arith.constant 0 : i32
    %dma_wait3A_548 = tpu.memref_slice %arg8[%dma_wait3A_546, %dma_wait3A_547] : memref<24x1024xf32, #tpu.memory_space<vmem>> -> memref<24x1024xf32, #tpu.memory_space<vmem>>
    tpu.wait_dma2 semaphore(%arg18 : memref<!tpu.dma_semaphore, #tpu.memory_space<semaphore_mem>>) src(%dma_wait3A_548 : memref<24x1024xf32, #tpu.memory_space<vmem>>) dst(%dma_wait3A_545 : memref<24x1024xf32, #tpu.memory_space<hbm>>)
    %dma_start3A_549 = arith.constant 0 : i32
    %dma_start3A_550 = arith.constant 0 : i32
    %dma_start3A_551 = tpu.memref_slice %arg8[%dma_start3A_549, %dma_start3A_550] : memref<24x1024xf32, #tpu.memory_space<vmem>> -> memref<24x1024xf32, #tpu.memory_space<vmem>>
    %dma_start3A_552 = arith.constant 408 : i32
    %dma_start3A_553 = tpu.memref_slice %arg5[%dma_start3A_552] : memref<1024xi32, #tpu.memory_space<vmem>> -> memref<24xi32, #tpu.memory_space<vmem>>
    %dma_start3A_554 = arith.constant 0 : i32
    %dma_start3A_555 = arith.constant 0 : i32
    %dma_start3A_556 = tpu.memref_slice %arg3[%dma_start3A_554, %dma_start3A_555] : memref<8192x1024xf32, #tpu.memory_space<hbm>> -> memref<8192x1024xf32, #tpu.memory_space<hbm>>
    tpu.enqueue_indirect_dma source(%dma_start3A_556 : memref<8192x1024xf32, #tpu.memory_space<hbm>>) target(%dma_start3A_551 : memref<24x1024xf32, #tpu.memory_space<vmem>>) offsets(%dma_start3A_553 : memref<24xi32, #tpu.memory_space<vmem>>) semaphore(%arg13 : memref<!tpu.dma_semaphore, #tpu.memory_space<semaphore_mem>>)
    %dma_wait3A_557 = arith.constant 0 : i32
    %dma_wait3A_558 = arith.constant 0 : i32
    %dma_wait3A_559 = tpu.memref_slice %arg10[%dma_wait3A_557, %dma_wait3A_558] : memref<24x1024xf32, #tpu.memory_space<vmem>> -> memref<24x1024xf32, #tpu.memory_space<vmem>>
    %dma_wait3A_560 = arith.constant 0 : i32
    %dma_wait3A_561 = tpu.memref_slice %arg5[%dma_wait3A_560] : memref<1024xi32, #tpu.memory_space<vmem>> -> memref<24xi32, #tpu.memory_space<vmem>>
    %dma_wait3A_562 = arith.constant 0 : i32
    %dma_wait3A_563 = arith.constant 0 : i32
    %dma_wait3A_564 = tpu.memref_slice %arg3[%dma_wait3A_562, %dma_wait3A_563] : memref<8192x1024xf32, #tpu.memory_space<hbm>> -> memref<8192x1024xf32, #tpu.memory_space<hbm>>
    tpu.wait_indirect_dma semaphore(%arg15 : memref<!tpu.dma_semaphore, #tpu.memory_space<semaphore_mem>>) src(%dma_wait3A_564 : memref<8192x1024xf32, #tpu.memory_space<hbm>>) dst(%dma_wait3A_559 : memref<24x1024xf32, #tpu.memory_space<vmem>>)
    %add3A_565 = arith.constant 336 : i32
    %add3A_566 = arith.addi %mul3A_2, %add3A_565 : i32
    %dma_start3A_567 = arith.constant 0 : i32
    %dma_start3A_568 = arith.constant 0 : i32
    %dma_start3A_569 = tpu.memref_slice %arg10[%dma_start3A_567, %dma_start3A_568] : memref<24x1024xf32, #tpu.memory_space<vmem>> -> memref<24x1024xf32, #tpu.memory_space<vmem>>
    %dma_start3A_570 = arith.constant 0 : i32
    %dma_start3A_571 = tpu.memref_slice %arg4[%add3A_566, %dma_start3A_570] : memref<32768x1024xf32, #tpu.memory_space<hbm>> -> memref<24x1024xf32, #tpu.memory_space<hbm>>
    %dma_start3A_572 = arith.constant 0 : i32
    %dma_start3A_573 = tpu.memref_slice %arg4[%add3A_566, %dma_start3A_572] : memref<32768x1024xf32, #tpu.memory_space<hbm>> -> memref<24x1024xf32, #tpu.memory_space<hbm>>
    %dma_start3A_574 = arith.constant 0 : i32
    %dma_start3A_575 = arith.constant 0 : i32
    %dma_start3A_576 = tpu.memref_slice %arg10[%dma_start3A_574, %dma_start3A_575] : memref<24x1024xf32, #tpu.memory_space<vmem>> -> memref<24x1024xf32, #tpu.memory_space<vmem>>
    tpu.enqueue_dma source(%dma_start3A_576 : memref<24x1024xf32, #tpu.memory_space<vmem>>) target(%dma_start3A_573 : memref<24x1024xf32, #tpu.memory_space<hbm>>) target_semaphore(%arg20 : memref<!tpu.dma_semaphore, #tpu.memory_space<semaphore_mem>>)
    %dma_wait3A_577 = arith.constant 0 : i32
    %dma_wait3A_578 = arith.constant 0 : i32
    %dma_wait3A_579 = tpu.memref_slice %arg9[%dma_wait3A_577, %dma_wait3A_578] : memref<24x1024xf32, #tpu.memory_space<vmem>> -> memref<24x1024xf32, #tpu.memory_space<vmem>>
    %dma_wait3A_580 = arith.constant 0 : i32
    %dma_wait3A_581 = tpu.memref_slice %arg4[%mul3A_2, %dma_wait3A_580] : memref<32768x1024xf32, #tpu.memory_space<hbm>> -> memref<24x1024xf32, #tpu.memory_space<hbm>>
    %dma_wait3A_582 = arith.constant 0 : i32
    %dma_wait3A_583 = tpu.memref_slice %arg4[%mul3A_2, %dma_wait3A_582] : memref<32768x1024xf32, #tpu.memory_space<hbm>> -> memref<24x1024xf32, #tpu.memory_space<hbm>>
    %dma_wait3A_584 = arith.constant 0 : i32
    %dma_wait3A_585 = arith.constant 0 : i32
    %dma_wait3A_586 = tpu.memref_slice %arg9[%dma_wait3A_584, %dma_wait3A_585] : memref<24x1024xf32, #tpu.memory_space<vmem>> -> memref<24x1024xf32, #tpu.memory_space<vmem>>
    tpu.wait_dma2 semaphore(%arg19 : memref<!tpu.dma_semaphore, #tpu.memory_space<semaphore_mem>>) src(%dma_wait3A_586 : memref<24x1024xf32, #tpu.memory_space<vmem>>) dst(%dma_wait3A_583 : memref<24x1024xf32, #tpu.memory_space<hbm>>)
    %dma_start3A_587 = arith.constant 0 : i32
    %dma_start3A_588 = arith.constant 0 : i32
    %dma_start3A_589 = tpu.memref_slice %arg9[%dma_start3A_587, %dma_start3A_588] : memref<24x1024xf32, #tpu.memory_space<vmem>> -> memref<24x1024xf32, #tpu.memory_space<vmem>>
    %dma_start3A_590 = arith.constant 432 : i32
    %dma_start3A_591 = tpu.memref_slice %arg5[%dma_start3A_590] : memref<1024xi32, #tpu.memory_space<vmem>> -> memref<24xi32, #tpu.memory_space<vmem>>
    %dma_start3A_592 = arith.constant 0 : i32
    %dma_start3A_593 = arith.constant 0 : i32
    %dma_start3A_594 = tpu.memref_slice %arg3[%dma_start3A_592, %dma_start3A_593] : memref<8192x1024xf32, #tpu.memory_space<hbm>> -> memref<8192x1024xf32, #tpu.memory_space<hbm>>
    tpu.enqueue_indirect_dma source(%dma_start3A_594 : memref<8192x1024xf32, #tpu.memory_space<hbm>>) target(%dma_start3A_589 : memref<24x1024xf32, #tpu.memory_space<vmem>>) offsets(%dma_start3A_591 : memref<24xi32, #tpu.memory_space<vmem>>) semaphore(%arg14 : memref<!tpu.dma_semaphore, #tpu.memory_space<semaphore_mem>>)
    %dma_wait3A_595 = arith.constant 0 : i32
    %dma_wait3A_596 = arith.constant 0 : i32
    %dma_wait3A_597 = tpu.memref_slice %arg6[%dma_wait3A_595, %dma_wait3A_596] : memref<24x1024xf32, #tpu.memory_space<vmem>> -> memref<24x1024xf32, #tpu.memory_space<vmem>>
    %dma_wait3A_598 = arith.constant 0 : i32
    %dma_wait3A_599 = tpu.memref_slice %arg5[%dma_wait3A_598] : memref<1024xi32, #tpu.memory_space<vmem>> -> memref<24xi32, #tpu.memory_space<vmem>>
    %dma_wait3A_600 = arith.constant 0 : i32
    %dma_wait3A_601 = arith.constant 0 : i32
    %dma_wait3A_602 = tpu.memref_slice %arg3[%dma_wait3A_600, %dma_wait3A_601] : memref<8192x1024xf32, #tpu.memory_space<hbm>> -> memref<8192x1024xf32, #tpu.memory_space<hbm>>
    tpu.wait_indirect_dma semaphore(%arg11 : memref<!tpu.dma_semaphore, #tpu.memory_space<semaphore_mem>>) src(%dma_wait3A_602 : memref<8192x1024xf32, #tpu.memory_space<hbm>>) dst(%dma_wait3A_597 : memref<24x1024xf32, #tpu.memory_space<vmem>>)
    %add3A_603 = arith.constant 360 : i32
    %add3A_604 = arith.addi %mul3A_2, %add3A_603 : i32
    %dma_start3A_605 = arith.constant 0 : i32
    %dma_start3A_606 = arith.constant 0 : i32
    %dma_start3A_607 = tpu.memref_slice %arg6[%dma_start3A_605, %dma_start3A_606] : memref<24x1024xf32, #tpu.memory_space<vmem>> -> memref<24x1024xf32, #tpu.memory_space<vmem>>
    %dma_start3A_608 = arith.constant 0 : i32
    %dma_start3A_609 = tpu.memref_slice %arg4[%add3A_604, %dma_start3A_608] : memref<32768x1024xf32, #tpu.memory_space<hbm>> -> memref<24x1024xf32, #tpu.memory_space<hbm>>
    %dma_start3A_610 = arith.constant 0 : i32
    %dma_start3A_611 = tpu.memref_slice %arg4[%add3A_604, %dma_start3A_610] : memref<32768x1024xf32, #tpu.memory_space<hbm>> -> memref<24x1024xf32, #tpu.memory_space<hbm>>
    %dma_start3A_612 = arith.constant 0 : i32
    %dma_start3A_613 = arith.constant 0 : i32
    %dma_start3A_614 = tpu.memref_slice %arg6[%dma_start3A_612, %dma_start3A_613] : memref<24x1024xf32, #tpu.memory_space<vmem>> -> memref<24x1024xf32, #tpu.memory_space<vmem>>
    tpu.enqueue_dma source(%dma_start3A_614 : memref<24x1024xf32, #tpu.memory_space<vmem>>) target(%dma_start3A_611 : memref<24x1024xf32, #tpu.memory_space<hbm>>) target_semaphore(%arg16 : memref<!tpu.dma_semaphore, #tpu.memory_space<semaphore_mem>>)
    %dma_wait3A_615 = arith.constant 0 : i32
    %dma_wait3A_616 = arith.constant 0 : i32
    %dma_wait3A_617 = tpu.memref_slice %arg10[%dma_wait3A_615, %dma_wait3A_616] : memref<24x1024xf32, #tpu.memory_space<vmem>> -> memref<24x1024xf32, #tpu.memory_space<vmem>>
    %dma_wait3A_618 = arith.constant 0 : i32
    %dma_wait3A_619 = tpu.memref_slice %arg4[%mul3A_2, %dma_wait3A_618] : memref<32768x1024xf32, #tpu.memory_space<hbm>> -> memref<24x1024xf32, #tpu.memory_space<hbm>>
    %dma_wait3A_620 = arith.constant 0 : i32
    %dma_wait3A_621 = tpu.memref_slice %arg4[%mul3A_2, %dma_wait3A_620] : memref<32768x1024xf32, #tpu.memory_space<hbm>> -> memref<24x1024xf32, #tpu.memory_space<hbm>>
    %dma_wait3A_622 = arith.constant 0 : i32
    %dma_wait3A_623 = arith.constant 0 : i32
    %dma_wait3A_624 = tpu.memref_slice %arg10[%dma_wait3A_622, %dma_wait3A_623] : memref<24x1024xf32, #tpu.memory_space<vmem>> -> memref<24x1024xf32, #tpu.memory_space<vmem>>
    tpu.wait_dma2 semaphore(%arg20 : memref<!tpu.dma_semaphore, #tpu.memory_space<semaphore_mem>>) src(%dma_wait3A_624 : memref<24x1024xf32, #tpu.memory_space<vmem>>) dst(%dma_wait3A_621 : memref<24x1024xf32, #tpu.memory_space<hbm>>)
    %dma_start3A_625 = arith.constant 0 : i32
    %dma_start3A_626 = arith.constant 0 : i32
    %dma_start3A_627 = tpu.memref_slice %arg10[%dma_start3A_625, %dma_start3A_626] : memref<24x1024xf32, #tpu.memory_space<vmem>> -> memref<24x1024xf32, #tpu.memory_space<vmem>>
    %dma_start3A_628 = arith.constant 456 : i32
    %dma_start3A_629 = tpu.memref_slice %arg5[%dma_start3A_628] : memref<1024xi32, #tpu.memory_space<vmem>> -> memref<24xi32, #tpu.memory_space<vmem>>
    %dma_start3A_630 = arith.constant 0 : i32
    %dma_start3A_631 = arith.constant 0 : i32
    %dma_start3A_632 = tpu.memref_slice %arg3[%dma_start3A_630, %dma_start3A_631] : memref<8192x1024xf32, #tpu.memory_space<hbm>> -> memref<8192x1024xf32, #tpu.memory_space<hbm>>
    tpu.enqueue_indirect_dma source(%dma_start3A_632 : memref<8192x1024xf32, #tpu.memory_space<hbm>>) target(%dma_start3A_627 : memref<24x1024xf32, #tpu.memory_space<vmem>>) offsets(%dma_start3A_629 : memref<24xi32, #tpu.memory_space<vmem>>) semaphore(%arg15 : memref<!tpu.dma_semaphore, #tpu.memory_space<semaphore_mem>>)
    %dma_wait3A_633 = arith.constant 0 : i32
    %dma_wait3A_634 = arith.constant 0 : i32
    %dma_wait3A_635 = tpu.memref_slice %arg7[%dma_wait3A_633, %dma_wait3A_634] : memref<24x1024xf32, #tpu.memory_space<vmem>> -> memref<24x1024xf32, #tpu.memory_space<vmem>>
    %dma_wait3A_636 = arith.constant 0 : i32
    %dma_wait3A_637 = tpu.memref_slice %arg5[%dma_wait3A_636] : memref<1024xi32, #tpu.memory_space<vmem>> -> memref<24xi32, #tpu.memory_space<vmem>>
    %dma_wait3A_638 = arith.constant 0 : i32
    %dma_wait3A_639 = arith.constant 0 : i32
    %dma_wait3A_640 = tpu.memref_slice %arg3[%dma_wait3A_638, %dma_wait3A_639] : memref<8192x1024xf32, #tpu.memory_space<hbm>> -> memref<8192x1024xf32, #tpu.memory_space<hbm>>
    tpu.wait_indirect_dma semaphore(%arg12 : memref<!tpu.dma_semaphore, #tpu.memory_space<semaphore_mem>>) src(%dma_wait3A_640 : memref<8192x1024xf32, #tpu.memory_space<hbm>>) dst(%dma_wait3A_635 : memref<24x1024xf32, #tpu.memory_space<vmem>>)
    %add3A_641 = arith.constant 384 : i32
    %add3A_642 = arith.addi %mul3A_2, %add3A_641 : i32
    %dma_start3A_643 = arith.constant 0 : i32
    %dma_start3A_644 = arith.constant 0 : i32
    %dma_start3A_645 = tpu.memref_slice %arg7[%dma_start3A_643, %dma_start3A_644] : memref<24x1024xf32, #tpu.memory_space<vmem>> -> memref<24x1024xf32, #tpu.memory_space<vmem>>
    %dma_start3A_646 = arith.constant 0 : i32
    %dma_start3A_647 = tpu.memref_slice %arg4[%add3A_642, %dma_start3A_646] : memref<32768x1024xf32, #tpu.memory_space<hbm>> -> memref<24x1024xf32, #tpu.memory_space<hbm>>
    %dma_start3A_648 = arith.constant 0 : i32
    %dma_start3A_649 = tpu.memref_slice %arg4[%add3A_642, %dma_start3A_648] : memref<32768x1024xf32, #tpu.memory_space<hbm>> -> memref<24x1024xf32, #tpu.memory_space<hbm>>
    %dma_start3A_650 = arith.constant 0 : i32
    %dma_start3A_651 = arith.constant 0 : i32
    %dma_start3A_652 = tpu.memref_slice %arg7[%dma_start3A_650, %dma_start3A_651] : memref<24x1024xf32, #tpu.memory_space<vmem>> -> memref<24x1024xf32, #tpu.memory_space<vmem>>
    tpu.enqueue_dma source(%dma_start3A_652 : memref<24x1024xf32, #tpu.memory_space<vmem>>) target(%dma_start3A_649 : memref<24x1024xf32, #tpu.memory_space<hbm>>) target_semaphore(%arg17 : memref<!tpu.dma_semaphore, #tpu.memory_space<semaphore_mem>>)
    %dma_wait3A_653 = arith.constant 0 : i32
    %dma_wait3A_654 = arith.constant 0 : i32
    %dma_wait3A_655 = tpu.memref_slice %arg6[%dma_wait3A_653, %dma_wait3A_654] : memref<24x1024xf32, #tpu.memory_space<vmem>> -> memref<24x1024xf32, #tpu.memory_space<vmem>>
    %dma_wait3A_656 = arith.constant 0 : i32
    %dma_wait3A_657 = tpu.memref_slice %arg4[%mul3A_2, %dma_wait3A_656] : memref<32768x1024xf32, #tpu.memory_space<hbm>> -> memref<24x1024xf32, #tpu.memory_space<hbm>>
    %dma_wait3A_658 = arith.constant 0 : i32
    %dma_wait3A_659 = tpu.memref_slice %arg4[%mul3A_2, %dma_wait3A_658] : memref<32768x1024xf32, #tpu.memory_space<hbm>> -> memref<24x1024xf32, #tpu.memory_space<hbm>>
    %dma_wait3A_660 = arith.constant 0 : i32
    %dma_wait3A_661 = arith.constant 0 : i32
    %dma_wait3A_662 = tpu.memref_slice %arg6[%dma_wait3A_660, %dma_wait3A_661] : memref<24x1024xf32, #tpu.memory_space<vmem>> -> memref<24x1024xf32, #tpu.memory_space<vmem>>
    tpu.wait_dma2 semaphore(%arg16 : memref<!tpu.dma_semaphore, #tpu.memory_space<semaphore_mem>>) src(%dma_wait3A_662 : memref<24x1024xf32, #tpu.memory_space<vmem>>) dst(%dma_wait3A_659 : memref<24x1024xf32, #tpu.memory_space<hbm>>)
    %dma_start3A_663 = arith.constant 0 : i32
    %dma_start3A_664 = arith.constant 0 : i32
    %dma_start3A_665 = tpu.memref_slice %arg6[%dma_start3A_663, %dma_start3A_664] : memref<24x1024xf32, #tpu.memory_space<vmem>> -> memref<24x1024xf32, #tpu.memory_space<vmem>>
    %dma_start3A_666 = arith.constant 480 : i32
    %dma_start3A_667 = tpu.memref_slice %arg5[%dma_start3A_666] : memref<1024xi32, #tpu.memory_space<vmem>> -> memref<24xi32, #tpu.memory_space<vmem>>
    %dma_start3A_668 = arith.constant 0 : i32
    %dma_start3A_669 = arith.constant 0 : i32
    %dma_start3A_670 = tpu.memref_slice %arg3[%dma_start3A_668, %dma_start3A_669] : memref<8192x1024xf32, #tpu.memory_space<hbm>> -> memref<8192x1024xf32, #tpu.memory_space<hbm>>
    tpu.enqueue_indirect_dma source(%dma_start3A_670 : memref<8192x1024xf32, #tpu.memory_space<hbm>>) target(%dma_start3A_665 : memref<24x1024xf32, #tpu.memory_space<vmem>>) offsets(%dma_start3A_667 : memref<24xi32, #tpu.memory_space<vmem>>) semaphore(%arg11 : memref<!tpu.dma_semaphore, #tpu.memory_space<semaphore_mem>>)
    %dma_wait3A_671 = arith.constant 0 : i32
    %dma_wait3A_672 = arith.constant 0 : i32
    %dma_wait3A_673 = tpu.memref_slice %arg8[%dma_wait3A_671, %dma_wait3A_672] : memref<24x1024xf32, #tpu.memory_space<vmem>> -> memref<24x1024xf32, #tpu.memory_space<vmem>>
    %dma_wait3A_674 = arith.constant 0 : i32
    %dma_wait3A_675 = tpu.memref_slice %arg5[%dma_wait3A_674] : memref<1024xi32, #tpu.memory_space<vmem>> -> memref<24xi32, #tpu.memory_space<vmem>>
    %dma_wait3A_676 = arith.constant 0 : i32
    %dma_wait3A_677 = arith.constant 0 : i32
    %dma_wait3A_678 = tpu.memref_slice %arg3[%dma_wait3A_676, %dma_wait3A_677] : memref<8192x1024xf32, #tpu.memory_space<hbm>> -> memref<8192x1024xf32, #tpu.memory_space<hbm>>
    tpu.wait_indirect_dma semaphore(%arg13 : memref<!tpu.dma_semaphore, #tpu.memory_space<semaphore_mem>>) src(%dma_wait3A_678 : memref<8192x1024xf32, #tpu.memory_space<hbm>>) dst(%dma_wait3A_673 : memref<24x1024xf32, #tpu.memory_space<vmem>>)
    %add3A_679 = arith.constant 408 : i32
    %add3A_680 = arith.addi %mul3A_2, %add3A_679 : i32
    %dma_start3A_681 = arith.constant 0 : i32
    %dma_start3A_682 = arith.constant 0 : i32
    %dma_start3A_683 = tpu.memref_slice %arg8[%dma_start3A_681, %dma_start3A_682] : memref<24x1024xf32, #tpu.memory_space<vmem>> -> memref<24x1024xf32, #tpu.memory_space<vmem>>
    %dma_start3A_684 = arith.constant 0 : i32
    %dma_start3A_685 = tpu.memref_slice %arg4[%add3A_680, %dma_start3A_684] : memref<32768x1024xf32, #tpu.memory_space<hbm>> -> memref<24x1024xf32, #tpu.memory_space<hbm>>
    %dma_start3A_686 = arith.constant 0 : i32
    %dma_start3A_687 = tpu.memref_slice %arg4[%add3A_680, %dma_start3A_686] : memref<32768x1024xf32, #tpu.memory_space<hbm>> -> memref<24x1024xf32, #tpu.memory_space<hbm>>
    %dma_start3A_688 = arith.constant 0 : i32
    %dma_start3A_689 = arith.constant 0 : i32
    %dma_start3A_690 = tpu.memref_slice %arg8[%dma_start3A_688, %dma_start3A_689] : memref<24x1024xf32, #tpu.memory_space<vmem>> -> memref<24x1024xf32, #tpu.memory_space<vmem>>
    tpu.enqueue_dma source(%dma_start3A_690 : memref<24x1024xf32, #tpu.memory_space<vmem>>) target(%dma_start3A_687 : memref<24x1024xf32, #tpu.memory_space<hbm>>) target_semaphore(%arg18 : memref<!tpu.dma_semaphore, #tpu.memory_space<semaphore_mem>>)
    %dma_wait3A_691 = arith.constant 0 : i32
    %dma_wait3A_692 = arith.constant 0 : i32
    %dma_wait3A_693 = tpu.memref_slice %arg7[%dma_wait3A_691, %dma_wait3A_692] : memref<24x1024xf32, #tpu.memory_space<vmem>> -> memref<24x1024xf32, #tpu.memory_space<vmem>>
    %dma_wait3A_694 = arith.constant 0 : i32
    %dma_wait3A_695 = tpu.memref_slice %arg4[%mul3A_2, %dma_wait3A_694] : memref<32768x1024xf32, #tpu.memory_space<hbm>> -> memref<24x1024xf32, #tpu.memory_space<hbm>>
    %dma_wait3A_696 = arith.constant 0 : i32
    %dma_wait3A_697 = tpu.memref_slice %arg4[%mul3A_2, %dma_wait3A_696] : memref<32768x1024xf32, #tpu.memory_space<hbm>> -> memref<24x1024xf32, #tpu.memory_space<hbm>>
    %dma_wait3A_698 = arith.constant 0 : i32
    %dma_wait3A_699 = arith.constant 0 : i32
    %dma_wait3A_700 = tpu.memref_slice %arg7[%dma_wait3A_698, %dma_wait3A_699] : memref<24x1024xf32, #tpu.memory_space<vmem>> -> memref<24x1024xf32, #tpu.memory_space<vmem>>
    tpu.wait_dma2 semaphore(%arg17 : memref<!tpu.dma_semaphore, #tpu.memory_space<semaphore_mem>>) src(%dma_wait3A_700 : memref<24x1024xf32, #tpu.memory_space<vmem>>) dst(%dma_wait3A_697 : memref<24x1024xf32, #tpu.memory_space<hbm>>)
    %dma_start3A_701 = arith.constant 0 : i32
    %dma_start3A_702 = arith.constant 0 : i32
    %dma_start3A_703 = tpu.memref_slice %arg7[%dma_start3A_701, %dma_start3A_702] : memref<24x1024xf32, #tpu.memory_space<vmem>> -> memref<24x1024xf32, #tpu.memory_space<vmem>>
    %dma_start3A_704 = arith.constant 504 : i32
    %dma_start3A_705 = tpu.memref_slice %arg5[%dma_start3A_704] : memref<1024xi32, #tpu.memory_space<vmem>> -> memref<24xi32, #tpu.memory_space<vmem>>
    %dma_start3A_706 = arith.constant 0 : i32
    %dma_start3A_707 = arith.constant 0 : i32
    %dma_start3A_708 = tpu.memref_slice %arg3[%dma_start3A_706, %dma_start3A_707] : memref<8192x1024xf32, #tpu.memory_space<hbm>> -> memref<8192x1024xf32, #tpu.memory_space<hbm>>
    tpu.enqueue_indirect_dma source(%dma_start3A_708 : memref<8192x1024xf32, #tpu.memory_space<hbm>>) target(%dma_start3A_703 : memref<24x1024xf32, #tpu.memory_space<vmem>>) offsets(%dma_start3A_705 : memref<24xi32, #tpu.memory_space<vmem>>) semaphore(%arg12 : memref<!tpu.dma_semaphore, #tpu.memory_space<semaphore_mem>>)
    %dma_wait3A_709 = arith.constant 0 : i32
    %dma_wait3A_710 = arith.constant 0 : i32
    %dma_wait3A_711 = tpu.memref_slice %arg9[%dma_wait3A_709, %dma_wait3A_710] : memref<24x1024xf32, #tpu.memory_space<vmem>> -> memref<24x1024xf32, #tpu.memory_space<vmem>>
    %dma_wait3A_712 = arith.constant 0 : i32
    %dma_wait3A_713 = tpu.memref_slice %arg5[%dma_wait3A_712] : memref<1024xi32, #tpu.memory_space<vmem>> -> memref<24xi32, #tpu.memory_space<vmem>>
    %dma_wait3A_714 = arith.constant 0 : i32
    %dma_wait3A_715 = arith.constant 0 : i32
    %dma_wait3A_716 = tpu.memref_slice %arg3[%dma_wait3A_714, %dma_wait3A_715] : memref<8192x1024xf32, #tpu.memory_space<hbm>> -> memref<8192x1024xf32, #tpu.memory_space<hbm>>
    tpu.wait_indirect_dma semaphore(%arg14 : memref<!tpu.dma_semaphore, #tpu.memory_space<semaphore_mem>>) src(%dma_wait3A_716 : memref<8192x1024xf32, #tpu.memory_space<hbm>>) dst(%dma_wait3A_711 : memref<24x1024xf32, #tpu.memory_space<vmem>>)
    %add3A_717 = arith.constant 432 : i32
    %add3A_718 = arith.addi %mul3A_2, %add3A_717 : i32
    %dma_start3A_719 = arith.constant 0 : i32
    %dma_start3A_720 = arith.constant 0 : i32
    %dma_start3A_721 = tpu.memref_slice %arg9[%dma_start3A_719, %dma_start3A_720] : memref<24x1024xf32, #tpu.memory_space<vmem>> -> memref<24x1024xf32, #tpu.memory_space<vmem>>
    %dma_start3A_722 = arith.constant 0 : i32
    %dma_start3A_723 = tpu.memref_slice %arg4[%add3A_718, %dma_start3A_722] : memref<32768x1024xf32, #tpu.memory_space<hbm>> -> memref<24x1024xf32, #tpu.memory_space<hbm>>
    %dma_start3A_724 = arith.constant 0 : i32
    %dma_start3A_725 = tpu.memref_slice %arg4[%add3A_718, %dma_start3A_724] : memref<32768x1024xf32, #tpu.memory_space<hbm>> -> memref<24x1024xf32, #tpu.memory_space<hbm>>
    %dma_start3A_726 = arith.constant 0 : i32
    %dma_start3A_727 = arith.constant 0 : i32
    %dma_start3A_728 = tpu.memref_slice %arg9[%dma_start3A_726, %dma_start3A_727] : memref<24x1024xf32, #tpu.memory_space<vmem>> -> memref<24x1024xf32, #tpu.memory_space<vmem>>
    tpu.enqueue_dma source(%dma_start3A_728 : memref<24x1024xf32, #tpu.memory_space<vmem>>) target(%dma_start3A_725 : memref<24x1024xf32, #tpu.memory_space<hbm>>) target_semaphore(%arg19 : memref<!tpu.dma_semaphore, #tpu.memory_space<semaphore_mem>>)
    %dma_wait3A_729 = arith.constant 0 : i32
    %dma_wait3A_730 = arith.constant 0 : i32
    %dma_wait3A_731 = tpu.memref_slice %arg8[%dma_wait3A_729, %dma_wait3A_730] : memref<24x1024xf32, #tpu.memory_space<vmem>> -> memref<24x1024xf32, #tpu.memory_space<vmem>>
    %dma_wait3A_732 = arith.constant 0 : i32
    %dma_wait3A_733 = tpu.memref_slice %arg4[%mul3A_2, %dma_wait3A_732] : memref<32768x1024xf32, #tpu.memory_space<hbm>> -> memref<24x1024xf32, #tpu.memory_space<hbm>>
    %dma_wait3A_734 = arith.constant 0 : i32
    %dma_wait3A_735 = tpu.memref_slice %arg4[%mul3A_2, %dma_wait3A_734] : memref<32768x1024xf32, #tpu.memory_space<hbm>> -> memref<24x1024xf32, #tpu.memory_space<hbm>>
    %dma_wait3A_736 = arith.constant 0 : i32
    %dma_wait3A_737 = arith.constant 0 : i32
    %dma_wait3A_738 = tpu.memref_slice %arg8[%dma_wait3A_736, %dma_wait3A_737] : memref<24x1024xf32, #tpu.memory_space<vmem>> -> memref<24x1024xf32, #tpu.memory_space<vmem>>
    tpu.wait_dma2 semaphore(%arg18 : memref<!tpu.dma_semaphore, #tpu.memory_space<semaphore_mem>>) src(%dma_wait3A_738 : memref<24x1024xf32, #tpu.memory_space<vmem>>) dst(%dma_wait3A_735 : memref<24x1024xf32, #tpu.memory_space<hbm>>)
    %dma_start3A_739 = arith.constant 0 : i32
    %dma_start3A_740 = arith.constant 0 : i32
    %dma_start3A_741 = tpu.memref_slice %arg8[%dma_start3A_739, %dma_start3A_740] : memref<24x1024xf32, #tpu.memory_space<vmem>> -> memref<24x1024xf32, #tpu.memory_space<vmem>>
    %dma_start3A_742 = arith.constant 528 : i32
    %dma_start3A_743 = tpu.memref_slice %arg5[%dma_start3A_742] : memref<1024xi32, #tpu.memory_space<vmem>> -> memref<24xi32, #tpu.memory_space<vmem>>
    %dma_start3A_744 = arith.constant 0 : i32
    %dma_start3A_745 = arith.constant 0 : i32
    %dma_start3A_746 = tpu.memref_slice %arg3[%dma_start3A_744, %dma_start3A_745] : memref<8192x1024xf32, #tpu.memory_space<hbm>> -> memref<8192x1024xf32, #tpu.memory_space<hbm>>
    tpu.enqueue_indirect_dma source(%dma_start3A_746 : memref<8192x1024xf32, #tpu.memory_space<hbm>>) target(%dma_start3A_741 : memref<24x1024xf32, #tpu.memory_space<vmem>>) offsets(%dma_start3A_743 : memref<24xi32, #tpu.memory_space<vmem>>) semaphore(%arg13 : memref<!tpu.dma_semaphore, #tpu.memory_space<semaphore_mem>>)
    %dma_wait3A_747 = arith.constant 0 : i32
    %dma_wait3A_748 = arith.constant 0 : i32
    %dma_wait3A_749 = tpu.memref_slice %arg10[%dma_wait3A_747, %dma_wait3A_748] : memref<24x1024xf32, #tpu.memory_space<vmem>> -> memref<24x1024xf32, #tpu.memory_space<vmem>>
    %dma_wait3A_750 = arith.constant 0 : i32
    %dma_wait3A_751 = tpu.memref_slice %arg5[%dma_wait3A_750] : memref<1024xi32, #tpu.memory_space<vmem>> -> memref<24xi32, #tpu.memory_space<vmem>>
    %dma_wait3A_752 = arith.constant 0 : i32
    %dma_wait3A_753 = arith.constant 0 : i32
    %dma_wait3A_754 = tpu.memref_slice %arg3[%dma_wait3A_752, %dma_wait3A_753] : memref<8192x1024xf32, #tpu.memory_space<hbm>> -> memref<8192x1024xf32, #tpu.memory_space<hbm>>
    tpu.wait_indirect_dma semaphore(%arg15 : memref<!tpu.dma_semaphore, #tpu.memory_space<semaphore_mem>>) src(%dma_wait3A_754 : memref<8192x1024xf32, #tpu.memory_space<hbm>>) dst(%dma_wait3A_749 : memref<24x1024xf32, #tpu.memory_space<vmem>>)
    %add3A_755 = arith.constant 456 : i32
    %add3A_756 = arith.addi %mul3A_2, %add3A_755 : i32
    %dma_start3A_757 = arith.constant 0 : i32
    %dma_start3A_758 = arith.constant 0 : i32
    %dma_start3A_759 = tpu.memref_slice %arg10[%dma_start3A_757, %dma_start3A_758] : memref<24x1024xf32, #tpu.memory_space<vmem>> -> memref<24x1024xf32, #tpu.memory_space<vmem>>
    %dma_start3A_760 = arith.constant 0 : i32
    %dma_start3A_761 = tpu.memref_slice %arg4[%add3A_756, %dma_start3A_760] : memref<32768x1024xf32, #tpu.memory_space<hbm>> -> memref<24x1024xf32, #tpu.memory_space<hbm>>
    %dma_start3A_762 = arith.constant 0 : i32
    %dma_start3A_763 = tpu.memref_slice %arg4[%add3A_756, %dma_start3A_762] : memref<32768x1024xf32, #tpu.memory_space<hbm>> -> memref<24x1024xf32, #tpu.memory_space<hbm>>
    %dma_start3A_764 = arith.constant 0 : i32
    %dma_start3A_765 = arith.constant 0 : i32
    %dma_start3A_766 = tpu.memref_slice %arg10[%dma_start3A_764, %dma_start3A_765] : memref<24x1024xf32, #tpu.memory_space<vmem>> -> memref<24x1024xf32, #tpu.memory_space<vmem>>
    tpu.enqueue_dma source(%dma_start3A_766 : memref<24x1024xf32, #tpu.memory_space<vmem>>) target(%dma_start3A_763 : memref<24x1024xf32, #tpu.memory_space<hbm>>) target_semaphore(%arg20 : memref<!tpu.dma_semaphore, #tpu.memory_space<semaphore_mem>>)
    %dma_wait3A_767 = arith.constant 0 : i32
    %dma_wait3A_768 = arith.constant 0 : i32
    %dma_wait3A_769 = tpu.memref_slice %arg9[%dma_wait3A_767, %dma_wait3A_768] : memref<24x1024xf32, #tpu.memory_space<vmem>> -> memref<24x1024xf32, #tpu.memory_space<vmem>>
    %dma_wait3A_770 = arith.constant 0 : i32
    %dma_wait3A_771 = tpu.memref_slice %arg4[%mul3A_2, %dma_wait3A_770] : memref<32768x1024xf32, #tpu.memory_space<hbm>> -> memref<24x1024xf32, #tpu.memory_space<hbm>>
    %dma_wait3A_772 = arith.constant 0 : i32
    %dma_wait3A_773 = tpu.memref_slice %arg4[%mul3A_2, %dma_wait3A_772] : memref<32768x1024xf32, #tpu.memory_space<hbm>> -> memref<24x1024xf32, #tpu.memory_space<hbm>>
    %dma_wait3A_774 = arith.constant 0 : i32
    %dma_wait3A_775 = arith.constant 0 : i32
    %dma_wait3A_776 = tpu.memref_slice %arg9[%dma_wait3A_774, %dma_wait3A_775] : memref<24x1024xf32, #tpu.memory_space<vmem>> -> memref<24x1024xf32, #tpu.memory_space<vmem>>
    tpu.wait_dma2 semaphore(%arg19 : memref<!tpu.dma_semaphore, #tpu.memory_space<semaphore_mem>>) src(%dma_wait3A_776 : memref<24x1024xf32, #tpu.memory_space<vmem>>) dst(%dma_wait3A_773 : memref<24x1024xf32, #tpu.memory_space<hbm>>)
    %dma_start3A_777 = arith.constant 0 : i32
    %dma_start3A_778 = arith.constant 0 : i32
    %dma_start3A_779 = tpu.memref_slice %arg9[%dma_start3A_777, %dma_start3A_778] : memref<24x1024xf32, #tpu.memory_space<vmem>> -> memref<24x1024xf32, #tpu.memory_space<vmem>>
    %dma_start3A_780 = arith.constant 552 : i32
    %dma_start3A_781 = tpu.memref_slice %arg5[%dma_start3A_780] : memref<1024xi32, #tpu.memory_space<vmem>> -> memref<24xi32, #tpu.memory_space<vmem>>
    %dma_start3A_782 = arith.constant 0 : i32
    %dma_start3A_783 = arith.constant 0 : i32
    %dma_start3A_784 = tpu.memref_slice %arg3[%dma_start3A_782, %dma_start3A_783] : memref<8192x1024xf32, #tpu.memory_space<hbm>> -> memref<8192x1024xf32, #tpu.memory_space<hbm>>
    tpu.enqueue_indirect_dma source(%dma_start3A_784 : memref<8192x1024xf32, #tpu.memory_space<hbm>>) target(%dma_start3A_779 : memref<24x1024xf32, #tpu.memory_space<vmem>>) offsets(%dma_start3A_781 : memref<24xi32, #tpu.memory_space<vmem>>) semaphore(%arg14 : memref<!tpu.dma_semaphore, #tpu.memory_space<semaphore_mem>>)
    %dma_wait3A_785 = arith.constant 0 : i32
    %dma_wait3A_786 = arith.constant 0 : i32
    %dma_wait3A_787 = tpu.memref_slice %arg6[%dma_wait3A_785, %dma_wait3A_786] : memref<24x1024xf32, #tpu.memory_space<vmem>> -> memref<24x1024xf32, #tpu.memory_space<vmem>>
    %dma_wait3A_788 = arith.constant 0 : i32
    %dma_wait3A_789 = tpu.memref_slice %arg5[%dma_wait3A_788] : memref<1024xi32, #tpu.memory_space<vmem>> -> memref<24xi32, #tpu.memory_space<vmem>>
    %dma_wait3A_790 = arith.constant 0 : i32
    %dma_wait3A_791 = arith.constant 0 : i32
    %dma_wait3A_792 = tpu.memref_slice %arg3[%dma_wait3A_790, %dma_wait3A_791] : memref<8192x1024xf32, #tpu.memory_space<hbm>> -> memref<8192x1024xf32, #tpu.memory_space<hbm>>
    tpu.wait_indirect_dma semaphore(%arg11 : memref<!tpu.dma_semaphore, #tpu.memory_space<semaphore_mem>>) src(%dma_wait3A_792 : memref<8192x1024xf32, #tpu.memory_space<hbm>>) dst(%dma_wait3A_787 : memref<24x1024xf32, #tpu.memory_space<vmem>>)
    %add3A_793 = arith.constant 480 : i32
    %add3A_794 = arith.addi %mul3A_2, %add3A_793 : i32
    %dma_start3A_795 = arith.constant 0 : i32
    %dma_start3A_796 = arith.constant 0 : i32
    %dma_start3A_797 = tpu.memref_slice %arg6[%dma_start3A_795, %dma_start3A_796] : memref<24x1024xf32, #tpu.memory_space<vmem>> -> memref<24x1024xf32, #tpu.memory_space<vmem>>
    %dma_start3A_798 = arith.constant 0 : i32
    %dma_start3A_799 = tpu.memref_slice %arg4[%add3A_794, %dma_start3A_798] : memref<32768x1024xf32, #tpu.memory_space<hbm>> -> memref<24x1024xf32, #tpu.memory_space<hbm>>
    %dma_start3A_800 = arith.constant 0 : i32
    %dma_start3A_801 = tpu.memref_slice %arg4[%add3A_794, %dma_start3A_800] : memref<32768x1024xf32, #tpu.memory_space<hbm>> -> memref<24x1024xf32, #tpu.memory_space<hbm>>
    %dma_start3A_802 = arith.constant 0 : i32
    %dma_start3A_803 = arith.constant 0 : i32
    %dma_start3A_804 = tpu.memref_slice %arg6[%dma_start3A_802, %dma_start3A_803] : memref<24x1024xf32, #tpu.memory_space<vmem>> -> memref<24x1024xf32, #tpu.memory_space<vmem>>
    tpu.enqueue_dma source(%dma_start3A_804 : memref<24x1024xf32, #tpu.memory_space<vmem>>) target(%dma_start3A_801 : memref<24x1024xf32, #tpu.memory_space<hbm>>) target_semaphore(%arg16 : memref<!tpu.dma_semaphore, #tpu.memory_space<semaphore_mem>>)
    %dma_wait3A_805 = arith.constant 0 : i32
    %dma_wait3A_806 = arith.constant 0 : i32
    %dma_wait3A_807 = tpu.memref_slice %arg10[%dma_wait3A_805, %dma_wait3A_806] : memref<24x1024xf32, #tpu.memory_space<vmem>> -> memref<24x1024xf32, #tpu.memory_space<vmem>>
    %dma_wait3A_808 = arith.constant 0 : i32
    %dma_wait3A_809 = tpu.memref_slice %arg4[%mul3A_2, %dma_wait3A_808] : memref<32768x1024xf32, #tpu.memory_space<hbm>> -> memref<24x1024xf32, #tpu.memory_space<hbm>>
    %dma_wait3A_810 = arith.constant 0 : i32
    %dma_wait3A_811 = tpu.memref_slice %arg4[%mul3A_2, %dma_wait3A_810] : memref<32768x1024xf32, #tpu.memory_space<hbm>> -> memref<24x1024xf32, #tpu.memory_space<hbm>>
    %dma_wait3A_812 = arith.constant 0 : i32
    %dma_wait3A_813 = arith.constant 0 : i32
    %dma_wait3A_814 = tpu.memref_slice %arg10[%dma_wait3A_812, %dma_wait3A_813] : memref<24x1024xf32, #tpu.memory_space<vmem>> -> memref<24x1024xf32, #tpu.memory_space<vmem>>
    tpu.wait_dma2 semaphore(%arg20 : memref<!tpu.dma_semaphore, #tpu.memory_space<semaphore_mem>>) src(%dma_wait3A_814 : memref<24x1024xf32, #tpu.memory_space<vmem>>) dst(%dma_wait3A_811 : memref<24x1024xf32, #tpu.memory_space<hbm>>)
    %dma_start3A_815 = arith.constant 0 : i32
    %dma_start3A_816 = arith.constant 0 : i32
    %dma_start3A_817 = tpu.memref_slice %arg10[%dma_start3A_815, %dma_start3A_816] : memref<24x1024xf32, #tpu.memory_space<vmem>> -> memref<24x1024xf32, #tpu.memory_space<vmem>>
    %dma_start3A_818 = arith.constant 576 : i32
    %dma_start3A_819 = tpu.memref_slice %arg5[%dma_start3A_818] : memref<1024xi32, #tpu.memory_space<vmem>> -> memref<24xi32, #tpu.memory_space<vmem>>
    %dma_start3A_820 = arith.constant 0 : i32
    %dma_start3A_821 = arith.constant 0 : i32
    %dma_start3A_822 = tpu.memref_slice %arg3[%dma_start3A_820, %dma_start3A_821] : memref<8192x1024xf32, #tpu.memory_space<hbm>> -> memref<8192x1024xf32, #tpu.memory_space<hbm>>
    tpu.enqueue_indirect_dma source(%dma_start3A_822 : memref<8192x1024xf32, #tpu.memory_space<hbm>>) target(%dma_start3A_817 : memref<24x1024xf32, #tpu.memory_space<vmem>>) offsets(%dma_start3A_819 : memref<24xi32, #tpu.memory_space<vmem>>) semaphore(%arg15 : memref<!tpu.dma_semaphore, #tpu.memory_space<semaphore_mem>>)
    %dma_wait3A_823 = arith.constant 0 : i32
    %dma_wait3A_824 = arith.constant 0 : i32
    %dma_wait3A_825 = tpu.memref_slice %arg7[%dma_wait3A_823, %dma_wait3A_824] : memref<24x1024xf32, #tpu.memory_space<vmem>> -> memref<24x1024xf32, #tpu.memory_space<vmem>>
    %dma_wait3A_826 = arith.constant 0 : i32
    %dma_wait3A_827 = tpu.memref_slice %arg5[%dma_wait3A_826] : memref<1024xi32, #tpu.memory_space<vmem>> -> memref<24xi32, #tpu.memory_space<vmem>>
    %dma_wait3A_828 = arith.constant 0 : i32
    %dma_wait3A_829 = arith.constant 0 : i32
    %dma_wait3A_830 = tpu.memref_slice %arg3[%dma_wait3A_828, %dma_wait3A_829] : memref<8192x1024xf32, #tpu.memory_space<hbm>> -> memref<8192x1024xf32, #tpu.memory_space<hbm>>
    tpu.wait_indirect_dma semaphore(%arg12 : memref<!tpu.dma_semaphore, #tpu.memory_space<semaphore_mem>>) src(%dma_wait3A_830 : memref<8192x1024xf32, #tpu.memory_space<hbm>>) dst(%dma_wait3A_825 : memref<24x1024xf32, #tpu.memory_space<vmem>>)
    %add3A_831 = arith.constant 504 : i32
    %add3A_832 = arith.addi %mul3A_2, %add3A_831 : i32
    %dma_start3A_833 = arith.constant 0 : i32
    %dma_start3A_834 = arith.constant 0 : i32
    %dma_start3A_835 = tpu.memref_slice %arg7[%dma_start3A_833, %dma_start3A_834] : memref<24x1024xf32, #tpu.memory_space<vmem>> -> memref<24x1024xf32, #tpu.memory_space<vmem>>
    %dma_start3A_836 = arith.constant 0 : i32
    %dma_start3A_837 = tpu.memref_slice %arg4[%add3A_832, %dma_start3A_836] : memref<32768x1024xf32, #tpu.memory_space<hbm>> -> memref<24x1024xf32, #tpu.memory_space<hbm>>
    %dma_start3A_838 = arith.constant 0 : i32
    %dma_start3A_839 = tpu.memref_slice %arg4[%add3A_832, %dma_start3A_838] : memref<32768x1024xf32, #tpu.memory_space<hbm>> -> memref<24x1024xf32, #tpu.memory_space<hbm>>
    %dma_start3A_840 = arith.constant 0 : i32
    %dma_start3A_841 = arith.constant 0 : i32
    %dma_start3A_842 = tpu.memref_slice %arg7[%dma_start3A_840, %dma_start3A_841] : memref<24x1024xf32, #tpu.memory_space<vmem>> -> memref<24x1024xf32, #tpu.memory_space<vmem>>
    tpu.enqueue_dma source(%dma_start3A_842 : memref<24x1024xf32, #tpu.memory_space<vmem>>) target(%dma_start3A_839 : memref<24x1024xf32, #tpu.memory_space<hbm>>) target_semaphore(%arg17 : memref<!tpu.dma_semaphore, #tpu.memory_space<semaphore_mem>>)
    %dma_wait3A_843 = arith.constant 0 : i32
    %dma_wait3A_844 = arith.constant 0 : i32
    %dma_wait3A_845 = tpu.memref_slice %arg6[%dma_wait3A_843, %dma_wait3A_844] : memref<24x1024xf32, #tpu.memory_space<vmem>> -> memref<24x1024xf32, #tpu.memory_space<vmem>>
    %dma_wait3A_846 = arith.constant 0 : i32
    %dma_wait3A_847 = tpu.memref_slice %arg4[%mul3A_2, %dma_wait3A_846] : memref<32768x1024xf32, #tpu.memory_space<hbm>> -> memref<24x1024xf32, #tpu.memory_space<hbm>>
    %dma_wait3A_848 = arith.constant 0 : i32
    %dma_wait3A_849 = tpu.memref_slice %arg4[%mul3A_2, %dma_wait3A_848] : memref<32768x1024xf32, #tpu.memory_space<hbm>> -> memref<24x1024xf32, #tpu.memory_space<hbm>>
    %dma_wait3A_850 = arith.constant 0 : i32
    %dma_wait3A_851 = arith.constant 0 : i32
    %dma_wait3A_852 = tpu.memref_slice %arg6[%dma_wait3A_850, %dma_wait3A_851] : memref<24x1024xf32, #tpu.memory_space<vmem>> -> memref<24x1024xf32, #tpu.memory_space<vmem>>
    tpu.wait_dma2 semaphore(%arg16 : memref<!tpu.dma_semaphore, #tpu.memory_space<semaphore_mem>>) src(%dma_wait3A_852 : memref<24x1024xf32, #tpu.memory_space<vmem>>) dst(%dma_wait3A_849 : memref<24x1024xf32, #tpu.memory_space<hbm>>)
    %dma_start3A_853 = arith.constant 0 : i32
    %dma_start3A_854 = arith.constant 0 : i32
    %dma_start3A_855 = tpu.memref_slice %arg6[%dma_start3A_853, %dma_start3A_854] : memref<24x1024xf32, #tpu.memory_space<vmem>> -> memref<24x1024xf32, #tpu.memory_space<vmem>>
    %dma_start3A_856 = arith.constant 600 : i32
    %dma_start3A_857 = tpu.memref_slice %arg5[%dma_start3A_856] : memref<1024xi32, #tpu.memory_space<vmem>> -> memref<24xi32, #tpu.memory_space<vmem>>
    %dma_start3A_858 = arith.constant 0 : i32
    %dma_start3A_859 = arith.constant 0 : i32
    %dma_start3A_860 = tpu.memref_slice %arg3[%dma_start3A_858, %dma_start3A_859] : memref<8192x1024xf32, #tpu.memory_space<hbm>> -> memref<8192x1024xf32, #tpu.memory_space<hbm>>
    tpu.enqueue_indirect_dma source(%dma_start3A_860 : memref<8192x1024xf32, #tpu.memory_space<hbm>>) target(%dma_start3A_855 : memref<24x1024xf32, #tpu.memory_space<vmem>>) offsets(%dma_start3A_857 : memref<24xi32, #tpu.memory_space<vmem>>) semaphore(%arg11 : memref<!tpu.dma_semaphore, #tpu.memory_space<semaphore_mem>>)
    %dma_wait3A_861 = arith.constant 0 : i32
    %dma_wait3A_862 = arith.constant 0 : i32
    %dma_wait3A_863 = tpu.memref_slice %arg8[%dma_wait3A_861, %dma_wait3A_862] : memref<24x1024xf32, #tpu.memory_space<vmem>> -> memref<24x1024xf32, #tpu.memory_space<vmem>>
    %dma_wait3A_864 = arith.constant 0 : i32
    %dma_wait3A_865 = tpu.memref_slice %arg5[%dma_wait3A_864] : memref<1024xi32, #tpu.memory_space<vmem>> -> memref<24xi32, #tpu.memory_space<vmem>>
    %dma_wait3A_866 = arith.constant 0 : i32
    %dma_wait3A_867 = arith.constant 0 : i32
    %dma_wait3A_868 = tpu.memref_slice %arg3[%dma_wait3A_866, %dma_wait3A_867] : memref<8192x1024xf32, #tpu.memory_space<hbm>> -> memref<8192x1024xf32, #tpu.memory_space<hbm>>
    tpu.wait_indirect_dma semaphore(%arg13 : memref<!tpu.dma_semaphore, #tpu.memory_space<semaphore_mem>>) src(%dma_wait3A_868 : memref<8192x1024xf32, #tpu.memory_space<hbm>>) dst(%dma_wait3A_863 : memref<24x1024xf32, #tpu.memory_space<vmem>>)
    %add3A_869 = arith.constant 528 : i32
    %add3A_870 = arith.addi %mul3A_2, %add3A_869 : i32
    %dma_start3A_871 = arith.constant 0 : i32
    %dma_start3A_872 = arith.constant 0 : i32
    %dma_start3A_873 = tpu.memref_slice %arg8[%dma_start3A_871, %dma_start3A_872] : memref<24x1024xf32, #tpu.memory_space<vmem>> -> memref<24x1024xf32, #tpu.memory_space<vmem>>
    %dma_start3A_874 = arith.constant 0 : i32
    %dma_start3A_875 = tpu.memref_slice %arg4[%add3A_870, %dma_start3A_874] : memref<32768x1024xf32, #tpu.memory_space<hbm>> -> memref<24x1024xf32, #tpu.memory_space<hbm>>
    %dma_start3A_876 = arith.constant 0 : i32
    %dma_start3A_877 = tpu.memref_slice %arg4[%add3A_870, %dma_start3A_876] : memref<32768x1024xf32, #tpu.memory_space<hbm>> -> memref<24x1024xf32, #tpu.memory_space<hbm>>
    %dma_start3A_878 = arith.constant 0 : i32
    %dma_start3A_879 = arith.constant 0 : i32
    %dma_start3A_880 = tpu.memref_slice %arg8[%dma_start3A_878, %dma_start3A_879] : memref<24x1024xf32, #tpu.memory_space<vmem>> -> memref<24x1024xf32, #tpu.memory_space<vmem>>
    tpu.enqueue_dma source(%dma_start3A_880 : memref<24x1024xf32, #tpu.memory_space<vmem>>) target(%dma_start3A_877 : memref<24x1024xf32, #tpu.memory_space<hbm>>) target_semaphore(%arg18 : memref<!tpu.dma_semaphore, #tpu.memory_space<semaphore_mem>>)
    %dma_wait3A_881 = arith.constant 0 : i32
    %dma_wait3A_882 = arith.constant 0 : i32
    %dma_wait3A_883 = tpu.memref_slice %arg7[%dma_wait3A_881, %dma_wait3A_882] : memref<24x1024xf32, #tpu.memory_space<vmem>> -> memref<24x1024xf32, #tpu.memory_space<vmem>>
    %dma_wait3A_884 = arith.constant 0 : i32
    %dma_wait3A_885 = tpu.memref_slice %arg4[%mul3A_2, %dma_wait3A_884] : memref<32768x1024xf32, #tpu.memory_space<hbm>> -> memref<24x1024xf32, #tpu.memory_space<hbm>>
    %dma_wait3A_886 = arith.constant 0 : i32
    %dma_wait3A_887 = tpu.memref_slice %arg4[%mul3A_2, %dma_wait3A_886] : memref<32768x1024xf32, #tpu.memory_space<hbm>> -> memref<24x1024xf32, #tpu.memory_space<hbm>>
    %dma_wait3A_888 = arith.constant 0 : i32
    %dma_wait3A_889 = arith.constant 0 : i32
    %dma_wait3A_890 = tpu.memref_slice %arg7[%dma_wait3A_888, %dma_wait3A_889] : memref<24x1024xf32, #tpu.memory_space<vmem>> -> memref<24x1024xf32, #tpu.memory_space<vmem>>
    tpu.wait_dma2 semaphore(%arg17 : memref<!tpu.dma_semaphore, #tpu.memory_space<semaphore_mem>>) src(%dma_wait3A_890 : memref<24x1024xf32, #tpu.memory_space<vmem>>) dst(%dma_wait3A_887 : memref<24x1024xf32, #tpu.memory_space<hbm>>)
    %dma_start3A_891 = arith.constant 0 : i32
    %dma_start3A_892 = arith.constant 0 : i32
    %dma_start3A_893 = tpu.memref_slice %arg7[%dma_start3A_891, %dma_start3A_892] : memref<24x1024xf32, #tpu.memory_space<vmem>> -> memref<24x1024xf32, #tpu.memory_space<vmem>>
    %dma_start3A_894 = arith.constant 624 : i32
    %dma_start3A_895 = tpu.memref_slice %arg5[%dma_start3A_894] : memref<1024xi32, #tpu.memory_space<vmem>> -> memref<24xi32, #tpu.memory_space<vmem>>
    %dma_start3A_896 = arith.constant 0 : i32
    %dma_start3A_897 = arith.constant 0 : i32
    %dma_start3A_898 = tpu.memref_slice %arg3[%dma_start3A_896, %dma_start3A_897] : memref<8192x1024xf32, #tpu.memory_space<hbm>> -> memref<8192x1024xf32, #tpu.memory_space<hbm>>
    tpu.enqueue_indirect_dma source(%dma_start3A_898 : memref<8192x1024xf32, #tpu.memory_space<hbm>>) target(%dma_start3A_893 : memref<24x1024xf32, #tpu.memory_space<vmem>>) offsets(%dma_start3A_895 : memref<24xi32, #tpu.memory_space<vmem>>) semaphore(%arg12 : memref<!tpu.dma_semaphore, #tpu.memory_space<semaphore_mem>>)
    %dma_wait3A_899 = arith.constant 0 : i32
    %dma_wait3A_900 = arith.constant 0 : i32
    %dma_wait3A_901 = tpu.memref_slice %arg9[%dma_wait3A_899, %dma_wait3A_900] : memref<24x1024xf32, #tpu.memory_space<vmem>> -> memref<24x1024xf32, #tpu.memory_space<vmem>>
    %dma_wait3A_902 = arith.constant 0 : i32
    %dma_wait3A_903 = tpu.memref_slice %arg5[%dma_wait3A_902] : memref<1024xi32, #tpu.memory_space<vmem>> -> memref<24xi32, #tpu.memory_space<vmem>>
    %dma_wait3A_904 = arith.constant 0 : i32
    %dma_wait3A_905 = arith.constant 0 : i32
    %dma_wait3A_906 = tpu.memref_slice %arg3[%dma_wait3A_904, %dma_wait3A_905] : memref<8192x1024xf32, #tpu.memory_space<hbm>> -> memref<8192x1024xf32, #tpu.memory_space<hbm>>
    tpu.wait_indirect_dma semaphore(%arg14 : memref<!tpu.dma_semaphore, #tpu.memory_space<semaphore_mem>>) src(%dma_wait3A_906 : memref<8192x1024xf32, #tpu.memory_space<hbm>>) dst(%dma_wait3A_901 : memref<24x1024xf32, #tpu.memory_space<vmem>>)
    %add3A_907 = arith.constant 552 : i32
    %add3A_908 = arith.addi %mul3A_2, %add3A_907 : i32
    %dma_start3A_909 = arith.constant 0 : i32
    %dma_start3A_910 = arith.constant 0 : i32
    %dma_start3A_911 = tpu.memref_slice %arg9[%dma_start3A_909, %dma_start3A_910] : memref<24x1024xf32, #tpu.memory_space<vmem>> -> memref<24x1024xf32, #tpu.memory_space<vmem>>
    %dma_start3A_912 = arith.constant 0 : i32
    %dma_start3A_913 = tpu.memref_slice %arg4[%add3A_908, %dma_start3A_912] : memref<32768x1024xf32, #tpu.memory_space<hbm>> -> memref<24x1024xf32, #tpu.memory_space<hbm>>
    %dma_start3A_914 = arith.constant 0 : i32
    %dma_start3A_915 = tpu.memref_slice %arg4[%add3A_908, %dma_start3A_914] : memref<32768x1024xf32, #tpu.memory_space<hbm>> -> memref<24x1024xf32, #tpu.memory_space<hbm>>
    %dma_start3A_916 = arith.constant 0 : i32
    %dma_start3A_917 = arith.constant 0 : i32
    %dma_start3A_918 = tpu.memref_slice %arg9[%dma_start3A_916, %dma_start3A_917] : memref<24x1024xf32, #tpu.memory_space<vmem>> -> memref<24x1024xf32, #tpu.memory_space<vmem>>
    tpu.enqueue_dma source(%dma_start3A_918 : memref<24x1024xf32, #tpu.memory_space<vmem>>) target(%dma_start3A_915 : memref<24x1024xf32, #tpu.memory_space<hbm>>) target_semaphore(%arg19 : memref<!tpu.dma_semaphore, #tpu.memory_space<semaphore_mem>>)
    %dma_wait3A_919 = arith.constant 0 : i32
    %dma_wait3A_920 = arith.constant 0 : i32
    %dma_wait3A_921 = tpu.memref_slice %arg8[%dma_wait3A_919, %dma_wait3A_920] : memref<24x1024xf32, #tpu.memory_space<vmem>> -> memref<24x1024xf32, #tpu.memory_space<vmem>>
    %dma_wait3A_922 = arith.constant 0 : i32
    %dma_wait3A_923 = tpu.memref_slice %arg4[%mul3A_2, %dma_wait3A_922] : memref<32768x1024xf32, #tpu.memory_space<hbm>> -> memref<24x1024xf32, #tpu.memory_space<hbm>>
    %dma_wait3A_924 = arith.constant 0 : i32
    %dma_wait3A_925 = tpu.memref_slice %arg4[%mul3A_2, %dma_wait3A_924] : memref<32768x1024xf32, #tpu.memory_space<hbm>> -> memref<24x1024xf32, #tpu.memory_space<hbm>>
    %dma_wait3A_926 = arith.constant 0 : i32
    %dma_wait3A_927 = arith.constant 0 : i32
    %dma_wait3A_928 = tpu.memref_slice %arg8[%dma_wait3A_926, %dma_wait3A_927] : memref<24x1024xf32, #tpu.memory_space<vmem>> -> memref<24x1024xf32, #tpu.memory_space<vmem>>
    tpu.wait_dma2 semaphore(%arg18 : memref<!tpu.dma_semaphore, #tpu.memory_space<semaphore_mem>>) src(%dma_wait3A_928 : memref<24x1024xf32, #tpu.memory_space<vmem>>) dst(%dma_wait3A_925 : memref<24x1024xf32, #tpu.memory_space<hbm>>)
    %dma_start3A_929 = arith.constant 0 : i32
    %dma_start3A_930 = arith.constant 0 : i32
    %dma_start3A_931 = tpu.memref_slice %arg8[%dma_start3A_929, %dma_start3A_930] : memref<24x1024xf32, #tpu.memory_space<vmem>> -> memref<24x1024xf32, #tpu.memory_space<vmem>>
    %dma_start3A_932 = arith.constant 648 : i32
    %dma_start3A_933 = tpu.memref_slice %arg5[%dma_start3A_932] : memref<1024xi32, #tpu.memory_space<vmem>> -> memref<24xi32, #tpu.memory_space<vmem>>
    %dma_start3A_934 = arith.constant 0 : i32
    %dma_start3A_935 = arith.constant 0 : i32
    %dma_start3A_936 = tpu.memref_slice %arg3[%dma_start3A_934, %dma_start3A_935] : memref<8192x1024xf32, #tpu.memory_space<hbm>> -> memref<8192x1024xf32, #tpu.memory_space<hbm>>
    tpu.enqueue_indirect_dma source(%dma_start3A_936 : memref<8192x1024xf32, #tpu.memory_space<hbm>>) target(%dma_start3A_931 : memref<24x1024xf32, #tpu.memory_space<vmem>>) offsets(%dma_start3A_933 : memref<24xi32, #tpu.memory_space<vmem>>) semaphore(%arg13 : memref<!tpu.dma_semaphore, #tpu.memory_space<semaphore_mem>>)
    %dma_wait3A_937 = arith.constant 0 : i32
    %dma_wait3A_938 = arith.constant 0 : i32
    %dma_wait3A_939 = tpu.memref_slice %arg10[%dma_wait3A_937, %dma_wait3A_938] : memref<24x1024xf32, #tpu.memory_space<vmem>> -> memref<24x1024xf32, #tpu.memory_space<vmem>>
    %dma_wait3A_940 = arith.constant 0 : i32
    %dma_wait3A_941 = tpu.memref_slice %arg5[%dma_wait3A_940] : memref<1024xi32, #tpu.memory_space<vmem>> -> memref<24xi32, #tpu.memory_space<vmem>>
    %dma_wait3A_942 = arith.constant 0 : i32
    %dma_wait3A_943 = arith.constant 0 : i32
    %dma_wait3A_944 = tpu.memref_slice %arg3[%dma_wait3A_942, %dma_wait3A_943] : memref<8192x1024xf32, #tpu.memory_space<hbm>> -> memref<8192x1024xf32, #tpu.memory_space<hbm>>
    tpu.wait_indirect_dma semaphore(%arg15 : memref<!tpu.dma_semaphore, #tpu.memory_space<semaphore_mem>>) src(%dma_wait3A_944 : memref<8192x1024xf32, #tpu.memory_space<hbm>>) dst(%dma_wait3A_939 : memref<24x1024xf32, #tpu.memory_space<vmem>>)
    %add3A_945 = arith.constant 576 : i32
    %add3A_946 = arith.addi %mul3A_2, %add3A_945 : i32
    %dma_start3A_947 = arith.constant 0 : i32
    %dma_start3A_948 = arith.constant 0 : i32
    %dma_start3A_949 = tpu.memref_slice %arg10[%dma_start3A_947, %dma_start3A_948] : memref<24x1024xf32, #tpu.memory_space<vmem>> -> memref<24x1024xf32, #tpu.memory_space<vmem>>
    %dma_start3A_950 = arith.constant 0 : i32
    %dma_start3A_951 = tpu.memref_slice %arg4[%add3A_946, %dma_start3A_950] : memref<32768x1024xf32, #tpu.memory_space<hbm>> -> memref<24x1024xf32, #tpu.memory_space<hbm>>
    %dma_start3A_952 = arith.constant 0 : i32
    %dma_start3A_953 = tpu.memref_slice %arg4[%add3A_946, %dma_start3A_952] : memref<32768x1024xf32, #tpu.memory_space<hbm>> -> memref<24x1024xf32, #tpu.memory_space<hbm>>
    %dma_start3A_954 = arith.constant 0 : i32
    %dma_start3A_955 = arith.constant 0 : i32
    %dma_start3A_956 = tpu.memref_slice %arg10[%dma_start3A_954, %dma_start3A_955] : memref<24x1024xf32, #tpu.memory_space<vmem>> -> memref<24x1024xf32, #tpu.memory_space<vmem>>
    tpu.enqueue_dma source(%dma_start3A_956 : memref<24x1024xf32, #tpu.memory_space<vmem>>) target(%dma_start3A_953 : memref<24x1024xf32, #tpu.memory_space<hbm>>) target_semaphore(%arg20 : memref<!tpu.dma_semaphore, #tpu.memory_space<semaphore_mem>>)
    %dma_wait3A_957 = arith.constant 0 : i32
    %dma_wait3A_958 = arith.constant 0 : i32
    %dma_wait3A_959 = tpu.memref_slice %arg9[%dma_wait3A_957, %dma_wait3A_958] : memref<24x1024xf32, #tpu.memory_space<vmem>> -> memref<24x1024xf32, #tpu.memory_space<vmem>>
    %dma_wait3A_960 = arith.constant 0 : i32
    %dma_wait3A_961 = tpu.memref_slice %arg4[%mul3A_2, %dma_wait3A_960] : memref<32768x1024xf32, #tpu.memory_space<hbm>> -> memref<24x1024xf32, #tpu.memory_space<hbm>>
    %dma_wait3A_962 = arith.constant 0 : i32
    %dma_wait3A_963 = tpu.memref_slice %arg4[%mul3A_2, %dma_wait3A_962] : memref<32768x1024xf32, #tpu.memory_space<hbm>> -> memref<24x1024xf32, #tpu.memory_space<hbm>>
    %dma_wait3A_964 = arith.constant 0 : i32
    %dma_wait3A_965 = arith.constant 0 : i32
    %dma_wait3A_966 = tpu.memref_slice %arg9[%dma_wait3A_964, %dma_wait3A_965] : memref<24x1024xf32, #tpu.memory_space<vmem>> -> memref<24x1024xf32, #tpu.memory_space<vmem>>
    tpu.wait_dma2 semaphore(%arg19 : memref<!tpu.dma_semaphore, #tpu.memory_space<semaphore_mem>>) src(%dma_wait3A_966 : memref<24x1024xf32, #tpu.memory_space<vmem>>) dst(%dma_wait3A_963 : memref<24x1024xf32, #tpu.memory_space<hbm>>)
    %dma_start3A_967 = arith.constant 0 : i32
    %dma_start3A_968 = arith.constant 0 : i32
    %dma_start3A_969 = tpu.memref_slice %arg9[%dma_start3A_967, %dma_start3A_968] : memref<24x1024xf32, #tpu.memory_space<vmem>> -> memref<24x1024xf32, #tpu.memory_space<vmem>>
    %dma_start3A_970 = arith.constant 672 : i32
    %dma_start3A_971 = tpu.memref_slice %arg5[%dma_start3A_970] : memref<1024xi32, #tpu.memory_space<vmem>> -> memref<24xi32, #tpu.memory_space<vmem>>
    %dma_start3A_972 = arith.constant 0 : i32
    %dma_start3A_973 = arith.constant 0 : i32
    %dma_start3A_974 = tpu.memref_slice %arg3[%dma_start3A_972, %dma_start3A_973] : memref<8192x1024xf32, #tpu.memory_space<hbm>> -> memref<8192x1024xf32, #tpu.memory_space<hbm>>
    tpu.enqueue_indirect_dma source(%dma_start3A_974 : memref<8192x1024xf32, #tpu.memory_space<hbm>>) target(%dma_start3A_969 : memref<24x1024xf32, #tpu.memory_space<vmem>>) offsets(%dma_start3A_971 : memref<24xi32, #tpu.memory_space<vmem>>) semaphore(%arg14 : memref<!tpu.dma_semaphore, #tpu.memory_space<semaphore_mem>>)
    %dma_wait3A_975 = arith.constant 0 : i32
    %dma_wait3A_976 = arith.constant 0 : i32
    %dma_wait3A_977 = tpu.memref_slice %arg6[%dma_wait3A_975, %dma_wait3A_976] : memref<24x1024xf32, #tpu.memory_space<vmem>> -> memref<24x1024xf32, #tpu.memory_space<vmem>>
    %dma_wait3A_978 = arith.constant 0 : i32
    %dma_wait3A_979 = tpu.memref_slice %arg5[%dma_wait3A_978] : memref<1024xi32, #tpu.memory_space<vmem>> -> memref<24xi32, #tpu.memory_space<vmem>>
    %dma_wait3A_980 = arith.constant 0 : i32
    %dma_wait3A_981 = arith.constant 0 : i32
    %dma_wait3A_982 = tpu.memref_slice %arg3[%dma_wait3A_980, %dma_wait3A_981] : memref<8192x1024xf32, #tpu.memory_space<hbm>> -> memref<8192x1024xf32, #tpu.memory_space<hbm>>
    tpu.wait_indirect_dma semaphore(%arg11 : memref<!tpu.dma_semaphore, #tpu.memory_space<semaphore_mem>>) src(%dma_wait3A_982 : memref<8192x1024xf32, #tpu.memory_space<hbm>>) dst(%dma_wait3A_977 : memref<24x1024xf32, #tpu.memory_space<vmem>>)
    %add3A_983 = arith.constant 600 : i32
    %add3A_984 = arith.addi %mul3A_2, %add3A_983 : i32
    %dma_start3A_985 = arith.constant 0 : i32
    %dma_start3A_986 = arith.constant 0 : i32
    %dma_start3A_987 = tpu.memref_slice %arg6[%dma_start3A_985, %dma_start3A_986] : memref<24x1024xf32, #tpu.memory_space<vmem>> -> memref<24x1024xf32, #tpu.memory_space<vmem>>
    %dma_start3A_988 = arith.constant 0 : i32
    %dma_start3A_989 = tpu.memref_slice %arg4[%add3A_984, %dma_start3A_988] : memref<32768x1024xf32, #tpu.memory_space<hbm>> -> memref<24x1024xf32, #tpu.memory_space<hbm>>
    %dma_start3A_990 = arith.constant 0 : i32
    %dma_start3A_991 = tpu.memref_slice %arg4[%add3A_984, %dma_start3A_990] : memref<32768x1024xf32, #tpu.memory_space<hbm>> -> memref<24x1024xf32, #tpu.memory_space<hbm>>
    %dma_start3A_992 = arith.constant 0 : i32
    %dma_start3A_993 = arith.constant 0 : i32
    %dma_start3A_994 = tpu.memref_slice %arg6[%dma_start3A_992, %dma_start3A_993] : memref<24x1024xf32, #tpu.memory_space<vmem>> -> memref<24x1024xf32, #tpu.memory_space<vmem>>
    tpu.enqueue_dma source(%dma_start3A_994 : memref<24x1024xf32, #tpu.memory_space<vmem>>) target(%dma_start3A_991 : memref<24x1024xf32, #tpu.memory_space<hbm>>) target_semaphore(%arg16 : memref<!tpu.dma_semaphore, #tpu.memory_space<semaphore_mem>>)
    %dma_wait3A_995 = arith.constant 0 : i32
    %dma_wait3A_996 = arith.constant 0 : i32
    %dma_wait3A_997 = tpu.memref_slice %arg10[%dma_wait3A_995, %dma_wait3A_996] : memref<24x1024xf32, #tpu.memory_space<vmem>> -> memref<24x1024xf32, #tpu.memory_space<vmem>>
    %dma_wait3A_998 = arith.constant 0 : i32
    %dma_wait3A_999 = tpu.memref_slice %arg4[%mul3A_2, %dma_wait3A_998] : memref<32768x1024xf32, #tpu.memory_space<hbm>> -> memref<24x1024xf32, #tpu.memory_space<hbm>>
    %dma_wait3A_1000 = arith.constant 0 : i32
    %dma_wait3A_1001 = tpu.memref_slice %arg4[%mul3A_2, %dma_wait3A_1000] : memref<32768x1024xf32, #tpu.memory_space<hbm>> -> memref<24x1024xf32, #tpu.memory_space<hbm>>
    %dma_wait3A_1002 = arith.constant 0 : i32
    %dma_wait3A_1003 = arith.constant 0 : i32
    %dma_wait3A_1004 = tpu.memref_slice %arg10[%dma_wait3A_1002, %dma_wait3A_1003] : memref<24x1024xf32, #tpu.memory_space<vmem>> -> memref<24x1024xf32, #tpu.memory_space<vmem>>
    tpu.wait_dma2 semaphore(%arg20 : memref<!tpu.dma_semaphore, #tpu.memory_space<semaphore_mem>>) src(%dma_wait3A_1004 : memref<24x1024xf32, #tpu.memory_space<vmem>>) dst(%dma_wait3A_1001 : memref<24x1024xf32, #tpu.memory_space<hbm>>)
    %dma_start3A_1005 = arith.constant 0 : i32
    %dma_start3A_1006 = arith.constant 0 : i32
    %dma_start3A_1007 = tpu.memref_slice %arg10[%dma_start3A_1005, %dma_start3A_1006] : memref<24x1024xf32, #tpu.memory_space<vmem>> -> memref<24x1024xf32, #tpu.memory_space<vmem>>
    %dma_start3A_1008 = arith.constant 696 : i32
    %dma_start3A_1009 = tpu.memref_slice %arg5[%dma_start3A_1008] : memref<1024xi32, #tpu.memory_space<vmem>> -> memref<24xi32, #tpu.memory_space<vmem>>
    %dma_start3A_1010 = arith.constant 0 : i32
    %dma_start3A_1011 = arith.constant 0 : i32
    %dma_start3A_1012 = tpu.memref_slice %arg3[%dma_start3A_1010, %dma_start3A_1011] : memref<8192x1024xf32, #tpu.memory_space<hbm>> -> memref<8192x1024xf32, #tpu.memory_space<hbm>>
    tpu.enqueue_indirect_dma source(%dma_start3A_1012 : memref<8192x1024xf32, #tpu.memory_space<hbm>>) target(%dma_start3A_1007 : memref<24x1024xf32, #tpu.memory_space<vmem>>) offsets(%dma_start3A_1009 : memref<24xi32, #tpu.memory_space<vmem>>) semaphore(%arg15 : memref<!tpu.dma_semaphore, #tpu.memory_space<semaphore_mem>>)
    %dma_wait3A_1013 = arith.constant 0 : i32
    %dma_wait3A_1014 = arith.constant 0 : i32
    %dma_wait3A_1015 = tpu.memref_slice %arg7[%dma_wait3A_1013, %dma_wait3A_1014] : memref<24x1024xf32, #tpu.memory_space<vmem>> -> memref<24x1024xf32, #tpu.memory_space<vmem>>
    %dma_wait3A_1016 = arith.constant 0 : i32
    %dma_wait3A_1017 = tpu.memref_slice %arg5[%dma_wait3A_1016] : memref<1024xi32, #tpu.memory_space<vmem>> -> memref<24xi32, #tpu.memory_space<vmem>>
    %dma_wait3A_1018 = arith.constant 0 : i32
    %dma_wait3A_1019 = arith.constant 0 : i32
    %dma_wait3A_1020 = tpu.memref_slice %arg3[%dma_wait3A_1018, %dma_wait3A_1019] : memref<8192x1024xf32, #tpu.memory_space<hbm>> -> memref<8192x1024xf32, #tpu.memory_space<hbm>>
    tpu.wait_indirect_dma semaphore(%arg12 : memref<!tpu.dma_semaphore, #tpu.memory_space<semaphore_mem>>) src(%dma_wait3A_1020 : memref<8192x1024xf32, #tpu.memory_space<hbm>>) dst(%dma_wait3A_1015 : memref<24x1024xf32, #tpu.memory_space<vmem>>)
    %add3A_1021 = arith.constant 624 : i32
    %add3A_1022 = arith.addi %mul3A_2, %add3A_1021 : i32
    %dma_start3A_1023 = arith.constant 0 : i32
    %dma_start3A_1024 = arith.constant 0 : i32
    %dma_start3A_1025 = tpu.memref_slice %arg7[%dma_start3A_1023, %dma_start3A_1024] : memref<24x1024xf32, #tpu.memory_space<vmem>> -> memref<24x1024xf32, #tpu.memory_space<vmem>>
    %dma_start3A_1026 = arith.constant 0 : i32
    %dma_start3A_1027 = tpu.memref_slice %arg4[%add3A_1022, %dma_start3A_1026] : memref<32768x1024xf32, #tpu.memory_space<hbm>> -> memref<24x1024xf32, #tpu.memory_space<hbm>>
    %dma_start3A_1028 = arith.constant 0 : i32
    %dma_start3A_1029 = tpu.memref_slice %arg4[%add3A_1022, %dma_start3A_1028] : memref<32768x1024xf32, #tpu.memory_space<hbm>> -> memref<24x1024xf32, #tpu.memory_space<hbm>>
    %dma_start3A_1030 = arith.constant 0 : i32
    %dma_start3A_1031 = arith.constant 0 : i32
    %dma_start3A_1032 = tpu.memref_slice %arg7[%dma_start3A_1030, %dma_start3A_1031] : memref<24x1024xf32, #tpu.memory_space<vmem>> -> memref<24x1024xf32, #tpu.memory_space<vmem>>
    tpu.enqueue_dma source(%dma_start3A_1032 : memref<24x1024xf32, #tpu.memory_space<vmem>>) target(%dma_start3A_1029 : memref<24x1024xf32, #tpu.memory_space<hbm>>) target_semaphore(%arg17 : memref<!tpu.dma_semaphore, #tpu.memory_space<semaphore_mem>>)
    %dma_wait3A_1033 = arith.constant 0 : i32
    %dma_wait3A_1034 = arith.constant 0 : i32
    %dma_wait3A_1035 = tpu.memref_slice %arg6[%dma_wait3A_1033, %dma_wait3A_1034] : memref<24x1024xf32, #tpu.memory_space<vmem>> -> memref<24x1024xf32, #tpu.memory_space<vmem>>
    %dma_wait3A_1036 = arith.constant 0 : i32
    %dma_wait3A_1037 = tpu.memref_slice %arg4[%mul3A_2, %dma_wait3A_1036] : memref<32768x1024xf32, #tpu.memory_space<hbm>> -> memref<24x1024xf32, #tpu.memory_space<hbm>>
    %dma_wait3A_1038 = arith.constant 0 : i32
    %dma_wait3A_1039 = tpu.memref_slice %arg4[%mul3A_2, %dma_wait3A_1038] : memref<32768x1024xf32, #tpu.memory_space<hbm>> -> memref<24x1024xf32, #tpu.memory_space<hbm>>
    %dma_wait3A_1040 = arith.constant 0 : i32
    %dma_wait3A_1041 = arith.constant 0 : i32
    %dma_wait3A_1042 = tpu.memref_slice %arg6[%dma_wait3A_1040, %dma_wait3A_1041] : memref<24x1024xf32, #tpu.memory_space<vmem>> -> memref<24x1024xf32, #tpu.memory_space<vmem>>
    tpu.wait_dma2 semaphore(%arg16 : memref<!tpu.dma_semaphore, #tpu.memory_space<semaphore_mem>>) src(%dma_wait3A_1042 : memref<24x1024xf32, #tpu.memory_space<vmem>>) dst(%dma_wait3A_1039 : memref<24x1024xf32, #tpu.memory_space<hbm>>)
    %dma_start3A_1043 = arith.constant 0 : i32
    %dma_start3A_1044 = arith.constant 0 : i32
    %dma_start3A_1045 = tpu.memref_slice %arg6[%dma_start3A_1043, %dma_start3A_1044] : memref<24x1024xf32, #tpu.memory_space<vmem>> -> memref<24x1024xf32, #tpu.memory_space<vmem>>
    %dma_start3A_1046 = arith.constant 720 : i32
    %dma_start3A_1047 = tpu.memref_slice %arg5[%dma_start3A_1046] : memref<1024xi32, #tpu.memory_space<vmem>> -> memref<24xi32, #tpu.memory_space<vmem>>
    %dma_start3A_1048 = arith.constant 0 : i32
    %dma_start3A_1049 = arith.constant 0 : i32
    %dma_start3A_1050 = tpu.memref_slice %arg3[%dma_start3A_1048, %dma_start3A_1049] : memref<8192x1024xf32, #tpu.memory_space<hbm>> -> memref<8192x1024xf32, #tpu.memory_space<hbm>>
    tpu.enqueue_indirect_dma source(%dma_start3A_1050 : memref<8192x1024xf32, #tpu.memory_space<hbm>>) target(%dma_start3A_1045 : memref<24x1024xf32, #tpu.memory_space<vmem>>) offsets(%dma_start3A_1047 : memref<24xi32, #tpu.memory_space<vmem>>) semaphore(%arg11 : memref<!tpu.dma_semaphore, #tpu.memory_space<semaphore_mem>>)
    %dma_wait3A_1051 = arith.constant 0 : i32
    %dma_wait3A_1052 = arith.constant 0 : i32
    %dma_wait3A_1053 = tpu.memref_slice %arg8[%dma_wait3A_1051, %dma_wait3A_1052] : memref<24x1024xf32, #tpu.memory_space<vmem>> -> memref<24x1024xf32, #tpu.memory_space<vmem>>
    %dma_wait3A_1054 = arith.constant 0 : i32
    %dma_wait3A_1055 = tpu.memref_slice %arg5[%dma_wait3A_1054] : memref<1024xi32, #tpu.memory_space<vmem>> -> memref<24xi32, #tpu.memory_space<vmem>>
    %dma_wait3A_1056 = arith.constant 0 : i32
    %dma_wait3A_1057 = arith.constant 0 : i32
    %dma_wait3A_1058 = tpu.memref_slice %arg3[%dma_wait3A_1056, %dma_wait3A_1057] : memref<8192x1024xf32, #tpu.memory_space<hbm>> -> memref<8192x1024xf32, #tpu.memory_space<hbm>>
    tpu.wait_indirect_dma semaphore(%arg13 : memref<!tpu.dma_semaphore, #tpu.memory_space<semaphore_mem>>) src(%dma_wait3A_1058 : memref<8192x1024xf32, #tpu.memory_space<hbm>>) dst(%dma_wait3A_1053 : memref<24x1024xf32, #tpu.memory_space<vmem>>)
    %add3A_1059 = arith.constant 648 : i32
    %add3A_1060 = arith.addi %mul3A_2, %add3A_1059 : i32
    %dma_start3A_1061 = arith.constant 0 : i32
    %dma_start3A_1062 = arith.constant 0 : i32
    %dma_start3A_1063 = tpu.memref_slice %arg8[%dma_start3A_1061, %dma_start3A_1062] : memref<24x1024xf32, #tpu.memory_space<vmem>> -> memref<24x1024xf32, #tpu.memory_space<vmem>>
    %dma_start3A_1064 = arith.constant 0 : i32
    %dma_start3A_1065 = tpu.memref_slice %arg4[%add3A_1060, %dma_start3A_1064] : memref<32768x1024xf32, #tpu.memory_space<hbm>> -> memref<24x1024xf32, #tpu.memory_space<hbm>>
    %dma_start3A_1066 = arith.constant 0 : i32
    %dma_start3A_1067 = tpu.memref_slice %arg4[%add3A_1060, %dma_start3A_1066] : memref<32768x1024xf32, #tpu.memory_space<hbm>> -> memref<24x1024xf32, #tpu.memory_space<hbm>>
    %dma_start3A_1068 = arith.constant 0 : i32
    %dma_start3A_1069 = arith.constant 0 : i32
    %dma_start3A_1070 = tpu.memref_slice %arg8[%dma_start3A_1068, %dma_start3A_1069] : memref<24x1024xf32, #tpu.memory_space<vmem>> -> memref<24x1024xf32, #tpu.memory_space<vmem>>
    tpu.enqueue_dma source(%dma_start3A_1070 : memref<24x1024xf32, #tpu.memory_space<vmem>>) target(%dma_start3A_1067 : memref<24x1024xf32, #tpu.memory_space<hbm>>) target_semaphore(%arg18 : memref<!tpu.dma_semaphore, #tpu.memory_space<semaphore_mem>>)
    %dma_wait3A_1071 = arith.constant 0 : i32
    %dma_wait3A_1072 = arith.constant 0 : i32
    %dma_wait3A_1073 = tpu.memref_slice %arg7[%dma_wait3A_1071, %dma_wait3A_1072] : memref<24x1024xf32, #tpu.memory_space<vmem>> -> memref<24x1024xf32, #tpu.memory_space<vmem>>
    %dma_wait3A_1074 = arith.constant 0 : i32
    %dma_wait3A_1075 = tpu.memref_slice %arg4[%mul3A_2, %dma_wait3A_1074] : memref<32768x1024xf32, #tpu.memory_space<hbm>> -> memref<24x1024xf32, #tpu.memory_space<hbm>>
    %dma_wait3A_1076 = arith.constant 0 : i32
    %dma_wait3A_1077 = tpu.memref_slice %arg4[%mul3A_2, %dma_wait3A_1076] : memref<32768x1024xf32, #tpu.memory_space<hbm>> -> memref<24x1024xf32, #tpu.memory_space<hbm>>
    %dma_wait3A_1078 = arith.constant 0 : i32
    %dma_wait3A_1079 = arith.constant 0 : i32
    %dma_wait3A_1080 = tpu.memref_slice %arg7[%dma_wait3A_1078, %dma_wait3A_1079] : memref<24x1024xf32, #tpu.memory_space<vmem>> -> memref<24x1024xf32, #tpu.memory_space<vmem>>
    tpu.wait_dma2 semaphore(%arg17 : memref<!tpu.dma_semaphore, #tpu.memory_space<semaphore_mem>>) src(%dma_wait3A_1080 : memref<24x1024xf32, #tpu.memory_space<vmem>>) dst(%dma_wait3A_1077 : memref<24x1024xf32, #tpu.memory_space<hbm>>)
    %dma_start3A_1081 = arith.constant 0 : i32
    %dma_start3A_1082 = arith.constant 0 : i32
    %dma_start3A_1083 = tpu.memref_slice %arg7[%dma_start3A_1081, %dma_start3A_1082] : memref<24x1024xf32, #tpu.memory_space<vmem>> -> memref<24x1024xf32, #tpu.memory_space<vmem>>
    %dma_start3A_1084 = arith.constant 744 : i32
    %dma_start3A_1085 = tpu.memref_slice %arg5[%dma_start3A_1084] : memref<1024xi32, #tpu.memory_space<vmem>> -> memref<24xi32, #tpu.memory_space<vmem>>
    %dma_start3A_1086 = arith.constant 0 : i32
    %dma_start3A_1087 = arith.constant 0 : i32
    %dma_start3A_1088 = tpu.memref_slice %arg3[%dma_start3A_1086, %dma_start3A_1087] : memref<8192x1024xf32, #tpu.memory_space<hbm>> -> memref<8192x1024xf32, #tpu.memory_space<hbm>>
    tpu.enqueue_indirect_dma source(%dma_start3A_1088 : memref<8192x1024xf32, #tpu.memory_space<hbm>>) target(%dma_start3A_1083 : memref<24x1024xf32, #tpu.memory_space<vmem>>) offsets(%dma_start3A_1085 : memref<24xi32, #tpu.memory_space<vmem>>) semaphore(%arg12 : memref<!tpu.dma_semaphore, #tpu.memory_space<semaphore_mem>>)
    %dma_wait3A_1089 = arith.constant 0 : i32
    %dma_wait3A_1090 = arith.constant 0 : i32
    %dma_wait3A_1091 = tpu.memref_slice %arg9[%dma_wait3A_1089, %dma_wait3A_1090] : memref<24x1024xf32, #tpu.memory_space<vmem>> -> memref<24x1024xf32, #tpu.memory_space<vmem>>
    %dma_wait3A_1092 = arith.constant 0 : i32
    %dma_wait3A_1093 = tpu.memref_slice %arg5[%dma_wait3A_1092] : memref<1024xi32, #tpu.memory_space<vmem>> -> memref<24xi32, #tpu.memory_space<vmem>>
    %dma_wait3A_1094 = arith.constant 0 : i32
    %dma_wait3A_1095 = arith.constant 0 : i32
    %dma_wait3A_1096 = tpu.memref_slice %arg3[%dma_wait3A_1094, %dma_wait3A_1095] : memref<8192x1024xf32, #tpu.memory_space<hbm>> -> memref<8192x1024xf32, #tpu.memory_space<hbm>>
    tpu.wait_indirect_dma semaphore(%arg14 : memref<!tpu.dma_semaphore, #tpu.memory_space<semaphore_mem>>) src(%dma_wait3A_1096 : memref<8192x1024xf32, #tpu.memory_space<hbm>>) dst(%dma_wait3A_1091 : memref<24x1024xf32, #tpu.memory_space<vmem>>)
    %add3A_1097 = arith.constant 672 : i32
    %add3A_1098 = arith.addi %mul3A_2, %add3A_1097 : i32
    %dma_start3A_1099 = arith.constant 0 : i32
    %dma_start3A_1100 = arith.constant 0 : i32
    %dma_start3A_1101 = tpu.memref_slice %arg9[%dma_start3A_1099, %dma_start3A_1100] : memref<24x1024xf32, #tpu.memory_space<vmem>> -> memref<24x1024xf32, #tpu.memory_space<vmem>>
    %dma_start3A_1102 = arith.constant 0 : i32
    %dma_start3A_1103 = tpu.memref_slice %arg4[%add3A_1098, %dma_start3A_1102] : memref<32768x1024xf32, #tpu.memory_space<hbm>> -> memref<24x1024xf32, #tpu.memory_space<hbm>>
    %dma_start3A_1104 = arith.constant 0 : i32
    %dma_start3A_1105 = tpu.memref_slice %arg4[%add3A_1098, %dma_start3A_1104] : memref<32768x1024xf32, #tpu.memory_space<hbm>> -> memref<24x1024xf32, #tpu.memory_space<hbm>>
    %dma_start3A_1106 = arith.constant 0 : i32
    %dma_start3A_1107 = arith.constant 0 : i32
    %dma_start3A_1108 = tpu.memref_slice %arg9[%dma_start3A_1106, %dma_start3A_1107] : memref<24x1024xf32, #tpu.memory_space<vmem>> -> memref<24x1024xf32, #tpu.memory_space<vmem>>
    tpu.enqueue_dma source(%dma_start3A_1108 : memref<24x1024xf32, #tpu.memory_space<vmem>>) target(%dma_start3A_1105 : memref<24x1024xf32, #tpu.memory_space<hbm>>) target_semaphore(%arg19 : memref<!tpu.dma_semaphore, #tpu.memory_space<semaphore_mem>>)
    %dma_wait3A_1109 = arith.constant 0 : i32
    %dma_wait3A_1110 = arith.constant 0 : i32
    %dma_wait3A_1111 = tpu.memref_slice %arg8[%dma_wait3A_1109, %dma_wait3A_1110] : memref<24x1024xf32, #tpu.memory_space<vmem>> -> memref<24x1024xf32, #tpu.memory_space<vmem>>
    %dma_wait3A_1112 = arith.constant 0 : i32
    %dma_wait3A_1113 = tpu.memref_slice %arg4[%mul3A_2, %dma_wait3A_1112] : memref<32768x1024xf32, #tpu.memory_space<hbm>> -> memref<24x1024xf32, #tpu.memory_space<hbm>>
    %dma_wait3A_1114 = arith.constant 0 : i32
    %dma_wait3A_1115 = tpu.memref_slice %arg4[%mul3A_2, %dma_wait3A_1114] : memref<32768x1024xf32, #tpu.memory_space<hbm>> -> memref<24x1024xf32, #tpu.memory_space<hbm>>
    %dma_wait3A_1116 = arith.constant 0 : i32
    %dma_wait3A_1117 = arith.constant 0 : i32
    %dma_wait3A_1118 = tpu.memref_slice %arg8[%dma_wait3A_1116, %dma_wait3A_1117] : memref<24x1024xf32, #tpu.memory_space<vmem>> -> memref<24x1024xf32, #tpu.memory_space<vmem>>
    tpu.wait_dma2 semaphore(%arg18 : memref<!tpu.dma_semaphore, #tpu.memory_space<semaphore_mem>>) src(%dma_wait3A_1118 : memref<24x1024xf32, #tpu.memory_space<vmem>>) dst(%dma_wait3A_1115 : memref<24x1024xf32, #tpu.memory_space<hbm>>)
    %dma_start3A_1119 = arith.constant 0 : i32
    %dma_start3A_1120 = arith.constant 0 : i32
    %dma_start3A_1121 = tpu.memref_slice %arg8[%dma_start3A_1119, %dma_start3A_1120] : memref<24x1024xf32, #tpu.memory_space<vmem>> -> memref<24x1024xf32, #tpu.memory_space<vmem>>
    %dma_start3A_1122 = arith.constant 768 : i32
    %dma_start3A_1123 = tpu.memref_slice %arg5[%dma_start3A_1122] : memref<1024xi32, #tpu.memory_space<vmem>> -> memref<24xi32, #tpu.memory_space<vmem>>
    %dma_start3A_1124 = arith.constant 0 : i32
    %dma_start3A_1125 = arith.constant 0 : i32
    %dma_start3A_1126 = tpu.memref_slice %arg3[%dma_start3A_1124, %dma_start3A_1125] : memref<8192x1024xf32, #tpu.memory_space<hbm>> -> memref<8192x1024xf32, #tpu.memory_space<hbm>>
    tpu.enqueue_indirect_dma source(%dma_start3A_1126 : memref<8192x1024xf32, #tpu.memory_space<hbm>>) target(%dma_start3A_1121 : memref<24x1024xf32, #tpu.memory_space<vmem>>) offsets(%dma_start3A_1123 : memref<24xi32, #tpu.memory_space<vmem>>) semaphore(%arg13 : memref<!tpu.dma_semaphore, #tpu.memory_space<semaphore_mem>>)
    %dma_wait3A_1127 = arith.constant 0 : i32
    %dma_wait3A_1128 = arith.constant 0 : i32
    %dma_wait3A_1129 = tpu.memref_slice %arg10[%dma_wait3A_1127, %dma_wait3A_1128] : memref<24x1024xf32, #tpu.memory_space<vmem>> -> memref<24x1024xf32, #tpu.memory_space<vmem>>
    %dma_wait3A_1130 = arith.constant 0 : i32
    %dma_wait3A_1131 = tpu.memref_slice %arg5[%dma_wait3A_1130] : memref<1024xi32, #tpu.memory_space<vmem>> -> memref<24xi32, #tpu.memory_space<vmem>>
    %dma_wait3A_1132 = arith.constant 0 : i32
    %dma_wait3A_1133 = arith.constant 0 : i32
    %dma_wait3A_1134 = tpu.memref_slice %arg3[%dma_wait3A_1132, %dma_wait3A_1133] : memref<8192x1024xf32, #tpu.memory_space<hbm>> -> memref<8192x1024xf32, #tpu.memory_space<hbm>>
    tpu.wait_indirect_dma semaphore(%arg15 : memref<!tpu.dma_semaphore, #tpu.memory_space<semaphore_mem>>) src(%dma_wait3A_1134 : memref<8192x1024xf32, #tpu.memory_space<hbm>>) dst(%dma_wait3A_1129 : memref<24x1024xf32, #tpu.memory_space<vmem>>)
    %add3A_1135 = arith.constant 696 : i32
    %add3A_1136 = arith.addi %mul3A_2, %add3A_1135 : i32
    %dma_start3A_1137 = arith.constant 0 : i32
    %dma_start3A_1138 = arith.constant 0 : i32
    %dma_start3A_1139 = tpu.memref_slice %arg10[%dma_start3A_1137, %dma_start3A_1138] : memref<24x1024xf32, #tpu.memory_space<vmem>> -> memref<24x1024xf32, #tpu.memory_space<vmem>>
    %dma_start3A_1140 = arith.constant 0 : i32
    %dma_start3A_1141 = tpu.memref_slice %arg4[%add3A_1136, %dma_start3A_1140] : memref<32768x1024xf32, #tpu.memory_space<hbm>> -> memref<24x1024xf32, #tpu.memory_space<hbm>>
    %dma_start3A_1142 = arith.constant 0 : i32
    %dma_start3A_1143 = tpu.memref_slice %arg4[%add3A_1136, %dma_start3A_1142] : memref<32768x1024xf32, #tpu.memory_space<hbm>> -> memref<24x1024xf32, #tpu.memory_space<hbm>>
    %dma_start3A_1144 = arith.constant 0 : i32
    %dma_start3A_1145 = arith.constant 0 : i32
    %dma_start3A_1146 = tpu.memref_slice %arg10[%dma_start3A_1144, %dma_start3A_1145] : memref<24x1024xf32, #tpu.memory_space<vmem>> -> memref<24x1024xf32, #tpu.memory_space<vmem>>
    tpu.enqueue_dma source(%dma_start3A_1146 : memref<24x1024xf32, #tpu.memory_space<vmem>>) target(%dma_start3A_1143 : memref<24x1024xf32, #tpu.memory_space<hbm>>) target_semaphore(%arg20 : memref<!tpu.dma_semaphore, #tpu.memory_space<semaphore_mem>>)
    %dma_wait3A_1147 = arith.constant 0 : i32
    %dma_wait3A_1148 = arith.constant 0 : i32
    %dma_wait3A_1149 = tpu.memref_slice %arg9[%dma_wait3A_1147, %dma_wait3A_1148] : memref<24x1024xf32, #tpu.memory_space<vmem>> -> memref<24x1024xf32, #tpu.memory_space<vmem>>
    %dma_wait3A_1150 = arith.constant 0 : i32
    %dma_wait3A_1151 = tpu.memref_slice %arg4[%mul3A_2, %dma_wait3A_1150] : memref<32768x1024xf32, #tpu.memory_space<hbm>> -> memref<24x1024xf32, #tpu.memory_space<hbm>>
    %dma_wait3A_1152 = arith.constant 0 : i32
    %dma_wait3A_1153 = tpu.memref_slice %arg4[%mul3A_2, %dma_wait3A_1152] : memref<32768x1024xf32, #tpu.memory_space<hbm>> -> memref<24x1024xf32, #tpu.memory_space<hbm>>
    %dma_wait3A_1154 = arith.constant 0 : i32
    %dma_wait3A_1155 = arith.constant 0 : i32
    %dma_wait3A_1156 = tpu.memref_slice %arg9[%dma_wait3A_1154, %dma_wait3A_1155] : memref<24x1024xf32, #tpu.memory_space<vmem>> -> memref<24x1024xf32, #tpu.memory_space<vmem>>
    tpu.wait_dma2 semaphore(%arg19 : memref<!tpu.dma_semaphore, #tpu.memory_space<semaphore_mem>>) src(%dma_wait3A_1156 : memref<24x1024xf32, #tpu.memory_space<vmem>>) dst(%dma_wait3A_1153 : memref<24x1024xf32, #tpu.memory_space<hbm>>)
    %dma_start3A_1157 = arith.constant 0 : i32
    %dma_start3A_1158 = arith.constant 0 : i32
    %dma_start3A_1159 = tpu.memref_slice %arg9[%dma_start3A_1157, %dma_start3A_1158] : memref<24x1024xf32, #tpu.memory_space<vmem>> -> memref<24x1024xf32, #tpu.memory_space<vmem>>
    %dma_start3A_1160 = arith.constant 792 : i32
    %dma_start3A_1161 = tpu.memref_slice %arg5[%dma_start3A_1160] : memref<1024xi32, #tpu.memory_space<vmem>> -> memref<24xi32, #tpu.memory_space<vmem>>
    %dma_start3A_1162 = arith.constant 0 : i32
    %dma_start3A_1163 = arith.constant 0 : i32
    %dma_start3A_1164 = tpu.memref_slice %arg3[%dma_start3A_1162, %dma_start3A_1163] : memref<8192x1024xf32, #tpu.memory_space<hbm>> -> memref<8192x1024xf32, #tpu.memory_space<hbm>>
    tpu.enqueue_indirect_dma source(%dma_start3A_1164 : memref<8192x1024xf32, #tpu.memory_space<hbm>>) target(%dma_start3A_1159 : memref<24x1024xf32, #tpu.memory_space<vmem>>) offsets(%dma_start3A_1161 : memref<24xi32, #tpu.memory_space<vmem>>) semaphore(%arg14 : memref<!tpu.dma_semaphore, #tpu.memory_space<semaphore_mem>>)
    %dma_wait3A_1165 = arith.constant 0 : i32
    %dma_wait3A_1166 = arith.constant 0 : i32
    %dma_wait3A_1167 = tpu.memref_slice %arg6[%dma_wait3A_1165, %dma_wait3A_1166] : memref<24x1024xf32, #tpu.memory_space<vmem>> -> memref<24x1024xf32, #tpu.memory_space<vmem>>
    %dma_wait3A_1168 = arith.constant 0 : i32
    %dma_wait3A_1169 = tpu.memref_slice %arg5[%dma_wait3A_1168] : memref<1024xi32, #tpu.memory_space<vmem>> -> memref<24xi32, #tpu.memory_space<vmem>>
    %dma_wait3A_1170 = arith.constant 0 : i32
    %dma_wait3A_1171 = arith.constant 0 : i32
    %dma_wait3A_1172 = tpu.memref_slice %arg3[%dma_wait3A_1170, %dma_wait3A_1171] : memref<8192x1024xf32, #tpu.memory_space<hbm>> -> memref<8192x1024xf32, #tpu.memory_space<hbm>>
    tpu.wait_indirect_dma semaphore(%arg11 : memref<!tpu.dma_semaphore, #tpu.memory_space<semaphore_mem>>) src(%dma_wait3A_1172 : memref<8192x1024xf32, #tpu.memory_space<hbm>>) dst(%dma_wait3A_1167 : memref<24x1024xf32, #tpu.memory_space<vmem>>)
    %add3A_1173 = arith.constant 720 : i32
    %add3A_1174 = arith.addi %mul3A_2, %add3A_1173 : i32
    %dma_start3A_1175 = arith.constant 0 : i32
    %dma_start3A_1176 = arith.constant 0 : i32
    %dma_start3A_1177 = tpu.memref_slice %arg6[%dma_start3A_1175, %dma_start3A_1176] : memref<24x1024xf32, #tpu.memory_space<vmem>> -> memref<24x1024xf32, #tpu.memory_space<vmem>>
    %dma_start3A_1178 = arith.constant 0 : i32
    %dma_start3A_1179 = tpu.memref_slice %arg4[%add3A_1174, %dma_start3A_1178] : memref<32768x1024xf32, #tpu.memory_space<hbm>> -> memref<24x1024xf32, #tpu.memory_space<hbm>>
    %dma_start3A_1180 = arith.constant 0 : i32
    %dma_start3A_1181 = tpu.memref_slice %arg4[%add3A_1174, %dma_start3A_1180] : memref<32768x1024xf32, #tpu.memory_space<hbm>> -> memref<24x1024xf32, #tpu.memory_space<hbm>>
    %dma_start3A_1182 = arith.constant 0 : i32
    %dma_start3A_1183 = arith.constant 0 : i32
    %dma_start3A_1184 = tpu.memref_slice %arg6[%dma_start3A_1182, %dma_start3A_1183] : memref<24x1024xf32, #tpu.memory_space<vmem>> -> memref<24x1024xf32, #tpu.memory_space<vmem>>
    tpu.enqueue_dma source(%dma_start3A_1184 : memref<24x1024xf32, #tpu.memory_space<vmem>>) target(%dma_start3A_1181 : memref<24x1024xf32, #tpu.memory_space<hbm>>) target_semaphore(%arg16 : memref<!tpu.dma_semaphore, #tpu.memory_space<semaphore_mem>>)
    %dma_wait3A_1185 = arith.constant 0 : i32
    %dma_wait3A_1186 = arith.constant 0 : i32
    %dma_wait3A_1187 = tpu.memref_slice %arg10[%dma_wait3A_1185, %dma_wait3A_1186] : memref<24x1024xf32, #tpu.memory_space<vmem>> -> memref<24x1024xf32, #tpu.memory_space<vmem>>
    %dma_wait3A_1188 = arith.constant 0 : i32
    %dma_wait3A_1189 = tpu.memref_slice %arg4[%mul3A_2, %dma_wait3A_1188] : memref<32768x1024xf32, #tpu.memory_space<hbm>> -> memref<24x1024xf32, #tpu.memory_space<hbm>>
    %dma_wait3A_1190 = arith.constant 0 : i32
    %dma_wait3A_1191 = tpu.memref_slice %arg4[%mul3A_2, %dma_wait3A_1190] : memref<32768x1024xf32, #tpu.memory_space<hbm>> -> memref<24x1024xf32, #tpu.memory_space<hbm>>
    %dma_wait3A_1192 = arith.constant 0 : i32
    %dma_wait3A_1193 = arith.constant 0 : i32
    %dma_wait3A_1194 = tpu.memref_slice %arg10[%dma_wait3A_1192, %dma_wait3A_1193] : memref<24x1024xf32, #tpu.memory_space<vmem>> -> memref<24x1024xf32, #tpu.memory_space<vmem>>
    tpu.wait_dma2 semaphore(%arg20 : memref<!tpu.dma_semaphore, #tpu.memory_space<semaphore_mem>>) src(%dma_wait3A_1194 : memref<24x1024xf32, #tpu.memory_space<vmem>>) dst(%dma_wait3A_1191 : memref<24x1024xf32, #tpu.memory_space<hbm>>)
    %dma_start3A_1195 = arith.constant 0 : i32
    %dma_start3A_1196 = arith.constant 0 : i32
    %dma_start3A_1197 = tpu.memref_slice %arg10[%dma_start3A_1195, %dma_start3A_1196] : memref<24x1024xf32, #tpu.memory_space<vmem>> -> memref<24x1024xf32, #tpu.memory_space<vmem>>
    %dma_start3A_1198 = arith.constant 816 : i32
    %dma_start3A_1199 = tpu.memref_slice %arg5[%dma_start3A_1198] : memref<1024xi32, #tpu.memory_space<vmem>> -> memref<24xi32, #tpu.memory_space<vmem>>
    %dma_start3A_1200 = arith.constant 0 : i32
    %dma_start3A_1201 = arith.constant 0 : i32
    %dma_start3A_1202 = tpu.memref_slice %arg3[%dma_start3A_1200, %dma_start3A_1201] : memref<8192x1024xf32, #tpu.memory_space<hbm>> -> memref<8192x1024xf32, #tpu.memory_space<hbm>>
    tpu.enqueue_indirect_dma source(%dma_start3A_1202 : memref<8192x1024xf32, #tpu.memory_space<hbm>>) target(%dma_start3A_1197 : memref<24x1024xf32, #tpu.memory_space<vmem>>) offsets(%dma_start3A_1199 : memref<24xi32, #tpu.memory_space<vmem>>) semaphore(%arg15 : memref<!tpu.dma_semaphore, #tpu.memory_space<semaphore_mem>>)
    %dma_wait3A_1203 = arith.constant 0 : i32
    %dma_wait3A_1204 = arith.constant 0 : i32
    %dma_wait3A_1205 = tpu.memref_slice %arg7[%dma_wait3A_1203, %dma_wait3A_1204] : memref<24x1024xf32, #tpu.memory_space<vmem>> -> memref<24x1024xf32, #tpu.memory_space<vmem>>
    %dma_wait3A_1206 = arith.constant 0 : i32
    %dma_wait3A_1207 = tpu.memref_slice %arg5[%dma_wait3A_1206] : memref<1024xi32, #tpu.memory_space<vmem>> -> memref<24xi32, #tpu.memory_space<vmem>>
    %dma_wait3A_1208 = arith.constant 0 : i32
    %dma_wait3A_1209 = arith.constant 0 : i32
    %dma_wait3A_1210 = tpu.memref_slice %arg3[%dma_wait3A_1208, %dma_wait3A_1209] : memref<8192x1024xf32, #tpu.memory_space<hbm>> -> memref<8192x1024xf32, #tpu.memory_space<hbm>>
    tpu.wait_indirect_dma semaphore(%arg12 : memref<!tpu.dma_semaphore, #tpu.memory_space<semaphore_mem>>) src(%dma_wait3A_1210 : memref<8192x1024xf32, #tpu.memory_space<hbm>>) dst(%dma_wait3A_1205 : memref<24x1024xf32, #tpu.memory_space<vmem>>)
    %add3A_1211 = arith.constant 744 : i32
    %add3A_1212 = arith.addi %mul3A_2, %add3A_1211 : i32
    %dma_start3A_1213 = arith.constant 0 : i32
    %dma_start3A_1214 = arith.constant 0 : i32
    %dma_start3A_1215 = tpu.memref_slice %arg7[%dma_start3A_1213, %dma_start3A_1214] : memref<24x1024xf32, #tpu.memory_space<vmem>> -> memref<24x1024xf32, #tpu.memory_space<vmem>>
    %dma_start3A_1216 = arith.constant 0 : i32
    %dma_start3A_1217 = tpu.memref_slice %arg4[%add3A_1212, %dma_start3A_1216] : memref<32768x1024xf32, #tpu.memory_space<hbm>> -> memref<24x1024xf32, #tpu.memory_space<hbm>>
    %dma_start3A_1218 = arith.constant 0 : i32
    %dma_start3A_1219 = tpu.memref_slice %arg4[%add3A_1212, %dma_start3A_1218] : memref<32768x1024xf32, #tpu.memory_space<hbm>> -> memref<24x1024xf32, #tpu.memory_space<hbm>>
    %dma_start3A_1220 = arith.constant 0 : i32
    %dma_start3A_1221 = arith.constant 0 : i32
    %dma_start3A_1222 = tpu.memref_slice %arg7[%dma_start3A_1220, %dma_start3A_1221] : memref<24x1024xf32, #tpu.memory_space<vmem>> -> memref<24x1024xf32, #tpu.memory_space<vmem>>
    tpu.enqueue_dma source(%dma_start3A_1222 : memref<24x1024xf32, #tpu.memory_space<vmem>>) target(%dma_start3A_1219 : memref<24x1024xf32, #tpu.memory_space<hbm>>) target_semaphore(%arg17 : memref<!tpu.dma_semaphore, #tpu.memory_space<semaphore_mem>>)
    %dma_wait3A_1223 = arith.constant 0 : i32
    %dma_wait3A_1224 = arith.constant 0 : i32
    %dma_wait3A_1225 = tpu.memref_slice %arg6[%dma_wait3A_1223, %dma_wait3A_1224] : memref<24x1024xf32, #tpu.memory_space<vmem>> -> memref<24x1024xf32, #tpu.memory_space<vmem>>
    %dma_wait3A_1226 = arith.constant 0 : i32
    %dma_wait3A_1227 = tpu.memref_slice %arg4[%mul3A_2, %dma_wait3A_1226] : memref<32768x1024xf32, #tpu.memory_space<hbm>> -> memref<24x1024xf32, #tpu.memory_space<hbm>>
    %dma_wait3A_1228 = arith.constant 0 : i32
    %dma_wait3A_1229 = tpu.memref_slice %arg4[%mul3A_2, %dma_wait3A_1228] : memref<32768x1024xf32, #tpu.memory_space<hbm>> -> memref<24x1024xf32, #tpu.memory_space<hbm>>
    %dma_wait3A_1230 = arith.constant 0 : i32
    %dma_wait3A_1231 = arith.constant 0 : i32
    %dma_wait3A_1232 = tpu.memref_slice %arg6[%dma_wait3A_1230, %dma_wait3A_1231] : memref<24x1024xf32, #tpu.memory_space<vmem>> -> memref<24x1024xf32, #tpu.memory_space<vmem>>
    tpu.wait_dma2 semaphore(%arg16 : memref<!tpu.dma_semaphore, #tpu.memory_space<semaphore_mem>>) src(%dma_wait3A_1232 : memref<24x1024xf32, #tpu.memory_space<vmem>>) dst(%dma_wait3A_1229 : memref<24x1024xf32, #tpu.memory_space<hbm>>)
    %dma_start3A_1233 = arith.constant 0 : i32
    %dma_start3A_1234 = arith.constant 0 : i32
    %dma_start3A_1235 = tpu.memref_slice %arg6[%dma_start3A_1233, %dma_start3A_1234] : memref<24x1024xf32, #tpu.memory_space<vmem>> -> memref<24x1024xf32, #tpu.memory_space<vmem>>
    %dma_start3A_1236 = arith.constant 840 : i32
    %dma_start3A_1237 = tpu.memref_slice %arg5[%dma_start3A_1236] : memref<1024xi32, #tpu.memory_space<vmem>> -> memref<24xi32, #tpu.memory_space<vmem>>
    %dma_start3A_1238 = arith.constant 0 : i32
    %dma_start3A_1239 = arith.constant 0 : i32
    %dma_start3A_1240 = tpu.memref_slice %arg3[%dma_start3A_1238, %dma_start3A_1239] : memref<8192x1024xf32, #tpu.memory_space<hbm>> -> memref<8192x1024xf32, #tpu.memory_space<hbm>>
    tpu.enqueue_indirect_dma source(%dma_start3A_1240 : memref<8192x1024xf32, #tpu.memory_space<hbm>>) target(%dma_start3A_1235 : memref<24x1024xf32, #tpu.memory_space<vmem>>) offsets(%dma_start3A_1237 : memref<24xi32, #tpu.memory_space<vmem>>) semaphore(%arg11 : memref<!tpu.dma_semaphore, #tpu.memory_space<semaphore_mem>>)
    %dma_wait3A_1241 = arith.constant 0 : i32
    %dma_wait3A_1242 = arith.constant 0 : i32
    %dma_wait3A_1243 = tpu.memref_slice %arg8[%dma_wait3A_1241, %dma_wait3A_1242] : memref<24x1024xf32, #tpu.memory_space<vmem>> -> memref<24x1024xf32, #tpu.memory_space<vmem>>
    %dma_wait3A_1244 = arith.constant 0 : i32
    %dma_wait3A_1245 = tpu.memref_slice %arg5[%dma_wait3A_1244] : memref<1024xi32, #tpu.memory_space<vmem>> -> memref<24xi32, #tpu.memory_space<vmem>>
    %dma_wait3A_1246 = arith.constant 0 : i32
    %dma_wait3A_1247 = arith.constant 0 : i32
    %dma_wait3A_1248 = tpu.memref_slice %arg3[%dma_wait3A_1246, %dma_wait3A_1247] : memref<8192x1024xf32, #tpu.memory_space<hbm>> -> memref<8192x1024xf32, #tpu.memory_space<hbm>>
    tpu.wait_indirect_dma semaphore(%arg13 : memref<!tpu.dma_semaphore, #tpu.memory_space<semaphore_mem>>) src(%dma_wait3A_1248 : memref<8192x1024xf32, #tpu.memory_space<hbm>>) dst(%dma_wait3A_1243 : memref<24x1024xf32, #tpu.memory_space<vmem>>)
    %add3A_1249 = arith.constant 768 : i32
    %add3A_1250 = arith.addi %mul3A_2, %add3A_1249 : i32
    %dma_start3A_1251 = arith.constant 0 : i32
    %dma_start3A_1252 = arith.constant 0 : i32
    %dma_start3A_1253 = tpu.memref_slice %arg8[%dma_start3A_1251, %dma_start3A_1252] : memref<24x1024xf32, #tpu.memory_space<vmem>> -> memref<24x1024xf32, #tpu.memory_space<vmem>>
    %dma_start3A_1254 = arith.constant 0 : i32
    %dma_start3A_1255 = tpu.memref_slice %arg4[%add3A_1250, %dma_start3A_1254] : memref<32768x1024xf32, #tpu.memory_space<hbm>> -> memref<24x1024xf32, #tpu.memory_space<hbm>>
    %dma_start3A_1256 = arith.constant 0 : i32
    %dma_start3A_1257 = tpu.memref_slice %arg4[%add3A_1250, %dma_start3A_1256] : memref<32768x1024xf32, #tpu.memory_space<hbm>> -> memref<24x1024xf32, #tpu.memory_space<hbm>>
    %dma_start3A_1258 = arith.constant 0 : i32
    %dma_start3A_1259 = arith.constant 0 : i32
    %dma_start3A_1260 = tpu.memref_slice %arg8[%dma_start3A_1258, %dma_start3A_1259] : memref<24x1024xf32, #tpu.memory_space<vmem>> -> memref<24x1024xf32, #tpu.memory_space<vmem>>
    tpu.enqueue_dma source(%dma_start3A_1260 : memref<24x1024xf32, #tpu.memory_space<vmem>>) target(%dma_start3A_1257 : memref<24x1024xf32, #tpu.memory_space<hbm>>) target_semaphore(%arg18 : memref<!tpu.dma_semaphore, #tpu.memory_space<semaphore_mem>>)
    %dma_wait3A_1261 = arith.constant 0 : i32
    %dma_wait3A_1262 = arith.constant 0 : i32
    %dma_wait3A_1263 = tpu.memref_slice %arg7[%dma_wait3A_1261, %dma_wait3A_1262] : memref<24x1024xf32, #tpu.memory_space<vmem>> -> memref<24x1024xf32, #tpu.memory_space<vmem>>
    %dma_wait3A_1264 = arith.constant 0 : i32
    %dma_wait3A_1265 = tpu.memref_slice %arg4[%mul3A_2, %dma_wait3A_1264] : memref<32768x1024xf32, #tpu.memory_space<hbm>> -> memref<24x1024xf32, #tpu.memory_space<hbm>>
    %dma_wait3A_1266 = arith.constant 0 : i32
    %dma_wait3A_1267 = tpu.memref_slice %arg4[%mul3A_2, %dma_wait3A_1266] : memref<32768x1024xf32, #tpu.memory_space<hbm>> -> memref<24x1024xf32, #tpu.memory_space<hbm>>
    %dma_wait3A_1268 = arith.constant 0 : i32
    %dma_wait3A_1269 = arith.constant 0 : i32
    %dma_wait3A_1270 = tpu.memref_slice %arg7[%dma_wait3A_1268, %dma_wait3A_1269] : memref<24x1024xf32, #tpu.memory_space<vmem>> -> memref<24x1024xf32, #tpu.memory_space<vmem>>
    tpu.wait_dma2 semaphore(%arg17 : memref<!tpu.dma_semaphore, #tpu.memory_space<semaphore_mem>>) src(%dma_wait3A_1270 : memref<24x1024xf32, #tpu.memory_space<vmem>>) dst(%dma_wait3A_1267 : memref<24x1024xf32, #tpu.memory_space<hbm>>)
    %dma_start3A_1271 = arith.constant 0 : i32
    %dma_start3A_1272 = arith.constant 0 : i32
    %dma_start3A_1273 = tpu.memref_slice %arg7[%dma_start3A_1271, %dma_start3A_1272] : memref<24x1024xf32, #tpu.memory_space<vmem>> -> memref<24x1024xf32, #tpu.memory_space<vmem>>
    %dma_start3A_1274 = arith.constant 864 : i32
    %dma_start3A_1275 = tpu.memref_slice %arg5[%dma_start3A_1274] : memref<1024xi32, #tpu.memory_space<vmem>> -> memref<24xi32, #tpu.memory_space<vmem>>
    %dma_start3A_1276 = arith.constant 0 : i32
    %dma_start3A_1277 = arith.constant 0 : i32
    %dma_start3A_1278 = tpu.memref_slice %arg3[%dma_start3A_1276, %dma_start3A_1277] : memref<8192x1024xf32, #tpu.memory_space<hbm>> -> memref<8192x1024xf32, #tpu.memory_space<hbm>>
    tpu.enqueue_indirect_dma source(%dma_start3A_1278 : memref<8192x1024xf32, #tpu.memory_space<hbm>>) target(%dma_start3A_1273 : memref<24x1024xf32, #tpu.memory_space<vmem>>) offsets(%dma_start3A_1275 : memref<24xi32, #tpu.memory_space<vmem>>) semaphore(%arg12 : memref<!tpu.dma_semaphore, #tpu.memory_space<semaphore_mem>>)
    %dma_wait3A_1279 = arith.constant 0 : i32
    %dma_wait3A_1280 = arith.constant 0 : i32
    %dma_wait3A_1281 = tpu.memref_slice %arg9[%dma_wait3A_1279, %dma_wait3A_1280] : memref<24x1024xf32, #tpu.memory_space<vmem>> -> memref<24x1024xf32, #tpu.memory_space<vmem>>
    %dma_wait3A_1282 = arith.constant 0 : i32
    %dma_wait3A_1283 = tpu.memref_slice %arg5[%dma_wait3A_1282] : memref<1024xi32, #tpu.memory_space<vmem>> -> memref<24xi32, #tpu.memory_space<vmem>>
    %dma_wait3A_1284 = arith.constant 0 : i32
    %dma_wait3A_1285 = arith.constant 0 : i32
    %dma_wait3A_1286 = tpu.memref_slice %arg3[%dma_wait3A_1284, %dma_wait3A_1285] : memref<8192x1024xf32, #tpu.memory_space<hbm>> -> memref<8192x1024xf32, #tpu.memory_space<hbm>>
    tpu.wait_indirect_dma semaphore(%arg14 : memref<!tpu.dma_semaphore, #tpu.memory_space<semaphore_mem>>) src(%dma_wait3A_1286 : memref<8192x1024xf32, #tpu.memory_space<hbm>>) dst(%dma_wait3A_1281 : memref<24x1024xf32, #tpu.memory_space<vmem>>)
    %add3A_1287 = arith.constant 792 : i32
    %add3A_1288 = arith.addi %mul3A_2, %add3A_1287 : i32
    %dma_start3A_1289 = arith.constant 0 : i32
    %dma_start3A_1290 = arith.constant 0 : i32
    %dma_start3A_1291 = tpu.memref_slice %arg9[%dma_start3A_1289, %dma_start3A_1290] : memref<24x1024xf32, #tpu.memory_space<vmem>> -> memref<24x1024xf32, #tpu.memory_space<vmem>>
    %dma_start3A_1292 = arith.constant 0 : i32
    %dma_start3A_1293 = tpu.memref_slice %arg4[%add3A_1288, %dma_start3A_1292] : memref<32768x1024xf32, #tpu.memory_space<hbm>> -> memref<24x1024xf32, #tpu.memory_space<hbm>>
    %dma_start3A_1294 = arith.constant 0 : i32
    %dma_start3A_1295 = tpu.memref_slice %arg4[%add3A_1288, %dma_start3A_1294] : memref<32768x1024xf32, #tpu.memory_space<hbm>> -> memref<24x1024xf32, #tpu.memory_space<hbm>>
    %dma_start3A_1296 = arith.constant 0 : i32
    %dma_start3A_1297 = arith.constant 0 : i32
    %dma_start3A_1298 = tpu.memref_slice %arg9[%dma_start3A_1296, %dma_start3A_1297] : memref<24x1024xf32, #tpu.memory_space<vmem>> -> memref<24x1024xf32, #tpu.memory_space<vmem>>
    tpu.enqueue_dma source(%dma_start3A_1298 : memref<24x1024xf32, #tpu.memory_space<vmem>>) target(%dma_start3A_1295 : memref<24x1024xf32, #tpu.memory_space<hbm>>) target_semaphore(%arg19 : memref<!tpu.dma_semaphore, #tpu.memory_space<semaphore_mem>>)
    %dma_wait3A_1299 = arith.constant 0 : i32
    %dma_wait3A_1300 = arith.constant 0 : i32
    %dma_wait3A_1301 = tpu.memref_slice %arg8[%dma_wait3A_1299, %dma_wait3A_1300] : memref<24x1024xf32, #tpu.memory_space<vmem>> -> memref<24x1024xf32, #tpu.memory_space<vmem>>
    %dma_wait3A_1302 = arith.constant 0 : i32
    %dma_wait3A_1303 = tpu.memref_slice %arg4[%mul3A_2, %dma_wait3A_1302] : memref<32768x1024xf32, #tpu.memory_space<hbm>> -> memref<24x1024xf32, #tpu.memory_space<hbm>>
    %dma_wait3A_1304 = arith.constant 0 : i32
    %dma_wait3A_1305 = tpu.memref_slice %arg4[%mul3A_2, %dma_wait3A_1304] : memref<32768x1024xf32, #tpu.memory_space<hbm>> -> memref<24x1024xf32, #tpu.memory_space<hbm>>
    %dma_wait3A_1306 = arith.constant 0 : i32
    %dma_wait3A_1307 = arith.constant 0 : i32
    %dma_wait3A_1308 = tpu.memref_slice %arg8[%dma_wait3A_1306, %dma_wait3A_1307] : memref<24x1024xf32, #tpu.memory_space<vmem>> -> memref<24x1024xf32, #tpu.memory_space<vmem>>
    tpu.wait_dma2 semaphore(%arg18 : memref<!tpu.dma_semaphore, #tpu.memory_space<semaphore_mem>>) src(%dma_wait3A_1308 : memref<24x1024xf32, #tpu.memory_space<vmem>>) dst(%dma_wait3A_1305 : memref<24x1024xf32, #tpu.memory_space<hbm>>)
    %dma_start3A_1309 = arith.constant 0 : i32
    %dma_start3A_1310 = arith.constant 0 : i32
    %dma_start3A_1311 = tpu.memref_slice %arg8[%dma_start3A_1309, %dma_start3A_1310] : memref<24x1024xf32, #tpu.memory_space<vmem>> -> memref<24x1024xf32, #tpu.memory_space<vmem>>
    %dma_start3A_1312 = arith.constant 888 : i32
    %dma_start3A_1313 = tpu.memref_slice %arg5[%dma_start3A_1312] : memref<1024xi32, #tpu.memory_space<vmem>> -> memref<24xi32, #tpu.memory_space<vmem>>
    %dma_start3A_1314 = arith.constant 0 : i32
    %dma_start3A_1315 = arith.constant 0 : i32
    %dma_start3A_1316 = tpu.memref_slice %arg3[%dma_start3A_1314, %dma_start3A_1315] : memref<8192x1024xf32, #tpu.memory_space<hbm>> -> memref<8192x1024xf32, #tpu.memory_space<hbm>>
    tpu.enqueue_indirect_dma source(%dma_start3A_1316 : memref<8192x1024xf32, #tpu.memory_space<hbm>>) target(%dma_start3A_1311 : memref<24x1024xf32, #tpu.memory_space<vmem>>) offsets(%dma_start3A_1313 : memref<24xi32, #tpu.memory_space<vmem>>) semaphore(%arg13 : memref<!tpu.dma_semaphore, #tpu.memory_space<semaphore_mem>>)
    %dma_wait3A_1317 = arith.constant 0 : i32
    %dma_wait3A_1318 = arith.constant 0 : i32
    %dma_wait3A_1319 = tpu.memref_slice %arg10[%dma_wait3A_1317, %dma_wait3A_1318] : memref<24x1024xf32, #tpu.memory_space<vmem>> -> memref<24x1024xf32, #tpu.memory_space<vmem>>
    %dma_wait3A_1320 = arith.constant 0 : i32
    %dma_wait3A_1321 = tpu.memref_slice %arg5[%dma_wait3A_1320] : memref<1024xi32, #tpu.memory_space<vmem>> -> memref<24xi32, #tpu.memory_space<vmem>>
    %dma_wait3A_1322 = arith.constant 0 : i32
    %dma_wait3A_1323 = arith.constant 0 : i32
    %dma_wait3A_1324 = tpu.memref_slice %arg3[%dma_wait3A_1322, %dma_wait3A_1323] : memref<8192x1024xf32, #tpu.memory_space<hbm>> -> memref<8192x1024xf32, #tpu.memory_space<hbm>>
    tpu.wait_indirect_dma semaphore(%arg15 : memref<!tpu.dma_semaphore, #tpu.memory_space<semaphore_mem>>) src(%dma_wait3A_1324 : memref<8192x1024xf32, #tpu.memory_space<hbm>>) dst(%dma_wait3A_1319 : memref<24x1024xf32, #tpu.memory_space<vmem>>)
    %add3A_1325 = arith.constant 816 : i32
    %add3A_1326 = arith.addi %mul3A_2, %add3A_1325 : i32
    %dma_start3A_1327 = arith.constant 0 : i32
    %dma_start3A_1328 = arith.constant 0 : i32
    %dma_start3A_1329 = tpu.memref_slice %arg10[%dma_start3A_1327, %dma_start3A_1328] : memref<24x1024xf32, #tpu.memory_space<vmem>> -> memref<24x1024xf32, #tpu.memory_space<vmem>>
    %dma_start3A_1330 = arith.constant 0 : i32
    %dma_start3A_1331 = tpu.memref_slice %arg4[%add3A_1326, %dma_start3A_1330] : memref<32768x1024xf32, #tpu.memory_space<hbm>> -> memref<24x1024xf32, #tpu.memory_space<hbm>>
    %dma_start3A_1332 = arith.constant 0 : i32
    %dma_start3A_1333 = tpu.memref_slice %arg4[%add3A_1326, %dma_start3A_1332] : memref<32768x1024xf32, #tpu.memory_space<hbm>> -> memref<24x1024xf32, #tpu.memory_space<hbm>>
    %dma_start3A_1334 = arith.constant 0 : i32
    %dma_start3A_1335 = arith.constant 0 : i32
    %dma_start3A_1336 = tpu.memref_slice %arg10[%dma_start3A_1334, %dma_start3A_1335] : memref<24x1024xf32, #tpu.memory_space<vmem>> -> memref<24x1024xf32, #tpu.memory_space<vmem>>
    tpu.enqueue_dma source(%dma_start3A_1336 : memref<24x1024xf32, #tpu.memory_space<vmem>>) target(%dma_start3A_1333 : memref<24x1024xf32, #tpu.memory_space<hbm>>) target_semaphore(%arg20 : memref<!tpu.dma_semaphore, #tpu.memory_space<semaphore_mem>>)
    %dma_wait3A_1337 = arith.constant 0 : i32
    %dma_wait3A_1338 = arith.constant 0 : i32
    %dma_wait3A_1339 = tpu.memref_slice %arg9[%dma_wait3A_1337, %dma_wait3A_1338] : memref<24x1024xf32, #tpu.memory_space<vmem>> -> memref<24x1024xf32, #tpu.memory_space<vmem>>
    %dma_wait3A_1340 = arith.constant 0 : i32
    %dma_wait3A_1341 = tpu.memref_slice %arg4[%mul3A_2, %dma_wait3A_1340] : memref<32768x1024xf32, #tpu.memory_space<hbm>> -> memref<24x1024xf32, #tpu.memory_space<hbm>>
    %dma_wait3A_1342 = arith.constant 0 : i32
    %dma_wait3A_1343 = tpu.memref_slice %arg4[%mul3A_2, %dma_wait3A_1342] : memref<32768x1024xf32, #tpu.memory_space<hbm>> -> memref<24x1024xf32, #tpu.memory_space<hbm>>
    %dma_wait3A_1344 = arith.constant 0 : i32
    %dma_wait3A_1345 = arith.constant 0 : i32
    %dma_wait3A_1346 = tpu.memref_slice %arg9[%dma_wait3A_1344, %dma_wait3A_1345] : memref<24x1024xf32, #tpu.memory_space<vmem>> -> memref<24x1024xf32, #tpu.memory_space<vmem>>
    tpu.wait_dma2 semaphore(%arg19 : memref<!tpu.dma_semaphore, #tpu.memory_space<semaphore_mem>>) src(%dma_wait3A_1346 : memref<24x1024xf32, #tpu.memory_space<vmem>>) dst(%dma_wait3A_1343 : memref<24x1024xf32, #tpu.memory_space<hbm>>)
    %dma_start3A_1347 = arith.constant 0 : i32
    %dma_start3A_1348 = arith.constant 0 : i32
    %dma_start3A_1349 = tpu.memref_slice %arg9[%dma_start3A_1347, %dma_start3A_1348] : memref<24x1024xf32, #tpu.memory_space<vmem>> -> memref<24x1024xf32, #tpu.memory_space<vmem>>
    %dma_start3A_1350 = arith.constant 912 : i32
    %dma_start3A_1351 = tpu.memref_slice %arg5[%dma_start3A_1350] : memref<1024xi32, #tpu.memory_space<vmem>> -> memref<24xi32, #tpu.memory_space<vmem>>
    %dma_start3A_1352 = arith.constant 0 : i32
    %dma_start3A_1353 = arith.constant 0 : i32
    %dma_start3A_1354 = tpu.memref_slice %arg3[%dma_start3A_1352, %dma_start3A_1353] : memref<8192x1024xf32, #tpu.memory_space<hbm>> -> memref<8192x1024xf32, #tpu.memory_space<hbm>>
    tpu.enqueue_indirect_dma source(%dma_start3A_1354 : memref<8192x1024xf32, #tpu.memory_space<hbm>>) target(%dma_start3A_1349 : memref<24x1024xf32, #tpu.memory_space<vmem>>) offsets(%dma_start3A_1351 : memref<24xi32, #tpu.memory_space<vmem>>) semaphore(%arg14 : memref<!tpu.dma_semaphore, #tpu.memory_space<semaphore_mem>>)
    %dma_wait3A_1355 = arith.constant 0 : i32
    %dma_wait3A_1356 = arith.constant 0 : i32
    %dma_wait3A_1357 = tpu.memref_slice %arg6[%dma_wait3A_1355, %dma_wait3A_1356] : memref<24x1024xf32, #tpu.memory_space<vmem>> -> memref<24x1024xf32, #tpu.memory_space<vmem>>
    %dma_wait3A_1358 = arith.constant 0 : i32
    %dma_wait3A_1359 = tpu.memref_slice %arg5[%dma_wait3A_1358] : memref<1024xi32, #tpu.memory_space<vmem>> -> memref<24xi32, #tpu.memory_space<vmem>>
    %dma_wait3A_1360 = arith.constant 0 : i32
    %dma_wait3A_1361 = arith.constant 0 : i32
    %dma_wait3A_1362 = tpu.memref_slice %arg3[%dma_wait3A_1360, %dma_wait3A_1361] : memref<8192x1024xf32, #tpu.memory_space<hbm>> -> memref<8192x1024xf32, #tpu.memory_space<hbm>>
    tpu.wait_indirect_dma semaphore(%arg11 : memref<!tpu.dma_semaphore, #tpu.memory_space<semaphore_mem>>) src(%dma_wait3A_1362 : memref<8192x1024xf32, #tpu.memory_space<hbm>>) dst(%dma_wait3A_1357 : memref<24x1024xf32, #tpu.memory_space<vmem>>)
    %add3A_1363 = arith.constant 840 : i32
    %add3A_1364 = arith.addi %mul3A_2, %add3A_1363 : i32
    %dma_start3A_1365 = arith.constant 0 : i32
    %dma_start3A_1366 = arith.constant 0 : i32
    %dma_start3A_1367 = tpu.memref_slice %arg6[%dma_start3A_1365, %dma_start3A_1366] : memref<24x1024xf32, #tpu.memory_space<vmem>> -> memref<24x1024xf32, #tpu.memory_space<vmem>>
    %dma_start3A_1368 = arith.constant 0 : i32
    %dma_start3A_1369 = tpu.memref_slice %arg4[%add3A_1364, %dma_start3A_1368] : memref<32768x1024xf32, #tpu.memory_space<hbm>> -> memref<24x1024xf32, #tpu.memory_space<hbm>>
    %dma_start3A_1370 = arith.constant 0 : i32
    %dma_start3A_1371 = tpu.memref_slice %arg4[%add3A_1364, %dma_start3A_1370] : memref<32768x1024xf32, #tpu.memory_space<hbm>> -> memref<24x1024xf32, #tpu.memory_space<hbm>>
    %dma_start3A_1372 = arith.constant 0 : i32
    %dma_start3A_1373 = arith.constant 0 : i32
    %dma_start3A_1374 = tpu.memref_slice %arg6[%dma_start3A_1372, %dma_start3A_1373] : memref<24x1024xf32, #tpu.memory_space<vmem>> -> memref<24x1024xf32, #tpu.memory_space<vmem>>
    tpu.enqueue_dma source(%dma_start3A_1374 : memref<24x1024xf32, #tpu.memory_space<vmem>>) target(%dma_start3A_1371 : memref<24x1024xf32, #tpu.memory_space<hbm>>) target_semaphore(%arg16 : memref<!tpu.dma_semaphore, #tpu.memory_space<semaphore_mem>>)
    %dma_wait3A_1375 = arith.constant 0 : i32
    %dma_wait3A_1376 = arith.constant 0 : i32
    %dma_wait3A_1377 = tpu.memref_slice %arg10[%dma_wait3A_1375, %dma_wait3A_1376] : memref<24x1024xf32, #tpu.memory_space<vmem>> -> memref<24x1024xf32, #tpu.memory_space<vmem>>
    %dma_wait3A_1378 = arith.constant 0 : i32
    %dma_wait3A_1379 = tpu.memref_slice %arg4[%mul3A_2, %dma_wait3A_1378] : memref<32768x1024xf32, #tpu.memory_space<hbm>> -> memref<24x1024xf32, #tpu.memory_space<hbm>>
    %dma_wait3A_1380 = arith.constant 0 : i32
    %dma_wait3A_1381 = tpu.memref_slice %arg4[%mul3A_2, %dma_wait3A_1380] : memref<32768x1024xf32, #tpu.memory_space<hbm>> -> memref<24x1024xf32, #tpu.memory_space<hbm>>
    %dma_wait3A_1382 = arith.constant 0 : i32
    %dma_wait3A_1383 = arith.constant 0 : i32
    %dma_wait3A_1384 = tpu.memref_slice %arg10[%dma_wait3A_1382, %dma_wait3A_1383] : memref<24x1024xf32, #tpu.memory_space<vmem>> -> memref<24x1024xf32, #tpu.memory_space<vmem>>
    tpu.wait_dma2 semaphore(%arg20 : memref<!tpu.dma_semaphore, #tpu.memory_space<semaphore_mem>>) src(%dma_wait3A_1384 : memref<24x1024xf32, #tpu.memory_space<vmem>>) dst(%dma_wait3A_1381 : memref<24x1024xf32, #tpu.memory_space<hbm>>)
    %dma_start3A_1385 = arith.constant 0 : i32
    %dma_start3A_1386 = arith.constant 0 : i32
    %dma_start3A_1387 = tpu.memref_slice %arg10[%dma_start3A_1385, %dma_start3A_1386] : memref<24x1024xf32, #tpu.memory_space<vmem>> -> memref<24x1024xf32, #tpu.memory_space<vmem>>
    %dma_start3A_1388 = arith.constant 936 : i32
    %dma_start3A_1389 = tpu.memref_slice %arg5[%dma_start3A_1388] : memref<1024xi32, #tpu.memory_space<vmem>> -> memref<24xi32, #tpu.memory_space<vmem>>
    %dma_start3A_1390 = arith.constant 0 : i32
    %dma_start3A_1391 = arith.constant 0 : i32
    %dma_start3A_1392 = tpu.memref_slice %arg3[%dma_start3A_1390, %dma_start3A_1391] : memref<8192x1024xf32, #tpu.memory_space<hbm>> -> memref<8192x1024xf32, #tpu.memory_space<hbm>>
    tpu.enqueue_indirect_dma source(%dma_start3A_1392 : memref<8192x1024xf32, #tpu.memory_space<hbm>>) target(%dma_start3A_1387 : memref<24x1024xf32, #tpu.memory_space<vmem>>) offsets(%dma_start3A_1389 : memref<24xi32, #tpu.memory_space<vmem>>) semaphore(%arg15 : memref<!tpu.dma_semaphore, #tpu.memory_space<semaphore_mem>>)
    %dma_wait3A_1393 = arith.constant 0 : i32
    %dma_wait3A_1394 = arith.constant 0 : i32
    %dma_wait3A_1395 = tpu.memref_slice %arg7[%dma_wait3A_1393, %dma_wait3A_1394] : memref<24x1024xf32, #tpu.memory_space<vmem>> -> memref<24x1024xf32, #tpu.memory_space<vmem>>
    %dma_wait3A_1396 = arith.constant 0 : i32
    %dma_wait3A_1397 = tpu.memref_slice %arg5[%dma_wait3A_1396] : memref<1024xi32, #tpu.memory_space<vmem>> -> memref<24xi32, #tpu.memory_space<vmem>>
    %dma_wait3A_1398 = arith.constant 0 : i32
    %dma_wait3A_1399 = arith.constant 0 : i32
    %dma_wait3A_1400 = tpu.memref_slice %arg3[%dma_wait3A_1398, %dma_wait3A_1399] : memref<8192x1024xf32, #tpu.memory_space<hbm>> -> memref<8192x1024xf32, #tpu.memory_space<hbm>>
    tpu.wait_indirect_dma semaphore(%arg12 : memref<!tpu.dma_semaphore, #tpu.memory_space<semaphore_mem>>) src(%dma_wait3A_1400 : memref<8192x1024xf32, #tpu.memory_space<hbm>>) dst(%dma_wait3A_1395 : memref<24x1024xf32, #tpu.memory_space<vmem>>)
    %add3A_1401 = arith.constant 864 : i32
    %add3A_1402 = arith.addi %mul3A_2, %add3A_1401 : i32
    %dma_start3A_1403 = arith.constant 0 : i32
    %dma_start3A_1404 = arith.constant 0 : i32
    %dma_start3A_1405 = tpu.memref_slice %arg7[%dma_start3A_1403, %dma_start3A_1404] : memref<24x1024xf32, #tpu.memory_space<vmem>> -> memref<24x1024xf32, #tpu.memory_space<vmem>>
    %dma_start3A_1406 = arith.constant 0 : i32
    %dma_start3A_1407 = tpu.memref_slice %arg4[%add3A_1402, %dma_start3A_1406] : memref<32768x1024xf32, #tpu.memory_space<hbm>> -> memref<24x1024xf32, #tpu.memory_space<hbm>>
    %dma_start3A_1408 = arith.constant 0 : i32
    %dma_start3A_1409 = tpu.memref_slice %arg4[%add3A_1402, %dma_start3A_1408] : memref<32768x1024xf32, #tpu.memory_space<hbm>> -> memref<24x1024xf32, #tpu.memory_space<hbm>>
    %dma_start3A_1410 = arith.constant 0 : i32
    %dma_start3A_1411 = arith.constant 0 : i32
    %dma_start3A_1412 = tpu.memref_slice %arg7[%dma_start3A_1410, %dma_start3A_1411] : memref<24x1024xf32, #tpu.memory_space<vmem>> -> memref<24x1024xf32, #tpu.memory_space<vmem>>
    tpu.enqueue_dma source(%dma_start3A_1412 : memref<24x1024xf32, #tpu.memory_space<vmem>>) target(%dma_start3A_1409 : memref<24x1024xf32, #tpu.memory_space<hbm>>) target_semaphore(%arg17 : memref<!tpu.dma_semaphore, #tpu.memory_space<semaphore_mem>>)
    %dma_wait3A_1413 = arith.constant 0 : i32
    %dma_wait3A_1414 = arith.constant 0 : i32
    %dma_wait3A_1415 = tpu.memref_slice %arg6[%dma_wait3A_1413, %dma_wait3A_1414] : memref<24x1024xf32, #tpu.memory_space<vmem>> -> memref<24x1024xf32, #tpu.memory_space<vmem>>
    %dma_wait3A_1416 = arith.constant 0 : i32
    %dma_wait3A_1417 = tpu.memref_slice %arg4[%mul3A_2, %dma_wait3A_1416] : memref<32768x1024xf32, #tpu.memory_space<hbm>> -> memref<24x1024xf32, #tpu.memory_space<hbm>>
    %dma_wait3A_1418 = arith.constant 0 : i32
    %dma_wait3A_1419 = tpu.memref_slice %arg4[%mul3A_2, %dma_wait3A_1418] : memref<32768x1024xf32, #tpu.memory_space<hbm>> -> memref<24x1024xf32, #tpu.memory_space<hbm>>
    %dma_wait3A_1420 = arith.constant 0 : i32
    %dma_wait3A_1421 = arith.constant 0 : i32
    %dma_wait3A_1422 = tpu.memref_slice %arg6[%dma_wait3A_1420, %dma_wait3A_1421] : memref<24x1024xf32, #tpu.memory_space<vmem>> -> memref<24x1024xf32, #tpu.memory_space<vmem>>
    tpu.wait_dma2 semaphore(%arg16 : memref<!tpu.dma_semaphore, #tpu.memory_space<semaphore_mem>>) src(%dma_wait3A_1422 : memref<24x1024xf32, #tpu.memory_space<vmem>>) dst(%dma_wait3A_1419 : memref<24x1024xf32, #tpu.memory_space<hbm>>)
    %dma_start3A_1423 = arith.constant 0 : i32
    %dma_start3A_1424 = arith.constant 0 : i32
    %dma_start3A_1425 = tpu.memref_slice %arg6[%dma_start3A_1423, %dma_start3A_1424] : memref<24x1024xf32, #tpu.memory_space<vmem>> -> memref<24x1024xf32, #tpu.memory_space<vmem>>
    %dma_start3A_1426 = arith.constant 960 : i32
    %dma_start3A_1427 = tpu.memref_slice %arg5[%dma_start3A_1426] : memref<1024xi32, #tpu.memory_space<vmem>> -> memref<24xi32, #tpu.memory_space<vmem>>
    %dma_start3A_1428 = arith.constant 0 : i32
    %dma_start3A_1429 = arith.constant 0 : i32
    %dma_start3A_1430 = tpu.memref_slice %arg3[%dma_start3A_1428, %dma_start3A_1429] : memref<8192x1024xf32, #tpu.memory_space<hbm>> -> memref<8192x1024xf32, #tpu.memory_space<hbm>>
    tpu.enqueue_indirect_dma source(%dma_start3A_1430 : memref<8192x1024xf32, #tpu.memory_space<hbm>>) target(%dma_start3A_1425 : memref<24x1024xf32, #tpu.memory_space<vmem>>) offsets(%dma_start3A_1427 : memref<24xi32, #tpu.memory_space<vmem>>) semaphore(%arg11 : memref<!tpu.dma_semaphore, #tpu.memory_space<semaphore_mem>>)
    %dma_wait3A_1431 = arith.constant 0 : i32
    %dma_wait3A_1432 = arith.constant 0 : i32
    %dma_wait3A_1433 = tpu.memref_slice %arg8[%dma_wait3A_1431, %dma_wait3A_1432] : memref<24x1024xf32, #tpu.memory_space<vmem>> -> memref<24x1024xf32, #tpu.memory_space<vmem>>
    %dma_wait3A_1434 = arith.constant 0 : i32
    %dma_wait3A_1435 = tpu.memref_slice %arg5[%dma_wait3A_1434] : memref<1024xi32, #tpu.memory_space<vmem>> -> memref<24xi32, #tpu.memory_space<vmem>>
    %dma_wait3A_1436 = arith.constant 0 : i32
    %dma_wait3A_1437 = arith.constant 0 : i32
    %dma_wait3A_1438 = tpu.memref_slice %arg3[%dma_wait3A_1436, %dma_wait3A_1437] : memref<8192x1024xf32, #tpu.memory_space<hbm>> -> memref<8192x1024xf32, #tpu.memory_space<hbm>>
    tpu.wait_indirect_dma semaphore(%arg13 : memref<!tpu.dma_semaphore, #tpu.memory_space<semaphore_mem>>) src(%dma_wait3A_1438 : memref<8192x1024xf32, #tpu.memory_space<hbm>>) dst(%dma_wait3A_1433 : memref<24x1024xf32, #tpu.memory_space<vmem>>)
    %add3A_1439 = arith.constant 888 : i32
    %add3A_1440 = arith.addi %mul3A_2, %add3A_1439 : i32
    %dma_start3A_1441 = arith.constant 0 : i32
    %dma_start3A_1442 = arith.constant 0 : i32
    %dma_start3A_1443 = tpu.memref_slice %arg8[%dma_start3A_1441, %dma_start3A_1442] : memref<24x1024xf32, #tpu.memory_space<vmem>> -> memref<24x1024xf32, #tpu.memory_space<vmem>>
    %dma_start3A_1444 = arith.constant 0 : i32
    %dma_start3A_1445 = tpu.memref_slice %arg4[%add3A_1440, %dma_start3A_1444] : memref<32768x1024xf32, #tpu.memory_space<hbm>> -> memref<24x1024xf32, #tpu.memory_space<hbm>>
    %dma_start3A_1446 = arith.constant 0 : i32
    %dma_start3A_1447 = tpu.memref_slice %arg4[%add3A_1440, %dma_start3A_1446] : memref<32768x1024xf32, #tpu.memory_space<hbm>> -> memref<24x1024xf32, #tpu.memory_space<hbm>>
    %dma_start3A_1448 = arith.constant 0 : i32
    %dma_start3A_1449 = arith.constant 0 : i32
    %dma_start3A_1450 = tpu.memref_slice %arg8[%dma_start3A_1448, %dma_start3A_1449] : memref<24x1024xf32, #tpu.memory_space<vmem>> -> memref<24x1024xf32, #tpu.memory_space<vmem>>
    tpu.enqueue_dma source(%dma_start3A_1450 : memref<24x1024xf32, #tpu.memory_space<vmem>>) target(%dma_start3A_1447 : memref<24x1024xf32, #tpu.memory_space<hbm>>) target_semaphore(%arg18 : memref<!tpu.dma_semaphore, #tpu.memory_space<semaphore_mem>>)
    %dma_wait3A_1451 = arith.constant 0 : i32
    %dma_wait3A_1452 = arith.constant 0 : i32
    %dma_wait3A_1453 = tpu.memref_slice %arg7[%dma_wait3A_1451, %dma_wait3A_1452] : memref<24x1024xf32, #tpu.memory_space<vmem>> -> memref<24x1024xf32, #tpu.memory_space<vmem>>
    %dma_wait3A_1454 = arith.constant 0 : i32
    %dma_wait3A_1455 = tpu.memref_slice %arg4[%mul3A_2, %dma_wait3A_1454] : memref<32768x1024xf32, #tpu.memory_space<hbm>> -> memref<24x1024xf32, #tpu.memory_space<hbm>>
    %dma_wait3A_1456 = arith.constant 0 : i32
    %dma_wait3A_1457 = tpu.memref_slice %arg4[%mul3A_2, %dma_wait3A_1456] : memref<32768x1024xf32, #tpu.memory_space<hbm>> -> memref<24x1024xf32, #tpu.memory_space<hbm>>
    %dma_wait3A_1458 = arith.constant 0 : i32
    %dma_wait3A_1459 = arith.constant 0 : i32
    %dma_wait3A_1460 = tpu.memref_slice %arg7[%dma_wait3A_1458, %dma_wait3A_1459] : memref<24x1024xf32, #tpu.memory_space<vmem>> -> memref<24x1024xf32, #tpu.memory_space<vmem>>
    tpu.wait_dma2 semaphore(%arg17 : memref<!tpu.dma_semaphore, #tpu.memory_space<semaphore_mem>>) src(%dma_wait3A_1460 : memref<24x1024xf32, #tpu.memory_space<vmem>>) dst(%dma_wait3A_1457 : memref<24x1024xf32, #tpu.memory_space<hbm>>)
    %dma_start3A_1461 = arith.constant 0 : i32
    %dma_start3A_1462 = arith.constant 0 : i32
    %dma_start3A_1463 = tpu.memref_slice %arg7[%dma_start3A_1461, %dma_start3A_1462] : memref<24x1024xf32, #tpu.memory_space<vmem>> -> memref<24x1024xf32, #tpu.memory_space<vmem>>
    %dma_start3A_1464 = arith.constant 984 : i32
    %dma_start3A_1465 = tpu.memref_slice %arg5[%dma_start3A_1464] : memref<1024xi32, #tpu.memory_space<vmem>> -> memref<24xi32, #tpu.memory_space<vmem>>
    %dma_start3A_1466 = arith.constant 0 : i32
    %dma_start3A_1467 = arith.constant 0 : i32
    %dma_start3A_1468 = tpu.memref_slice %arg3[%dma_start3A_1466, %dma_start3A_1467] : memref<8192x1024xf32, #tpu.memory_space<hbm>> -> memref<8192x1024xf32, #tpu.memory_space<hbm>>
    tpu.enqueue_indirect_dma source(%dma_start3A_1468 : memref<8192x1024xf32, #tpu.memory_space<hbm>>) target(%dma_start3A_1463 : memref<24x1024xf32, #tpu.memory_space<vmem>>) offsets(%dma_start3A_1465 : memref<24xi32, #tpu.memory_space<vmem>>) semaphore(%arg12 : memref<!tpu.dma_semaphore, #tpu.memory_space<semaphore_mem>>)
    %dma_wait3A_1469 = arith.constant 0 : i32
    %dma_wait3A_1470 = arith.constant 0 : i32
    %dma_wait3A_1471 = tpu.memref_slice %arg9[%dma_wait3A_1469, %dma_wait3A_1470] : memref<24x1024xf32, #tpu.memory_space<vmem>> -> memref<24x1024xf32, #tpu.memory_space<vmem>>
    %dma_wait3A_1472 = arith.constant 0 : i32
    %dma_wait3A_1473 = tpu.memref_slice %arg5[%dma_wait3A_1472] : memref<1024xi32, #tpu.memory_space<vmem>> -> memref<24xi32, #tpu.memory_space<vmem>>
    %dma_wait3A_1474 = arith.constant 0 : i32
    %dma_wait3A_1475 = arith.constant 0 : i32
    %dma_wait3A_1476 = tpu.memref_slice %arg3[%dma_wait3A_1474, %dma_wait3A_1475] : memref<8192x1024xf32, #tpu.memory_space<hbm>> -> memref<8192x1024xf32, #tpu.memory_space<hbm>>
    tpu.wait_indirect_dma semaphore(%arg14 : memref<!tpu.dma_semaphore, #tpu.memory_space<semaphore_mem>>) src(%dma_wait3A_1476 : memref<8192x1024xf32, #tpu.memory_space<hbm>>) dst(%dma_wait3A_1471 : memref<24x1024xf32, #tpu.memory_space<vmem>>)
    %add3A_1477 = arith.constant 912 : i32
    %add3A_1478 = arith.addi %mul3A_2, %add3A_1477 : i32
    %dma_start3A_1479 = arith.constant 0 : i32
    %dma_start3A_1480 = arith.constant 0 : i32
    %dma_start3A_1481 = tpu.memref_slice %arg9[%dma_start3A_1479, %dma_start3A_1480] : memref<24x1024xf32, #tpu.memory_space<vmem>> -> memref<24x1024xf32, #tpu.memory_space<vmem>>
    %dma_start3A_1482 = arith.constant 0 : i32
    %dma_start3A_1483 = tpu.memref_slice %arg4[%add3A_1478, %dma_start3A_1482] : memref<32768x1024xf32, #tpu.memory_space<hbm>> -> memref<24x1024xf32, #tpu.memory_space<hbm>>
    %dma_start3A_1484 = arith.constant 0 : i32
    %dma_start3A_1485 = tpu.memref_slice %arg4[%add3A_1478, %dma_start3A_1484] : memref<32768x1024xf32, #tpu.memory_space<hbm>> -> memref<24x1024xf32, #tpu.memory_space<hbm>>
    %dma_start3A_1486 = arith.constant 0 : i32
    %dma_start3A_1487 = arith.constant 0 : i32
    %dma_start3A_1488 = tpu.memref_slice %arg9[%dma_start3A_1486, %dma_start3A_1487] : memref<24x1024xf32, #tpu.memory_space<vmem>> -> memref<24x1024xf32, #tpu.memory_space<vmem>>
    tpu.enqueue_dma source(%dma_start3A_1488 : memref<24x1024xf32, #tpu.memory_space<vmem>>) target(%dma_start3A_1485 : memref<24x1024xf32, #tpu.memory_space<hbm>>) target_semaphore(%arg19 : memref<!tpu.dma_semaphore, #tpu.memory_space<semaphore_mem>>)
    %dma_wait3A_1489 = arith.constant 0 : i32
    %dma_wait3A_1490 = arith.constant 0 : i32
    %dma_wait3A_1491 = tpu.memref_slice %arg8[%dma_wait3A_1489, %dma_wait3A_1490] : memref<24x1024xf32, #tpu.memory_space<vmem>> -> memref<24x1024xf32, #tpu.memory_space<vmem>>
    %dma_wait3A_1492 = arith.constant 0 : i32
    %dma_wait3A_1493 = tpu.memref_slice %arg4[%mul3A_2, %dma_wait3A_1492] : memref<32768x1024xf32, #tpu.memory_space<hbm>> -> memref<24x1024xf32, #tpu.memory_space<hbm>>
    %dma_wait3A_1494 = arith.constant 0 : i32
    %dma_wait3A_1495 = tpu.memref_slice %arg4[%mul3A_2, %dma_wait3A_1494] : memref<32768x1024xf32, #tpu.memory_space<hbm>> -> memref<24x1024xf32, #tpu.memory_space<hbm>>
    %dma_wait3A_1496 = arith.constant 0 : i32
    %dma_wait3A_1497 = arith.constant 0 : i32
    %dma_wait3A_1498 = tpu.memref_slice %arg8[%dma_wait3A_1496, %dma_wait3A_1497] : memref<24x1024xf32, #tpu.memory_space<vmem>> -> memref<24x1024xf32, #tpu.memory_space<vmem>>
    tpu.wait_dma2 semaphore(%arg18 : memref<!tpu.dma_semaphore, #tpu.memory_space<semaphore_mem>>) src(%dma_wait3A_1498 : memref<24x1024xf32, #tpu.memory_space<vmem>>) dst(%dma_wait3A_1495 : memref<24x1024xf32, #tpu.memory_space<hbm>>)
    %dma_start3A_1499 = arith.constant 0 : i32
    %dma_start3A_1500 = arith.constant 0 : i32
    %dma_start3A_1501 = tpu.memref_slice %arg8[%dma_start3A_1499, %dma_start3A_1500] : memref<24x1024xf32, #tpu.memory_space<vmem>> -> memref<16x1024xf32, #tpu.memory_space<vmem>>
    %dma_start3A_1502 = arith.constant 1008 : i32
    %dma_start3A_1503 = tpu.memref_slice %arg5[%dma_start3A_1502] : memref<1024xi32, #tpu.memory_space<vmem>> -> memref<16xi32, #tpu.memory_space<vmem>>
    %dma_start3A_1504 = arith.constant 0 : i32
    %dma_start3A_1505 = arith.constant 0 : i32
    %dma_start3A_1506 = tpu.memref_slice %arg3[%dma_start3A_1504, %dma_start3A_1505] : memref<8192x1024xf32, #tpu.memory_space<hbm>> -> memref<8192x1024xf32, #tpu.memory_space<hbm>>
    tpu.enqueue_indirect_dma source(%dma_start3A_1506 : memref<8192x1024xf32, #tpu.memory_space<hbm>>) target(%dma_start3A_1501 : memref<16x1024xf32, #tpu.memory_space<vmem>>) offsets(%dma_start3A_1503 : memref<16xi32, #tpu.memory_space<vmem>>) semaphore(%arg13 : memref<!tpu.dma_semaphore, #tpu.memory_space<semaphore_mem>>)
    %dma_wait3A_1507 = arith.constant 0 : i32
    %dma_wait3A_1508 = arith.constant 0 : i32
    %dma_wait3A_1509 = tpu.memref_slice %arg10[%dma_wait3A_1507, %dma_wait3A_1508] : memref<24x1024xf32, #tpu.memory_space<vmem>> -> memref<24x1024xf32, #tpu.memory_space<vmem>>
    %dma_wait3A_1510 = arith.constant 0 : i32
    %dma_wait3A_1511 = tpu.memref_slice %arg5[%dma_wait3A_1510] : memref<1024xi32, #tpu.memory_space<vmem>> -> memref<24xi32, #tpu.memory_space<vmem>>
    %dma_wait3A_1512 = arith.constant 0 : i32
    %dma_wait3A_1513 = arith.constant 0 : i32
    %dma_wait3A_1514 = tpu.memref_slice %arg3[%dma_wait3A_1512, %dma_wait3A_1513] : memref<8192x1024xf32, #tpu.memory_space<hbm>> -> memref<8192x1024xf32, #tpu.memory_space<hbm>>
    tpu.wait_indirect_dma semaphore(%arg15 : memref<!tpu.dma_semaphore, #tpu.memory_space<semaphore_mem>>) src(%dma_wait3A_1514 : memref<8192x1024xf32, #tpu.memory_space<hbm>>) dst(%dma_wait3A_1509 : memref<24x1024xf32, #tpu.memory_space<vmem>>)
    %add3A_1515 = arith.constant 936 : i32
    %add3A_1516 = arith.addi %mul3A_2, %add3A_1515 : i32
    %dma_start3A_1517 = arith.constant 0 : i32
    %dma_start3A_1518 = arith.constant 0 : i32
    %dma_start3A_1519 = tpu.memref_slice %arg10[%dma_start3A_1517, %dma_start3A_1518] : memref<24x1024xf32, #tpu.memory_space<vmem>> -> memref<24x1024xf32, #tpu.memory_space<vmem>>
    %dma_start3A_1520 = arith.constant 0 : i32
    %dma_start3A_1521 = tpu.memref_slice %arg4[%add3A_1516, %dma_start3A_1520] : memref<32768x1024xf32, #tpu.memory_space<hbm>> -> memref<24x1024xf32, #tpu.memory_space<hbm>>
    %dma_start3A_1522 = arith.constant 0 : i32
    %dma_start3A_1523 = tpu.memref_slice %arg4[%add3A_1516, %dma_start3A_1522] : memref<32768x1024xf32, #tpu.memory_space<hbm>> -> memref<24x1024xf32, #tpu.memory_space<hbm>>
    %dma_start3A_1524 = arith.constant 0 : i32
    %dma_start3A_1525 = arith.constant 0 : i32
    %dma_start3A_1526 = tpu.memref_slice %arg10[%dma_start3A_1524, %dma_start3A_1525] : memref<24x1024xf32, #tpu.memory_space<vmem>> -> memref<24x1024xf32, #tpu.memory_space<vmem>>
    tpu.enqueue_dma source(%dma_start3A_1526 : memref<24x1024xf32, #tpu.memory_space<vmem>>) target(%dma_start3A_1523 : memref<24x1024xf32, #tpu.memory_space<hbm>>) target_semaphore(%arg20 : memref<!tpu.dma_semaphore, #tpu.memory_space<semaphore_mem>>)
    %dma_wait3A_1527 = arith.constant 0 : i32
    %dma_wait3A_1528 = arith.constant 0 : i32
    %dma_wait3A_1529 = tpu.memref_slice %arg6[%dma_wait3A_1527, %dma_wait3A_1528] : memref<24x1024xf32, #tpu.memory_space<vmem>> -> memref<24x1024xf32, #tpu.memory_space<vmem>>
    %dma_wait3A_1530 = arith.constant 0 : i32
    %dma_wait3A_1531 = tpu.memref_slice %arg5[%dma_wait3A_1530] : memref<1024xi32, #tpu.memory_space<vmem>> -> memref<24xi32, #tpu.memory_space<vmem>>
    %dma_wait3A_1532 = arith.constant 0 : i32
    %dma_wait3A_1533 = arith.constant 0 : i32
    %dma_wait3A_1534 = tpu.memref_slice %arg3[%dma_wait3A_1532, %dma_wait3A_1533] : memref<8192x1024xf32, #tpu.memory_space<hbm>> -> memref<8192x1024xf32, #tpu.memory_space<hbm>>
    tpu.wait_indirect_dma semaphore(%arg11 : memref<!tpu.dma_semaphore, #tpu.memory_space<semaphore_mem>>) src(%dma_wait3A_1534 : memref<8192x1024xf32, #tpu.memory_space<hbm>>) dst(%dma_wait3A_1529 : memref<24x1024xf32, #tpu.memory_space<vmem>>)
    %add3A_1535 = arith.constant 960 : i32
    %add3A_1536 = arith.addi %mul3A_2, %add3A_1535 : i32
    %dma_start3A_1537 = arith.constant 0 : i32
    %dma_start3A_1538 = arith.constant 0 : i32
    %dma_start3A_1539 = tpu.memref_slice %arg6[%dma_start3A_1537, %dma_start3A_1538] : memref<24x1024xf32, #tpu.memory_space<vmem>> -> memref<24x1024xf32, #tpu.memory_space<vmem>>
    %dma_start3A_1540 = arith.constant 0 : i32
    %dma_start3A_1541 = tpu.memref_slice %arg4[%add3A_1536, %dma_start3A_1540] : memref<32768x1024xf32, #tpu.memory_space<hbm>> -> memref<24x1024xf32, #tpu.memory_space<hbm>>
    %dma_start3A_1542 = arith.constant 0 : i32
    %dma_start3A_1543 = tpu.memref_slice %arg4[%add3A_1536, %dma_start3A_1542] : memref<32768x1024xf32, #tpu.memory_space<hbm>> -> memref<24x1024xf32, #tpu.memory_space<hbm>>
    %dma_start3A_1544 = arith.constant 0 : i32
    %dma_start3A_1545 = arith.constant 0 : i32
    %dma_start3A_1546 = tpu.memref_slice %arg6[%dma_start3A_1544, %dma_start3A_1545] : memref<24x1024xf32, #tpu.memory_space<vmem>> -> memref<24x1024xf32, #tpu.memory_space<vmem>>
    tpu.enqueue_dma source(%dma_start3A_1546 : memref<24x1024xf32, #tpu.memory_space<vmem>>) target(%dma_start3A_1543 : memref<24x1024xf32, #tpu.memory_space<hbm>>) target_semaphore(%arg16 : memref<!tpu.dma_semaphore, #tpu.memory_space<semaphore_mem>>)
    %dma_wait3A_1547 = arith.constant 0 : i32
    %dma_wait3A_1548 = arith.constant 0 : i32
    %dma_wait3A_1549 = tpu.memref_slice %arg7[%dma_wait3A_1547, %dma_wait3A_1548] : memref<24x1024xf32, #tpu.memory_space<vmem>> -> memref<24x1024xf32, #tpu.memory_space<vmem>>
    %dma_wait3A_1550 = arith.constant 0 : i32
    %dma_wait3A_1551 = tpu.memref_slice %arg5[%dma_wait3A_1550] : memref<1024xi32, #tpu.memory_space<vmem>> -> memref<24xi32, #tpu.memory_space<vmem>>
    %dma_wait3A_1552 = arith.constant 0 : i32
    %dma_wait3A_1553 = arith.constant 0 : i32
    %dma_wait3A_1554 = tpu.memref_slice %arg3[%dma_wait3A_1552, %dma_wait3A_1553] : memref<8192x1024xf32, #tpu.memory_space<hbm>> -> memref<8192x1024xf32, #tpu.memory_space<hbm>>
    tpu.wait_indirect_dma semaphore(%arg12 : memref<!tpu.dma_semaphore, #tpu.memory_space<semaphore_mem>>) src(%dma_wait3A_1554 : memref<8192x1024xf32, #tpu.memory_space<hbm>>) dst(%dma_wait3A_1549 : memref<24x1024xf32, #tpu.memory_space<vmem>>)
    %add3A_1555 = arith.constant 984 : i32
    %add3A_1556 = arith.addi %mul3A_2, %add3A_1555 : i32
    %dma_start3A_1557 = arith.constant 0 : i32
    %dma_start3A_1558 = arith.constant 0 : i32
    %dma_start3A_1559 = tpu.memref_slice %arg7[%dma_start3A_1557, %dma_start3A_1558] : memref<24x1024xf32, #tpu.memory_space<vmem>> -> memref<24x1024xf32, #tpu.memory_space<vmem>>
    %dma_start3A_1560 = arith.constant 0 : i32
    %dma_start3A_1561 = tpu.memref_slice %arg4[%add3A_1556, %dma_start3A_1560] : memref<32768x1024xf32, #tpu.memory_space<hbm>> -> memref<24x1024xf32, #tpu.memory_space<hbm>>
    %dma_start3A_1562 = arith.constant 0 : i32
    %dma_start3A_1563 = tpu.memref_slice %arg4[%add3A_1556, %dma_start3A_1562] : memref<32768x1024xf32, #tpu.memory_space<hbm>> -> memref<24x1024xf32, #tpu.memory_space<hbm>>
    %dma_start3A_1564 = arith.constant 0 : i32
    %dma_start3A_1565 = arith.constant 0 : i32
    %dma_start3A_1566 = tpu.memref_slice %arg7[%dma_start3A_1564, %dma_start3A_1565] : memref<24x1024xf32, #tpu.memory_space<vmem>> -> memref<24x1024xf32, #tpu.memory_space<vmem>>
    tpu.enqueue_dma source(%dma_start3A_1566 : memref<24x1024xf32, #tpu.memory_space<vmem>>) target(%dma_start3A_1563 : memref<24x1024xf32, #tpu.memory_space<hbm>>) target_semaphore(%arg17 : memref<!tpu.dma_semaphore, #tpu.memory_space<semaphore_mem>>)
    %dma_wait3A_1567 = arith.constant 0 : i32
    %dma_wait3A_1568 = arith.constant 0 : i32
    %dma_wait3A_1569 = tpu.memref_slice %arg8[%dma_wait3A_1567, %dma_wait3A_1568] : memref<24x1024xf32, #tpu.memory_space<vmem>> -> memref<16x1024xf32, #tpu.memory_space<vmem>>
    %dma_wait3A_1570 = arith.constant 0 : i32
    %dma_wait3A_1571 = tpu.memref_slice %arg5[%dma_wait3A_1570] : memref<1024xi32, #tpu.memory_space<vmem>> -> memref<16xi32, #tpu.memory_space<vmem>>
    %dma_wait3A_1572 = arith.constant 0 : i32
    %dma_wait3A_1573 = arith.constant 0 : i32
    %dma_wait3A_1574 = tpu.memref_slice %arg3[%dma_wait3A_1572, %dma_wait3A_1573] : memref<8192x1024xf32, #tpu.memory_space<hbm>> -> memref<8192x1024xf32, #tpu.memory_space<hbm>>
    tpu.wait_indirect_dma semaphore(%arg13 : memref<!tpu.dma_semaphore, #tpu.memory_space<semaphore_mem>>) src(%dma_wait3A_1574 : memref<8192x1024xf32, #tpu.memory_space<hbm>>) dst(%dma_wait3A_1569 : memref<16x1024xf32, #tpu.memory_space<vmem>>)
    %add3A_1575 = arith.constant 1008 : i32
    %add3A_1576 = arith.addi %mul3A_2, %add3A_1575 : i32
    %dma_start3A_1577 = arith.constant 0 : i32
    %dma_start3A_1578 = arith.constant 0 : i32
    %dma_start3A_1579 = tpu.memref_slice %arg8[%dma_start3A_1577, %dma_start3A_1578] : memref<24x1024xf32, #tpu.memory_space<vmem>> -> memref<16x1024xf32, #tpu.memory_space<vmem>>
    %dma_start3A_1580 = arith.constant 0 : i32
    %dma_start3A_1581 = tpu.memref_slice %arg4[%add3A_1576, %dma_start3A_1580] : memref<32768x1024xf32, #tpu.memory_space<hbm>> -> memref<16x1024xf32, #tpu.memory_space<hbm>>
    %dma_start3A_1582 = arith.constant 0 : i32
    %dma_start3A_1583 = tpu.memref_slice %arg4[%add3A_1576, %dma_start3A_1582] : memref<32768x1024xf32, #tpu.memory_space<hbm>> -> memref<16x1024xf32, #tpu.memory_space<hbm>>
    %dma_start3A_1584 = arith.constant 0 : i32
    %dma_start3A_1585 = arith.constant 0 : i32
    %dma_start3A_1586 = tpu.memref_slice %arg8[%dma_start3A_1584, %dma_start3A_1585] : memref<24x1024xf32, #tpu.memory_space<vmem>> -> memref<16x1024xf32, #tpu.memory_space<vmem>>
    tpu.enqueue_dma source(%dma_start3A_1586 : memref<16x1024xf32, #tpu.memory_space<vmem>>) target(%dma_start3A_1583 : memref<16x1024xf32, #tpu.memory_space<hbm>>) target_semaphore(%arg18 : memref<!tpu.dma_semaphore, #tpu.memory_space<semaphore_mem>>)
    %dma_wait3A_1587 = arith.constant 0 : i32
    %dma_wait3A_1588 = arith.constant 0 : i32
    %dma_wait3A_1589 = tpu.memref_slice %arg9[%dma_wait3A_1587, %dma_wait3A_1588] : memref<24x1024xf32, #tpu.memory_space<vmem>> -> memref<24x1024xf32, #tpu.memory_space<vmem>>
    %dma_wait3A_1590 = arith.constant 0 : i32
    %dma_wait3A_1591 = tpu.memref_slice %arg4[%mul3A_2, %dma_wait3A_1590] : memref<32768x1024xf32, #tpu.memory_space<hbm>> -> memref<24x1024xf32, #tpu.memory_space<hbm>>
    %dma_wait3A_1592 = arith.constant 0 : i32
    %dma_wait3A_1593 = tpu.memref_slice %arg4[%mul3A_2, %dma_wait3A_1592] : memref<32768x1024xf32, #tpu.memory_space<hbm>> -> memref<24x1024xf32, #tpu.memory_space<hbm>>
    %dma_wait3A_1594 = arith.constant 0 : i32
    %dma_wait3A_1595 = arith.constant 0 : i32
    %dma_wait3A_1596 = tpu.memref_slice %arg9[%dma_wait3A_1594, %dma_wait3A_1595] : memref<24x1024xf32, #tpu.memory_space<vmem>> -> memref<24x1024xf32, #tpu.memory_space<vmem>>
    tpu.wait_dma2 semaphore(%arg19 : memref<!tpu.dma_semaphore, #tpu.memory_space<semaphore_mem>>) src(%dma_wait3A_1596 : memref<24x1024xf32, #tpu.memory_space<vmem>>) dst(%dma_wait3A_1593 : memref<24x1024xf32, #tpu.memory_space<hbm>>)
    %dma_wait3A_1597 = arith.constant 0 : i32
    %dma_wait3A_1598 = arith.constant 0 : i32
    %dma_wait3A_1599 = tpu.memref_slice %arg10[%dma_wait3A_1597, %dma_wait3A_1598] : memref<24x1024xf32, #tpu.memory_space<vmem>> -> memref<24x1024xf32, #tpu.memory_space<vmem>>
    %dma_wait3A_1600 = arith.constant 0 : i32
    %dma_wait3A_1601 = tpu.memref_slice %arg4[%mul3A_2, %dma_wait3A_1600] : memref<32768x1024xf32, #tpu.memory_space<hbm>> -> memref<24x1024xf32, #tpu.memory_space<hbm>>
    %dma_wait3A_1602 = arith.constant 0 : i32
    %dma_wait3A_1603 = tpu.memref_slice %arg4[%mul3A_2, %dma_wait3A_1602] : memref<32768x1024xf32, #tpu.memory_space<hbm>> -> memref<24x1024xf32, #tpu.memory_space<hbm>>
    %dma_wait3A_1604 = arith.constant 0 : i32
    %dma_wait3A_1605 = arith.constant 0 : i32
    %dma_wait3A_1606 = tpu.memref_slice %arg10[%dma_wait3A_1604, %dma_wait3A_1605] : memref<24x1024xf32, #tpu.memory_space<vmem>> -> memref<24x1024xf32, #tpu.memory_space<vmem>>
    tpu.wait_dma2 semaphore(%arg20 : memref<!tpu.dma_semaphore, #tpu.memory_space<semaphore_mem>>) src(%dma_wait3A_1606 : memref<24x1024xf32, #tpu.memory_space<vmem>>) dst(%dma_wait3A_1603 : memref<24x1024xf32, #tpu.memory_space<hbm>>)
    %dma_wait3A_1607 = arith.constant 0 : i32
    %dma_wait3A_1608 = arith.constant 0 : i32
    %dma_wait3A_1609 = tpu.memref_slice %arg6[%dma_wait3A_1607, %dma_wait3A_1608] : memref<24x1024xf32, #tpu.memory_space<vmem>> -> memref<24x1024xf32, #tpu.memory_space<vmem>>
    %dma_wait3A_1610 = arith.constant 0 : i32
    %dma_wait3A_1611 = tpu.memref_slice %arg4[%mul3A_2, %dma_wait3A_1610] : memref<32768x1024xf32, #tpu.memory_space<hbm>> -> memref<24x1024xf32, #tpu.memory_space<hbm>>
    %dma_wait3A_1612 = arith.constant 0 : i32
    %dma_wait3A_1613 = tpu.memref_slice %arg4[%mul3A_2, %dma_wait3A_1612] : memref<32768x1024xf32, #tpu.memory_space<hbm>> -> memref<24x1024xf32, #tpu.memory_space<hbm>>
    %dma_wait3A_1614 = arith.constant 0 : i32
    %dma_wait3A_1615 = arith.constant 0 : i32
    %dma_wait3A_1616 = tpu.memref_slice %arg6[%dma_wait3A_1614, %dma_wait3A_1615] : memref<24x1024xf32, #tpu.memory_space<vmem>> -> memref<24x1024xf32, #tpu.memory_space<vmem>>
    tpu.wait_dma2 semaphore(%arg16 : memref<!tpu.dma_semaphore, #tpu.memory_space<semaphore_mem>>) src(%dma_wait3A_1616 : memref<24x1024xf32, #tpu.memory_space<vmem>>) dst(%dma_wait3A_1613 : memref<24x1024xf32, #tpu.memory_space<hbm>>)
    %dma_wait3A_1617 = arith.constant 0 : i32
    %dma_wait3A_1618 = arith.constant 0 : i32
    %dma_wait3A_1619 = tpu.memref_slice %arg7[%dma_wait3A_1617, %dma_wait3A_1618] : memref<24x1024xf32, #tpu.memory_space<vmem>> -> memref<24x1024xf32, #tpu.memory_space<vmem>>
    %dma_wait3A_1620 = arith.constant 0 : i32
    %dma_wait3A_1621 = tpu.memref_slice %arg4[%mul3A_2, %dma_wait3A_1620] : memref<32768x1024xf32, #tpu.memory_space<hbm>> -> memref<24x1024xf32, #tpu.memory_space<hbm>>
    %dma_wait3A_1622 = arith.constant 0 : i32
    %dma_wait3A_1623 = tpu.memref_slice %arg4[%mul3A_2, %dma_wait3A_1622] : memref<32768x1024xf32, #tpu.memory_space<hbm>> -> memref<24x1024xf32, #tpu.memory_space<hbm>>
    %dma_wait3A_1624 = arith.constant 0 : i32
    %dma_wait3A_1625 = arith.constant 0 : i32
    %dma_wait3A_1626 = tpu.memref_slice %arg7[%dma_wait3A_1624, %dma_wait3A_1625] : memref<24x1024xf32, #tpu.memory_space<vmem>> -> memref<24x1024xf32, #tpu.memory_space<vmem>>
    tpu.wait_dma2 semaphore(%arg17 : memref<!tpu.dma_semaphore, #tpu.memory_space<semaphore_mem>>) src(%dma_wait3A_1626 : memref<24x1024xf32, #tpu.memory_space<vmem>>) dst(%dma_wait3A_1623 : memref<24x1024xf32, #tpu.memory_space<hbm>>)
    %dma_wait3A_1627 = arith.constant 0 : i32
    %dma_wait3A_1628 = arith.constant 0 : i32
    %dma_wait3A_1629 = tpu.memref_slice %arg8[%dma_wait3A_1627, %dma_wait3A_1628] : memref<24x1024xf32, #tpu.memory_space<vmem>> -> memref<16x1024xf32, #tpu.memory_space<vmem>>
    %dma_wait3A_1630 = arith.constant 0 : i32
    %dma_wait3A_1631 = tpu.memref_slice %arg4[%mul3A_2, %dma_wait3A_1630] : memref<32768x1024xf32, #tpu.memory_space<hbm>> -> memref<16x1024xf32, #tpu.memory_space<hbm>>
    %dma_wait3A_1632 = arith.constant 0 : i32
    %dma_wait3A_1633 = tpu.memref_slice %arg4[%mul3A_2, %dma_wait3A_1632] : memref<32768x1024xf32, #tpu.memory_space<hbm>> -> memref<16x1024xf32, #tpu.memory_space<hbm>>
    %dma_wait3A_1634 = arith.constant 0 : i32
    %dma_wait3A_1635 = arith.constant 0 : i32
    %dma_wait3A_1636 = tpu.memref_slice %arg8[%dma_wait3A_1634, %dma_wait3A_1635] : memref<24x1024xf32, #tpu.memory_space<vmem>> -> memref<16x1024xf32, #tpu.memory_space<vmem>>
    tpu.wait_dma2 semaphore(%arg18 : memref<!tpu.dma_semaphore, #tpu.memory_space<semaphore_mem>>) src(%dma_wait3A_1636 : memref<16x1024xf32, #tpu.memory_space<vmem>>) dst(%dma_wait3A_1633 : memref<16x1024xf32, #tpu.memory_space<hbm>>)
    return
  }
}

</mosaic_0001>

<sc_bundles>
// kernel: _emb.3.cloned.1.call-start
scs
__scs_entry_jumppad:
0x0: {  	(pc) =	sbr.rel $0x88, $3  }
0x1: {  	(tag) =	ssettag $0x0;
	lr =	simm.s32 $0x1  }
0x2: {  	[smem:$0x3F9F] =	sst lr;
	_ =	strace $0xD0000000  }
0x3: {  	_ = 	snop  }
0x4: {  	_ = 	snop  }
0x5: {  	_ = 	snop  }
0x6: {  	_ = 	snop  }
0x7: {  	_ = 	snop  }
__scs_overlays_trampoline_lowered:
0x8: {  	[smem:$0x3FAE] =	sst s0  }
0x9: {  	[smem:$0x3FAF] =	sst s1  }
0xa: {  	[smem:$0x3FB0] =	sst s2  }
0xb: {  	[smem:$0x3FB1] =	sst s3  }
0xc: {  	[smem:$0x3FB2] =	sst s4  }
0xd: {  	[smem:$0x3FB3] =	sst s5  }
0xe: {  	[smem:$0x3FB4] =	sst s6  }
0xf: {  	[smem:$0x3FB5] =	sst s7  }
0x10: {  	[smem:$0x3FB6] =	sst s8  }
0x11: {  	[smem:$0x3FB7] =	sst s9;
	s0 =	simm.s32 @!p0 $0x0  }
0x12: {  	s1 =	sld [smem:$0x3F9D];
	s0 =	simm.s32 @p0 $0x1  }
0x13: {  	[smem:$0x3FB8] =	sst s0;
	s0 =	simm.s32 @!p1 $0x0  }
0x14: {  	s2 =	sld [smem:$0x3F9C];
	s0 =	simm.s32 @p1 $0x1  }
0x15: {  	[smem:$0x3FB9] =	sst s0;
	s0 =	simm.s32 @!p2 $0x0  }
0x16: {  	s3 =	sld [smem:$0x3FDB];
	s0 =	simm.s32 @p2 $0x1  }
0x17: {  	s4 =	simm.s32 $0x1BF5;
	[smem:$0x3FBB] =	sst s0  }
0x18: {  	s0 =	sld [smem:$0x3F9E];
	_ =	swait.ge [sflag:s4], $0x0  }
0x19: {  	s7 =	sld [smem:$0x3F9F]  }
0x1a: {  	s8 =	sadd.s32 $0xFFFFE003, lr  }
0x1b: {  	s9 =	sadd.s32 $0xFFFFFEF7, lr;
	s5 =	simm.s32 $0xFFFFFFFF;
	p2 =	slt.u32 s8, $0xFFFFF086  }
0x1c: {  	p1 =	slt.u32 s9, $0xF7A;
	s5 =	simm.s32 @!p2 $0x0  }
0x1d: {  	s5 =	simm.s32 @p1 $0x1;
	p0 =	seq.s32 s7, s2  }
0x1e: {  	s7 =	smul.u32 @!p0 $0xF7A, s2;
	p2 =	seq.s32 @!p0 s5, $0x0  }
0x1f: {  	s9 =	smul.u32 $0xF7A, s1;
	s8 =	simm.s32 @!p0 $0x1BF5;
	p2 =	por !p2, p0  }
0x20: {  	[sflag:s8] =	ssyncset.s32 @!p0 $0xFFFFF086;
	s6 =	sadd.s32 @!p0 s3, s7;
	s7 =	simm.s32 @!p0 $0x108  }
0x21: {  	s3 =	sadd.s32 s3, s9;
	s6 =	sadd.s32 @!p0 $0x88, s6;
	s7 =	simm.s32 @p2 $0x1082  }
0x22: {  	[simem:s7], [sflag:s8] =	dma.local @!p0 [hbm:s6], $0xF7A  }
0x23: {  	s9 =	sor.u32 $0xD0000000, s2;
	s6 =	simm.s32 $0x108;
	_ =	swait.ge @!p0 [sflag:s8], $0x0  }
0x24: {  	s3 =	sadd.s32 $0x88, s3;
	s6 =	simm.s32 @!p1 $0x1082;
	[sflag:s4] =	ssyncset.s32 $0xFFFFF086  }
0x25: {  	[simem:s6], [sflag:s4] =	dma.local [hbm:s3], $0xF7A  }
0x26: {  	[smem:$0x3F9F] =	sst s1;
	(tag) =	ssettag s2;
	_ =	strace s9  }
0x27: {  	s1 =	sld [smem:$0x3FAF]  }
0x28: {  	s2 =	sld [smem:$0x3FB0]  }
0x29: {  	s4 =	sld [smem:$0x3FB2]  }
0x2a: {  	p0 =	seq.s32 s5, $0x0;
	s5 =	sld [smem:$0x3FB3]  }
0x2b: {  	s6 =	sld [smem:$0x3FB4]  }
0x2c: {  	s7 =	sld [smem:$0x3FB5]  }
0x2d: {  	s3 =	simm.s32 $0x108;
	s8 =	sld [smem:$0x3FB6]  }
0x2e: {  	s3 =	simm.s32 @!p0 $0x1082;
	s9 =	sld [smem:$0x3FB7]  }
0x2f: {  	lr =	sadd.s32 s0, s3;
	s0 =	sld [smem:$0x3FAE]  }
0x30: {  	s3 =	sld [smem:$0x3FB1]  }
0x31: {  	[smem:$0x3FBA] =	sst s10  }
0x32: {  	s10 =	sld [smem:$0x3FB8];
	_ =	sdelay $0x3  }
0x33: {  	p0 =	seq.s32 s10, $0x1;
	s10 =	sld [smem:$0x3FBA];
	_ =	sdelay $0x3  }
0x34: {  	[smem:$0x3FBA] =	sst s10  }
0x35: {  	s10 =	sld [smem:$0x3FB9];
	_ =	sdelay $0x3  }
0x36: {  	p1 =	seq.s32 s10, $0x1;
	s10 =	sld [smem:$0x3FBA];
	_ =	sdelay $0x3  }
0x37: {  	[smem:$0x3FBA] =	sst s10  }
0x38: {  	s10 =	sld [smem:$0x3FBB]  }
0x39: {  	_ = 	snop;
	(pc) =	sbr.ind lr, $3  }
0x3a: {  	_ = 	snop  }
0x3b: {  	_ = 	snop  }
0x3c: {  	p2 =	seq.s32 s10, $0x1;
	s10 =	sld [smem:$0x3FBA]  }
0x3d: {  	_ =	shalt  }
0x3e: {  	_ =	shalt  }
0x3f: {  	_ =	shalt  }
0x40: {  	_ =	shalt  }
0x41: {  	_ =	shalt  }
0x42: {  	_ =	shalt  }
0x43: {  	_ =	shalt  }
0x44: {  	_ =	shalt  }
0x45: {  	_ =	shalt  }
0x46: {  	_ =	shalt  }
0x47: {  	_ =	shalt  }
0x48: {  	_ =	shalt  }
0x49: {  	_ =	shalt  }
0x4a: {  	_ =	shalt  }
0x4b: {  	_ =	shalt  }
0x4c: {  	_ =	shalt  }
0x4d: {  	_ =	shalt  }
0x4e: {  	_ =	shalt  }
0x4f: {  	_ =	shalt  }
0x50: {  	_ =	shalt  }
0x51: {  	_ =	shalt  }
0x52: {  	_ =	shalt  }
0x53: {  	_ =	shalt  }
0x54: {  	_ =	shalt  }
0x55: {  	_ =	shalt  }
0x56: {  	_ =	shalt  }
0x57: {  	_ =	shalt  }
0x58: {  	_ =	shalt  }
0x59: {  	_ =	shalt  }
0x5a: {  	_ =	shalt  }
0x5b: {  	_ =	shalt  }
0x5c: {  	_ =	shalt  }
0x5d: {  	_ =	shalt  }
0x5e: {  	_ =	shalt  }
0x5f: {  	_ =	shalt  }
0x60: {  	_ =	shalt  }
0x61: {  	_ =	shalt  }
0x62: {  	_ =	shalt  }
0x63: {  	_ =	shalt  }
0x64: {  	_ =	shalt  }
0x65: {  	_ =	shalt  }
0x66: {  	_ =	shalt  }
0x67: {  	_ =	shalt  }
0x68: {  	_ =	shalt  }
0x69: {  	_ =	shalt  }
0x6a: {  	_ =	shalt  }
0x6b: {  	_ =	shalt  }
0x6c: {  	_ =	shalt  }
0x6d: {  	_ =	shalt  }
0x6e: {  	_ =	shalt  }
0x6f: {  	_ =	shalt  }
0x70: {  	_ =	shalt  }
0x71: {  	_ =	shalt  }
0x72: {  	_ =	shalt  }
0x73: {  	_ =	shalt  }
0x74: {  	_ =	shalt  }
0x75: {  	_ =	shalt  }
0x76: {  	_ =	shalt  }
0x77: {  	_ =	shalt  }
0x78: {  	_ =	shalt  }
0x79: {  	_ =	shalt  }
0x7a: {  	_ =	shalt  }
0x7b: {  	_ =	shalt  }
0x7c: {  	_ =	shalt  }
0x7d: {  	_ =	shalt  }
0x7e: {  	_ =	shalt  }
0x7f: {  	_ =	shalt  }
0x80: {  	_ =	shalt  }
0x81: {  	_ =	shalt  }
0x82: {  	_ =	shalt  }
0x83: {  	_ =	shalt  }
0x84: {  	_ =	shalt  }
0x85: {  	_ =	shalt  }
0x86: {  	_ =	shalt  }
0x87: {  	_ =	shalt  }
.Lfunc_end0:
.L_simem_size_0:
called_computation_lowered:
.L_overlay_start_0:
0x88: {  	s2 =	sld [smem:$0x3FD9]  }
0x89: {  	s3 =	sld [smem:$0x3FFE];
	_ =	sdelay $0x1  }
0x8a: {  	s1 =	srdreg.scid  }
0x8b: {  	s0 =	sand.u32 $0x1, s1  }
0x8c: {  	s18 =	sshll.u32 s0, $0xA;
	s2 =	sadd.s32 s3, s2  }
0x8d: {  	s2 =	sadd.s32 s2, s18  }
0x8e: {  	[smem:$0x3FC6] =	sst s2  }
0x8f: {  	_ = 	snop  }
0x90: {  	s2 =	sld [smem:$0x3FC9]  }
0x91: {  	s19 =	sld [smem:$0x3FC8]  }
0x92: {  	s4 =	sld [smem:$0x3FD0];
	(tm) =	ssettm $0x1  }
0x93: {  	s5 =	sld [smem:$0x3FFB];
	_ =	sdelay $0x3  }
0x94: {  	_ =	strace s5  }
0x95: {  	s5 =	sld [smem:$0x3FFC];
	_ =	sdelay $0x3  }
0x96: {  	_ =	strace s5  }
0x97: {  	s5 =	sld [smem:$0x3FFD];
	_ =	sdelay $0x3  }
0x98: {  	_ =	strace s5  }
0x99: {  	_ =	strace $0x8FFFFFFF  }
0x9a: {  	s20 =	sld [smem:$0x3FDB];
	_ =	sdelay $0x1  }
0x9b: {  	s6 =	simm.s32 $_scs_section_size  }
0x9c: {  	s7 =	simm.s32 $_size__tile_overlayer_lowered;
	s8 =	simm.s32 $_tile_overlayer_lowered  }
0x9d: {  	s23 =	simm.s32 $0x1BFF;
	s22 =	sshll.u32 s8, $0x1;
	s5 =	sadd.s32 s6, s20  }
0x9e: {  	s9 =	simm.s32 $0x0;
	s21 =	sshll.u32 s7, $0x1;
	s7 =	sadd.s32 s22, s5  }
0x9f: {  	[timem:s9], [sflag:s23] =	dma.local [hbm:s7], s21  }
0xa0: {  	_ =	swait.ge [sflag:s23], s21  }
0xa1: {  	s6 =	ssub.s32 $0x0, s21;
	[sflag:s23] =	ssyncset.done $0x0  }
0xa2: {  	[sflag:s23] =	ssyncadd.s32 s6;
	_ =	sdelay $0x1  }
0xa3: {  	s24 =	simm.s32 $0x1B8B  }
0xa4: {  	_ =	swait.ge [sflag:s24], $0x1  }
0xa5: {  	[sflag:s24] =	ssyncset.done $0x0  }
0xa6: {  	s25 =	simm.s32 $0x1B8E;
	[sflag:s24] =	ssyncadd.s32 $0xFFFFFFFF  }
0xa7: {  	s26 =	simm.s32 $execute0_lowered;
	[smem:$0x3FD2] =	sst s25  }
0xa8: {  	s6 =	sshll.u32 s26, $0x1;
	_ =	strace $0x80000046;
	[dreg:$0x1] =	wrdreg $0xFFFFFFFF  }
0xa9: {  	s28 =	simm.s32 $_size_execute0_lowered;
	s5 =	sadd.s32 s5, s6;
	[dreg:$0x0] =	wrdreg $0x0  }
0xaa: {  	s6 =	sshll.u32 s28, $0x1;
	[dreg:$0x2] =	wrdreg s5  }
0xab: {  	[dreg:$0x3] =	wrdreg s6  }
0xac: {  	[dreg:$0x4] =	wrdreg $0xC0  }
0xad: {  	_ =	task [dreg:s9], $0x5FFFF  }
0xae: {  	[dreg:$0x1] =	wrdreg $0xFFFFFFFF  }
0xaf: {  	[dreg:$0x0] =	wrdreg $0x60  }
0xb0: {  	[dreg:$0x2] =	wrdreg s2  }
0xb1: {  	[dreg:$0x3] =	wrdreg s19  }
0xb2: {  	[dreg:$0x4] =	wrdreg s4  }
0xb3: {  	[dreg:$0x5] =	wrdreg $0x9  }
0xb4: {  	_ =	task.clear_ibuf [dreg:s9], $0x6FFFF;
	_ =	strace $0x90000046  }
0xb5: {  	s29 =	simm.s32 $0x9;
	_ =	strace $0x80000048  }
0xb6: {  	_ =	swait.ge [sflag:s29], $0x1  }
0xb7: {  	[sflag:s29] =	ssyncadd.s32 $0xFFFFFFFF  }
0xb8: {  	_ =	strace $0x90000048  }
0xb9: {  	_ =	sfence  }
0xba: {  	s30 =	sld [smem:$0x0];
	_ =	sdelay $0x2  }
0xbb: {  	s31 =	sshll.u32 s1, $0xD;
	s1 =	sshrl.u32 s1, $0x2  }
0xbc: {  	s3 =	sand.u32 $0x4000, s31;
	s1 =	sadd.s32 s1, s30  }
0xbd: {  	s0 =	sor.u32 s3, s0;
	s1 =	sshll.u32 s1, $0x11  }
0xbe: {  	s0 =	sor.u32 s1, s0  }
0xbf: {  	s0 =	sadd.s32 $0x8F2B, s0  }
0xc0: {  	[sflag:s0] =	ssyncadd.remote.s32 $0x1  }
0xc1: {  	_ =	sfence.sel $0xFFFF  }
0xc2: {  	[dreg:$0x0] =	wrdreg $0xFFFFFFFF;
	(pc) =	sbr.abs _section_cstart, $3  }
0xc3: {  	[dreg:$0x1] =	wrdreg $0xFFFFFFFF  }
0xc4: {  	_ =	task.clear_ibuf [dreg:s9], $0x2FFFF;
	_ =	strace $0x9FFFFFFF  }
0xc5: {  	(tm) =	ssettm $0x7FFFFFFF  }
tec
execute0_lowered:
.L_overlay_start_1:
0x0: {  	(tag) =	ssettag $0x1  }
0x1: {  	s0 =	srdreg.scid  }
0x2: {  	s1 =	rddreg [dreg:$0x0];
	s5 =	stileid.u32;
	s0 =	sand.u32 $0x1, s0  }
0x3: {  	s2 =	rddreg [dreg:$0x1];
	s5 =	sshll.u32 s5, $0xB;
	s6 =	sshll.u32 s0, $0xA  }
0x4: {  	s4 =	rddreg [dreg:$0x2];
	s3 =	simm.s32 $0x0;
	s5 =	sor.u32 s6, s5  }
0x5: {  	[smem:$0x7FF] =	sst s3;
	s6 =	sshrl.u32 s5, $0x3;
	s7 =	sor.u32 $0x60, s5  }
0x6: {  	_ =	strace $0x80000047;
	s6 =	sadd.s32 s1, s6;
	s8 =	sshrl.u32 s7, $0x3  }
0x7: {  	s5 =	sshll.u32 s5, $0x7;
	[dreg:$0x4] =	wrdreg s6;
	s1 =	sadd.s32 s1, s8  }
0x8: {  	s8 =	sadd.s32 s4, s5;
	[dreg:$0x5] =	wrdreg s1  }
0x9: {  	s25 =	sadd.s32 $0xC00, s8;
	[smem:$0x7FB] =	sst s8  }
0xa: {  	s26 =	sadd.s32 $0x1800, s8;
	[dreg:$0x6] =	wrdreg s25  }
0xb: {  	s6 =	sshll.u32 s7, $0x7;
	s5 =	sadd.s32 $0x2400, s8;
	[dreg:$0x7] =	wrdreg s26  }
0xc: {  	s7 =	sadd.s32 s4, s6;
	[dreg:$0x8] =	wrdreg s5  }
0xd: {  	s9 =	sadd.s32 $0x3C00, s8;
	[dreg:$0x9] =	wrdreg s7  }
0xe: {  	s10 =	sadd.s32 $0x4800, s8;
	[dreg:$0xa] =	wrdreg s9  }
0xf: {  	s11 =	sadd.s32 $0x5400, s8;
	[dreg:$0xb] =	wrdreg s10  }
0x10: {  	s12 =	sadd.s32 $0x6000, s8;
	[dreg:$0xc] =	wrdreg s11  }
0x11: {  	s13 =	sadd.s32 $0x6C00, s8;
	[dreg:$0xd] =	wrdreg s12  }
0x12: {  	s14 =	sadd.s32 $0x7800, s8;
	[dreg:$0xe] =	wrdreg s13  }
0x13: {  	s15 =	sadd.s32 $0x8400, s8;
	[dreg:$0xf] =	wrdreg s14  }
0x14: {  	s16 =	sadd.s32 $0x9000, s8;
	[dreg:$0x10] =	wrdreg s15  }
0x15: {  	s17 =	sadd.s32 $0x9C00, s8;
	[dreg:$0x11] =	wrdreg s16  }
0x16: {  	s18 =	sadd.s32 $0xA800, s8;
	[dreg:$0x12] =	wrdreg s17  }
0x17: {  	s19 =	sadd.s32 $0xB400, s8;
	[dreg:$0x13] =	wrdreg s18  }
0x18: {  	s20 =	sadd.s32 $0xC000, s8;
	[dreg:$0x14] =	wrdreg s19  }
0x19: {  	s21 =	sadd.s32 $0xCC00, s8;
	[dreg:$0x15] =	wrdreg s20  }
0x1a: {  	s22 =	sadd.s32 $0xD800, s8;
	[dreg:$0x16] =	wrdreg s21  }
0x1b: {  	s23 =	sadd.s32 $0xE400, s8;
	[dreg:$0x17] =	wrdreg s22  }
0x1c: {  	s24 =	sadd.s32 $0xF000, s8;
	[dreg:$0x18] =	wrdreg s23  }
0x1d: {  	s4 =	sadd.s32 $0x11400, s8;
	[dreg:$0x19] =	wrdreg s24  }
0x1e: {  	s6 =	sadd.s32 $0x12C00, s8;
	[dreg:$0x1c] =	wrdreg s4  }
0x1f: {  	s25 =	sadd.s32 $0xFC00, s8;
	[dreg:$0x1e] =	wrdreg s6  }
0x20: {  	s26 =	sadd.s32 $0x10800, s8;
	[dreg:$0x1a] =	wrdreg s25  }
0x21: {  	s5 =	sadd.s32 $0x12000, s8;
	[dreg:$0x1b] =	wrdreg s26  }
0x22: {  	s7 =	sadd.s32 $0x13800, s8;
	[dreg:$0x1d] =	wrdreg s5  }
0x23: {  	s9 =	sadd.s32 $0x14400, s8;
	[dreg:$0x1f] =	wrdreg s7  }
0x24: {  	s10 =	sadd.s32 $0x15000, s8;
	[smem:$0x7EC] =	sst s9  }
0x25: {  	s11 =	sadd.s32 $0x15C00, s8;
	[smem:$0x7ED] =	sst s10  }
0x26: {  	s12 =	sadd.s32 $0x16800, s8;
	[smem:$0x7EE] =	sst s11  }
0x27: {  	s13 =	sadd.s32 $0x17400, s8;
	[smem:$0x7EF] =	sst s12  }
0x28: {  	s28 =	simm.s32 $0x8;
	s14 =	sadd.s32 $0x18000, s8;
	[smem:$0x7F0] =	sst s13  }
0x29: {  	s29 =	simm.s32 $0x5;
	s15 =	sadd.s32 $0x18C00, s8;
	[smem:$0x7F1] =	sst s14  }
0x2a: {  	s30 =	simm.s32 $0x9;
	s16 =	sadd.s32 $0x19800, s8;
	[smem:$0x7F2] =	sst s15  }
0x2b: {  	s31 =	simm.s32 $0xA;
	s17 =	sadd.s32 $0x1A400, s8;
	[smem:$0x7F3] =	sst s16  }
0x2c: {  	s0 =	ssub.s32 $0x2, s0;
	s18 =	sadd.s32 $0x1B000, s8;
	[smem:$0x7F4] =	sst s17  }
0x2d: {  	s19 =	sadd.s32 $0x1BC00, s8;
	s20 =	sshrl.u32 s0, $0x1;
	[smem:$0x7F5] =	sst s18  }
0x2e: {  	s21 =	sadd.s32 $0x1C800, s8;
	s22 =	sadd.s32 $0x1D400, s8;
	[smem:$0x7F6] =	sst s19  }
0x2f: {  	s23 =	sadd.s32 $0x1E000, s8;
	s6 =	sadd.s32 $0x200, s2;
	[smem:$0x7F7] =	sst s21  }
0x30: {  	s24 =	sadd.s32 $0x1EC00, s8;
	s0 =	ssub.s32 s0, s20;
	[smem:$0x7F8] =	sst s22  }
0x31: {  	s5 =	sadd.s32 $0x100, s2;
	[smem:$0x7F9] =	sst s23;
	s7 =	sadd.s32 $0x300, s2  }
0x32: {  	[smem:$0x7FA] =	sst s24;
	s25 =	sadd.s32 $0x1F800, s8;
	s26 =	simm.s32 $0x60  }
0x33: {  	v2 =	vlaneseq.u32;
	s19 =	simm.s32 $0x1;
	s21 =	simm.s32 $0x2;
	s23 =	simm.s32 $0x6  }
0x34: {  	vm0 =	vmmov $0xffff;
	v1 =	vshrl.u32 v2, $0x3;
	s24 =	simm.s32 $0x3;
	[smem:$0x7FC] =	sst s25;
	s1 =	smax.u32 s0, $0x1  }
0x35: {  	v0 =	vand.u32 $0x7, v2;
	v2 =	vor.u32 $0x8, v2;
	v1 =	vmul.u32 $0x8, v1;
	[smem:$0x7FD] =	sst s26;
	s25 =	simm.s32 $0x7;
	s26 =	simm.s32 $0x4  }
.LBB2_1:
0x36: {  	[smem:$0x7EB] =	sst s1  }
0x37: {  	s0 =	rddreg [dreg:$0x4];
	s4 =	simm.s32 $0xB  }
0x38: {  	[tilespmem:s3], [sflag:$0xB] =	stream.linear.gather [hbm4b:s0+s3], $0x60, $0x38;
	[tilespmem:$0x1E400] =	vst v63  }
0x39: {  	_ =	swait.ge [sflag:s4], $0x60  }
0x3a: {  	[sflag:s4] =	ssyncset.done $0x0  }
0x3b: {  	[sflag:s4] =	ssyncadd.s32 $0xFFFFFFA0  }
0x3c: {  	v3 =	vld [tilespmem:$0x0];
	_ =	sdelay $0x4  }
0x3d: {  	v4 =	vshll.u32 v3, $0x3  }
0x3e: {  	v3 =	vand.u32 $0x7, v3;
	v4 =	vand.u32 $0xFFFFFFC0, v4  }
0x3f: {  	v3 =	vor.u32 v3, v4  }
0x40: {  	v4 =	vperm.xlane v3, v0;
	_ =	sdelay $0x1  }
0x41: {  	v4 =	vadd.s32 v1, v4;
	_ =	sdelay $0x3  }
0x42: {  	s1 =	simm.s32 $0x400  }
0x43: {  	[tilespmem:s1], [sflag:$0x1] =	stream.indirect_vreg.gather [hbm4b:s2+s3], $0x80, v4, vm0, $0xb8;
	[tilespmem:$0x1E400] =	vst v63  }
0x44: {  	s8 =	simm.s32 $0xC00;
	v3 =	vperm.xlane v3, v2  }
0x45: {  	[tilespmem:s8], [sflag:$0x1] =	stream.indirect_vreg.gather [hbm4b:s5+s3], $0x80, v4, vm0, $0xb8;
	[tilespmem:$0x1E400] =	vst v63  }
0x46: {  	s9 =	simm.s32 $0x1400;
	v3 =	vadd.s32 v1, v3  }
0x47: {  	[tilespmem:s9], [sflag:$0x1] =	stream.indirect_vreg.gather [hbm4b:s6+s3], $0x80, v4, vm0, $0xb8;
	[tilespmem:$0x1E400] =	vst v63  }
0x48: {  	s10 =	simm.s32 $0x1C00  }
0x49: {  	[tilespmem:s10], [sflag:$0x1] =	stream.indirect_vreg.gather [hbm4b:s7+s3], $0x80, v4, vm0, $0xb8;
	[tilespmem:$0x1E400] =	vst v63  }
0x4a: {  	s11 =	simm.s32 $0x2400  }
0x4b: {  	[tilespmem:s11], [sflag:$0x1] =	stream.indirect_vreg.gather [hbm4b:s2+s3], $0x80, v3, vm0, $0xb8;
	[tilespmem:$0x1E400] =	vst v63  }
0x4c: {  	s13 =	simm.s32 $0x2C00  }
0x4d: {  	[tilespmem:s13], [sflag:$0x1] =	stream.indirect_vreg.gather [hbm4b:s5+s3], $0x80, v3, vm0, $0xb8;
	[tilespmem:$0x1E400] =	vst v63  }
0x4e: {  	s15 =	simm.s32 $0x3400  }
0x4f: {  	[tilespmem:s15], [sflag:$0x1] =	stream.indirect_vreg.gather [hbm4b:s6+s3], $0x80, v3, vm0, $0xb8;
	[tilespmem:$0x1E400] =	vst v63  }
0x50: {  	s16 =	simm.s32 $0x3C00  }
0x51: {  	[tilespmem:s16], [sflag:$0x1] =	stream.indirect_vreg.gather [hbm4b:s7+s3], $0x80, v3, vm0, $0xb8;
	[tilespmem:$0x1E400] =	vst v63  }
0x52: {  	v3 =	vld.msk [tilespmem:$0x10], $0xff;
	_ =	sdelay $0x4  }
0x53: {  	v36 =	vshll.u32 v3, $0x3  }
0x54: {  	v3 =	vand.u32 $0x7, v3;
	v4 =	vand.u32 $0xFFFFFFC0, v36  }
0x55: {  	v3 =	vor.u32 v3, v4  }
0x56: {  	v3 =	vperm.xlane v3, v0;
	_ =	sdelay $0x1  }
0x57: {  	v3 =	vadd.s32 v1, v3;
	_ =	sdelay $0x3  }
0x58: {  	s17 =	simm.s32 $0x4400  }
0x59: {  	[tilespmem:s17], [sflag:$0x1] =	stream.indirect_vreg.gather [hbm4b:s2+s3], $0x80, v3, vm0, $0xb8;
	[tilespmem:$0x1E400] =	vst v63  }
0x5a: {  	s18 =	simm.s32 $0x4C00  }
0x5b: {  	[tilespmem:s18], [sflag:$0x1] =	stream.indirect_vreg.gather [hbm4b:s5+s3], $0x80, v3, vm0, $0xb8;
	[tilespmem:$0x1E400] =	vst v63  }
0x5c: {  	s20 =	simm.s32 $0x5400  }
0x5d: {  	[tilespmem:s20], [sflag:$0x1] =	stream.indirect_vreg.gather [hbm4b:s6+s3], $0x80, v3, vm0, $0xb8;
	[tilespmem:$0x1E400] =	vst v63  }
0x5e: {  	s1 =	simm.s32 $0x5C00  }
0x5f: {  	[tilespmem:s1], [sflag:$0x1] =	stream.indirect_vreg.gather [hbm4b:s7+s3], $0x80, v3, vm0, $0xb8;
	[tilespmem:$0x1E400] =	vst v63  }
0x60: {  	v3 =	vld [tilespmem:$0x18];
	_ =	sdelay $0x4  }
0x61: {  	v37 =	vshll.u32 v3, $0x3  }
0x62: {  	v3 =	vand.u32 $0x7, v3;
	v4 =	vand.u32 $0xFFFFFFC0, v37  }
0x63: {  	v3 =	vor.u32 v3, v4  }
0x64: {  	v4 =	vperm.xlane v3, v0;
	_ =	sdelay $0x1  }
0x65: {  	v4 =	vadd.s32 v1, v4;
	_ =	sdelay $0x3  }
0x66: {  	s9 =	simm.s32 $0x6400  }
0x67: {  	[tilespmem:s9], [sflag:$0x2] =	stream.indirect_vreg.gather [hbm4b:s2+s3], $0x80, v4, vm0, $0xb8;
	[tilespmem:$0x1E400] =	vst v63  }
0x68: {  	s11 =	simm.s32 $0x6C00;
	v3 =	vperm.xlane v3, v2  }
0x69: {  	[tilespmem:s11], [sflag:$0x2] =	stream.indirect_vreg.gather [hbm4b:s5+s3], $0x80, v4, vm0, $0xb8;
	[tilespmem:$0x1E400] =	vst v63  }
0x6a: {  	s17 =	simm.s32 $0x7400;
	v3 =	vadd.s32 v1, v3  }
0x6b: {  	[tilespmem:s17], [sflag:$0x2] =	stream.indirect_vreg.gather [hbm4b:s6+s3], $0x80, v4, vm0, $0xb8;
	[tilespmem:$0x1E400] =	vst v63  }
0x6c: {  	s18 =	simm.s32 $0x7C00  }
0x6d: {  	[tilespmem:s18], [sflag:$0x2] =	stream.indirect_vreg.gather [hbm4b:s7+s3], $0x80, v4, vm0, $0xb8;
	[tilespmem:$0x1E400] =	vst v63  }
0x6e: {  	s20 =	simm.s32 $0x8400  }
0x6f: {  	[tilespmem:s20], [sflag:$0x2] =	stream.indirect_vreg.gather [hbm4b:s2+s3], $0x80, v3, vm0, $0xb8;
	[tilespmem:$0x1E400] =	vst v63  }
0x70: {  	s1 =	simm.s32 $0x8C00  }
0x71: {  	[tilespmem:s1], [sflag:$0x2] =	stream.indirect_vreg.gather [hbm4b:s5+s3], $0x80, v3, vm0, $0xb8;
	[tilespmem:$0x1E400] =	vst v63  }
0x72: {  	s9 =	simm.s32 $0x9400  }
0x73: {  	[tilespmem:s9], [sflag:$0x2] =	stream.indirect_vreg.gather [hbm4b:s6+s3], $0x80, v3, vm0, $0xb8;
	[tilespmem:$0x1E400] =	vst v63  }
0x74: {  	s11 =	simm.s32 $0x9C00  }
0x75: {  	[tilespmem:s11], [sflag:$0x2] =	stream.indirect_vreg.gather [hbm4b:s7+s3], $0x80, v3, vm0, $0xb8;
	[tilespmem:$0x1E400] =	vst v63  }
0x76: {  	v3 =	vld.msk [tilespmem:$0x28], $0xff;
	_ =	sdelay $0x4  }
0x77: {  	v38 =	vshll.u32 v3, $0x3  }
0x78: {  	v3 =	vand.u32 $0x7, v3;
	v4 =	vand.u32 $0xFFFFFFC0, v38  }
0x79: {  	v3 =	vor.u32 v3, v4  }
0x7a: {  	v3 =	vperm.xlane v3, v0;
	_ =	sdelay $0x1  }
0x7b: {  	v3 =	vadd.s32 v1, v3;
	_ =	sdelay $0x3  }
0x7c: {  	s1 =	simm.s32 $0xA400  }
0x7d: {  	[tilespmem:s1], [sflag:$0x2] =	stream.indirect_vreg.gather [hbm4b:s2+s3], $0x80, v3, vm0, $0xb8;
	[tilespmem:$0x1E400] =	vst v63  }
0x7e: {  	s9 =	simm.s32 $0xAC00  }
0x7f: {  	[tilespmem:s9], [sflag:$0x2] =	stream.indirect_vreg.gather [hbm4b:s5+s3], $0x80, v3, vm0, $0xb8;
	[tilespmem:$0x1E400] =	vst v63  }
0x80: {  	s11 =	simm.s32 $0xB400  }
0x81: {  	[tilespmem:s11], [sflag:$0x2] =	stream.indirect_vreg.gather [hbm4b:s6+s3], $0x80, v3, vm0, $0xb8;
	[tilespmem:$0x1E400] =	vst v63  }
0x82: {  	s1 =	simm.s32 $0xBC00  }
0x83: {  	[tilespmem:s1], [sflag:$0x2] =	stream.indirect_vreg.gather [hbm4b:s7+s3], $0x80, v3, vm0, $0xb8;
	[tilespmem:$0x1E400] =	vst v63  }
0x84: {  	v3 =	vld [tilespmem:$0x30];
	_ =	sdelay $0x4  }
0x85: {  	v39 =	vshll.u32 v3, $0x3  }
0x86: {  	v3 =	vand.u32 $0x7, v3;
	v4 =	vand.u32 $0xFFFFFFC0, v39  }
0x87: {  	v3 =	vor.u32 v3, v4  }
0x88: {  	v4 =	vperm.xlane v3, v0;
	_ =	sdelay $0x1  }
0x89: {  	v4 =	vadd.s32 v1, v4;
	_ =	sdelay $0x3  }
0x8a: {  	s9 =	simm.s32 $0xC400  }
0x8b: {  	[tilespmem:s9], [sflag:$0x3] =	stream.indirect_vreg.gather [hbm4b:s2+s3], $0x80, v4, vm0, $0xb8;
	[tilespmem:$0x1E400] =	vst v63  }
0x8c: {  	s11 =	simm.s32 $0xCC00;
	v3 =	vperm.xlane v3, v2  }
0x8d: {  	[tilespmem:s11], [sflag:$0x3] =	stream.indirect_vreg.gather [hbm4b:s5+s3], $0x80, v4, vm0, $0xb8;
	[tilespmem:$0x1E400] =	vst v63  }
0x8e: {  	s1 =	simm.s32 $0xD400;
	v3 =	vadd.s32 v1, v3  }
0x8f: {  	[tilespmem:s1], [sflag:$0x3] =	stream.indirect_vreg.gather [hbm4b:s6+s3], $0x80, v4, vm0, $0xb8;
	[tilespmem:$0x1E400] =	vst v63  }
0x90: {  	s9 =	simm.s32 $0xDC00  }
0x91: {  	[tilespmem:s9], [sflag:$0x3] =	stream.indirect_vreg.gather [hbm4b:s7+s3], $0x80, v4, vm0, $0xb8;
	[tilespmem:$0x1E400] =	vst v63  }
0x92: {  	s11 =	simm.s32 $0xE400  }
0x93: {  	[tilespmem:s11], [sflag:$0x3] =	stream.indirect_vreg.gather [hbm4b:s2+s3], $0x80, v3, vm0, $0xb8;
	[tilespmem:$0x1E400] =	vst v63  }
0x94: {  	s1 =	simm.s32 $0xEC00  }
0x95: {  	[tilespmem:s1], [sflag:$0x3] =	stream.indirect_vreg.gather [hbm4b:s5+s3], $0x80, v3, vm0, $0xb8;
	[tilespmem:$0x1E400] =	vst v63  }
0x96: {  	s9 =	simm.s32 $0xF400  }
0x97: {  	[tilespmem:s9], [sflag:$0x3] =	stream.indirect_vreg.gather [hbm4b:s6+s3], $0x80, v3, vm0, $0xb8;
	[tilespmem:$0x1E400] =	vst v63  }
0x98: {  	s11 =	simm.s32 $0xFC00  }
0x99: {  	[tilespmem:s11], [sflag:$0x3] =	stream.indirect_vreg.gather [hbm4b:s7+s3], $0x80, v3, vm0, $0xb8;
	[tilespmem:$0x1E400] =	vst v63  }
0x9a: {  	v3 =	vld.msk [tilespmem:$0x40], $0xff;
	_ =	sdelay $0x4  }
0x9b: {  	v40 =	vshll.u32 v3, $0x3  }
0x9c: {  	v3 =	vand.u32 $0x7, v3;
	v4 =	vand.u32 $0xFFFFFFC0, v40  }
0x9d: {  	v3 =	vor.u32 v3, v4  }
0x9e: {  	v3 =	vperm.xlane v3, v0;
	_ =	sdelay $0x1  }
0x9f: {  	v3 =	vadd.s32 v1, v3;
	_ =	sdelay $0x3  }
0xa0: {  	s1 =	simm.s32 $0x10400  }
0xa1: {  	[tilespmem:s1], [sflag:$0x3] =	stream.indirect_vreg.gather [hbm4b:s2+s3], $0x80, v3, vm0, $0xb8;
	[tilespmem:$0x1E400] =	vst v63  }
0xa2: {  	s9 =	simm.s32 $0x10C00  }
0xa3: {  	[tilespmem:s9], [sflag:$0x3] =	stream.indirect_vreg.gather [hbm4b:s5+s3], $0x80, v3, vm0, $0xb8;
	[tilespmem:$0x1E400] =	vst v63  }
0xa4: {  	s11 =	simm.s32 $0x11400  }
0xa5: {  	[tilespmem:s11], [sflag:$0x3] =	stream.indirect_vreg.gather [hbm4b:s6+s3], $0x80, v3, vm0, $0xb8;
	[tilespmem:$0x1E400] =	vst v63  }
0xa6: {  	s1 =	simm.s32 $0x11C00  }
0xa7: {  	[tilespmem:s1], [sflag:$0x3] =	stream.indirect_vreg.gather [hbm4b:s7+s3], $0x80, v3, vm0, $0xb8;
	[tilespmem:$0x1E400] =	vst v63  }
0xa8: {  	v3 =	vld [tilespmem:$0x48];
	_ =	sdelay $0x4  }
0xa9: {  	v41 =	vshll.u32 v3, $0x3  }
0xaa: {  	v3 =	vand.u32 $0x7, v3;
	v4 =	vand.u32 $0xFFFFFFC0, v41  }
0xab: {  	v3 =	vor.u32 v3, v4  }
0xac: {  	v4 =	vperm.xlane v3, v0;
	_ =	sdelay $0x1  }
0xad: {  	v4 =	vadd.s32 v1, v4;
	_ =	sdelay $0x3  }
0xae: {  	s9 =	simm.s32 $0x12400  }
0xaf: {  	[tilespmem:s9], [sflag:$0x4] =	stream.indirect_vreg.gather [hbm4b:s2+s3], $0x80, v4, vm0, $0xb8;
	[tilespmem:$0x1E400] =	vst v63  }
0xb0: {  	s11 =	simm.s32 $0x12C00;
	v3 =	vperm.xlane v3, v2  }
0xb1: {  	[tilespmem:s11], [sflag:$0x4] =	stream.indirect_vreg.gather [hbm4b:s5+s3], $0x80, v4, vm0, $0xb8;
	[tilespmem:$0x1E400] =	vst v63  }
0xb2: {  	s1 =	simm.s32 $0x13400;
	v3 =	vadd.s32 v1, v3  }
0xb3: {  	[tilespmem:s1], [sflag:$0x4] =	stream.indirect_vreg.gather [hbm4b:s6+s3], $0x80, v4, vm0, $0xb8;
	[tilespmem:$0x1E400] =	vst v63  }
0xb4: {  	s9 =	simm.s32 $0x13C00  }
0xb5: {  	[tilespmem:s9], [sflag:$0x4] =	stream.indirect_vreg.gather [hbm4b:s7+s3], $0x80, v4, vm0, $0xb8;
	[tilespmem:$0x1E400] =	vst v63  }
0xb6: {  	s11 =	simm.s32 $0x14400  }
0xb7: {  	[tilespmem:s11], [sflag:$0x4] =	stream.indirect_vreg.gather [hbm4b:s2+s3], $0x80, v3, vm0, $0xb8;
	[tilespmem:$0x1E400] =	vst v63  }
0xb8: {  	s1 =	simm.s32 $0x14C00  }
0xb9: {  	[tilespmem:s1], [sflag:$0x4] =	stream.indirect_vreg.gather [hbm4b:s5+s3], $0x80, v3, vm0, $0xb8;
	[tilespmem:$0x1E400] =	vst v63  }
0xba: {  	s9 =	simm.s32 $0x15400  }
0xbb: {  	[tilespmem:s9], [sflag:$0x4] =	stream.indirect_vreg.gather [hbm4b:s6+s3], $0x80, v3, vm0, $0xb8;
	[tilespmem:$0x1E400] =	vst v63  }
0xbc: {  	s11 =	simm.s32 $0x15C00  }
0xbd: {  	[tilespmem:s11], [sflag:$0x4] =	stream.indirect_vreg.gather [hbm4b:s7+s3], $0x80, v3, vm0, $0xb8;
	[tilespmem:$0x1E400] =	vst v63  }
0xbe: {  	v3 =	vld.msk [tilespmem:$0x58], $0xff;
	_ =	sdelay $0x4  }
0xbf: {  	v42 =	vshll.u32 v3, $0x3  }
0xc0: {  	v3 =	vand.u32 $0x7, v3;
	v4 =	vand.u32 $0xFFFFFFC0, v42  }
0xc1: {  	v3 =	vor.u32 v3, v4  }
0xc2: {  	v3 =	vperm.xlane v3, v0;
	_ =	sdelay $0x1  }
0xc3: {  	v3 =	vadd.s32 v1, v3;
	_ =	sdelay $0x3  }
0xc4: {  	s1 =	simm.s32 $0x16400  }
0xc5: {  	[tilespmem:s1], [sflag:$0x4] =	stream.indirect_vreg.gather [hbm4b:s2+s3], $0x80, v3, vm0, $0xb8;
	[tilespmem:$0x1E400] =	vst v63  }
0xc6: {  	s9 =	simm.s32 $0x16C00  }
0xc7: {  	[tilespmem:s9], [sflag:$0x4] =	stream.indirect_vreg.gather [hbm4b:s5+s3], $0x80, v3, vm0, $0xb8;
	[tilespmem:$0x1E400] =	vst v63  }
0xc8: {  	s11 =	simm.s32 $0x17400  }
0xc9: {  	[tilespmem:s11], [sflag:$0x4] =	stream.indirect_vreg.gather [hbm4b:s6+s3], $0x80, v3, vm0, $0xb8;
	[tilespmem:$0x1E400] =	vst v63  }
0xca: {  	s9 =	simm.s32 $0x17C00;
	s11 =	sld [smem:$0x7FD]  }
0xcb: {  	[tilespmem:s9], [sflag:$0x4] =	stream.indirect_vreg.gather [hbm4b:s7+s3], $0x80, v3, vm0, $0xb8;
	[tilespmem:$0x1E400] =	vst v63  }
0xcc: {  	s1 =	rddreg [dreg:$0x5]  }
0xcd: {  	[tilespmem:s11], [sflag:$0xB] =	stream.linear.gather [hbm4b:s1+s3], $0x3A0, $0x38;
	[tilespmem:$0x1E400] =	vst v63  }
0xce: {  	_ =	swait.ge [sflag:s4], $0x3A0  }
0xcf: {  	[sflag:s4] =	ssyncset.done $0x0  }
0xd0: {  	[sflag:s4] =	ssyncadd.s32 $0xFFFFFC60  }
0xd1: {  	_ =	swait.ge [sflag:s19], $0x6000  }
0xd2: {  	s9 =	sld [smem:$0x7FB]  }
0xd3: {  	[sflag:s19] =	ssyncset.done $0x0  }
0xd4: {  	s1 =	simm.s32 $0x400;
	[sflag:s19] =	ssyncadd.s32 $0xFFFFA000  }
0xd5: {  	[hbm4b:s9+s3] =	stream.linear.scatter [tilespmem:s1], [sflag:$0x6], $0x6000, $0x38;
	[tilespmem:$0x1E400] =	vst v63  }
0xd6: {  	v3 =	vld [tilespmem:$0x60];
	_ =	sdelay $0x4  }
0xd7: {  	v43 =	vshll.u32 v3, $0x3  }
0xd8: {  	v3 =	vand.u32 $0x7, v3;
	v4 =	vand.u32 $0xFFFFFFC0, v43  }
0xd9: {  	v3 =	vor.u32 v3, v4  }
0xda: {  	v4 =	vperm.xlane v3, v0;
	_ =	sdelay $0x1  }
0xdb: {  	v4 =	vadd.s32 v1, v4;
	_ =	sdelay $0x3  }
0xdc: {  	s11 =	simm.s32 $0x18400  }
0xdd: {  	[tilespmem:s11], [sflag:$0x5] =	stream.indirect_vreg.gather [hbm4b:s2+s3], $0x80, v4, vm0, $0xb8;
	[tilespmem:$0x1E400] =	vst v63  }
0xde: {  	s4 =	simm.s32 $0x18C00;
	v3 =	vperm.xlane v3, v2  }
0xdf: {  	[tilespmem:s4], [sflag:$0x5] =	stream.indirect_vreg.gather [hbm4b:s5+s3], $0x80, v4, vm0, $0xb8;
	[tilespmem:$0x1E400] =	vst v63  }
0xe0: {  	s9 =	simm.s32 $0x19400;
	v3 =	vadd.s32 v1, v3  }
0xe1: {  	[tilespmem:s9], [sflag:$0x5] =	stream.indirect_vreg.gather [hbm4b:s6+s3], $0x80, v4, vm0, $0xb8;
	[tilespmem:$0x1E400] =	vst v63  }
0xe2: {  	s11 =	simm.s32 $0x19C00  }
0xe3: {  	[tilespmem:s11], [sflag:$0x5] =	stream.indirect_vreg.gather [hbm4b:s7+s3], $0x80, v4, vm0, $0xb8;
	[tilespmem:$0x1E400] =	vst v63  }
0xe4: {  	s4 =	simm.s32 $0x1A400  }
0xe5: {  	[tilespmem:s4], [sflag:$0x5] =	stream.indirect_vreg.gather [hbm4b:s2+s3], $0x80, v3, vm0, $0xb8;
	[tilespmem:$0x1E400] =	vst v63  }
0xe6: {  	s9 =	simm.s32 $0x1AC00  }
0xe7: {  	[tilespmem:s9], [sflag:$0x5] =	stream.indirect_vreg.gather [hbm4b:s5+s3], $0x80, v3, vm0, $0xb8;
	[tilespmem:$0x1E400] =	vst v63  }
0xe8: {  	s11 =	simm.s32 $0x1B400  }
0xe9: {  	[tilespmem:s11], [sflag:$0x5] =	stream.indirect_vreg.gather [hbm4b:s6+s3], $0x80, v3, vm0, $0xb8;
	[tilespmem:$0x1E400] =	vst v63  }
0xea: {  	s4 =	simm.s32 $0x1BC00  }
0xeb: {  	[tilespmem:s4], [sflag:$0x5] =	stream.indirect_vreg.gather [hbm4b:s7+s3], $0x80, v3, vm0, $0xb8;
	[tilespmem:$0x1E400] =	vst v63  }
0xec: {  	v3 =	vld.msk [tilespmem:$0x70], $0xff;
	_ =	sdelay $0x4  }
0xed: {  	v44 =	vshll.u32 v3, $0x3  }
0xee: {  	v3 =	vand.u32 $0x7, v3;
	v4 =	vand.u32 $0xFFFFFFC0, v44  }
0xef: {  	v3 =	vor.u32 v3, v4  }
0xf0: {  	v3 =	vperm.xlane v3, v0;
	_ =	sdelay $0x1  }
0xf1: {  	v3 =	vadd.s32 v1, v3;
	_ =	sdelay $0x3  }
0xf2: {  	s9 =	simm.s32 $0x1C400  }
0xf3: {  	[tilespmem:s9], [sflag:$0x5] =	stream.indirect_vreg.gather [hbm4b:s2+s3], $0x80, v3, vm0, $0xb8;
	[tilespmem:$0x1E400] =	vst v63  }
0xf4: {  	s11 =	simm.s32 $0x1CC00  }
0xf5: {  	[tilespmem:s11], [sflag:$0x5] =	stream.indirect_vreg.gather [hbm4b:s5+s3], $0x80, v3, vm0, $0xb8;
	[tilespmem:$0x1E400] =	vst v63  }
0xf6: {  	s4 =	simm.s32 $0x1D400  }
0xf7: {  	[tilespmem:s4], [sflag:$0x5] =	stream.indirect_vreg.gather [hbm4b:s6+s3], $0x80, v3, vm0, $0xb8;
	[tilespmem:$0x1E400] =	vst v63  }
0xf8: {  	s9 =	simm.s32 $0x1DC00  }
0xf9: {  	[tilespmem:s9], [sflag:$0x5] =	stream.indirect_vreg.gather [hbm4b:s7+s3], $0x80, v3, vm0, $0xb8;
	[tilespmem:$0x1E400] =	vst v63  }
0xfa: {  	_ =	swait.ge [sflag:s21], $0x6000  }
0xfb: {  	[sflag:s21] =	ssyncset.done $0x0  }
0xfc: {  	s9 =	simm.s32 $0x6400;
	s11 =	rddreg [dreg:$0x6];
	[sflag:s21] =	ssyncadd.s32 $0xFFFFA000  }
0xfd: {  	[hbm4b:s11+s3] =	stream.linear.scatter [tilespmem:s9], [sflag:$0x7], $0x6000, $0x38;
	[tilespmem:$0x1E400] =	vst v63  }
0xfe: {  	_ =	swait.ge [sflag:s23], $0x6000  }
0xff: {  	[sflag:s23] =	ssyncset.done $0x0  }
0x100: {  	[sflag:s23] =	ssyncadd.s32 $0xFFFFA000  }
0x101: {  	v3 =	vld [tilespmem:$0x78];
	_ =	sdelay $0x4  }
0x102: {  	v45 =	vshll.u32 v3, $0x3  }
0x103: {  	v3 =	vand.u32 $0x7, v3;
	v4 =	vand.u32 $0xFFFFFFC0, v45  }
0x104: {  	v3 =	vor.u32 v3, v4  }
0x105: {  	v4 =	vperm.xlane v3, v0;
	_ =	sdelay $0x1  }
0x106: {  	v4 =	vadd.s32 v1, v4;
	_ =	sdelay $0x4  }
0x107: {  	[tilespmem:s1], [sflag:$0x1] =	stream.indirect_vreg.gather [hbm4b:s2+s3], $0x80, v4, vm0, $0xb8;
	[tilespmem:$0x1E400] =	vst v63  }
0x108: {  	s22 =	simm.s32 $0xC00;
	v3 =	vperm.xlane v3, v2  }
0x109: {  	[tilespmem:s22], [sflag:$0x1] =	stream.indirect_vreg.gather [hbm4b:s5+s3], $0x80, v4, vm0, $0xb8;
	[tilespmem:$0x1E400] =	vst v63  }
0x10a: {  	s12 =	simm.s32 $0x1400;
	v3 =	vadd.s32 v1, v3  }
0x10b: {  	[tilespmem:s12], [sflag:$0x1] =	stream.indirect_vreg.gather [hbm4b:s6+s3], $0x80, v4, vm0, $0xb8;
	[tilespmem:$0x1E400] =	vst v63  }
0x10c: {  	s14 =	simm.s32 $0x1C00  }
0x10d: {  	[tilespmem:s14], [sflag:$0x1] =	stream.indirect_vreg.gather [hbm4b:s7+s3], $0x80, v4, vm0, $0xb8;
	[tilespmem:$0x1E400] =	vst v63  }
0x10e: {  	s11 =	simm.s32 $0x2400  }
0x10f: {  	[tilespmem:s11], [sflag:$0x1] =	stream.indirect_vreg.gather [hbm4b:s2+s3], $0x80, v3, vm0, $0xb8;
	[tilespmem:$0x1E400] =	vst v63  }
0x110: {  	s13 =	simm.s32 $0x2C00  }
0x111: {  	[tilespmem:s13], [sflag:$0x1] =	stream.indirect_vreg.gather [hbm4b:s5+s3], $0x80, v3, vm0, $0xb8;
	[tilespmem:$0x1E400] =	vst v63  }
0x112: {  	s4 =	simm.s32 $0x3400  }
0x113: {  	[tilespmem:s4], [sflag:$0x1] =	stream.indirect_vreg.gather [hbm4b:s6+s3], $0x80, v3, vm0, $0xb8;
	[tilespmem:$0x1E400] =	vst v63  }
0x114: {  	s8 =	simm.s32 $0x3C00  }
0x115: {  	[tilespmem:s8], [sflag:$0x1] =	stream.indirect_vreg.gather [hbm4b:s7+s3], $0x80, v3, vm0, $0xb8;
	[tilespmem:$0x1E400] =	vst v63  }
0x116: {  	v3 =	vld.msk [tilespmem:$0x88], $0xff;
	_ =	sdelay $0x4  }
0x117: {  	v46 =	vshll.u32 v3, $0x3  }
0x118: {  	v3 =	vand.u32 $0x7, v3;
	v4 =	vand.u32 $0xFFFFFFC0, v46  }
0x119: {  	v3 =	vor.u32 v3, v4  }
0x11a: {  	v3 =	vperm.xlane v3, v0;
	_ =	sdelay $0x1  }
0x11b: {  	v3 =	vadd.s32 v1, v3;
	_ =	sdelay $0x3  }
0x11c: {  	s15 =	simm.s32 $0x4400  }
0x11d: {  	[tilespmem:s15], [sflag:$0x1] =	stream.indirect_vreg.gather [hbm4b:s2+s3], $0x80, v3, vm0, $0xb8;
	[tilespmem:$0x1E400] =	vst v63  }
0x11e: {  	s8 =	simm.s32 $0x4C00  }
0x11f: {  	[tilespmem:s8], [sflag:$0x1] =	stream.indirect_vreg.gather [hbm4b:s5+s3], $0x80, v3, vm0, $0xb8;
	[tilespmem:$0x1E400] =	vst v63  }
0x120: {  	s16 =	simm.s32 $0x5400  }
0x121: {  	[tilespmem:s16], [sflag:$0x1] =	stream.indirect_vreg.gather [hbm4b:s6+s3], $0x80, v3, vm0, $0xb8;
	[tilespmem:$0x1E400] =	vst v63  }
0x122: {  	s10 =	simm.s32 $0x5C00  }
0x123: {  	[tilespmem:s10], [sflag:$0x1] =	stream.indirect_vreg.gather [hbm4b:s7+s3], $0x80, v3, vm0, $0xb8;
	[tilespmem:$0x1E400] =	vst v63  }
0x124: {  	_ =	swait.ge [sflag:s24], $0x6000  }
0x125: {  	[sflag:s24] =	ssyncset.done $0x0  }
0x126: {  	s1 =	simm.s32 $0xC400;
	s22 =	rddreg [dreg:$0x7];
	[sflag:s24] =	ssyncadd.s32 $0xFFFFA000  }
0x127: {  	[hbm4b:s22+s3] =	stream.linear.scatter [tilespmem:s1], [sflag:$0x8], $0x6000, $0x38;
	[tilespmem:$0x1E400] =	vst v63  }
0x128: {  	_ =	swait.ge [sflag:s25], $0x6000  }
0x129: {  	[sflag:s25] =	ssyncset.done $0x0  }
0x12a: {  	[sflag:s25] =	ssyncadd.s32 $0xFFFFA000  }
0x12b: {  	v3 =	vld [tilespmem:$0x90];
	_ =	sdelay $0x4  }
0x12c: {  	v47 =	vshll.u32 v3, $0x3  }
0x12d: {  	v3 =	vand.u32 $0x7, v3;
	v4 =	vand.u32 $0xFFFFFFC0, v47  }
0x12e: {  	v3 =	vor.u32 v3, v4  }
0x12f: {  	v4 =	vperm.xlane v3, v0;
	_ =	sdelay $0x1  }
0x130: {  	v4 =	vadd.s32 v1, v4;
	_ =	sdelay $0x4  }
0x131: {  	[tilespmem:s9], [sflag:$0x2] =	stream.indirect_vreg.gather [hbm4b:s2+s3], $0x80, v4, vm0, $0xb8;
	[tilespmem:$0x1E400] =	vst v63  }
0x132: {  	s14 =	simm.s32 $0x6C00;
	v3 =	vperm.xlane v3, v2  }
0x133: {  	[tilespmem:s14], [sflag:$0x2] =	stream.indirect_vreg.gather [hbm4b:s5+s3], $0x80, v4, vm0, $0xb8;
	[tilespmem:$0x1E400] =	vst v63  }
0x134: {  	v3 =	vadd.s32 v1, v3;
	s9 =	simm.s32 $0x7400  }
0x135: {  	[tilespmem:s9], [sflag:$0x2] =	stream.indirect_vreg.gather [hbm4b:s6+s3], $0x80, v4, vm0, $0xb8;
	[tilespmem:$0x1E400] =	vst v63  }
0x136: {  	s12 =	simm.s32 $0x7C00  }
0x137: {  	[tilespmem:s12], [sflag:$0x2] =	stream.indirect_vreg.gather [hbm4b:s7+s3], $0x80, v4, vm0, $0xb8;
	[tilespmem:$0x1E400] =	vst v63  }
0x138: {  	s17 =	simm.s32 $0x8400  }
0x139: {  	[tilespmem:s17], [sflag:$0x2] =	stream.indirect_vreg.gather [hbm4b:s2+s3], $0x80, v3, vm0, $0xb8;
	[tilespmem:$0x1E400] =	vst v63  }
0x13a: {  	s20 =	simm.s32 $0x8C00  }
0x13b: {  	[tilespmem:s20], [sflag:$0x2] =	stream.indirect_vreg.gather [hbm4b:s5+s3], $0x80, v3, vm0, $0xb8;
	[tilespmem:$0x1E400] =	vst v63  }
0x13c: {  	s18 =	simm.s32 $0x9400  }
0x13d: {  	[tilespmem:s18], [sflag:$0x2] =	stream.indirect_vreg.gather [hbm4b:s6+s3], $0x80, v3, vm0, $0xb8;
	[tilespmem:$0x1E400] =	vst v63  }
0x13e: {  	s18 =	simm.s32 $0x9C00  }
0x13f: {  	[tilespmem:s18], [sflag:$0x2] =	stream.indirect_vreg.gather [hbm4b:s7+s3], $0x80, v3, vm0, $0xb8;
	[tilespmem:$0x1E400] =	vst v63  }
0x140: {  	v3 =	vld.msk [tilespmem:$0xA0], $0xff;
	_ =	sdelay $0x4  }
0x141: {  	v48 =	vshll.u32 v3, $0x3  }
0x142: {  	v3 =	vand.u32 $0x7, v3;
	v4 =	vand.u32 $0xFFFFFFC0, v48  }
0x143: {  	v3 =	vor.u32 v3, v4  }
0x144: {  	v3 =	vperm.xlane v3, v0;
	_ =	sdelay $0x1  }
0x145: {  	v3 =	vadd.s32 v1, v3;
	_ =	sdelay $0x3  }
0x146: {  	s13 =	simm.s32 $0xA400  }
0x147: {  	[tilespmem:s13], [sflag:$0x2] =	stream.indirect_vreg.gather [hbm4b:s2+s3], $0x80, v3, vm0, $0xb8;
	[tilespmem:$0x1E400] =	vst v63  }
0x148: {  	s13 =	simm.s32 $0xAC00  }
0x149: {  	[tilespmem:s13], [sflag:$0x2] =	stream.indirect_vreg.gather [hbm4b:s5+s3], $0x80, v3, vm0, $0xb8;
	[tilespmem:$0x1E400] =	vst v63  }
0x14a: {  	s15 =	simm.s32 $0xB400  }
0x14b: {  	[tilespmem:s15], [sflag:$0x2] =	stream.indirect_vreg.gather [hbm4b:s6+s3], $0x80, v3, vm0, $0xb8;
	[tilespmem:$0x1E400] =	vst v63  }
0x14c: {  	s12 =	simm.s32 $0xBC00  }
0x14d: {  	[tilespmem:s12], [sflag:$0x2] =	stream.indirect_vreg.gather [hbm4b:s7+s3], $0x80, v3, vm0, $0xb8;
	[tilespmem:$0x1E400] =	vst v63  }
0x14e: {  	_ =	swait.ge [sflag:s26], $0x6000  }
0x14f: {  	[sflag:s26] =	ssyncset.done $0x0  }
0x150: {  	s22 =	simm.s32 $0x12400;
	s16 =	rddreg [dreg:$0x8];
	[sflag:s26] =	ssyncadd.s32 $0xFFFFA000  }
0x151: {  	[hbm4b:s16+s3] =	stream.linear.scatter [tilespmem:s22], [sflag:$0x9], $0x6000, $0x38;
	[tilespmem:$0x1E400] =	vst v63  }
0x152: {  	_ =	swait.ge [sflag:s28], $0x6000  }
0x153: {  	[sflag:s28] =	ssyncset.done $0x0  }
0x154: {  	[sflag:s28] =	ssyncadd.s32 $0xFFFFA000  }
0x155: {  	v3 =	vld [tilespmem:$0xA8];
	_ =	sdelay $0x4  }
0x156: {  	v49 =	vshll.u32 v3, $0x3  }
0x157: {  	v3 =	vand.u32 $0x7, v3;
	v4 =	vand.u32 $0xFFFFFFC0, v49  }
0x158: {  	v3 =	vor.u32 v3, v4  }
0x159: {  	v4 =	vperm.xlane v3, v0;
	_ =	sdelay $0x1  }
0x15a: {  	v4 =	vadd.s32 v1, v4;
	_ =	sdelay $0x4  }
0x15b: {  	[tilespmem:s1], [sflag:$0x3] =	stream.indirect_vreg.gather [hbm4b:s2+s3], $0x80, v4, vm0, $0xb8;
	[tilespmem:$0x1E400] =	vst v63  }
0x15c: {  	s17 =	simm.s32 $0xCC00;
	v3 =	vperm.xlane v3, v2  }
0x15d: {  	[tilespmem:s17], [sflag:$0x3] =	stream.indirect_vreg.gather [hbm4b:s5+s3], $0x80, v4, vm0, $0xb8;
	[tilespmem:$0x1E400] =	vst v63  }
0x15e: {  	s20 =	simm.s32 $0xD400;
	v3 =	vadd.s32 v1, v3  }
0x15f: {  	[tilespmem:s20], [sflag:$0x3] =	stream.indirect_vreg.gather [hbm4b:s6+s3], $0x80, v4, vm0, $0xb8;
	[tilespmem:$0x1E400] =	vst v63  }
0x160: {  	s1 =	simm.s32 $0xDC00  }
0x161: {  	[tilespmem:s1], [sflag:$0x3] =	stream.indirect_vreg.gather [hbm4b:s7+s3], $0x80, v4, vm0, $0xb8;
	[tilespmem:$0x1E400] =	vst v63  }
0x162: {  	s20 =	simm.s32 $0xE400  }
0x163: {  	[tilespmem:s20], [sflag:$0x3] =	stream.indirect_vreg.gather [hbm4b:s2+s3], $0x80, v3, vm0, $0xb8;
	[tilespmem:$0x1E400] =	vst v63  }
0x164: {  	s15 =	simm.s32 $0xEC00  }
0x165: {  	[tilespmem:s15], [sflag:$0x3] =	stream.indirect_vreg.gather [hbm4b:s5+s3], $0x80, v3, vm0, $0xb8;
	[tilespmem:$0x1E400] =	vst v63  }
0x166: {  	s16 =	simm.s32 $0xF400  }
0x167: {  	[tilespmem:s16], [sflag:$0x3] =	stream.indirect_vreg.gather [hbm4b:s6+s3], $0x80, v3, vm0, $0xb8;
	[tilespmem:$0x1E400] =	vst v63  }
0x168: {  	s17 =	simm.s32 $0xFC00  }
0x169: {  	[tilespmem:s17], [sflag:$0x3] =	stream.indirect_vreg.gather [hbm4b:s7+s3], $0x80, v3, vm0, $0xb8;
	[tilespmem:$0x1E400] =	vst v63  }
0x16a: {  	v3 =	vld.msk [tilespmem:$0xB8], $0xff;
	_ =	sdelay $0x4  }
0x16b: {  	v50 =	vshll.u32 v3, $0x3  }
0x16c: {  	v3 =	vand.u32 $0x7, v3;
	v4 =	vand.u32 $0xFFFFFFC0, v50  }
0x16d: {  	v3 =	vor.u32 v3, v4  }
0x16e: {  	v3 =	vperm.xlane v3, v0;
	_ =	sdelay $0x1  }
0x16f: {  	v3 =	vadd.s32 v1, v3;
	_ =	sdelay $0x3  }
0x170: {  	s9 =	simm.s32 $0x10400  }
0x171: {  	[tilespmem:s9], [sflag:$0x3] =	stream.indirect_vreg.gather [hbm4b:s2+s3], $0x80, v3, vm0, $0xb8;
	[tilespmem:$0x1E400] =	vst v63  }
0x172: {  	s10 =	simm.s32 $0x10C00  }
0x173: {  	[tilespmem:s10], [sflag:$0x3] =	stream.indirect_vreg.gather [hbm4b:s5+s3], $0x80, v3, vm0, $0xb8;
	[tilespmem:$0x1E400] =	vst v63  }
0x174: {  	s1 =	simm.s32 $0x11400  }
0x175: {  	[tilespmem:s1], [sflag:$0x3] =	stream.indirect_vreg.gather [hbm4b:s6+s3], $0x80, v3, vm0, $0xb8;
	[tilespmem:$0x1E400] =	vst v63  }
0x176: {  	s9 =	simm.s32 $0x11C00  }
0x177: {  	[tilespmem:s9], [sflag:$0x3] =	stream.indirect_vreg.gather [hbm4b:s7+s3], $0x80, v3, vm0, $0xb8;
	[tilespmem:$0x1E400] =	vst v63  }
0x178: {  	_ =	swait.ge [sflag:s29], $0x6000  }
0x179: {  	[sflag:s29] =	ssyncset.done $0x0  }
0x17a: {  	s1 =	simm.s32 $0x18400;
	s10 =	rddreg [dreg:$0x9];
	[sflag:s29] =	ssyncadd.s32 $0xFFFFA000  }
0x17b: {  	[hbm4b:s10+s3] =	stream.linear.scatter [tilespmem:s1], [sflag:$0xA], $0x6000, $0x38;
	[tilespmem:$0x1E400] =	vst v63  }
0x17c: {  	_ =	swait.ge [sflag:s30], $0x6000  }
0x17d: {  	[sflag:s30] =	ssyncset.done $0x0  }
0x17e: {  	[sflag:s30] =	ssyncadd.s32 $0xFFFFA000  }
0x17f: {  	v3 =	vld [tilespmem:$0xC0];
	_ =	sdelay $0x4  }
0x180: {  	v51 =	vshll.u32 v3, $0x3  }
0x181: {  	v3 =	vand.u32 $0x7, v3;
	v4 =	vand.u32 $0xFFFFFFC0, v51  }
0x182: {  	v3 =	vor.u32 v3, v4  }
0x183: {  	v4 =	vperm.xlane v3, v0;
	_ =	sdelay $0x1  }
0x184: {  	v4 =	vadd.s32 v1, v4;
	_ =	sdelay $0x4  }
0x185: {  	[tilespmem:s22], [sflag:$0x4] =	stream.indirect_vreg.gather [hbm4b:s2+s3], $0x80, v4, vm0, $0xb8;
	[tilespmem:$0x1E400] =	vst v63  }
0x186: {  	v3 =	vperm.xlane v3, v2;
	s22 =	simm.s32 $0x12C00  }
0x187: {  	[tilespmem:s22], [sflag:$0x4] =	stream.indirect_vreg.gather [hbm4b:s5+s3], $0x80, v4, vm0, $0xb8;
	[tilespmem:$0x1E400] =	vst v63  }
0x188: {  	s9 =	simm.s32 $0x13400;
	v3 =	vadd.s32 v1, v3  }
0x189: {  	[tilespmem:s9], [sflag:$0x4] =	stream.indirect_vreg.gather [hbm4b:s6+s3], $0x80, v4, vm0, $0xb8;
	[tilespmem:$0x1E400] =	vst v63  }
0x18a: {  	s10 =	simm.s32 $0x13C00  }
0x18b: {  	[tilespmem:s10], [sflag:$0x4] =	stream.indirect_vreg.gather [hbm4b:s7+s3], $0x80, v4, vm0, $0xb8;
	[tilespmem:$0x1E400] =	vst v63  }
0x18c: {  	s22 =	simm.s32 $0x14400  }
0x18d: {  	[tilespmem:s22], [sflag:$0x4] =	stream.indirect_vreg.gather [hbm4b:s2+s3], $0x80, v3, vm0, $0xb8;
	[tilespmem:$0x1E400] =	vst v63  }
0x18e: {  	s9 =	simm.s32 $0x14C00  }
0x18f: {  	[tilespmem:s9], [sflag:$0x4] =	stream.indirect_vreg.gather [hbm4b:s5+s3], $0x80, v3, vm0, $0xb8;
	[tilespmem:$0x1E400] =	vst v63  }
0x190: {  	s10 =	simm.s32 $0x15400  }
0x191: {  	[tilespmem:s10], [sflag:$0x4] =	stream.indirect_vreg.gather [hbm4b:s6+s3], $0x80, v3, vm0, $0xb8;
	[tilespmem:$0x1E400] =	vst v63  }
0x192: {  	s22 =	simm.s32 $0x15C00  }
0x193: {  	[tilespmem:s22], [sflag:$0x4] =	stream.indirect_vreg.gather [hbm4b:s7+s3], $0x80, v3, vm0, $0xb8;
	[tilespmem:$0x1E400] =	vst v63  }
0x194: {  	v3 =	vld.msk [tilespmem:$0xD0], $0xff;
	_ =	sdelay $0x4  }
0x195: {  	v52 =	vshll.u32 v3, $0x3  }
0x196: {  	v3 =	vand.u32 $0x7, v3;
	v4 =	vand.u32 $0xFFFFFFC0, v52  }
0x197: {  	v3 =	vor.u32 v3, v4  }
0x198: {  	v3 =	vperm.xlane v3, v0;
	_ =	sdelay $0x1  }
0x199: {  	v3 =	vadd.s32 v1, v3;
	_ =	sdelay $0x3  }
0x19a: {  	s9 =	simm.s32 $0x16400  }
0x19b: {  	[tilespmem:s9], [sflag:$0x4] =	stream.indirect_vreg.gather [hbm4b:s2+s3], $0x80, v3, vm0, $0xb8;
	[tilespmem:$0x1E400] =	vst v63  }
0x19c: {  	s10 =	simm.s32 $0x16C00  }
0x19d: {  	[tilespmem:s10], [sflag:$0x4] =	stream.indirect_vreg.gather [hbm4b:s5+s3], $0x80, v3, vm0, $0xb8;
	[tilespmem:$0x1E400] =	vst v63  }
0x19e: {  	s22 =	simm.s32 $0x17400  }
0x19f: {  	[tilespmem:s22], [sflag:$0x4] =	stream.indirect_vreg.gather [hbm4b:s6+s3], $0x80, v3, vm0, $0xb8;
	[tilespmem:$0x1E400] =	vst v63  }
0x1a0: {  	s9 =	simm.s32 $0x17C00  }
0x1a1: {  	[tilespmem:s9], [sflag:$0x4] =	stream.indirect_vreg.gather [hbm4b:s7+s3], $0x80, v3, vm0, $0xb8;
	[tilespmem:$0x1E400] =	vst v63  }
0x1a2: {  	_ =	swait.ge [sflag:s19], $0x6000  }
0x1a3: {  	[sflag:s19] =	ssyncset.done $0x0  }
0x1a4: {  	s22 =	simm.s32 $0x400;
	s10 =	rddreg [dreg:$0xa];
	[sflag:s19] =	ssyncadd.s32 $0xFFFFA000  }
0x1a5: {  	[hbm4b:s10+s3] =	stream.linear.scatter [tilespmem:s22], [sflag:$0x6], $0x6000, $0x38;
	[tilespmem:$0x1E400] =	vst v63  }
0x1a6: {  	_ =	swait.ge [sflag:s31], $0x6000  }
0x1a7: {  	[sflag:s31] =	ssyncset.done $0x0  }
0x1a8: {  	[sflag:s31] =	ssyncadd.s32 $0xFFFFA000  }
0x1a9: {  	v3 =	vld [tilespmem:$0xD8];
	_ =	sdelay $0x4  }
0x1aa: {  	v53 =	vshll.u32 v3, $0x3  }
0x1ab: {  	v3 =	vand.u32 $0x7, v3;
	v4 =	vand.u32 $0xFFFFFFC0, v53  }
0x1ac: {  	v3 =	vor.u32 v3, v4  }
0x1ad: {  	v4 =	vperm.xlane v3, v0;
	_ =	sdelay $0x1  }
0x1ae: {  	v4 =	vadd.s32 v1, v4;
	_ =	sdelay $0x4  }
0x1af: {  	[tilespmem:s1], [sflag:$0x5] =	stream.indirect_vreg.gather [hbm4b:s2+s3], $0x80, v4, vm0, $0xb8;
	[tilespmem:$0x1E400] =	vst v63  }
0x1b0: {  	v3 =	vperm.xlane v3, v2;
	s1 =	simm.s32 $0x18C00  }
0x1b1: {  	[tilespmem:s1], [sflag:$0x5] =	stream.indirect_vreg.gather [hbm4b:s5+s3], $0x80, v4, vm0, $0xb8;
	[tilespmem:$0x1E400] =	vst v63  }
0x1b2: {  	s9 =	simm.s32 $0x19400;
	v3 =	vadd.s32 v1, v3  }
0x1b3: {  	[tilespmem:s9], [sflag:$0x5] =	stream.indirect_vreg.gather [hbm4b:s6+s3], $0x80, v4, vm0, $0xb8;
	[tilespmem:$0x1E400] =	vst v63  }
0x1b4: {  	s10 =	simm.s32 $0x19C00  }
0x1b5: {  	[tilespmem:s10], [sflag:$0x5] =	stream.indirect_vreg.gather [hbm4b:s7+s3], $0x80, v4, vm0, $0xb8;
	[tilespmem:$0x1E400] =	vst v63  }
0x1b6: {  	s1 =	simm.s32 $0x1A400  }
0x1b7: {  	[tilespmem:s1], [sflag:$0x5] =	stream.indirect_vreg.gather [hbm4b:s2+s3], $0x80, v3, vm0, $0xb8;
	[tilespmem:$0x1E400] =	vst v63  }
0x1b8: {  	s9 =	simm.s32 $0x1AC00  }
0x1b9: {  	[tilespmem:s9], [sflag:$0x5] =	stream.indirect_vreg.gather [hbm4b:s5+s3], $0x80, v3, vm0, $0xb8;
	[tilespmem:$0x1E400] =	vst v63  }
0x1ba: {  	s10 =	simm.s32 $0x1B400  }
0x1bb: {  	[tilespmem:s10], [sflag:$0x5] =	stream.indirect_vreg.gather [hbm4b:s6+s3], $0x80, v3, vm0, $0xb8;
	[tilespmem:$0x1E400] =	vst v63  }
0x1bc: {  	s1 =	simm.s32 $0x1BC00  }
0x1bd: {  	[tilespmem:s1], [sflag:$0x5] =	stream.indirect_vreg.gather [hbm4b:s7+s3], $0x80, v3, vm0, $0xb8;
	[tilespmem:$0x1E400] =	vst v63  }
0x1be: {  	v3 =	vld.msk [tilespmem:$0xE8], $0xff;
	_ =	sdelay $0x4  }
0x1bf: {  	v54 =	vshll.u32 v3, $0x3  }
0x1c0: {  	v3 =	vand.u32 $0x7, v3;
	v4 =	vand.u32 $0xFFFFFFC0, v54  }
0x1c1: {  	v3 =	vor.u32 v3, v4  }
0x1c2: {  	v3 =	vperm.xlane v3, v0;
	_ =	sdelay $0x1  }
0x1c3: {  	v3 =	vadd.s32 v1, v3;
	_ =	sdelay $0x3  }
0x1c4: {  	s9 =	simm.s32 $0x1C400  }
0x1c5: {  	[tilespmem:s9], [sflag:$0x5] =	stream.indirect_vreg.gather [hbm4b:s2+s3], $0x80, v3, vm0, $0xb8;
	[tilespmem:$0x1E400] =	vst v63  }
0x1c6: {  	s10 =	simm.s32 $0x1CC00  }
0x1c7: {  	[tilespmem:s10], [sflag:$0x5] =	stream.indirect_vreg.gather [hbm4b:s5+s3], $0x80, v3, vm0, $0xb8;
	[tilespmem:$0x1E400] =	vst v63  }
0x1c8: {  	s1 =	simm.s32 $0x1D400  }
0x1c9: {  	[tilespmem:s1], [sflag:$0x5] =	stream.indirect_vreg.gather [hbm4b:s6+s3], $0x80, v3, vm0, $0xb8;
	[tilespmem:$0x1E400] =	vst v63  }
0x1ca: {  	s9 =	simm.s32 $0x1DC00  }
0x1cb: {  	[tilespmem:s9], [sflag:$0x5] =	stream.indirect_vreg.gather [hbm4b:s7+s3], $0x80, v3, vm0, $0xb8;
	[tilespmem:$0x1E400] =	vst v63  }
0x1cc: {  	_ =	swait.ge [sflag:s21], $0x6000  }
0x1cd: {  	[sflag:s21] =	ssyncset.done $0x0  }
0x1ce: {  	s1 =	simm.s32 $0x6400;
	s10 =	rddreg [dreg:$0xb];
	[sflag:s21] =	ssyncadd.s32 $0xFFFFA000  }
0x1cf: {  	[hbm4b:s10+s3] =	stream.linear.scatter [tilespmem:s1], [sflag:$0x7], $0x6000, $0x38;
	[tilespmem:$0x1E400] =	vst v63  }
0x1d0: {  	_ =	swait.ge [sflag:s23], $0x6000  }
0x1d1: {  	[sflag:s23] =	ssyncset.done $0x0  }
0x1d2: {  	[sflag:s23] =	ssyncadd.s32 $0xFFFFA000  }
0x1d3: {  	v3 =	vld [tilespmem:$0xF0];
	_ =	sdelay $0x4  }
0x1d4: {  	v55 =	vshll.u32 v3, $0x3  }
0x1d5: {  	v3 =	vand.u32 $0x7, v3;
	v4 =	vand.u32 $0xFFFFFFC0, v55  }
0x1d6: {  	v3 =	vor.u32 v3, v4  }
0x1d7: {  	v4 =	vperm.xlane v3, v0;
	_ =	sdelay $0x1  }
0x1d8: {  	v4 =	vadd.s32 v1, v4;
	_ =	sdelay $0x4  }
0x1d9: {  	[tilespmem:s22], [sflag:$0x1] =	stream.indirect_vreg.gather [hbm4b:s2+s3], $0x80, v4, vm0, $0xb8;
	[tilespmem:$0x1E400] =	vst v63  }
0x1da: {  	v3 =	vperm.xlane v3, v2;
	s22 =	simm.s32 $0xC00  }
0x1db: {  	[tilespmem:s22], [sflag:$0x1] =	stream.indirect_vreg.gather [hbm4b:s5+s3], $0x80, v4, vm0, $0xb8;
	[tilespmem:$0x1E400] =	vst v63  }
0x1dc: {  	s9 =	simm.s32 $0x1400;
	v3 =	vadd.s32 v1, v3  }
0x1dd: {  	[tilespmem:s9], [sflag:$0x1] =	stream.indirect_vreg.gather [hbm4b:s6+s3], $0x80, v4, vm0, $0xb8;
	[tilespmem:$0x1E400] =	vst v63  }
0x1de: {  	s10 =	simm.s32 $0x1C00  }
0x1df: {  	[tilespmem:s10], [sflag:$0x1] =	stream.indirect_vreg.gather [hbm4b:s7+s3], $0x80, v4, vm0, $0xb8;
	[tilespmem:$0x1E400] =	vst v63  }
0x1e0: {  	_ = 	snop  }
0x1e1: {  	[tilespmem:s11], [sflag:$0x1] =	stream.indirect_vreg.gather [hbm4b:s2+s3], $0x80, v3, vm0, $0xb8;
	[tilespmem:$0x1E400] =	vst v63  }
0x1e2: {  	s10 =	simm.s32 $0x2C00  }
0x1e3: {  	[tilespmem:s10], [sflag:$0x1] =	stream.indirect_vreg.gather [hbm4b:s5+s3], $0x80, v3, vm0, $0xb8;
	[tilespmem:$0x1E400] =	vst v63  }
0x1e4: {  	_ = 	snop  }
0x1e5: {  	[tilespmem:s4], [sflag:$0x1] =	stream.indirect_vreg.gather [hbm4b:s6+s3], $0x80, v3, vm0, $0xb8;
	[tilespmem:$0x1E400] =	vst v63  }
0x1e6: {  	s9 =	simm.s32 $0x3C00  }
0x1e7: {  	[tilespmem:s9], [sflag:$0x1] =	stream.indirect_vreg.gather [hbm4b:s7+s3], $0x80, v3, vm0, $0xb8;
	[tilespmem:$0x1E400] =	vst v63  }
0x1e8: {  	v3 =	vld.msk [tilespmem:$0x100], $0xff;
	_ =	sdelay $0x4  }
0x1e9: {  	v56 =	vshll.u32 v3, $0x3  }
0x1ea: {  	v3 =	vand.u32 $0x7, v3;
	v4 =	vand.u32 $0xFFFFFFC0, v56  }
0x1eb: {  	v3 =	vor.u32 v3, v4  }
0x1ec: {  	v3 =	vperm.xlane v3, v0;
	_ =	sdelay $0x1  }
0x1ed: {  	v3 =	vadd.s32 v1, v3;
	_ =	sdelay $0x3  }
0x1ee: {  	s11 =	simm.s32 $0x4400  }
0x1ef: {  	[tilespmem:s11], [sflag:$0x1] =	stream.indirect_vreg.gather [hbm4b:s2+s3], $0x80, v3, vm0, $0xb8;
	[tilespmem:$0x1E400] =	vst v63  }
0x1f0: {  	_ = 	snop  }
0x1f1: {  	[tilespmem:s8], [sflag:$0x1] =	stream.indirect_vreg.gather [hbm4b:s5+s3], $0x80, v3, vm0, $0xb8;
	[tilespmem:$0x1E400] =	vst v63  }
0x1f2: {  	s8 =	simm.s32 $0x5400  }
0x1f3: {  	[tilespmem:s8], [sflag:$0x1] =	stream.indirect_vreg.gather [hbm4b:s6+s3], $0x80, v3, vm0, $0xb8;
	[tilespmem:$0x1E400] =	vst v63  }
0x1f4: {  	s4 =	simm.s32 $0x5C00  }
0x1f5: {  	[tilespmem:s4], [sflag:$0x1] =	stream.indirect_vreg.gather [hbm4b:s7+s3], $0x80, v3, vm0, $0xb8;
	[tilespmem:$0x1E400] =	vst v63  }
0x1f6: {  	_ =	swait.ge [sflag:s24], $0x6000  }
0x1f7: {  	[sflag:s24] =	ssyncset.done $0x0  }
0x1f8: {  	s4 =	simm.s32 $0xC400;
	s11 =	rddreg [dreg:$0xc];
	[sflag:s24] =	ssyncadd.s32 $0xFFFFA000  }
0x1f9: {  	[hbm4b:s11+s3] =	stream.linear.scatter [tilespmem:s4], [sflag:$0x8], $0x6000, $0x38;
	[tilespmem:$0x1E400] =	vst v63  }
0x1fa: {  	_ =	swait.ge [sflag:s25], $0x6000  }
0x1fb: {  	[sflag:s25] =	ssyncset.done $0x0  }
0x1fc: {  	[sflag:s25] =	ssyncadd.s32 $0xFFFFA000  }
0x1fd: {  	v3 =	vld [tilespmem:$0x108];
	_ =	sdelay $0x4  }
0x1fe: {  	v57 =	vshll.u32 v3, $0x3  }
0x1ff: {  	v3 =	vand.u32 $0x7, v3;
	v4 =	vand.u32 $0xFFFFFFC0, v57  }
0x200: {  	v3 =	vor.u32 v3, v4  }
0x201: {  	v4 =	vperm.xlane v3, v0;
	_ =	sdelay $0x1  }
0x202: {  	v4 =	vadd.s32 v1, v4;
	_ =	sdelay $0x4  }
0x203: {  	[tilespmem:s1], [sflag:$0x2] =	stream.indirect_vreg.gather [hbm4b:s2+s3], $0x80, v4, vm0, $0xb8;
	[tilespmem:$0x1E400] =	vst v63  }
0x204: {  	v3 =	vperm.xlane v3, v2  }
0x205: {  	[tilespmem:s14], [sflag:$0x2] =	stream.indirect_vreg.gather [hbm4b:s5+s3], $0x80, v4, vm0, $0xb8;
	[tilespmem:$0x1E400] =	vst v63  }
0x206: {  	s11 =	simm.s32 $0x7400;
	v3 =	vadd.s32 v1, v3  }
0x207: {  	[tilespmem:s11], [sflag:$0x2] =	stream.indirect_vreg.gather [hbm4b:s6+s3], $0x80, v4, vm0, $0xb8;
	[tilespmem:$0x1E400] =	vst v63  }
0x208: {  	s14 =	simm.s32 $0x7C00  }
0x209: {  	[tilespmem:s14], [sflag:$0x2] =	stream.indirect_vreg.gather [hbm4b:s7+s3], $0x80, v4, vm0, $0xb8;
	[tilespmem:$0x1E400] =	vst v63  }
0x20a: {  	s1 =	simm.s32 $0x8400  }
0x20b: {  	[tilespmem:s1], [sflag:$0x2] =	stream.indirect_vreg.gather [hbm4b:s2+s3], $0x80, v3, vm0, $0xb8;
	[tilespmem:$0x1E400] =	vst v63  }
0x20c: {  	s11 =	simm.s32 $0x8C00  }
0x20d: {  	[tilespmem:s11], [sflag:$0x2] =	stream.indirect_vreg.gather [hbm4b:s5+s3], $0x80, v3, vm0, $0xb8;
	[tilespmem:$0x1E400] =	vst v63  }
0x20e: {  	s14 =	simm.s32 $0x9400  }
0x20f: {  	[tilespmem:s14], [sflag:$0x2] =	stream.indirect_vreg.gather [hbm4b:s6+s3], $0x80, v3, vm0, $0xb8;
	[tilespmem:$0x1E400] =	vst v63  }
0x210: {  	_ = 	snop  }
0x211: {  	[tilespmem:s18], [sflag:$0x2] =	stream.indirect_vreg.gather [hbm4b:s7+s3], $0x80, v3, vm0, $0xb8;
	[tilespmem:$0x1E400] =	vst v63  }
0x212: {  	v3 =	vld.msk [tilespmem:$0x118], $0xff;
	_ =	sdelay $0x4  }
0x213: {  	v58 =	vshll.u32 v3, $0x3  }
0x214: {  	v3 =	vand.u32 $0x7, v3;
	v4 =	vand.u32 $0xFFFFFFC0, v58  }
0x215: {  	v3 =	vor.u32 v3, v4  }
0x216: {  	v3 =	vperm.xlane v3, v0;
	_ =	sdelay $0x1  }
0x217: {  	v3 =	vadd.s32 v1, v3;
	_ =	sdelay $0x3  }
0x218: {  	s18 =	simm.s32 $0xA400  }
0x219: {  	[tilespmem:s18], [sflag:$0x2] =	stream.indirect_vreg.gather [hbm4b:s2+s3], $0x80, v3, vm0, $0xb8;
	[tilespmem:$0x1E400] =	vst v63  }
0x21a: {  	_ = 	snop  }
0x21b: {  	[tilespmem:s13], [sflag:$0x2] =	stream.indirect_vreg.gather [hbm4b:s5+s3], $0x80, v3, vm0, $0xb8;
	[tilespmem:$0x1E400] =	vst v63  }
0x21c: {  	s1 =	simm.s32 $0xB400  }
0x21d: {  	[tilespmem:s1], [sflag:$0x2] =	stream.indirect_vreg.gather [hbm4b:s6+s3], $0x80, v3, vm0, $0xb8;
	[tilespmem:$0x1E400] =	vst v63  }
0x21e: {  	_ = 	snop  }
0x21f: {  	[tilespmem:s12], [sflag:$0x2] =	stream.indirect_vreg.gather [hbm4b:s7+s3], $0x80, v3, vm0, $0xb8;
	[tilespmem:$0x1E400] =	vst v63  }
0x220: {  	_ =	swait.ge [sflag:s26], $0x6000  }
0x221: {  	[sflag:s26] =	ssyncset.done $0x0  }
0x222: {  	s1 =	simm.s32 $0x12400;
	s11 =	rddreg [dreg:$0xd];
	[sflag:s26] =	ssyncadd.s32 $0xFFFFA000  }
0x223: {  	[hbm4b:s11+s3] =	stream.linear.scatter [tilespmem:s1], [sflag:$0x9], $0x6000, $0x38;
	[tilespmem:$0x1E400] =	vst v63  }
0x224: {  	_ =	swait.ge [sflag:s28], $0x6000  }
0x225: {  	[sflag:s28] =	ssyncset.done $0x0  }
0x226: {  	[sflag:s28] =	ssyncadd.s32 $0xFFFFA000  }
0x227: {  	v3 =	vld [tilespmem:$0x120];
	_ =	sdelay $0x4  }
0x228: {  	v59 =	vshll.u32 v3, $0x3  }
0x229: {  	v3 =	vand.u32 $0x7, v3;
	v4 =	vand.u32 $0xFFFFFFC0, v59  }
0x22a: {  	v3 =	vor.u32 v3, v4  }
0x22b: {  	v4 =	vperm.xlane v3, v0;
	_ =	sdelay $0x1  }
0x22c: {  	v4 =	vadd.s32 v1, v4;
	_ =	sdelay $0x4  }
0x22d: {  	[tilespmem:s4], [sflag:$0x3] =	stream.indirect_vreg.gather [hbm4b:s2+s3], $0x80, v4, vm0, $0xb8;
	[tilespmem:$0x1E400] =	vst v63  }
0x22e: {  	s12 =	simm.s32 $0xCC00;
	v3 =	vperm.xlane v3, v2  }
0x22f: {  	[tilespmem:s12], [sflag:$0x3] =	stream.indirect_vreg.gather [hbm4b:s5+s3], $0x80, v4, vm0, $0xb8;
	[tilespmem:$0x1E400] =	vst v63  }
0x230: {  	s13 =	simm.s32 $0xD400;
	v3 =	vadd.s32 v1, v3  }
0x231: {  	[tilespmem:s13], [sflag:$0x3] =	stream.indirect_vreg.gather [hbm4b:s6+s3], $0x80, v4, vm0, $0xb8;
	[tilespmem:$0x1E400] =	vst v63  }
0x232: {  	s14 =	simm.s32 $0xDC00  }
0x233: {  	[tilespmem:s14], [sflag:$0x3] =	stream.indirect_vreg.gather [hbm4b:s7+s3], $0x80, v4, vm0, $0xb8;
	[tilespmem:$0x1E400] =	vst v63  }
0x234: {  	_ = 	snop  }
0x235: {  	[tilespmem:s20], [sflag:$0x3] =	stream.indirect_vreg.gather [hbm4b:s2+s3], $0x80, v3, vm0, $0xb8;
	[tilespmem:$0x1E400] =	vst v63  }
0x236: {  	_ = 	snop  }
0x237: {  	[tilespmem:s15], [sflag:$0x3] =	stream.indirect_vreg.gather [hbm4b:s5+s3], $0x80, v3, vm0, $0xb8;
	[tilespmem:$0x1E400] =	vst v63  }
0x238: {  	_ = 	snop  }
0x239: {  	[tilespmem:s16], [sflag:$0x3] =	stream.indirect_vreg.gather [hbm4b:s6+s3], $0x80, v3, vm0, $0xb8;
	[tilespmem:$0x1E400] =	vst v63  }
0x23a: {  	_ = 	snop  }
0x23b: {  	[tilespmem:s17], [sflag:$0x3] =	stream.indirect_vreg.gather [hbm4b:s7+s3], $0x80, v3, vm0, $0xb8;
	[tilespmem:$0x1E400] =	vst v63  }
0x23c: {  	v3 =	vld.msk [tilespmem:$0x130], $0xff;
	_ =	sdelay $0x4  }
0x23d: {  	v60 =	vshll.u32 v3, $0x3  }
0x23e: {  	v3 =	vand.u32 $0x7, v3;
	v4 =	vand.u32 $0xFFFFFFC0, v60  }
0x23f: {  	v3 =	vor.u32 v3, v4  }
0x240: {  	v3 =	vperm.xlane v3, v0;
	_ =	sdelay $0x1  }
0x241: {  	v3 =	vadd.s32 v1, v3;
	_ =	sdelay $0x3  }
0x242: {  	s17 =	simm.s32 $0x10400  }
0x243: {  	[tilespmem:s17], [sflag:$0x3] =	stream.indirect_vreg.gather [hbm4b:s2+s3], $0x80, v3, vm0, $0xb8;
	[tilespmem:$0x1E400] =	vst v63  }
0x244: {  	s18 =	simm.s32 $0x10C00  }
0x245: {  	[tilespmem:s18], [sflag:$0x3] =	stream.indirect_vreg.gather [hbm4b:s5+s3], $0x80, v3, vm0, $0xb8;
	[tilespmem:$0x1E400] =	vst v63  }
0x246: {  	s20 =	simm.s32 $0x11400  }
0x247: {  	[tilespmem:s20], [sflag:$0x3] =	stream.indirect_vreg.gather [hbm4b:s6+s3], $0x80, v3, vm0, $0xb8;
	[tilespmem:$0x1E400] =	vst v63  }
0x248: {  	s4 =	simm.s32 $0x11C00  }
0x249: {  	[tilespmem:s4], [sflag:$0x3] =	stream.indirect_vreg.gather [hbm4b:s7+s3], $0x80, v3, vm0, $0xb8;
	[tilespmem:$0x1E400] =	vst v63  }
0x24a: {  	_ =	swait.ge [sflag:s29], $0x6000  }
0x24b: {  	[sflag:s29] =	ssyncset.done $0x0  }
0x24c: {  	s12 =	simm.s32 $0x18400;
	s11 =	rddreg [dreg:$0xe];
	[sflag:s29] =	ssyncadd.s32 $0xFFFFA000  }
0x24d: {  	[hbm4b:s11+s3] =	stream.linear.scatter [tilespmem:s12], [sflag:$0xA], $0x6000, $0x38;
	[tilespmem:$0x1E400] =	vst v63  }
0x24e: {  	_ =	swait.ge [sflag:s30], $0x6000  }
0x24f: {  	[sflag:s30] =	ssyncset.done $0x0  }
0x250: {  	[sflag:s30] =	ssyncadd.s32 $0xFFFFA000  }
0x251: {  	v3 =	vld [tilespmem:$0x138];
	_ =	sdelay $0x4  }
0x252: {  	v61 =	vshll.u32 v3, $0x3  }
0x253: {  	v3 =	vand.u32 $0x7, v3;
	v4 =	vand.u32 $0xFFFFFFC0, v61  }
0x254: {  	v3 =	vor.u32 v3, v4  }
0x255: {  	v4 =	vperm.xlane v3, v0;
	_ =	sdelay $0x1  }
0x256: {  	v4 =	vadd.s32 v1, v4;
	_ =	sdelay $0x4  }
0x257: {  	[tilespmem:s1], [sflag:$0x4] =	stream.indirect_vreg.gather [hbm4b:s2+s3], $0x80, v4, vm0, $0xb8;
	[tilespmem:$0x1E400] =	vst v63  }
0x258: {  	s16 =	simm.s32 $0x12C00;
	v3 =	vperm.xlane v3, v2  }
0x259: {  	[tilespmem:s16], [sflag:$0x4] =	stream.indirect_vreg.gather [hbm4b:s5+s3], $0x80, v4, vm0, $0xb8;
	[tilespmem:$0x1E400] =	vst v63  }
0x25a: {  	s14 =	simm.s32 $0x13400;
	v3 =	vadd.s32 v1, v3  }
0x25b: {  	[tilespmem:s14], [sflag:$0x4] =	stream.indirect_vreg.gather [hbm4b:s6+s3], $0x80, v4, vm0, $0xb8;
	[tilespmem:$0x1E400] =	vst v63  }
0x25c: {  	s15 =	simm.s32 $0x13C00  }
0x25d: {  	[tilespmem:s15], [sflag:$0x4] =	stream.indirect_vreg.gather [hbm4b:s7+s3], $0x80, v4, vm0, $0xb8;
	[tilespmem:$0x1E400] =	vst v63  }
0x25e: {  	s17 =	simm.s32 $0x14400  }
0x25f: {  	[tilespmem:s17], [sflag:$0x4] =	stream.indirect_vreg.gather [hbm4b:s2+s3], $0x80, v3, vm0, $0xb8;
	[tilespmem:$0x1E400] =	vst v63  }
0x260: {  	s18 =	simm.s32 $0x14C00  }
0x261: {  	[tilespmem:s18], [sflag:$0x4] =	stream.indirect_vreg.gather [hbm4b:s5+s3], $0x80, v3, vm0, $0xb8;
	[tilespmem:$0x1E400] =	vst v63  }
0x262: {  	s13 =	simm.s32 $0x15400  }
0x263: {  	[tilespmem:s13], [sflag:$0x4] =	stream.indirect_vreg.gather [hbm4b:s6+s3], $0x80, v3, vm0, $0xb8;
	[tilespmem:$0x1E400] =	vst v63  }
0x264: {  	s17 =	simm.s32 $0x15C00  }
0x265: {  	[tilespmem:s17], [sflag:$0x4] =	stream.indirect_vreg.gather [hbm4b:s7+s3], $0x80, v3, vm0, $0xb8;
	[tilespmem:$0x1E400] =	vst v63  }
0x266: {  	v3 =	vld.msk [tilespmem:$0x148], $0xff;
	_ =	sdelay $0x4  }
0x267: {  	v62 =	vshll.u32 v3, $0x3  }
0x268: {  	v3 =	vand.u32 $0x7, v3;
	v4 =	vand.u32 $0xFFFFFFC0, v62  }
0x269: {  	v3 =	vor.u32 v3, v4  }
0x26a: {  	v3 =	vperm.xlane v3, v0;
	_ =	sdelay $0x1  }
0x26b: {  	v3 =	vadd.s32 v1, v3;
	_ =	sdelay $0x3  }
0x26c: {  	s14 =	simm.s32 $0x16400  }
0x26d: {  	[tilespmem:s14], [sflag:$0x4] =	stream.indirect_vreg.gather [hbm4b:s2+s3], $0x80, v3, vm0, $0xb8;
	[tilespmem:$0x1E400] =	vst v63  }
0x26e: {  	s15 =	simm.s32 $0x16C00  }
0x26f: {  	[tilespmem:s15], [sflag:$0x4] =	stream.indirect_vreg.gather [hbm4b:s5+s3], $0x80, v3, vm0, $0xb8;
	[tilespmem:$0x1E400] =	vst v63  }
0x270: {  	s18 =	simm.s32 $0x17400  }
0x271: {  	[tilespmem:s18], [sflag:$0x4] =	stream.indirect_vreg.gather [hbm4b:s6+s3], $0x80, v3, vm0, $0xb8;
	[tilespmem:$0x1E400] =	vst v63  }
0x272: {  	s1 =	simm.s32 $0x17C00  }
0x273: {  	[tilespmem:s1], [sflag:$0x4] =	stream.indirect_vreg.gather [hbm4b:s7+s3], $0x80, v3, vm0, $0xb8;
	[tilespmem:$0x1E400] =	vst v63  }
0x274: {  	_ =	swait.ge [sflag:s19], $0x6000  }
0x275: {  	[sflag:s19] =	ssyncset.done $0x0  }
0x276: {  	s1 =	simm.s32 $0x400;
	s4 =	rddreg [dreg:$0xf];
	[sflag:s19] =	ssyncadd.s32 $0xFFFFA000  }
0x277: {  	[hbm4b:s4+s3] =	stream.linear.scatter [tilespmem:s1], [sflag:$0x6], $0x6000, $0x38;
	[tilespmem:$0x1E400] =	vst v63  }
0x278: {  	_ =	swait.ge [sflag:s31], $0x6000  }
0x279: {  	[sflag:s31] =	ssyncset.done $0x0  }
0x27a: {  	[sflag:s31] =	ssyncadd.s32 $0xFFFFA000  }
0x27b: {  	v3 =	vld [tilespmem:$0x150];
	_ =	sdelay $0x4  }
0x27c: {  	v63 =	vshll.u32 v3, $0x3  }
0x27d: {  	v3 =	vand.u32 $0x7, v3;
	v4 =	vand.u32 $0xFFFFFFC0, v63  }
0x27e: {  	v3 =	vor.u32 v3, v4  }
0x27f: {  	v4 =	vperm.xlane v3, v0;
	_ =	sdelay $0x1  }
0x280: {  	v4 =	vadd.s32 v1, v4;
	_ =	sdelay $0x4  }
0x281: {  	[tilespmem:s12], [sflag:$0x5] =	stream.indirect_vreg.gather [hbm4b:s2+s3], $0x80, v4, vm0, $0xb8;
	[tilespmem:$0x1E400] =	vst v63  }
0x282: {  	s11 =	simm.s32 $0x18C00;
	v3 =	vperm.xlane v3, v2  }
0x283: {  	[tilespmem:s11], [sflag:$0x5] =	stream.indirect_vreg.gather [hbm4b:s5+s3], $0x80, v4, vm0, $0xb8;
	[tilespmem:$0x1E400] =	vst v63  }
0x284: {  	s20 =	simm.s32 $0x19400;
	v3 =	vadd.s32 v1, v3  }
0x285: {  	[tilespmem:s20], [sflag:$0x5] =	stream.indirect_vreg.gather [hbm4b:s6+s3], $0x80, v4, vm0, $0xb8;
	[tilespmem:$0x1E400] =	vst v63  }
0x286: {  	s12 =	simm.s32 $0x19C00  }
0x287: {  	[tilespmem:s12], [sflag:$0x5] =	stream.indirect_vreg.gather [hbm4b:s7+s3], $0x80, v4, vm0, $0xb8;
	[tilespmem:$0x1E400] =	vst v63  }
0x288: {  	s4 =	simm.s32 $0x1A400  }
0x289: {  	[tilespmem:s4], [sflag:$0x5] =	stream.indirect_vreg.gather [hbm4b:s2+s3], $0x80, v3, vm0, $0xb8;
	[tilespmem:$0x1E400] =	vst v63  }
0x28a: {  	s11 =	simm.s32 $0x1AC00  }
0x28b: {  	[tilespmem:s11], [sflag:$0x5] =	stream.indirect_vreg.gather [hbm4b:s5+s3], $0x80, v3, vm0, $0xb8;
	[tilespmem:$0x1E400] =	vst v63  }
0x28c: {  	s12 =	simm.s32 $0x1B400  }
0x28d: {  	[tilespmem:s12], [sflag:$0x5] =	stream.indirect_vreg.gather [hbm4b:s6+s3], $0x80, v3, vm0, $0xb8;
	[tilespmem:$0x1E400] =	vst v63  }
0x28e: {  	s4 =	simm.s32 $0x1BC00  }
0x28f: {  	[tilespmem:s4], [sflag:$0x5] =	stream.indirect_vreg.gather [hbm4b:s7+s3], $0x80, v3, vm0, $0xb8;
	[tilespmem:$0x1E400] =	vst v63  }
0x290: {  	v3 =	vld.msk [tilespmem:$0x160], $0xff;
	_ =	sdelay $0x4  }
0x291: {  	v8 =	vshll.u32 v3, $0x3  }
0x292: {  	v3 =	vand.u32 $0x7, v3;
	v4 =	vand.u32 $0xFFFFFFC0, v8  }
0x293: {  	v3 =	vor.u32 v3, v4  }
0x294: {  	v3 =	vperm.xlane v3, v0;
	_ =	sdelay $0x1  }
0x295: {  	v3 =	vadd.s32 v1, v3;
	_ =	sdelay $0x3  }
0x296: {  	s11 =	simm.s32 $0x1C400  }
0x297: {  	[tilespmem:s11], [sflag:$0x5] =	stream.indirect_vreg.gather [hbm4b:s2+s3], $0x80, v3, vm0, $0xb8;
	[tilespmem:$0x1E400] =	vst v63  }
0x298: {  	s12 =	simm.s32 $0x1CC00  }
0x299: {  	[tilespmem:s12], [sflag:$0x5] =	stream.indirect_vreg.gather [hbm4b:s5+s3], $0x80, v3, vm0, $0xb8;
	[tilespmem:$0x1E400] =	vst v63  }
0x29a: {  	s4 =	simm.s32 $0x1D400  }
0x29b: {  	[tilespmem:s4], [sflag:$0x5] =	stream.indirect_vreg.gather [hbm4b:s6+s3], $0x80, v3, vm0, $0xb8;
	[tilespmem:$0x1E400] =	vst v63  }
0x29c: {  	s11 =	simm.s32 $0x1DC00  }
0x29d: {  	[tilespmem:s11], [sflag:$0x5] =	stream.indirect_vreg.gather [hbm4b:s7+s3], $0x80, v3, vm0, $0xb8;
	[tilespmem:$0x1E400] =	vst v63  }
0x29e: {  	_ =	swait.ge [sflag:s21], $0x6000  }
0x29f: {  	[sflag:s21] =	ssyncset.done $0x0  }
0x2a0: {  	s4 =	simm.s32 $0x6400;
	s12 =	rddreg [dreg:$0x10];
	[sflag:s21] =	ssyncadd.s32 $0xFFFFA000  }
0x2a1: {  	[hbm4b:s12+s3] =	stream.linear.scatter [tilespmem:s4], [sflag:$0x7], $0x6000, $0x38;
	[tilespmem:$0x1E400] =	vst v63  }
0x2a2: {  	_ =	swait.ge [sflag:s23], $0x6000  }
0x2a3: {  	[sflag:s23] =	ssyncset.done $0x0  }
0x2a4: {  	[sflag:s23] =	ssyncadd.s32 $0xFFFFA000  }
0x2a5: {  	v3 =	vld [tilespmem:$0x168];
	_ =	sdelay $0x4  }
0x2a6: {  	v9 =	vshll.u32 v3, $0x3  }
0x2a7: {  	v3 =	vand.u32 $0x7, v3;
	v4 =	vand.u32 $0xFFFFFFC0, v9  }
0x2a8: {  	v3 =	vor.u32 v3, v4  }
0x2a9: {  	v4 =	vperm.xlane v3, v0;
	_ =	sdelay $0x1  }
0x2aa: {  	v4 =	vadd.s32 v1, v4;
	_ =	sdelay $0x4  }
0x2ab: {  	[tilespmem:s1], [sflag:$0x1] =	stream.indirect_vreg.gather [hbm4b:s2+s3], $0x80, v4, vm0, $0xb8;
	[tilespmem:$0x1E400] =	vst v63  }
0x2ac: {  	v3 =	vperm.xlane v3, v2  }
0x2ad: {  	[tilespmem:s22], [sflag:$0x1] =	stream.indirect_vreg.gather [hbm4b:s5+s3], $0x80, v4, vm0, $0xb8;
	[tilespmem:$0x1E400] =	vst v63  }
0x2ae: {  	v3 =	vadd.s32 v1, v3;
	s22 =	simm.s32 $0x1400  }
0x2af: {  	[tilespmem:s22], [sflag:$0x1] =	stream.indirect_vreg.gather [hbm4b:s6+s3], $0x80, v4, vm0, $0xb8;
	[tilespmem:$0x1E400] =	vst v63  }
0x2b0: {  	s1 =	simm.s32 $0x1C00  }
0x2b1: {  	[tilespmem:s1], [sflag:$0x1] =	stream.indirect_vreg.gather [hbm4b:s7+s3], $0x80, v4, vm0, $0xb8;
	[tilespmem:$0x1E400] =	vst v63  }
0x2b2: {  	s11 =	simm.s32 $0x2400  }
0x2b3: {  	[tilespmem:s11], [sflag:$0x1] =	stream.indirect_vreg.gather [hbm4b:s2+s3], $0x80, v3, vm0, $0xb8;
	[tilespmem:$0x1E400] =	vst v63  }
0x2b4: {  	_ = 	snop  }
0x2b5: {  	[tilespmem:s10], [sflag:$0x1] =	stream.indirect_vreg.gather [hbm4b:s5+s3], $0x80, v3, vm0, $0xb8;
	[tilespmem:$0x1E400] =	vst v63  }
0x2b6: {  	s10 =	simm.s32 $0x3400  }
0x2b7: {  	[tilespmem:s10], [sflag:$0x1] =	stream.indirect_vreg.gather [hbm4b:s6+s3], $0x80, v3, vm0, $0xb8;
	[tilespmem:$0x1E400] =	vst v63  }
0x2b8: {  	_ = 	snop  }
0x2b9: {  	[tilespmem:s9], [sflag:$0x1] =	stream.indirect_vreg.gather [hbm4b:s7+s3], $0x80, v3, vm0, $0xb8;
	[tilespmem:$0x1E400] =	vst v63  }
0x2ba: {  	v3 =	vld.msk [tilespmem:$0x178], $0xff;
	_ =	sdelay $0x4  }
0x2bb: {  	v10 =	vshll.u32 v3, $0x3  }
0x2bc: {  	v3 =	vand.u32 $0x7, v3;
	v4 =	vand.u32 $0xFFFFFFC0, v10  }
0x2bd: {  	v3 =	vor.u32 v3, v4  }
0x2be: {  	v3 =	vperm.xlane v3, v0;
	_ =	sdelay $0x1  }
0x2bf: {  	v3 =	vadd.s32 v1, v3;
	_ =	sdelay $0x3  }
0x2c0: {  	s9 =	simm.s32 $0x4400  }
0x2c1: {  	[tilespmem:s9], [sflag:$0x1] =	stream.indirect_vreg.gather [hbm4b:s2+s3], $0x80, v3, vm0, $0xb8;
	[tilespmem:$0x1E400] =	vst v63  }
0x2c2: {  	s9 =	simm.s32 $0x4C00  }
0x2c3: {  	[tilespmem:s9], [sflag:$0x1] =	stream.indirect_vreg.gather [hbm4b:s5+s3], $0x80, v3, vm0, $0xb8;
	[tilespmem:$0x1E400] =	vst v63  }
0x2c4: {  	_ = 	snop  }
0x2c5: {  	[tilespmem:s8], [sflag:$0x1] =	stream.indirect_vreg.gather [hbm4b:s6+s3], $0x80, v3, vm0, $0xb8;
	[tilespmem:$0x1E400] =	vst v63  }
0x2c6: {  	s12 =	simm.s32 $0x5C00  }
0x2c7: {  	[tilespmem:s12], [sflag:$0x1] =	stream.indirect_vreg.gather [hbm4b:s7+s3], $0x80, v3, vm0, $0xb8;
	[tilespmem:$0x1E400] =	vst v63  }
0x2c8: {  	_ =	swait.ge [sflag:s24], $0x6000  }
0x2c9: {  	[sflag:s24] =	ssyncset.done $0x0  }
0x2ca: {  	s1 =	simm.s32 $0xC400;
	s22 =	rddreg [dreg:$0x11];
	[sflag:s24] =	ssyncadd.s32 $0xFFFFA000  }
0x2cb: {  	[hbm4b:s22+s3] =	stream.linear.scatter [tilespmem:s1], [sflag:$0x8], $0x6000, $0x38;
	[tilespmem:$0x1E400] =	vst v63  }
0x2cc: {  	_ =	swait.ge [sflag:s25], $0x6000  }
0x2cd: {  	[sflag:s25] =	ssyncset.done $0x0  }
0x2ce: {  	[sflag:s25] =	ssyncadd.s32 $0xFFFFA000  }
0x2cf: {  	v3 =	vld [tilespmem:$0x180];
	_ =	sdelay $0x4  }
0x2d0: {  	v11 =	vshll.u32 v3, $0x3  }
0x2d1: {  	v3 =	vand.u32 $0x7, v3;
	v4 =	vand.u32 $0xFFFFFFC0, v11  }
0x2d2: {  	v3 =	vor.u32 v3, v4  }
0x2d3: {  	v4 =	vperm.xlane v3, v0;
	_ =	sdelay $0x1  }
0x2d4: {  	v4 =	vadd.s32 v1, v4;
	_ =	sdelay $0x4  }
0x2d5: {  	[tilespmem:s4], [sflag:$0x2] =	stream.indirect_vreg.gather [hbm4b:s2+s3], $0x80, v4, vm0, $0xb8;
	[tilespmem:$0x1E400] =	vst v63  }
0x2d6: {  	v3 =	vperm.xlane v3, v2;
	s4 =	simm.s32 $0x6C00  }
0x2d7: {  	[tilespmem:s4], [sflag:$0x2] =	stream.indirect_vreg.gather [hbm4b:s5+s3], $0x80, v4, vm0, $0xb8;
	[tilespmem:$0x1E400] =	vst v63  }
0x2d8: {  	s8 =	simm.s32 $0x7400;
	v3 =	vadd.s32 v1, v3  }
0x2d9: {  	[tilespmem:s8], [sflag:$0x2] =	stream.indirect_vreg.gather [hbm4b:s6+s3], $0x80, v4, vm0, $0xb8;
	[tilespmem:$0x1E400] =	vst v63  }
0x2da: {  	s12 =	simm.s32 $0x7C00  }
0x2db: {  	[tilespmem:s12], [sflag:$0x2] =	stream.indirect_vreg.gather [hbm4b:s7+s3], $0x80, v4, vm0, $0xb8;
	[tilespmem:$0x1E400] =	vst v63  }
0x2dc: {  	s22 =	simm.s32 $0x8400  }
0x2dd: {  	[tilespmem:s22], [sflag:$0x2] =	stream.indirect_vreg.gather [hbm4b:s2+s3], $0x80, v3, vm0, $0xb8;
	[tilespmem:$0x1E400] =	vst v63  }
0x2de: {  	s4 =	simm.s32 $0x8C00  }
0x2df: {  	[tilespmem:s4], [sflag:$0x2] =	stream.indirect_vreg.gather [hbm4b:s5+s3], $0x80, v3, vm0, $0xb8;
	[tilespmem:$0x1E400] =	vst v63  }
0x2e0: {  	s8 =	simm.s32 $0x9400  }
0x2e1: {  	[tilespmem:s8], [sflag:$0x2] =	stream.indirect_vreg.gather [hbm4b:s6+s3], $0x80, v3, vm0, $0xb8;
	[tilespmem:$0x1E400] =	vst v63  }
0x2e2: {  	s8 =	simm.s32 $0x9C00  }
0x2e3: {  	[tilespmem:s8], [sflag:$0x2] =	stream.indirect_vreg.gather [hbm4b:s7+s3], $0x80, v3, vm0, $0xb8;
	[tilespmem:$0x1E400] =	vst v63  }
0x2e4: {  	v3 =	vld.msk [tilespmem:$0x190], $0xff;
	_ =	sdelay $0x4  }
0x2e5: {  	v12 =	vshll.u32 v3, $0x3  }
0x2e6: {  	v3 =	vand.u32 $0x7, v3;
	v4 =	vand.u32 $0xFFFFFFC0, v12  }
0x2e7: {  	v3 =	vor.u32 v3, v4  }
0x2e8: {  	v3 =	vperm.xlane v3, v0;
	_ =	sdelay $0x1  }
0x2e9: {  	v3 =	vadd.s32 v1, v3;
	_ =	sdelay $0x3  }
0x2ea: {  	s12 =	simm.s32 $0xA400  }
0x2eb: {  	[tilespmem:s12], [sflag:$0x2] =	stream.indirect_vreg.gather [hbm4b:s2+s3], $0x80, v3, vm0, $0xb8;
	[tilespmem:$0x1E400] =	vst v63  }
0x2ec: {  	s12 =	simm.s32 $0xAC00  }
0x2ed: {  	[tilespmem:s12], [sflag:$0x2] =	stream.indirect_vreg.gather [hbm4b:s5+s3], $0x80, v3, vm0, $0xb8;
	[tilespmem:$0x1E400] =	vst v63  }
0x2ee: {  	s22 =	simm.s32 $0xB400  }
0x2ef: {  	[tilespmem:s22], [sflag:$0x2] =	stream.indirect_vreg.gather [hbm4b:s6+s3], $0x80, v3, vm0, $0xb8;
	[tilespmem:$0x1E400] =	vst v63  }
0x2f0: {  	s4 =	simm.s32 $0xBC00  }
0x2f1: {  	[tilespmem:s4], [sflag:$0x2] =	stream.indirect_vreg.gather [hbm4b:s7+s3], $0x80, v3, vm0, $0xb8;
	[tilespmem:$0x1E400] =	vst v63  }
0x2f2: {  	_ =	swait.ge [sflag:s26], $0x6000  }
0x2f3: {  	[sflag:s26] =	ssyncset.done $0x0  }
0x2f4: {  	s4 =	simm.s32 $0x12400;
	s22 =	rddreg [dreg:$0x12];
	[sflag:s26] =	ssyncadd.s32 $0xFFFFA000  }
0x2f5: {  	[hbm4b:s22+s3] =	stream.linear.scatter [tilespmem:s4], [sflag:$0x9], $0x6000, $0x38;
	[tilespmem:$0x1E400] =	vst v63  }
0x2f6: {  	_ =	swait.ge [sflag:s28], $0x6000  }
0x2f7: {  	[sflag:s28] =	ssyncset.done $0x0  }
0x2f8: {  	[sflag:s28] =	ssyncadd.s32 $0xFFFFA000  }
0x2f9: {  	v3 =	vld [tilespmem:$0x198];
	_ =	sdelay $0x4  }
0x2fa: {  	v13 =	vshll.u32 v3, $0x3  }
0x2fb: {  	v3 =	vand.u32 $0x7, v3;
	v4 =	vand.u32 $0xFFFFFFC0, v13  }
0x2fc: {  	v3 =	vor.u32 v3, v4  }
0x2fd: {  	v4 =	vperm.xlane v3, v0;
	_ =	sdelay $0x1  }
0x2fe: {  	v4 =	vadd.s32 v1, v4;
	_ =	sdelay $0x4  }
0x2ff: {  	[tilespmem:s1], [sflag:$0x3] =	stream.indirect_vreg.gather [hbm4b:s2+s3], $0x80, v4, vm0, $0xb8;
	[tilespmem:$0x1E400] =	vst v63  }
0x300: {  	v3 =	vperm.xlane v3, v2;
	s1 =	simm.s32 $0xCC00  }
0x301: {  	[tilespmem:s1], [sflag:$0x3] =	stream.indirect_vreg.gather [hbm4b:s5+s3], $0x80, v4, vm0, $0xb8;
	[tilespmem:$0x1E400] =	vst v63  }
0x302: {  	s22 =	simm.s32 $0xD400;
	v3 =	vadd.s32 v1, v3  }
0x303: {  	[tilespmem:s22], [sflag:$0x3] =	stream.indirect_vreg.gather [hbm4b:s6+s3], $0x80, v4, vm0, $0xb8;
	[tilespmem:$0x1E400] =	vst v63  }
0x304: {  	s22 =	simm.s32 $0xDC00  }
0x305: {  	[tilespmem:s22], [sflag:$0x3] =	stream.indirect_vreg.gather [hbm4b:s7+s3], $0x80, v4, vm0, $0xb8;
	[tilespmem:$0x1E400] =	vst v63  }
0x306: {  	s1 =	simm.s32 $0xE400  }
0x307: {  	[tilespmem:s1], [sflag:$0x3] =	stream.indirect_vreg.gather [hbm4b:s2+s3], $0x80, v3, vm0, $0xb8;
	[tilespmem:$0x1E400] =	vst v63  }
0x308: {  	s1 =	simm.s32 $0xEC00  }
0x309: {  	[tilespmem:s1], [sflag:$0x3] =	stream.indirect_vreg.gather [hbm4b:s5+s3], $0x80, v3, vm0, $0xb8;
	[tilespmem:$0x1E400] =	vst v63  }
0x30a: {  	s1 =	simm.s32 $0xF400  }
0x30b: {  	[tilespmem:s1], [sflag:$0x3] =	stream.indirect_vreg.gather [hbm4b:s6+s3], $0x80, v3, vm0, $0xb8;
	[tilespmem:$0x1E400] =	vst v63  }
0x30c: {  	s1 =	simm.s32 $0xFC00  }
0x30d: {  	[tilespmem:s1], [sflag:$0x3] =	stream.indirect_vreg.gather [hbm4b:s7+s3], $0x80, v3, vm0, $0xb8;
	[tilespmem:$0x1E400] =	vst v63  }
0x30e: {  	v3 =	vld.msk [tilespmem:$0x1A8], $0xff;
	_ =	sdelay $0x4  }
0x30f: {  	v14 =	vshll.u32 v3, $0x3  }
0x310: {  	v3 =	vand.u32 $0x7, v3;
	v4 =	vand.u32 $0xFFFFFFC0, v14  }
0x311: {  	v3 =	vor.u32 v3, v4  }
0x312: {  	v3 =	vperm.xlane v3, v0;
	_ =	sdelay $0x1  }
0x313: {  	v3 =	vadd.s32 v1, v3;
	_ =	sdelay $0x3  }
0x314: {  	s1 =	simm.s32 $0x10400  }
0x315: {  	[tilespmem:s1], [sflag:$0x3] =	stream.indirect_vreg.gather [hbm4b:s2+s3], $0x80, v3, vm0, $0xb8;
	[tilespmem:$0x1E400] =	vst v63  }
0x316: {  	s1 =	simm.s32 $0x10C00  }
0x317: {  	[tilespmem:s1], [sflag:$0x3] =	stream.indirect_vreg.gather [hbm4b:s5+s3], $0x80, v3, vm0, $0xb8;
	[tilespmem:$0x1E400] =	vst v63  }
0x318: {  	s1 =	simm.s32 $0x11400  }
0x319: {  	[tilespmem:s1], [sflag:$0x3] =	stream.indirect_vreg.gather [hbm4b:s6+s3], $0x80, v3, vm0, $0xb8;
	[tilespmem:$0x1E400] =	vst v63  }
0x31a: {  	s1 =	simm.s32 $0x11C00  }
0x31b: {  	[tilespmem:s1], [sflag:$0x3] =	stream.indirect_vreg.gather [hbm4b:s7+s3], $0x80, v3, vm0, $0xb8;
	[tilespmem:$0x1E400] =	vst v63  }
0x31c: {  	_ =	swait.ge [sflag:s29], $0x6000  }
0x31d: {  	[sflag:s29] =	ssyncset.done $0x0  }
0x31e: {  	s1 =	simm.s32 $0x18400;
	s0 =	rddreg [dreg:$0x13];
	[sflag:s29] =	ssyncadd.s32 $0xFFFFA000  }
0x31f: {  	[hbm4b:s0+s3] =	stream.linear.scatter [tilespmem:s1], [sflag:$0xA], $0x6000, $0x38;
	[tilespmem:$0x1E400] =	vst v63  }
0x320: {  	_ =	swait.ge [sflag:s30], $0x6000  }
0x321: {  	[sflag:s30] =	ssyncset.done $0x0  }
0x322: {  	[sflag:s30] =	ssyncadd.s32 $0xFFFFA000  }
0x323: {  	v3 =	vld [tilespmem:$0x1B0];
	_ =	sdelay $0x4  }
0x324: {  	v15 =	vshll.u32 v3, $0x3  }
0x325: {  	v3 =	vand.u32 $0x7, v3;
	v4 =	vand.u32 $0xFFFFFFC0, v15  }
0x326: {  	v3 =	vor.u32 v3, v4  }
0x327: {  	v4 =	vperm.xlane v3, v0;
	_ =	sdelay $0x1  }
0x328: {  	v4 =	vadd.s32 v1, v4;
	_ =	sdelay $0x4  }
0x329: {  	[tilespmem:s4], [sflag:$0x4] =	stream.indirect_vreg.gather [hbm4b:s2+s3], $0x80, v4, vm0, $0xb8;
	[tilespmem:$0x1E400] =	vst v63  }
0x32a: {  	v3 =	vperm.xlane v3, v2  }
0x32b: {  	[tilespmem:s16], [sflag:$0x4] =	stream.indirect_vreg.gather [hbm4b:s5+s3], $0x80, v4, vm0, $0xb8;
	[tilespmem:$0x1E400] =	vst v63  }
0x32c: {  	v3 =	vadd.s32 v1, v3;
	s16 =	simm.s32 $0x13400  }
0x32d: {  	[tilespmem:s16], [sflag:$0x4] =	stream.indirect_vreg.gather [hbm4b:s6+s3], $0x80, v4, vm0, $0xb8;
	[tilespmem:$0x1E400] =	vst v63  }
0x32e: {  	s4 =	simm.s32 $0x13C00  }
0x32f: {  	[tilespmem:s4], [sflag:$0x4] =	stream.indirect_vreg.gather [hbm4b:s7+s3], $0x80, v4, vm0, $0xb8;
	[tilespmem:$0x1E400] =	vst v63  }
0x330: {  	s4 =	simm.s32 $0x14400  }
0x331: {  	[tilespmem:s4], [sflag:$0x4] =	stream.indirect_vreg.gather [hbm4b:s2+s3], $0x80, v3, vm0, $0xb8;
	[tilespmem:$0x1E400] =	vst v63  }
0x332: {  	s4 =	simm.s32 $0x14C00  }
0x333: {  	[tilespmem:s4], [sflag:$0x4] =	stream.indirect_vreg.gather [hbm4b:s5+s3], $0x80, v3, vm0, $0xb8;
	[tilespmem:$0x1E400] =	vst v63  }
0x334: {  	_ = 	snop  }
0x335: {  	[tilespmem:s13], [sflag:$0x4] =	stream.indirect_vreg.gather [hbm4b:s6+s3], $0x80, v3, vm0, $0xb8;
	[tilespmem:$0x1E400] =	vst v63  }
0x336: {  	_ = 	snop  }
0x337: {  	[tilespmem:s17], [sflag:$0x4] =	stream.indirect_vreg.gather [hbm4b:s7+s3], $0x80, v3, vm0, $0xb8;
	[tilespmem:$0x1E400] =	vst v63  }
0x338: {  	v3 =	vld.msk [tilespmem:$0x1C0], $0xff;
	_ =	sdelay $0x4  }
0x339: {  	v16 =	vshll.u32 v3, $0x3  }
0x33a: {  	v3 =	vand.u32 $0x7, v3;
	v4 =	vand.u32 $0xFFFFFFC0, v16  }
0x33b: {  	v3 =	vor.u32 v3, v4  }
0x33c: {  	v3 =	vperm.xlane v3, v0;
	_ =	sdelay $0x1  }
0x33d: {  	v3 =	vadd.s32 v1, v3;
	_ =	sdelay $0x4  }
0x33e: {  	[tilespmem:s14], [sflag:$0x4] =	stream.indirect_vreg.gather [hbm4b:s2+s3], $0x80, v3, vm0, $0xb8;
	[tilespmem:$0x1E400] =	vst v63  }
0x33f: {  	_ = 	snop  }
0x340: {  	[tilespmem:s15], [sflag:$0x4] =	stream.indirect_vreg.gather [hbm4b:s5+s3], $0x80, v3, vm0, $0xb8;
	[tilespmem:$0x1E400] =	vst v63  }
0x341: {  	_ = 	snop  }
0x342: {  	[tilespmem:s18], [sflag:$0x4] =	stream.indirect_vreg.gather [hbm4b:s6+s3], $0x80, v3, vm0, $0xb8;
	[tilespmem:$0x1E400] =	vst v63  }
0x343: {  	s4 =	simm.s32 $0x17C00  }
0x344: {  	[tilespmem:s4], [sflag:$0x4] =	stream.indirect_vreg.gather [hbm4b:s7+s3], $0x80, v3, vm0, $0xb8;
	[tilespmem:$0x1E400] =	vst v63  }
0x345: {  	_ =	swait.ge [sflag:s19], $0x6000  }
0x346: {  	[sflag:s19] =	ssyncset.done $0x0  }
0x347: {  	[sflag:s19] =	ssyncadd.s32 $0xFFFFA000  }
0x348: {  	s4 =	simm.s32 $0x400;
	s0 =	rddreg [dreg:$0x14]  }
0x349: {  	[hbm4b:s0+s3] =	stream.linear.scatter [tilespmem:s4], [sflag:$0x6], $0x6000, $0x38;
	[tilespmem:$0x1E400] =	vst v63  }
0x34a: {  	_ =	swait.ge [sflag:s31], $0x6000  }
0x34b: {  	[sflag:s31] =	ssyncset.done $0x0  }
0x34c: {  	[sflag:s31] =	ssyncadd.s32 $0xFFFFA000  }
0x34d: {  	v3 =	vld [tilespmem:$0x1C8];
	_ =	sdelay $0x4  }
0x34e: {  	v17 =	vshll.u32 v3, $0x3  }
0x34f: {  	v3 =	vand.u32 $0x7, v3;
	v4 =	vand.u32 $0xFFFFFFC0, v17  }
0x350: {  	v3 =	vor.u32 v3, v4  }
0x351: {  	v4 =	vperm.xlane v3, v0;
	_ =	sdelay $0x1  }
0x352: {  	v4 =	vadd.s32 v1, v4;
	_ =	sdelay $0x4  }
0x353: {  	[tilespmem:s1], [sflag:$0x5] =	stream.indirect_vreg.gather [hbm4b:s2+s3], $0x80, v4, vm0, $0xb8;
	[tilespmem:$0x1E400] =	vst v63  }
0x354: {  	v3 =	vperm.xlane v3, v2;
	s1 =	simm.s32 $0x18C00  }
0x355: {  	[tilespmem:s1], [sflag:$0x5] =	stream.indirect_vreg.gather [hbm4b:s5+s3], $0x80, v4, vm0, $0xb8;
	[tilespmem:$0x1E400] =	vst v63  }
0x356: {  	v3 =	vadd.s32 v1, v3  }
0x357: {  	[tilespmem:s20], [sflag:$0x5] =	stream.indirect_vreg.gather [hbm4b:s6+s3], $0x80, v4, vm0, $0xb8;
	[tilespmem:$0x1E400] =	vst v63  }
0x358: {  	s1 =	simm.s32 $0x19C00  }
0x359: {  	[tilespmem:s1], [sflag:$0x5] =	stream.indirect_vreg.gather [hbm4b:s7+s3], $0x80, v4, vm0, $0xb8;
	[tilespmem:$0x1E400] =	vst v63  }
0x35a: {  	s1 =	simm.s32 $0x1A400  }
0x35b: {  	[tilespmem:s1], [sflag:$0x5] =	stream.indirect_vreg.gather [hbm4b:s2+s3], $0x80, v3, vm0, $0xb8;
	[tilespmem:$0x1E400] =	vst v63  }
0x35c: {  	s1 =	simm.s32 $0x1AC00  }
0x35d: {  	[tilespmem:s1], [sflag:$0x5] =	stream.indirect_vreg.gather [hbm4b:s5+s3], $0x80, v3, vm0, $0xb8;
	[tilespmem:$0x1E400] =	vst v63  }
0x35e: {  	s1 =	simm.s32 $0x1B400  }
0x35f: {  	[tilespmem:s1], [sflag:$0x5] =	stream.indirect_vreg.gather [hbm4b:s6+s3], $0x80, v3, vm0, $0xb8;
	[tilespmem:$0x1E400] =	vst v63  }
0x360: {  	s1 =	simm.s32 $0x1BC00  }
0x361: {  	[tilespmem:s1], [sflag:$0x5] =	stream.indirect_vreg.gather [hbm4b:s7+s3], $0x80, v3, vm0, $0xb8;
	[tilespmem:$0x1E400] =	vst v63  }
0x362: {  	v3 =	vld.msk [tilespmem:$0x1D8], $0xff;
	_ =	sdelay $0x4  }
0x363: {  	v18 =	vshll.u32 v3, $0x3  }
0x364: {  	v3 =	vand.u32 $0x7, v3;
	v4 =	vand.u32 $0xFFFFFFC0, v18  }
0x365: {  	v3 =	vor.u32 v3, v4  }
0x366: {  	v3 =	vperm.xlane v3, v0;
	_ =	sdelay $0x1  }
0x367: {  	v3 =	vadd.s32 v1, v3;
	_ =	sdelay $0x3  }
0x368: {  	s1 =	simm.s32 $0x1C400  }
0x369: {  	[tilespmem:s1], [sflag:$0x5] =	stream.indirect_vreg.gather [hbm4b:s2+s3], $0x80, v3, vm0, $0xb8;
	[tilespmem:$0x1E400] =	vst v63  }
0x36a: {  	s1 =	simm.s32 $0x1CC00  }
0x36b: {  	[tilespmem:s1], [sflag:$0x5] =	stream.indirect_vreg.gather [hbm4b:s5+s3], $0x80, v3, vm0, $0xb8;
	[tilespmem:$0x1E400] =	vst v63  }
0x36c: {  	s1 =	simm.s32 $0x1D400  }
0x36d: {  	[tilespmem:s1], [sflag:$0x5] =	stream.indirect_vreg.gather [hbm4b:s6+s3], $0x80, v3, vm0, $0xb8;
	[tilespmem:$0x1E400] =	vst v63  }
0x36e: {  	s1 =	simm.s32 $0x1DC00  }
0x36f: {  	[tilespmem:s1], [sflag:$0x5] =	stream.indirect_vreg.gather [hbm4b:s7+s3], $0x80, v3, vm0, $0xb8;
	[tilespmem:$0x1E400] =	vst v63  }
0x370: {  	_ =	swait.ge [sflag:s21], $0x6000  }
0x371: {  	[sflag:s21] =	ssyncset.done $0x0  }
0x372: {  	s1 =	simm.s32 $0x6400;
	s0 =	rddreg [dreg:$0x15];
	[sflag:s21] =	ssyncadd.s32 $0xFFFFA000  }
0x373: {  	[hbm4b:s0+s3] =	stream.linear.scatter [tilespmem:s1], [sflag:$0x7], $0x6000, $0x38;
	[tilespmem:$0x1E400] =	vst v63  }
0x374: {  	_ =	swait.ge [sflag:s23], $0x6000  }
0x375: {  	[sflag:s23] =	ssyncset.done $0x0  }
0x376: {  	[sflag:s23] =	ssyncadd.s32 $0xFFFFA000  }
0x377: {  	v3 =	vld [tilespmem:$0x1E0];
	_ =	sdelay $0x4  }
0x378: {  	v19 =	vshll.u32 v3, $0x3  }
0x379: {  	v3 =	vand.u32 $0x7, v3;
	v4 =	vand.u32 $0xFFFFFFC0, v19  }
0x37a: {  	v3 =	vor.u32 v3, v4  }
0x37b: {  	v4 =	vperm.xlane v3, v0;
	_ =	sdelay $0x1  }
0x37c: {  	v4 =	vadd.s32 v1, v4;
	_ =	sdelay $0x4  }
0x37d: {  	[tilespmem:s4], [sflag:$0x1] =	stream.indirect_vreg.gather [hbm4b:s2+s3], $0x80, v4, vm0, $0xb8;
	[tilespmem:$0x1E400] =	vst v63  }
0x37e: {  	v3 =	vperm.xlane v3, v2;
	s4 =	simm.s32 $0xC00  }
0x37f: {  	[tilespmem:s4], [sflag:$0x1] =	stream.indirect_vreg.gather [hbm4b:s5+s3], $0x80, v4, vm0, $0xb8;
	[tilespmem:$0x1E400] =	vst v63  }
0x380: {  	v3 =	vadd.s32 v1, v3;
	s4 =	simm.s32 $0x1400  }
0x381: {  	[tilespmem:s4], [sflag:$0x1] =	stream.indirect_vreg.gather [hbm4b:s6+s3], $0x80, v4, vm0, $0xb8;
	[tilespmem:$0x1E400] =	vst v63  }
0x382: {  	s4 =	simm.s32 $0x1C00  }
0x383: {  	[tilespmem:s4], [sflag:$0x1] =	stream.indirect_vreg.gather [hbm4b:s7+s3], $0x80, v4, vm0, $0xb8;
	[tilespmem:$0x1E400] =	vst v63  }
0x384: {  	_ = 	snop  }
0x385: {  	[tilespmem:s11], [sflag:$0x1] =	stream.indirect_vreg.gather [hbm4b:s2+s3], $0x80, v3, vm0, $0xb8;
	[tilespmem:$0x1E400] =	vst v63  }
0x386: {  	s4 =	simm.s32 $0x2C00  }
0x387: {  	[tilespmem:s4], [sflag:$0x1] =	stream.indirect_vreg.gather [hbm4b:s5+s3], $0x80, v3, vm0, $0xb8;
	[tilespmem:$0x1E400] =	vst v63  }
0x388: {  	_ = 	snop  }
0x389: {  	[tilespmem:s10], [sflag:$0x1] =	stream.indirect_vreg.gather [hbm4b:s6+s3], $0x80, v3, vm0, $0xb8;
	[tilespmem:$0x1E400] =	vst v63  }
0x38a: {  	s4 =	simm.s32 $0x3C00  }
0x38b: {  	[tilespmem:s4], [sflag:$0x1] =	stream.indirect_vreg.gather [hbm4b:s7+s3], $0x80, v3, vm0, $0xb8;
	[tilespmem:$0x1E400] =	vst v63  }
0x38c: {  	v3 =	vld.msk [tilespmem:$0x1F0], $0xff;
	_ =	sdelay $0x4  }
0x38d: {  	v20 =	vshll.u32 v3, $0x3  }
0x38e: {  	v3 =	vand.u32 $0x7, v3;
	v4 =	vand.u32 $0xFFFFFFC0, v20  }
0x38f: {  	v3 =	vor.u32 v3, v4  }
0x390: {  	v3 =	vperm.xlane v3, v0;
	_ =	sdelay $0x1  }
0x391: {  	v3 =	vadd.s32 v1, v3;
	_ =	sdelay $0x3  }
0x392: {  	s4 =	simm.s32 $0x4400  }
0x393: {  	[tilespmem:s4], [sflag:$0x1] =	stream.indirect_vreg.gather [hbm4b:s2+s3], $0x80, v3, vm0, $0xb8;
	[tilespmem:$0x1E400] =	vst v63  }
0x394: {  	_ = 	snop  }
0x395: {  	[tilespmem:s9], [sflag:$0x1] =	stream.indirect_vreg.gather [hbm4b:s5+s3], $0x80, v3, vm0, $0xb8;
	[tilespmem:$0x1E400] =	vst v63  }
0x396: {  	s9 =	simm.s32 $0x5400  }
0x397: {  	[tilespmem:s9], [sflag:$0x1] =	stream.indirect_vreg.gather [hbm4b:s6+s3], $0x80, v3, vm0, $0xb8;
	[tilespmem:$0x1E400] =	vst v63  }
0x398: {  	s4 =	simm.s32 $0x5C00  }
0x399: {  	[tilespmem:s4], [sflag:$0x1] =	stream.indirect_vreg.gather [hbm4b:s7+s3], $0x80, v3, vm0, $0xb8;
	[tilespmem:$0x1E400] =	vst v63  }
0x39a: {  	_ =	swait.ge [sflag:s24], $0x6000  }
0x39b: {  	[sflag:s24] =	ssyncset.done $0x0  }
0x39c: {  	s4 =	simm.s32 $0xC400;
	s9 =	rddreg [dreg:$0x16];
	[sflag:s24] =	ssyncadd.s32 $0xFFFFA000  }
0x39d: {  	[hbm4b:s9+s3] =	stream.linear.scatter [tilespmem:s4], [sflag:$0x8], $0x6000, $0x38;
	[tilespmem:$0x1E400] =	vst v63  }
0x39e: {  	_ =	swait.ge [sflag:s25], $0x6000  }
0x39f: {  	[sflag:s25] =	ssyncset.done $0x0  }
0x3a0: {  	[sflag:s25] =	ssyncadd.s32 $0xFFFFA000  }
0x3a1: {  	v3 =	vld [tilespmem:$0x1F8];
	_ =	sdelay $0x4  }
0x3a2: {  	v21 =	vshll.u32 v3, $0x3  }
0x3a3: {  	v3 =	vand.u32 $0x7, v3;
	v4 =	vand.u32 $0xFFFFFFC0, v21  }
0x3a4: {  	v3 =	vor.u32 v3, v4  }
0x3a5: {  	v4 =	vperm.xlane v3, v0;
	_ =	sdelay $0x1  }
0x3a6: {  	v4 =	vadd.s32 v1, v4;
	_ =	sdelay $0x4  }
0x3a7: {  	[tilespmem:s1], [sflag:$0x2] =	stream.indirect_vreg.gather [hbm4b:s2+s3], $0x80, v4, vm0, $0xb8;
	[tilespmem:$0x1E400] =	vst v63  }
0x3a8: {  	s9 =	simm.s32 $0x6C00;
	v3 =	vperm.xlane v3, v2  }
0x3a9: {  	[tilespmem:s9], [sflag:$0x2] =	stream.indirect_vreg.gather [hbm4b:s5+s3], $0x80, v4, vm0, $0xb8;
	[tilespmem:$0x1E400] =	vst v63  }
0x3aa: {  	v3 =	vadd.s32 v1, v3;
	s1 =	simm.s32 $0x7400  }
0x3ab: {  	[tilespmem:s1], [sflag:$0x2] =	stream.indirect_vreg.gather [hbm4b:s6+s3], $0x80, v4, vm0, $0xb8;
	[tilespmem:$0x1E400] =	vst v63  }
0x3ac: {  	s1 =	simm.s32 $0x7C00  }
0x3ad: {  	[tilespmem:s1], [sflag:$0x2] =	stream.indirect_vreg.gather [hbm4b:s7+s3], $0x80, v4, vm0, $0xb8;
	[tilespmem:$0x1E400] =	vst v63  }
0x3ae: {  	s1 =	simm.s32 $0x8400  }
0x3af: {  	[tilespmem:s1], [sflag:$0x2] =	stream.indirect_vreg.gather [hbm4b:s2+s3], $0x80, v3, vm0, $0xb8;
	[tilespmem:$0x1E400] =	vst v63  }
0x3b0: {  	s1 =	simm.s32 $0x8C00  }
0x3b1: {  	[tilespmem:s1], [sflag:$0x2] =	stream.indirect_vreg.gather [hbm4b:s5+s3], $0x80, v3, vm0, $0xb8;
	[tilespmem:$0x1E400] =	vst v63  }
0x3b2: {  	s1 =	simm.s32 $0x9400  }
0x3b3: {  	[tilespmem:s1], [sflag:$0x2] =	stream.indirect_vreg.gather [hbm4b:s6+s3], $0x80, v3, vm0, $0xb8;
	[tilespmem:$0x1E400] =	vst v63  }
0x3b4: {  	_ = 	snop  }
0x3b5: {  	[tilespmem:s8], [sflag:$0x2] =	stream.indirect_vreg.gather [hbm4b:s7+s3], $0x80, v3, vm0, $0xb8;
	[tilespmem:$0x1E400] =	vst v63  }
0x3b6: {  	v3 =	vld.msk [tilespmem:$0x208], $0xff;
	_ =	sdelay $0x4  }
0x3b7: {  	v22 =	vshll.u32 v3, $0x3  }
0x3b8: {  	v3 =	vand.u32 $0x7, v3;
	v4 =	vand.u32 $0xFFFFFFC0, v22  }
0x3b9: {  	v3 =	vor.u32 v3, v4  }
0x3ba: {  	v3 =	vperm.xlane v3, v0;
	_ =	sdelay $0x1  }
0x3bb: {  	v3 =	vadd.s32 v1, v3;
	_ =	sdelay $0x3  }
0x3bc: {  	s8 =	simm.s32 $0xA400  }
0x3bd: {  	[tilespmem:s8], [sflag:$0x2] =	stream.indirect_vreg.gather [hbm4b:s2+s3], $0x80, v3, vm0, $0xb8;
	[tilespmem:$0x1E400] =	vst v63  }
0x3be: {  	_ = 	snop  }
0x3bf: {  	[tilespmem:s12], [sflag:$0x2] =	stream.indirect_vreg.gather [hbm4b:s5+s3], $0x80, v3, vm0, $0xb8;
	[tilespmem:$0x1E400] =	vst v63  }
0x3c0: {  	s1 =	simm.s32 $0xB400  }
0x3c1: {  	[tilespmem:s1], [sflag:$0x2] =	stream.indirect_vreg.gather [hbm4b:s6+s3], $0x80, v3, vm0, $0xb8;
	[tilespmem:$0x1E400] =	vst v63  }
0x3c2: {  	s8 =	simm.s32 $0xBC00  }
0x3c3: {  	[tilespmem:s8], [sflag:$0x2] =	stream.indirect_vreg.gather [hbm4b:s7+s3], $0x80, v3, vm0, $0xb8;
	[tilespmem:$0x1E400] =	vst v63  }
0x3c4: {  	_ =	swait.ge [sflag:s26], $0x6000  }
0x3c5: {  	[sflag:s26] =	ssyncset.done $0x0  }
0x3c6: {  	s1 =	simm.s32 $0x12400;
	s12 =	rddreg [dreg:$0x17];
	[sflag:s26] =	ssyncadd.s32 $0xFFFFA000  }
0x3c7: {  	[hbm4b:s12+s3] =	stream.linear.scatter [tilespmem:s1], [sflag:$0x9], $0x6000, $0x38;
	[tilespmem:$0x1E400] =	vst v63  }
0x3c8: {  	_ =	swait.ge [sflag:s28], $0x6000  }
0x3c9: {  	[sflag:s28] =	ssyncset.done $0x0  }
0x3ca: {  	[sflag:s28] =	ssyncadd.s32 $0xFFFFA000  }
0x3cb: {  	v3 =	vld [tilespmem:$0x210];
	_ =	sdelay $0x4  }
0x3cc: {  	v23 =	vshll.u32 v3, $0x3  }
0x3cd: {  	v3 =	vand.u32 $0x7, v3;
	v4 =	vand.u32 $0xFFFFFFC0, v23  }
0x3ce: {  	v3 =	vor.u32 v3, v4  }
0x3cf: {  	v4 =	vperm.xlane v3, v0;
	_ =	sdelay $0x1  }
0x3d0: {  	v4 =	vadd.s32 v1, v4;
	_ =	sdelay $0x4  }
0x3d1: {  	[tilespmem:s4], [sflag:$0x3] =	stream.indirect_vreg.gather [hbm4b:s2+s3], $0x80, v4, vm0, $0xb8;
	[tilespmem:$0x1E400] =	vst v63  }
0x3d2: {  	s12 =	simm.s32 $0xCC00;
	v3 =	vperm.xlane v3, v2  }
0x3d3: {  	[tilespmem:s12], [sflag:$0x3] =	stream.indirect_vreg.gather [hbm4b:s5+s3], $0x80, v4, vm0, $0xb8;
	[tilespmem:$0x1E400] =	vst v63  }
0x3d4: {  	s8 =	simm.s32 $0xD400;
	v3 =	vadd.s32 v1, v3  }
0x3d5: {  	[tilespmem:s8], [sflag:$0x3] =	stream.indirect_vreg.gather [hbm4b:s6+s3], $0x80, v4, vm0, $0xb8;
	[tilespmem:$0x1E400] =	vst v63  }
0x3d6: {  	_ = 	snop  }
0x3d7: {  	[tilespmem:s22], [sflag:$0x3] =	stream.indirect_vreg.gather [hbm4b:s7+s3], $0x80, v4, vm0, $0xb8;
	[tilespmem:$0x1E400] =	vst v63  }
0x3d8: {  	s4 =	simm.s32 $0xE400  }
0x3d9: {  	[tilespmem:s4], [sflag:$0x3] =	stream.indirect_vreg.gather [hbm4b:s2+s3], $0x80, v3, vm0, $0xb8;
	[tilespmem:$0x1E400] =	vst v63  }
0x3da: {  	s8 =	simm.s32 $0xEC00  }
0x3db: {  	[tilespmem:s8], [sflag:$0x3] =	stream.indirect_vreg.gather [hbm4b:s5+s3], $0x80, v3, vm0, $0xb8;
	[tilespmem:$0x1E400] =	vst v63  }
0x3dc: {  	s22 =	simm.s32 $0xF400  }
0x3dd: {  	[tilespmem:s22], [sflag:$0x3] =	stream.indirect_vreg.gather [hbm4b:s6+s3], $0x80, v3, vm0, $0xb8;
	[tilespmem:$0x1E400] =	vst v63  }
0x3de: {  	s4 =	simm.s32 $0xFC00  }
0x3df: {  	[tilespmem:s4], [sflag:$0x3] =	stream.indirect_vreg.gather [hbm4b:s7+s3], $0x80, v3, vm0, $0xb8;
	[tilespmem:$0x1E400] =	vst v63  }
0x3e0: {  	v3 =	vld.msk [tilespmem:$0x220], $0xff;
	_ =	sdelay $0x4  }
0x3e1: {  	v24 =	vshll.u32 v3, $0x3  }
0x3e2: {  	v3 =	vand.u32 $0x7, v3;
	v4 =	vand.u32 $0xFFFFFFC0, v24  }
0x3e3: {  	v3 =	vor.u32 v3, v4  }
0x3e4: {  	v3 =	vperm.xlane v3, v0;
	_ =	sdelay $0x1  }
0x3e5: {  	v3 =	vadd.s32 v1, v3;
	_ =	sdelay $0x3  }
0x3e6: {  	s8 =	simm.s32 $0x10400  }
0x3e7: {  	[tilespmem:s8], [sflag:$0x3] =	stream.indirect_vreg.gather [hbm4b:s2+s3], $0x80, v3, vm0, $0xb8;
	[tilespmem:$0x1E400] =	vst v63  }
0x3e8: {  	s22 =	simm.s32 $0x10C00  }
0x3e9: {  	[tilespmem:s22], [sflag:$0x3] =	stream.indirect_vreg.gather [hbm4b:s5+s3], $0x80, v3, vm0, $0xb8;
	[tilespmem:$0x1E400] =	vst v63  }
0x3ea: {  	s4 =	simm.s32 $0x11400  }
0x3eb: {  	[tilespmem:s4], [sflag:$0x3] =	stream.indirect_vreg.gather [hbm4b:s6+s3], $0x80, v3, vm0, $0xb8;
	[tilespmem:$0x1E400] =	vst v63  }
0x3ec: {  	s8 =	simm.s32 $0x11C00  }
0x3ed: {  	[tilespmem:s8], [sflag:$0x3] =	stream.indirect_vreg.gather [hbm4b:s7+s3], $0x80, v3, vm0, $0xb8;
	[tilespmem:$0x1E400] =	vst v63  }
0x3ee: {  	_ =	swait.ge [sflag:s29], $0x6000  }
0x3ef: {  	[sflag:s29] =	ssyncset.done $0x0  }
0x3f0: {  	s4 =	simm.s32 $0x18400;
	s22 =	rddreg [dreg:$0x18];
	[sflag:s29] =	ssyncadd.s32 $0xFFFFA000  }
0x3f1: {  	[hbm4b:s22+s3] =	stream.linear.scatter [tilespmem:s4], [sflag:$0xA], $0x6000, $0x38;
	[tilespmem:$0x1E400] =	vst v63  }
0x3f2: {  	_ =	swait.ge [sflag:s30], $0x6000  }
0x3f3: {  	[sflag:s30] =	ssyncset.done $0x0  }
0x3f4: {  	[sflag:s30] =	ssyncadd.s32 $0xFFFFA000  }
0x3f5: {  	v3 =	vld [tilespmem:$0x228];
	_ =	sdelay $0x4  }
0x3f6: {  	v25 =	vshll.u32 v3, $0x3  }
0x3f7: {  	v3 =	vand.u32 $0x7, v3;
	v4 =	vand.u32 $0xFFFFFFC0, v25  }
0x3f8: {  	v3 =	vor.u32 v3, v4  }
0x3f9: {  	v4 =	vperm.xlane v3, v0;
	_ =	sdelay $0x1  }
0x3fa: {  	v4 =	vadd.s32 v1, v4;
	_ =	sdelay $0x4  }
0x3fb: {  	[tilespmem:s1], [sflag:$0x4] =	stream.indirect_vreg.gather [hbm4b:s2+s3], $0x80, v4, vm0, $0xb8;
	[tilespmem:$0x1E400] =	vst v63  }
0x3fc: {  	s8 =	simm.s32 $0x12C00;
	v3 =	vperm.xlane v3, v2  }
0x3fd: {  	[tilespmem:s8], [sflag:$0x4] =	stream.indirect_vreg.gather [hbm4b:s5+s3], $0x80, v4, vm0, $0xb8;
	[tilespmem:$0x1E400] =	vst v63  }
0x3fe: {  	s16 =	simm.s32 $0x13400;
	v3 =	vadd.s32 v1, v3  }
0x3ff: {  	[tilespmem:s16], [sflag:$0x4] =	stream.indirect_vreg.gather [hbm4b:s6+s3], $0x80, v4, vm0, $0xb8;
	[tilespmem:$0x1E400] =	vst v63  }
0x400: {  	s22 =	simm.s32 $0x13C00  }
0x401: {  	[tilespmem:s22], [sflag:$0x4] =	stream.indirect_vreg.gather [hbm4b:s7+s3], $0x80, v4, vm0, $0xb8;
	[tilespmem:$0x1E400] =	vst v63  }
0x402: {  	s1 =	simm.s32 $0x14400  }
0x403: {  	[tilespmem:s1], [sflag:$0x4] =	stream.indirect_vreg.gather [hbm4b:s2+s3], $0x80, v3, vm0, $0xb8;
	[tilespmem:$0x1E400] =	vst v63  }
0x404: {  	s8 =	simm.s32 $0x14C00  }
0x405: {  	[tilespmem:s8], [sflag:$0x4] =	stream.indirect_vreg.gather [hbm4b:s5+s3], $0x80, v3, vm0, $0xb8;
	[tilespmem:$0x1E400] =	vst v63  }
0x406: {  	s13 =	simm.s32 $0x15400  }
0x407: {  	[tilespmem:s13], [sflag:$0x4] =	stream.indirect_vreg.gather [hbm4b:s6+s3], $0x80, v3, vm0, $0xb8;
	[tilespmem:$0x1E400] =	vst v63  }
0x408: {  	s17 =	simm.s32 $0x15C00  }
0x409: {  	[tilespmem:s17], [sflag:$0x4] =	stream.indirect_vreg.gather [hbm4b:s7+s3], $0x80, v3, vm0, $0xb8;
	[tilespmem:$0x1E400] =	vst v63  }
0x40a: {  	v3 =	vld.msk [tilespmem:$0x238], $0xff;
	_ =	sdelay $0x4  }
0x40b: {  	v26 =	vshll.u32 v3, $0x3  }
0x40c: {  	v3 =	vand.u32 $0x7, v3;
	v4 =	vand.u32 $0xFFFFFFC0, v26  }
0x40d: {  	v3 =	vor.u32 v3, v4  }
0x40e: {  	v3 =	vperm.xlane v3, v0;
	_ =	sdelay $0x1  }
0x40f: {  	v3 =	vadd.s32 v1, v3;
	_ =	sdelay $0x3  }
0x410: {  	s14 =	simm.s32 $0x16400  }
0x411: {  	[tilespmem:s14], [sflag:$0x4] =	stream.indirect_vreg.gather [hbm4b:s2+s3], $0x80, v3, vm0, $0xb8;
	[tilespmem:$0x1E400] =	vst v63  }
0x412: {  	s15 =	simm.s32 $0x16C00  }
0x413: {  	[tilespmem:s15], [sflag:$0x4] =	stream.indirect_vreg.gather [hbm4b:s5+s3], $0x80, v3, vm0, $0xb8;
	[tilespmem:$0x1E400] =	vst v63  }
0x414: {  	s18 =	simm.s32 $0x17400  }
0x415: {  	[tilespmem:s18], [sflag:$0x4] =	stream.indirect_vreg.gather [hbm4b:s6+s3], $0x80, v3, vm0, $0xb8;
	[tilespmem:$0x1E400] =	vst v63  }
0x416: {  	s13 =	simm.s32 $0x17C00  }
0x417: {  	[tilespmem:s13], [sflag:$0x4] =	stream.indirect_vreg.gather [hbm4b:s7+s3], $0x80, v3, vm0, $0xb8;
	[tilespmem:$0x1E400] =	vst v63  }
0x418: {  	_ =	swait.ge [sflag:s19], $0x6000  }
0x419: {  	[sflag:s19] =	ssyncset.done $0x0  }
0x41a: {  	s1 =	simm.s32 $0x400;
	s14 =	rddreg [dreg:$0x19];
	[sflag:s19] =	ssyncadd.s32 $0xFFFFA000  }
0x41b: {  	[hbm4b:s14+s3] =	stream.linear.scatter [tilespmem:s1], [sflag:$0x6], $0x6000, $0x38;
	[tilespmem:$0x1E400] =	vst v63  }
0x41c: {  	_ =	swait.ge [sflag:s31], $0x6000  }
0x41d: {  	[sflag:s31] =	ssyncset.done $0x0  }
0x41e: {  	[sflag:s31] =	ssyncadd.s32 $0xFFFFA000  }
0x41f: {  	v3 =	vld [tilespmem:$0x240];
	_ =	sdelay $0x4  }
0x420: {  	v27 =	vshll.u32 v3, $0x3  }
0x421: {  	v3 =	vand.u32 $0x7, v3;
	v4 =	vand.u32 $0xFFFFFFC0, v27  }
0x422: {  	v3 =	vor.u32 v3, v4  }
0x423: {  	v4 =	vperm.xlane v3, v0;
	_ =	sdelay $0x1  }
0x424: {  	v4 =	vadd.s32 v1, v4;
	_ =	sdelay $0x4  }
0x425: {  	[tilespmem:s4], [sflag:$0x5] =	stream.indirect_vreg.gather [hbm4b:s2+s3], $0x80, v4, vm0, $0xb8;
	[tilespmem:$0x1E400] =	vst v63  }
0x426: {  	s15 =	simm.s32 $0x18C00;
	v3 =	vperm.xlane v3, v2  }
0x427: {  	[tilespmem:s15], [sflag:$0x5] =	stream.indirect_vreg.gather [hbm4b:s5+s3], $0x80, v4, vm0, $0xb8;
	[tilespmem:$0x1E400] =	vst v63  }
0x428: {  	s20 =	simm.s32 $0x19400;
	v3 =	vadd.s32 v1, v3  }
0x429: {  	[tilespmem:s20], [sflag:$0x5] =	stream.indirect_vreg.gather [hbm4b:s6+s3], $0x80, v4, vm0, $0xb8;
	[tilespmem:$0x1E400] =	vst v63  }
0x42a: {  	s16 =	simm.s32 $0x19C00  }
0x42b: {  	[tilespmem:s16], [sflag:$0x5] =	stream.indirect_vreg.gather [hbm4b:s7+s3], $0x80, v4, vm0, $0xb8;
	[tilespmem:$0x1E400] =	vst v63  }
0x42c: {  	s17 =	simm.s32 $0x1A400  }
0x42d: {  	[tilespmem:s17], [sflag:$0x5] =	stream.indirect_vreg.gather [hbm4b:s2+s3], $0x80, v3, vm0, $0xb8;
	[tilespmem:$0x1E400] =	vst v63  }
0x42e: {  	s18 =	simm.s32 $0x1AC00  }
0x42f: {  	[tilespmem:s18], [sflag:$0x5] =	stream.indirect_vreg.gather [hbm4b:s5+s3], $0x80, v3, vm0, $0xb8;
	[tilespmem:$0x1E400] =	vst v63  }
0x430: {  	s20 =	simm.s32 $0x1B400  }
0x431: {  	[tilespmem:s20], [sflag:$0x5] =	stream.indirect_vreg.gather [hbm4b:s6+s3], $0x80, v3, vm0, $0xb8;
	[tilespmem:$0x1E400] =	vst v63  }
0x432: {  	s22 =	simm.s32 $0x1BC00  }
0x433: {  	[tilespmem:s22], [sflag:$0x5] =	stream.indirect_vreg.gather [hbm4b:s7+s3], $0x80, v3, vm0, $0xb8;
	[tilespmem:$0x1E400] =	vst v63  }
0x434: {  	v3 =	vld.msk [tilespmem:$0x250], $0xff;
	_ =	sdelay $0x4  }
0x435: {  	v28 =	vshll.u32 v3, $0x3  }
0x436: {  	v3 =	vand.u32 $0x7, v3;
	v4 =	vand.u32 $0xFFFFFFC0, v28  }
0x437: {  	v3 =	vor.u32 v3, v4  }
0x438: {  	v3 =	vperm.xlane v3, v0;
	_ =	sdelay $0x1  }
0x439: {  	v3 =	vadd.s32 v1, v3;
	_ =	sdelay $0x3  }
0x43a: {  	s4 =	simm.s32 $0x1C400  }
0x43b: {  	[tilespmem:s4], [sflag:$0x5] =	stream.indirect_vreg.gather [hbm4b:s2+s3], $0x80, v3, vm0, $0xb8;
	[tilespmem:$0x1E400] =	vst v63  }
0x43c: {  	s8 =	simm.s32 $0x1CC00  }
0x43d: {  	[tilespmem:s8], [sflag:$0x5] =	stream.indirect_vreg.gather [hbm4b:s5+s3], $0x80, v3, vm0, $0xb8;
	[tilespmem:$0x1E400] =	vst v63  }
0x43e: {  	s13 =	simm.s32 $0x1D400  }
0x43f: {  	[tilespmem:s13], [sflag:$0x5] =	stream.indirect_vreg.gather [hbm4b:s6+s3], $0x80, v3, vm0, $0xb8;
	[tilespmem:$0x1E400] =	vst v63  }
0x440: {  	s14 =	simm.s32 $0x1DC00  }
0x441: {  	[tilespmem:s14], [sflag:$0x5] =	stream.indirect_vreg.gather [hbm4b:s7+s3], $0x80, v3, vm0, $0xb8;
	[tilespmem:$0x1E400] =	vst v63  }
0x442: {  	_ =	swait.ge [sflag:s21], $0x6000  }
0x443: {  	[sflag:s21] =	ssyncset.done $0x0  }
0x444: {  	s16 =	simm.s32 $0x6400;
	s15 =	rddreg [dreg:$0x1a];
	[sflag:s21] =	ssyncadd.s32 $0xFFFFA000  }
0x445: {  	[hbm4b:s15+s3] =	stream.linear.scatter [tilespmem:s16], [sflag:$0x7], $0x6000, $0x38;
	[tilespmem:$0x1E400] =	vst v63  }
0x446: {  	_ =	swait.ge [sflag:s23], $0x6000  }
0x447: {  	[sflag:s23] =	ssyncset.done $0x0  }
0x448: {  	[sflag:s23] =	ssyncadd.s32 $0xFFFFA000  }
0x449: {  	v3 =	vld [tilespmem:$0x258];
	_ =	sdelay $0x4  }
0x44a: {  	v29 =	vshll.u32 v3, $0x3  }
0x44b: {  	v3 =	vand.u32 $0x7, v3;
	v4 =	vand.u32 $0xFFFFFFC0, v29  }
0x44c: {  	v3 =	vor.u32 v3, v4  }
0x44d: {  	v4 =	vperm.xlane v3, v0;
	_ =	sdelay $0x1  }
0x44e: {  	v4 =	vadd.s32 v1, v4;
	_ =	sdelay $0x4  }
0x44f: {  	[tilespmem:s1], [sflag:$0x1] =	stream.indirect_vreg.gather [hbm4b:s2+s3], $0x80, v4, vm0, $0xb8;
	[tilespmem:$0x1E400] =	vst v63  }
0x450: {  	s8 =	simm.s32 $0xC00;
	v3 =	vperm.xlane v3, v2  }
0x451: {  	[tilespmem:s8], [sflag:$0x1] =	stream.indirect_vreg.gather [hbm4b:s5+s3], $0x80, v4, vm0, $0xb8;
	[tilespmem:$0x1E400] =	vst v63  }
0x452: {  	s22 =	simm.s32 $0x1400;
	v3 =	vadd.s32 v1, v3  }
0x453: {  	[tilespmem:s22], [sflag:$0x1] =	stream.indirect_vreg.gather [hbm4b:s6+s3], $0x80, v4, vm0, $0xb8;
	[tilespmem:$0x1E400] =	vst v63  }
0x454: {  	s17 =	simm.s32 $0x1C00  }
0x455: {  	[tilespmem:s17], [sflag:$0x1] =	stream.indirect_vreg.gather [hbm4b:s7+s3], $0x80, v4, vm0, $0xb8;
	[tilespmem:$0x1E400] =	vst v63  }
0x456: {  	s11 =	simm.s32 $0x2400  }
0x457: {  	[tilespmem:s11], [sflag:$0x1] =	stream.indirect_vreg.gather [hbm4b:s2+s3], $0x80, v3, vm0, $0xb8;
	[tilespmem:$0x1E400] =	vst v63  }
0x458: {  	s18 =	simm.s32 $0x2C00  }
0x459: {  	[tilespmem:s18], [sflag:$0x1] =	stream.indirect_vreg.gather [hbm4b:s5+s3], $0x80, v3, vm0, $0xb8;
	[tilespmem:$0x1E400] =	vst v63  }
0x45a: {  	s10 =	simm.s32 $0x3400  }
0x45b: {  	[tilespmem:s10], [sflag:$0x1] =	stream.indirect_vreg.gather [hbm4b:s6+s3], $0x80, v3, vm0, $0xb8;
	[tilespmem:$0x1E400] =	vst v63  }
0x45c: {  	s11 =	simm.s32 $0x3C00  }
0x45d: {  	[tilespmem:s11], [sflag:$0x1] =	stream.indirect_vreg.gather [hbm4b:s7+s3], $0x80, v3, vm0, $0xb8;
	[tilespmem:$0x1E400] =	vst v63  }
0x45e: {  	v3 =	vld.msk [tilespmem:$0x268], $0xff;
	_ =	sdelay $0x4  }
0x45f: {  	v30 =	vshll.u32 v3, $0x3  }
0x460: {  	v3 =	vand.u32 $0x7, v3;
	v4 =	vand.u32 $0xFFFFFFC0, v30  }
0x461: {  	v3 =	vor.u32 v3, v4  }
0x462: {  	v3 =	vperm.xlane v3, v0;
	_ =	sdelay $0x1  }
0x463: {  	v3 =	vadd.s32 v1, v3;
	_ =	sdelay $0x3  }
0x464: {  	s20 =	simm.s32 $0x4400  }
0x465: {  	[tilespmem:s20], [sflag:$0x1] =	stream.indirect_vreg.gather [hbm4b:s2+s3], $0x80, v3, vm0, $0xb8;
	[tilespmem:$0x1E400] =	vst v63  }
0x466: {  	s13 =	simm.s32 $0x4C00  }
0x467: {  	[tilespmem:s13], [sflag:$0x1] =	stream.indirect_vreg.gather [hbm4b:s5+s3], $0x80, v3, vm0, $0xb8;
	[tilespmem:$0x1E400] =	vst v63  }
0x468: {  	s14 =	simm.s32 $0x5400  }
0x469: {  	[tilespmem:s14], [sflag:$0x1] =	stream.indirect_vreg.gather [hbm4b:s6+s3], $0x80, v3, vm0, $0xb8;
	[tilespmem:$0x1E400] =	vst v63  }
0x46a: {  	s11 =	simm.s32 $0x5C00  }
0x46b: {  	[tilespmem:s11], [sflag:$0x1] =	stream.indirect_vreg.gather [hbm4b:s7+s3], $0x80, v3, vm0, $0xb8;
	[tilespmem:$0x1E400] =	vst v63  }
0x46c: {  	_ =	swait.ge [sflag:s24], $0x6000  }
0x46d: {  	[sflag:s24] =	ssyncset.done $0x0  }
0x46e: {  	s1 =	simm.s32 $0xC400;
	s15 =	rddreg [dreg:$0x1b];
	[sflag:s24] =	ssyncadd.s32 $0xFFFFA000  }
0x46f: {  	[hbm4b:s15+s3] =	stream.linear.scatter [tilespmem:s1], [sflag:$0x8], $0x6000, $0x38;
	[tilespmem:$0x1E400] =	vst v63  }
0x470: {  	_ =	swait.ge [sflag:s25], $0x6000  }
0x471: {  	[sflag:s25] =	ssyncset.done $0x0  }
0x472: {  	[sflag:s25] =	ssyncadd.s32 $0xFFFFA000  }
0x473: {  	v3 =	vld [tilespmem:$0x270];
	_ =	sdelay $0x4  }
0x474: {  	v31 =	vshll.u32 v3, $0x3  }
0x475: {  	v3 =	vand.u32 $0x7, v3;
	v4 =	vand.u32 $0xFFFFFFC0, v31  }
0x476: {  	v3 =	vor.u32 v3, v4  }
0x477: {  	v4 =	vperm.xlane v3, v0;
	_ =	sdelay $0x1  }
0x478: {  	v4 =	vadd.s32 v1, v4;
	_ =	sdelay $0x4  }
0x479: {  	[tilespmem:s16], [sflag:$0x2] =	stream.indirect_vreg.gather [hbm4b:s2+s3], $0x80, v4, vm0, $0xb8;
	[tilespmem:$0x1E400] =	vst v63  }
0x47a: {  	s9 =	simm.s32 $0x6C00;
	v3 =	vperm.xlane v3, v2  }
0x47b: {  	[tilespmem:s9], [sflag:$0x2] =	stream.indirect_vreg.gather [hbm4b:s5+s3], $0x80, v4, vm0, $0xb8;
	[tilespmem:$0x1E400] =	vst v63  }
0x47c: {  	v3 =	vadd.s32 v1, v3;
	s16 =	simm.s32 $0x7400  }
0x47d: {  	[tilespmem:s16], [sflag:$0x2] =	stream.indirect_vreg.gather [hbm4b:s6+s3], $0x80, v4, vm0, $0xb8;
	[tilespmem:$0x1E400] =	vst v63  }
0x47e: {  	s4 =	simm.s32 $0x7C00  }
0x47f: {  	[tilespmem:s4], [sflag:$0x2] =	stream.indirect_vreg.gather [hbm4b:s7+s3], $0x80, v4, vm0, $0xb8;
	[tilespmem:$0x1E400] =	vst v63  }
0x480: {  	s13 =	simm.s32 $0x8400  }
0x481: {  	[tilespmem:s13], [sflag:$0x2] =	stream.indirect_vreg.gather [hbm4b:s2+s3], $0x80, v3, vm0, $0xb8;
	[tilespmem:$0x1E400] =	vst v63  }
0x482: {  	s14 =	simm.s32 $0x8C00  }
0x483: {  	[tilespmem:s14], [sflag:$0x2] =	stream.indirect_vreg.gather [hbm4b:s5+s3], $0x80, v3, vm0, $0xb8;
	[tilespmem:$0x1E400] =	vst v63  }
0x484: {  	s15 =	simm.s32 $0x9400  }
0x485: {  	[tilespmem:s15], [sflag:$0x2] =	stream.indirect_vreg.gather [hbm4b:s6+s3], $0x80, v3, vm0, $0xb8;
	[tilespmem:$0x1E400] =	vst v63  }
0x486: {  	s9 =	simm.s32 $0x9C00  }
0x487: {  	[tilespmem:s9], [sflag:$0x2] =	stream.indirect_vreg.gather [hbm4b:s7+s3], $0x80, v3, vm0, $0xb8;
	[tilespmem:$0x1E400] =	vst v63  }
0x488: {  	v3 =	vld.msk [tilespmem:$0x280], $0xff;
	_ =	sdelay $0x4  }
0x489: {  	v32 =	vshll.u32 v3, $0x3  }
0x48a: {  	v3 =	vand.u32 $0x7, v3;
	v4 =	vand.u32 $0xFFFFFFC0, v32  }
0x48b: {  	v3 =	vor.u32 v3, v4  }
0x48c: {  	v3 =	vperm.xlane v3, v0;
	_ =	sdelay $0x1  }
0x48d: {  	v3 =	vadd.s32 v1, v3;
	_ =	sdelay $0x3  }
0x48e: {  	s16 =	simm.s32 $0xA400  }
0x48f: {  	[tilespmem:s16], [sflag:$0x2] =	stream.indirect_vreg.gather [hbm4b:s2+s3], $0x80, v3, vm0, $0xb8;
	[tilespmem:$0x1E400] =	vst v63  }
0x490: {  	s10 =	simm.s32 $0xAC00  }
0x491: {  	[tilespmem:s10], [sflag:$0x2] =	stream.indirect_vreg.gather [hbm4b:s5+s3], $0x80, v3, vm0, $0xb8;
	[tilespmem:$0x1E400] =	vst v63  }
0x492: {  	s4 =	simm.s32 $0xB400  }
0x493: {  	[tilespmem:s4], [sflag:$0x2] =	stream.indirect_vreg.gather [hbm4b:s6+s3], $0x80, v3, vm0, $0xb8;
	[tilespmem:$0x1E400] =	vst v63  }
0x494: {  	s9 =	simm.s32 $0xBC00  }
0x495: {  	[tilespmem:s9], [sflag:$0x2] =	stream.indirect_vreg.gather [hbm4b:s7+s3], $0x80, v3, vm0, $0xb8;
	[tilespmem:$0x1E400] =	vst v63  }
0x496: {  	_ =	swait.ge [sflag:s26], $0x6000  }
0x497: {  	[sflag:s26] =	ssyncset.done $0x0  }
0x498: {  	s4 =	simm.s32 $0x12400;
	s10 =	rddreg [dreg:$0x1c];
	[sflag:s26] =	ssyncadd.s32 $0xFFFFA000  }
0x499: {  	[hbm4b:s10+s3] =	stream.linear.scatter [tilespmem:s4], [sflag:$0x9], $0x6000, $0x38;
	[tilespmem:$0x1E400] =	vst v63  }
0x49a: {  	_ =	swait.ge [sflag:s28], $0x6000  }
0x49b: {  	[sflag:s28] =	ssyncset.done $0x0  }
0x49c: {  	[sflag:s28] =	ssyncadd.s32 $0xFFFFA000  }
0x49d: {  	v3 =	vld [tilespmem:$0x288];
	_ =	sdelay $0x4  }
0x49e: {  	v33 =	vshll.u32 v3, $0x3  }
0x49f: {  	v3 =	vand.u32 $0x7, v3;
	v4 =	vand.u32 $0xFFFFFFC0, v33  }
0x4a0: {  	v3 =	vor.u32 v3, v4  }
0x4a1: {  	v4 =	vperm.xlane v3, v0;
	_ =	sdelay $0x1  }
0x4a2: {  	v4 =	vadd.s32 v1, v4;
	_ =	sdelay $0x4  }
0x4a3: {  	[tilespmem:s1], [sflag:$0x3] =	stream.indirect_vreg.gather [hbm4b:s2+s3], $0x80, v4, vm0, $0xb8;
	[tilespmem:$0x1E400] =	vst v63  }
0x4a4: {  	v3 =	vperm.xlane v3, v2  }
0x4a5: {  	[tilespmem:s12], [sflag:$0x3] =	stream.indirect_vreg.gather [hbm4b:s5+s3], $0x80, v4, vm0, $0xb8;
	[tilespmem:$0x1E400] =	vst v63  }
0x4a6: {  	v3 =	vadd.s32 v1, v3;
	s12 =	simm.s32 $0xD400  }
0x4a7: {  	[tilespmem:s12], [sflag:$0x3] =	stream.indirect_vreg.gather [hbm4b:s6+s3], $0x80, v4, vm0, $0xb8;
	[tilespmem:$0x1E400] =	vst v63  }
0x4a8: {  	s1 =	simm.s32 $0xDC00  }
0x4a9: {  	[tilespmem:s1], [sflag:$0x3] =	stream.indirect_vreg.gather [hbm4b:s7+s3], $0x80, v4, vm0, $0xb8;
	[tilespmem:$0x1E400] =	vst v63  }
0x4aa: {  	s9 =	simm.s32 $0xE400  }
0x4ab: {  	[tilespmem:s9], [sflag:$0x3] =	stream.indirect_vreg.gather [hbm4b:s2+s3], $0x80, v3, vm0, $0xb8;
	[tilespmem:$0x1E400] =	vst v63  }
0x4ac: {  	s10 =	simm.s32 $0xEC00  }
0x4ad: {  	[tilespmem:s10], [sflag:$0x3] =	stream.indirect_vreg.gather [hbm4b:s5+s3], $0x80, v3, vm0, $0xb8;
	[tilespmem:$0x1E400] =	vst v63  }
0x4ae: {  	s12 =	simm.s32 $0xF400  }
0x4af: {  	[tilespmem:s12], [sflag:$0x3] =	stream.indirect_vreg.gather [hbm4b:s6+s3], $0x80, v3, vm0, $0xb8;
	[tilespmem:$0x1E400] =	vst v63  }
0x4b0: {  	s1 =	simm.s32 $0xFC00  }
0x4b1: {  	[tilespmem:s1], [sflag:$0x3] =	stream.indirect_vreg.gather [hbm4b:s7+s3], $0x80, v3, vm0, $0xb8;
	[tilespmem:$0x1E400] =	vst v63  }
0x4b2: {  	v3 =	vld.msk [tilespmem:$0x298], $0xff;
	_ =	sdelay $0x4  }
0x4b3: {  	v34 =	vshll.u32 v3, $0x3  }
0x4b4: {  	v3 =	vand.u32 $0x7, v3;
	v4 =	vand.u32 $0xFFFFFFC0, v34  }
0x4b5: {  	v3 =	vor.u32 v3, v4  }
0x4b6: {  	v3 =	vperm.xlane v3, v0;
	_ =	sdelay $0x1  }
0x4b7: {  	v3 =	vadd.s32 v1, v3;
	_ =	sdelay $0x3  }
0x4b8: {  	s9 =	simm.s32 $0x10400  }
0x4b9: {  	[tilespmem:s9], [sflag:$0x3] =	stream.indirect_vreg.gather [hbm4b:s2+s3], $0x80, v3, vm0, $0xb8;
	[tilespmem:$0x1E400] =	vst v63  }
0x4ba: {  	s10 =	simm.s32 $0x10C00  }
0x4bb: {  	[tilespmem:s10], [sflag:$0x3] =	stream.indirect_vreg.gather [hbm4b:s5+s3], $0x80, v3, vm0, $0xb8;
	[tilespmem:$0x1E400] =	vst v63  }
0x4bc: {  	s12 =	simm.s32 $0x11400  }
0x4bd: {  	[tilespmem:s12], [sflag:$0x3] =	stream.indirect_vreg.gather [hbm4b:s6+s3], $0x80, v3, vm0, $0xb8;
	[tilespmem:$0x1E400] =	vst v63  }
0x4be: {  	s1 =	simm.s32 $0x11C00  }
0x4bf: {  	[tilespmem:s1], [sflag:$0x3] =	stream.indirect_vreg.gather [hbm4b:s7+s3], $0x80, v3, vm0, $0xb8;
	[tilespmem:$0x1E400] =	vst v63  }
0x4c0: {  	_ =	swait.ge [sflag:s29], $0x6000  }
0x4c1: {  	[sflag:s29] =	ssyncset.done $0x0  }
0x4c2: {  	s1 =	simm.s32 $0x18400;
	s9 =	rddreg [dreg:$0x1d];
	[sflag:s29] =	ssyncadd.s32 $0xFFFFA000  }
0x4c3: {  	[hbm4b:s9+s3] =	stream.linear.scatter [tilespmem:s1], [sflag:$0xA], $0x6000, $0x38;
	[tilespmem:$0x1E400] =	vst v63  }
0x4c4: {  	_ =	swait.ge [sflag:s30], $0x6000  }
0x4c5: {  	[sflag:s30] =	ssyncset.done $0x0  }
0x4c6: {  	[sflag:s30] =	ssyncadd.s32 $0xFFFFA000  }
0x4c7: {  	v3 =	vld [tilespmem:$0x2A0];
	_ =	sdelay $0x4  }
0x4c8: {  	v35 =	vshll.u32 v3, $0x3  }
0x4c9: {  	v3 =	vand.u32 $0x7, v3;
	v4 =	vand.u32 $0xFFFFFFC0, v35  }
0x4ca: {  	v3 =	vor.u32 v3, v4  }
0x4cb: {  	v4 =	vperm.xlane v3, v0;
	_ =	sdelay $0x1  }
0x4cc: {  	v4 =	vadd.s32 v1, v4;
	_ =	sdelay $0x4  }
0x4cd: {  	[tilespmem:s4], [sflag:$0x4] =	stream.indirect_vreg.gather [hbm4b:s2+s3], $0x80, v4, vm0, $0xb8;
	[tilespmem:$0x1E400] =	vst v63  }
0x4ce: {  	s10 =	simm.s32 $0x12C00;
	v3 =	vperm.xlane v3, v2  }
0x4cf: {  	[tilespmem:s10], [sflag:$0x4] =	stream.indirect_vreg.gather [hbm4b:s5+s3], $0x80, v4, vm0, $0xb8;
	[tilespmem:$0x1E400] =	vst v63  }
0x4d0: {  	s12 =	simm.s32 $0x13400;
	v3 =	vadd.s32 v1, v3  }
0x4d1: {  	[tilespmem:s12], [sflag:$0x4] =	stream.indirect_vreg.gather [hbm4b:s6+s3], $0x80, v4, vm0, $0xb8;
	[tilespmem:$0x1E400] =	vst v63  }
0x4d2: {  	s12 =	simm.s32 $0x13C00  }
0x4d3: {  	[tilespmem:s12], [sflag:$0x4] =	stream.indirect_vreg.gather [hbm4b:s7+s3], $0x80, v4, vm0, $0xb8;
	[tilespmem:$0x1E400] =	vst v63  }
0x4d4: {  	s4 =	simm.s32 $0x14400  }
0x4d5: {  	[tilespmem:s4], [sflag:$0x4] =	stream.indirect_vreg.gather [hbm4b:s2+s3], $0x80, v3, vm0, $0xb8;
	[tilespmem:$0x1E400] =	vst v63  }
0x4d6: {  	s9 =	simm.s32 $0x14C00  }
0x4d7: {  	[tilespmem:s9], [sflag:$0x4] =	stream.indirect_vreg.gather [hbm4b:s5+s3], $0x80, v3, vm0, $0xb8;
	[tilespmem:$0x1E400] =	vst v63  }
0x4d8: {  	s10 =	simm.s32 $0x15400  }
0x4d9: {  	[tilespmem:s10], [sflag:$0x4] =	stream.indirect_vreg.gather [hbm4b:s6+s3], $0x80, v3, vm0, $0xb8;
	[tilespmem:$0x1E400] =	vst v63  }
0x4da: {  	s4 =	simm.s32 $0x15C00  }
0x4db: {  	[tilespmem:s4], [sflag:$0x4] =	stream.indirect_vreg.gather [hbm4b:s7+s3], $0x80, v3, vm0, $0xb8;
	[tilespmem:$0x1E400] =	vst v63  }
0x4dc: {  	v3 =	vld.msk [tilespmem:$0x2B0], $0xff;
	_ =	sdelay $0x4  }
0x4dd: {  	v36 =	vshll.u32 v3, $0x3  }
0x4de: {  	v3 =	vand.u32 $0x7, v3;
	v4 =	vand.u32 $0xFFFFFFC0, v36  }
0x4df: {  	v3 =	vor.u32 v3, v4  }
0x4e0: {  	v3 =	vperm.xlane v3, v0;
	_ =	sdelay $0x1  }
0x4e1: {  	v3 =	vadd.s32 v1, v3;
	_ =	sdelay $0x3  }
0x4e2: {  	s9 =	simm.s32 $0x16400  }
0x4e3: {  	[tilespmem:s9], [sflag:$0x4] =	stream.indirect_vreg.gather [hbm4b:s2+s3], $0x80, v3, vm0, $0xb8;
	[tilespmem:$0x1E400] =	vst v63  }
0x4e4: {  	s10 =	simm.s32 $0x16C00  }
0x4e5: {  	[tilespmem:s10], [sflag:$0x4] =	stream.indirect_vreg.gather [hbm4b:s5+s3], $0x80, v3, vm0, $0xb8;
	[tilespmem:$0x1E400] =	vst v63  }
0x4e6: {  	s4 =	simm.s32 $0x17400  }
0x4e7: {  	[tilespmem:s4], [sflag:$0x4] =	stream.indirect_vreg.gather [hbm4b:s6+s3], $0x80, v3, vm0, $0xb8;
	[tilespmem:$0x1E400] =	vst v63  }
0x4e8: {  	s9 =	simm.s32 $0x17C00  }
0x4e9: {  	[tilespmem:s9], [sflag:$0x4] =	stream.indirect_vreg.gather [hbm4b:s7+s3], $0x80, v3, vm0, $0xb8;
	[tilespmem:$0x1E400] =	vst v63  }
0x4ea: {  	_ =	swait.ge [sflag:s19], $0x6000  }
0x4eb: {  	[sflag:s19] =	ssyncset.done $0x0  }
0x4ec: {  	s4 =	simm.s32 $0x400;
	s10 =	rddreg [dreg:$0x1e];
	[sflag:s19] =	ssyncadd.s32 $0xFFFFA000  }
0x4ed: {  	[hbm4b:s10+s3] =	stream.linear.scatter [tilespmem:s4], [sflag:$0x6], $0x6000, $0x38;
	[tilespmem:$0x1E400] =	vst v63  }
0x4ee: {  	_ =	swait.ge [sflag:s31], $0x6000  }
0x4ef: {  	[sflag:s31] =	ssyncset.done $0x0  }
0x4f0: {  	[sflag:s31] =	ssyncadd.s32 $0xFFFFA000  }
0x4f1: {  	v3 =	vld [tilespmem:$0x2B8];
	_ =	sdelay $0x4  }
0x4f2: {  	v37 =	vshll.u32 v3, $0x3  }
0x4f3: {  	v3 =	vand.u32 $0x7, v3;
	v4 =	vand.u32 $0xFFFFFFC0, v37  }
0x4f4: {  	v3 =	vor.u32 v3, v4  }
0x4f5: {  	v4 =	vperm.xlane v3, v0;
	_ =	sdelay $0x1  }
0x4f6: {  	v4 =	vadd.s32 v1, v4;
	_ =	sdelay $0x4  }
0x4f7: {  	[tilespmem:s1], [sflag:$0x5] =	stream.indirect_vreg.gather [hbm4b:s2+s3], $0x80, v4, vm0, $0xb8;
	[tilespmem:$0x1E400] =	vst v63  }
0x4f8: {  	v3 =	vperm.xlane v3, v2;
	s1 =	simm.s32 $0x18C00  }
0x4f9: {  	[tilespmem:s1], [sflag:$0x5] =	stream.indirect_vreg.gather [hbm4b:s5+s3], $0x80, v4, vm0, $0xb8;
	[tilespmem:$0x1E400] =	vst v63  }
0x4fa: {  	s9 =	simm.s32 $0x19400;
	v3 =	vadd.s32 v1, v3  }
0x4fb: {  	[tilespmem:s9], [sflag:$0x5] =	stream.indirect_vreg.gather [hbm4b:s6+s3], $0x80, v4, vm0, $0xb8;
	[tilespmem:$0x1E400] =	vst v63  }
0x4fc: {  	s10 =	simm.s32 $0x19C00  }
0x4fd: {  	[tilespmem:s10], [sflag:$0x5] =	stream.indirect_vreg.gather [hbm4b:s7+s3], $0x80, v4, vm0, $0xb8;
	[tilespmem:$0x1E400] =	vst v63  }
0x4fe: {  	s1 =	simm.s32 $0x1A400  }
0x4ff: {  	[tilespmem:s1], [sflag:$0x5] =	stream.indirect_vreg.gather [hbm4b:s2+s3], $0x80, v3, vm0, $0xb8;
	[tilespmem:$0x1E400] =	vst v63  }
0x500: {  	s9 =	simm.s32 $0x1AC00  }
0x501: {  	[tilespmem:s9], [sflag:$0x5] =	stream.indirect_vreg.gather [hbm4b:s5+s3], $0x80, v3, vm0, $0xb8;
	[tilespmem:$0x1E400] =	vst v63  }
0x502: {  	s10 =	simm.s32 $0x1B400  }
0x503: {  	[tilespmem:s10], [sflag:$0x5] =	stream.indirect_vreg.gather [hbm4b:s6+s3], $0x80, v3, vm0, $0xb8;
	[tilespmem:$0x1E400] =	vst v63  }
0x504: {  	s1 =	simm.s32 $0x1BC00  }
0x505: {  	[tilespmem:s1], [sflag:$0x5] =	stream.indirect_vreg.gather [hbm4b:s7+s3], $0x80, v3, vm0, $0xb8;
	[tilespmem:$0x1E400] =	vst v63  }
0x506: {  	v3 =	vld.msk [tilespmem:$0x2C8], $0xff;
	_ =	sdelay $0x4  }
0x507: {  	v38 =	vshll.u32 v3, $0x3  }
0x508: {  	v3 =	vand.u32 $0x7, v3;
	v4 =	vand.u32 $0xFFFFFFC0, v38  }
0x509: {  	v3 =	vor.u32 v3, v4  }
0x50a: {  	v3 =	vperm.xlane v3, v0;
	_ =	sdelay $0x1  }
0x50b: {  	v3 =	vadd.s32 v1, v3;
	_ =	sdelay $0x3  }
0x50c: {  	s9 =	simm.s32 $0x1C400  }
0x50d: {  	[tilespmem:s9], [sflag:$0x5] =	stream.indirect_vreg.gather [hbm4b:s2+s3], $0x80, v3, vm0, $0xb8;
	[tilespmem:$0x1E400] =	vst v63  }
0x50e: {  	s10 =	simm.s32 $0x1CC00  }
0x50f: {  	[tilespmem:s10], [sflag:$0x5] =	stream.indirect_vreg.gather [hbm4b:s5+s3], $0x80, v3, vm0, $0xb8;
	[tilespmem:$0x1E400] =	vst v63  }
0x510: {  	s1 =	simm.s32 $0x1D400  }
0x511: {  	[tilespmem:s1], [sflag:$0x5] =	stream.indirect_vreg.gather [hbm4b:s6+s3], $0x80, v3, vm0, $0xb8;
	[tilespmem:$0x1E400] =	vst v63  }
0x512: {  	s9 =	simm.s32 $0x1DC00  }
0x513: {  	[tilespmem:s9], [sflag:$0x5] =	stream.indirect_vreg.gather [hbm4b:s7+s3], $0x80, v3, vm0, $0xb8;
	[tilespmem:$0x1E400] =	vst v63  }
0x514: {  	_ =	swait.ge [sflag:s21], $0x6000  }
0x515: {  	[sflag:s21] =	ssyncset.done $0x0  }
0x516: {  	s1 =	simm.s32 $0x6400;
	s10 =	rddreg [dreg:$0x1f];
	[sflag:s21] =	ssyncadd.s32 $0xFFFFA000  }
0x517: {  	[hbm4b:s10+s3] =	stream.linear.scatter [tilespmem:s1], [sflag:$0x7], $0x6000, $0x38;
	[tilespmem:$0x1E400] =	vst v63  }
0x518: {  	_ =	swait.ge [sflag:s23], $0x6000  }
0x519: {  	[sflag:s23] =	ssyncset.done $0x0  }
0x51a: {  	[sflag:s23] =	ssyncadd.s32 $0xFFFFA000  }
0x51b: {  	v3 =	vld [tilespmem:$0x2D0];
	_ =	sdelay $0x4  }
0x51c: {  	v39 =	vshll.u32 v3, $0x3  }
0x51d: {  	v3 =	vand.u32 $0x7, v3;
	v4 =	vand.u32 $0xFFFFFFC0, v39  }
0x51e: {  	v3 =	vor.u32 v3, v4  }
0x51f: {  	v4 =	vperm.xlane v3, v0;
	_ =	sdelay $0x1  }
0x520: {  	v4 =	vadd.s32 v1, v4;
	_ =	sdelay $0x4  }
0x521: {  	[tilespmem:s4], [sflag:$0x1] =	stream.indirect_vreg.gather [hbm4b:s2+s3], $0x80, v4, vm0, $0xb8;
	[tilespmem:$0x1E400] =	vst v63  }
0x522: {  	v3 =	vperm.xlane v3, v2  }
0x523: {  	[tilespmem:s8], [sflag:$0x1] =	stream.indirect_vreg.gather [hbm4b:s5+s3], $0x80, v4, vm0, $0xb8;
	[tilespmem:$0x1E400] =	vst v63  }
0x524: {  	v3 =	vadd.s32 v1, v3  }
0x525: {  	[tilespmem:s22], [sflag:$0x1] =	stream.indirect_vreg.gather [hbm4b:s6+s3], $0x80, v4, vm0, $0xb8;
	[tilespmem:$0x1E400] =	vst v63  }
0x526: {  	_ = 	snop  }
0x527: {  	[tilespmem:s17], [sflag:$0x1] =	stream.indirect_vreg.gather [hbm4b:s7+s3], $0x80, v4, vm0, $0xb8;
	[tilespmem:$0x1E400] =	vst v63  }
0x528: {  	s9 =	simm.s32 $0x2400  }
0x529: {  	[tilespmem:s9], [sflag:$0x1] =	stream.indirect_vreg.gather [hbm4b:s2+s3], $0x80, v3, vm0, $0xb8;
	[tilespmem:$0x1E400] =	vst v63  }
0x52a: {  	_ = 	snop  }
0x52b: {  	[tilespmem:s18], [sflag:$0x1] =	stream.indirect_vreg.gather [hbm4b:s5+s3], $0x80, v3, vm0, $0xb8;
	[tilespmem:$0x1E400] =	vst v63  }
0x52c: {  	s10 =	simm.s32 $0x3400  }
0x52d: {  	[tilespmem:s10], [sflag:$0x1] =	stream.indirect_vreg.gather [hbm4b:s6+s3], $0x80, v3, vm0, $0xb8;
	[tilespmem:$0x1E400] =	vst v63  }
0x52e: {  	s17 =	simm.s32 $0x3C00  }
0x52f: {  	[tilespmem:s17], [sflag:$0x1] =	stream.indirect_vreg.gather [hbm4b:s7+s3], $0x80, v3, vm0, $0xb8;
	[tilespmem:$0x1E400] =	vst v63  }
0x530: {  	v3 =	vld.msk [tilespmem:$0x2E0], $0xff;
	_ =	sdelay $0x4  }
0x531: {  	v40 =	vshll.u32 v3, $0x3  }
0x532: {  	v3 =	vand.u32 $0x7, v3;
	v4 =	vand.u32 $0xFFFFFFC0, v40  }
0x533: {  	v3 =	vor.u32 v3, v4  }
0x534: {  	v3 =	vperm.xlane v3, v0;
	_ =	sdelay $0x1  }
0x535: {  	v3 =	vadd.s32 v1, v3;
	_ =	sdelay $0x4  }
0x536: {  	[tilespmem:s20], [sflag:$0x1] =	stream.indirect_vreg.gather [hbm4b:s2+s3], $0x80, v3, vm0, $0xb8;
	[tilespmem:$0x1E400] =	vst v63  }
0x537: {  	s4 =	simm.s32 $0x4C00  }
0x538: {  	[tilespmem:s4], [sflag:$0x1] =	stream.indirect_vreg.gather [hbm4b:s5+s3], $0x80, v3, vm0, $0xb8;
	[tilespmem:$0x1E400] =	vst v63  }
0x539: {  	s18 =	simm.s32 $0x5400  }
0x53a: {  	[tilespmem:s18], [sflag:$0x1] =	stream.indirect_vreg.gather [hbm4b:s6+s3], $0x80, v3, vm0, $0xb8;
	[tilespmem:$0x1E400] =	vst v63  }
0x53b: {  	_ = 	snop  }
0x53c: {  	[tilespmem:s11], [sflag:$0x1] =	stream.indirect_vreg.gather [hbm4b:s7+s3], $0x80, v3, vm0, $0xb8;
	[tilespmem:$0x1E400] =	vst v63  }
0x53d: {  	_ =	swait.ge [sflag:s24], $0x6000  }
0x53e: {  	s20 =	sld [smem:$0x7EC]  }
0x53f: {  	[sflag:s24] =	ssyncset.done $0x0  }
0x540: {  	s8 =	simm.s32 $0xC400;
	[sflag:s24] =	ssyncadd.s32 $0xFFFFA000  }
0x541: {  	[hbm4b:s20+s3] =	stream.linear.scatter [tilespmem:s8], [sflag:$0x8], $0x6000, $0x38;
	[tilespmem:$0x1E400] =	vst v63  }
0x542: {  	_ =	swait.ge [sflag:s25], $0x6000  }
0x543: {  	[sflag:s25] =	ssyncset.done $0x0  }
0x544: {  	[sflag:s25] =	ssyncadd.s32 $0xFFFFA000  }
0x545: {  	v3 =	vld [tilespmem:$0x2E8];
	_ =	sdelay $0x4  }
0x546: {  	v41 =	vshll.u32 v3, $0x3  }
0x547: {  	v3 =	vand.u32 $0x7, v3;
	v4 =	vand.u32 $0xFFFFFFC0, v41  }
0x548: {  	v3 =	vor.u32 v3, v4  }
0x549: {  	v4 =	vperm.xlane v3, v0;
	_ =	sdelay $0x1  }
0x54a: {  	v4 =	vadd.s32 v1, v4;
	_ =	sdelay $0x4  }
0x54b: {  	[tilespmem:s1], [sflag:$0x2] =	stream.indirect_vreg.gather [hbm4b:s2+s3], $0x80, v4, vm0, $0xb8;
	[tilespmem:$0x1E400] =	vst v63  }
0x54c: {  	s11 =	simm.s32 $0x6C00;
	v3 =	vperm.xlane v3, v2  }
0x54d: {  	[tilespmem:s11], [sflag:$0x2] =	stream.indirect_vreg.gather [hbm4b:s5+s3], $0x80, v4, vm0, $0xb8;
	[tilespmem:$0x1E400] =	vst v63  }
0x54e: {  	s22 =	simm.s32 $0x7400;
	v3 =	vadd.s32 v1, v3  }
0x54f: {  	[tilespmem:s22], [sflag:$0x2] =	stream.indirect_vreg.gather [hbm4b:s6+s3], $0x80, v4, vm0, $0xb8;
	[tilespmem:$0x1E400] =	vst v63  }
0x550: {  	s1 =	simm.s32 $0x7C00  }
0x551: {  	[tilespmem:s1], [sflag:$0x2] =	stream.indirect_vreg.gather [hbm4b:s7+s3], $0x80, v4, vm0, $0xb8;
	[tilespmem:$0x1E400] =	vst v63  }
0x552: {  	_ = 	snop  }
0x553: {  	[tilespmem:s13], [sflag:$0x2] =	stream.indirect_vreg.gather [hbm4b:s2+s3], $0x80, v3, vm0, $0xb8;
	[tilespmem:$0x1E400] =	vst v63  }
0x554: {  	_ = 	snop  }
0x555: {  	[tilespmem:s14], [sflag:$0x2] =	stream.indirect_vreg.gather [hbm4b:s5+s3], $0x80, v3, vm0, $0xb8;
	[tilespmem:$0x1E400] =	vst v63  }
0x556: {  	_ = 	snop  }
0x557: {  	[tilespmem:s15], [sflag:$0x2] =	stream.indirect_vreg.gather [hbm4b:s6+s3], $0x80, v3, vm0, $0xb8;
	[tilespmem:$0x1E400] =	vst v63  }
0x558: {  	s15 =	simm.s32 $0x9C00  }
0x559: {  	[tilespmem:s15], [sflag:$0x2] =	stream.indirect_vreg.gather [hbm4b:s7+s3], $0x80, v3, vm0, $0xb8;
	[tilespmem:$0x1E400] =	vst v63  }
0x55a: {  	v3 =	vld.msk [tilespmem:$0x2F8], $0xff;
	_ =	sdelay $0x4  }
0x55b: {  	v42 =	vshll.u32 v3, $0x3  }
0x55c: {  	v3 =	vand.u32 $0x7, v3;
	v4 =	vand.u32 $0xFFFFFFC0, v42  }
0x55d: {  	v3 =	vor.u32 v3, v4  }
0x55e: {  	v3 =	vperm.xlane v3, v0;
	_ =	sdelay $0x1  }
0x55f: {  	v3 =	vadd.s32 v1, v3;
	_ =	sdelay $0x4  }
0x560: {  	[tilespmem:s16], [sflag:$0x2] =	stream.indirect_vreg.gather [hbm4b:s2+s3], $0x80, v3, vm0, $0xb8;
	[tilespmem:$0x1E400] =	vst v63  }
0x561: {  	s18 =	simm.s32 $0xAC00  }
0x562: {  	[tilespmem:s18], [sflag:$0x2] =	stream.indirect_vreg.gather [hbm4b:s5+s3], $0x80, v3, vm0, $0xb8;
	[tilespmem:$0x1E400] =	vst v63  }
0x563: {  	s20 =	simm.s32 $0xB400  }
0x564: {  	[tilespmem:s20], [sflag:$0x2] =	stream.indirect_vreg.gather [hbm4b:s6+s3], $0x80, v3, vm0, $0xb8;
	[tilespmem:$0x1E400] =	vst v63  }
0x565: {  	s22 =	simm.s32 $0xBC00  }
0x566: {  	[tilespmem:s22], [sflag:$0x2] =	stream.indirect_vreg.gather [hbm4b:s7+s3], $0x80, v3, vm0, $0xb8;
	[tilespmem:$0x1E400] =	vst v63  }
0x567: {  	_ =	swait.ge [sflag:s26], $0x6000  }
0x568: {  	s1 =	sld [smem:$0x7ED]  }
0x569: {  	[sflag:s26] =	ssyncset.done $0x0  }
0x56a: {  	s13 =	simm.s32 $0x12400;
	[sflag:s26] =	ssyncadd.s32 $0xFFFFA000  }
0x56b: {  	[hbm4b:s1+s3] =	stream.linear.scatter [tilespmem:s13], [sflag:$0x9], $0x6000, $0x38;
	[tilespmem:$0x1E400] =	vst v63  }
0x56c: {  	_ =	swait.ge [sflag:s28], $0x6000  }
0x56d: {  	[sflag:s28] =	ssyncset.done $0x0  }
0x56e: {  	[sflag:s28] =	ssyncadd.s32 $0xFFFFA000  }
0x56f: {  	v3 =	vld [tilespmem:$0x300];
	_ =	sdelay $0x4  }
0x570: {  	v43 =	vshll.u32 v3, $0x3  }
0x571: {  	v3 =	vand.u32 $0x7, v3;
	v4 =	vand.u32 $0xFFFFFFC0, v43  }
0x572: {  	v3 =	vor.u32 v3, v4  }
0x573: {  	v4 =	vperm.xlane v3, v0;
	_ =	sdelay $0x1  }
0x574: {  	v4 =	vadd.s32 v1, v4;
	_ =	sdelay $0x4  }
0x575: {  	[tilespmem:s8], [sflag:$0x3] =	stream.indirect_vreg.gather [hbm4b:s2+s3], $0x80, v4, vm0, $0xb8;
	[tilespmem:$0x1E400] =	vst v63  }
0x576: {  	s1 =	simm.s32 $0xCC00;
	v3 =	vperm.xlane v3, v2  }
0x577: {  	[tilespmem:s1], [sflag:$0x3] =	stream.indirect_vreg.gather [hbm4b:s5+s3], $0x80, v4, vm0, $0xb8;
	[tilespmem:$0x1E400] =	vst v63  }
0x578: {  	v3 =	vadd.s32 v1, v3;
	s8 =	simm.s32 $0xD400  }
0x579: {  	[tilespmem:s8], [sflag:$0x3] =	stream.indirect_vreg.gather [hbm4b:s6+s3], $0x80, v4, vm0, $0xb8;
	[tilespmem:$0x1E400] =	vst v63  }
0x57a: {  	s14 =	simm.s32 $0xDC00  }
0x57b: {  	[tilespmem:s14], [sflag:$0x3] =	stream.indirect_vreg.gather [hbm4b:s7+s3], $0x80, v4, vm0, $0xb8;
	[tilespmem:$0x1E400] =	vst v63  }
0x57c: {  	s16 =	simm.s32 $0xE400  }
0x57d: {  	[tilespmem:s16], [sflag:$0x3] =	stream.indirect_vreg.gather [hbm4b:s2+s3], $0x80, v3, vm0, $0xb8;
	[tilespmem:$0x1E400] =	vst v63  }
0x57e: {  	s18 =	simm.s32 $0xEC00  }
0x57f: {  	[tilespmem:s18], [sflag:$0x3] =	stream.indirect_vreg.gather [hbm4b:s5+s3], $0x80, v3, vm0, $0xb8;
	[tilespmem:$0x1E400] =	vst v63  }
0x580: {  	s20 =	simm.s32 $0xF400  }
0x581: {  	[tilespmem:s20], [sflag:$0x3] =	stream.indirect_vreg.gather [hbm4b:s6+s3], $0x80, v3, vm0, $0xb8;
	[tilespmem:$0x1E400] =	vst v63  }
0x582: {  	s22 =	simm.s32 $0xFC00  }
0x583: {  	[tilespmem:s22], [sflag:$0x3] =	stream.indirect_vreg.gather [hbm4b:s7+s3], $0x80, v3, vm0, $0xb8;
	[tilespmem:$0x1E400] =	vst v63  }
0x584: {  	v3 =	vld.msk [tilespmem:$0x310], $0xff;
	_ =	sdelay $0x4  }
0x585: {  	v44 =	vshll.u32 v3, $0x3  }
0x586: {  	v3 =	vand.u32 $0x7, v3;
	v4 =	vand.u32 $0xFFFFFFC0, v44  }
0x587: {  	v3 =	vor.u32 v3, v4  }
0x588: {  	v3 =	vperm.xlane v3, v0;
	_ =	sdelay $0x1  }
0x589: {  	v3 =	vadd.s32 v1, v3;
	_ =	sdelay $0x3  }
0x58a: {  	s8 =	simm.s32 $0x10400  }
0x58b: {  	[tilespmem:s8], [sflag:$0x3] =	stream.indirect_vreg.gather [hbm4b:s2+s3], $0x80, v3, vm0, $0xb8;
	[tilespmem:$0x1E400] =	vst v63  }
0x58c: {  	s14 =	simm.s32 $0x10C00  }
0x58d: {  	[tilespmem:s14], [sflag:$0x3] =	stream.indirect_vreg.gather [hbm4b:s5+s3], $0x80, v3, vm0, $0xb8;
	[tilespmem:$0x1E400] =	vst v63  }
0x58e: {  	s16 =	simm.s32 $0x11400  }
0x58f: {  	[tilespmem:s16], [sflag:$0x3] =	stream.indirect_vreg.gather [hbm4b:s6+s3], $0x80, v3, vm0, $0xb8;
	[tilespmem:$0x1E400] =	vst v63  }
0x590: {  	s18 =	simm.s32 $0x11C00  }
0x591: {  	[tilespmem:s18], [sflag:$0x3] =	stream.indirect_vreg.gather [hbm4b:s7+s3], $0x80, v3, vm0, $0xb8;
	[tilespmem:$0x1E400] =	vst v63  }
0x592: {  	_ =	swait.ge [sflag:s29], $0x6000  }
0x593: {  	s20 =	sld [smem:$0x7EE]  }
0x594: {  	[sflag:s29] =	ssyncset.done $0x0  }
0x595: {  	s14 =	simm.s32 $0x18400;
	[sflag:s29] =	ssyncadd.s32 $0xFFFFA000  }
0x596: {  	[hbm4b:s20+s3] =	stream.linear.scatter [tilespmem:s14], [sflag:$0xA], $0x6000, $0x38;
	[tilespmem:$0x1E400] =	vst v63  }
0x597: {  	_ =	swait.ge [sflag:s30], $0x6000  }
0x598: {  	[sflag:s30] =	ssyncset.done $0x0  }
0x599: {  	[sflag:s30] =	ssyncadd.s32 $0xFFFFA000  }
0x59a: {  	v3 =	vld [tilespmem:$0x318];
	_ =	sdelay $0x4  }
0x59b: {  	v45 =	vshll.u32 v3, $0x3  }
0x59c: {  	v3 =	vand.u32 $0x7, v3;
	v4 =	vand.u32 $0xFFFFFFC0, v45  }
0x59d: {  	v3 =	vor.u32 v3, v4  }
0x59e: {  	v4 =	vperm.xlane v3, v0;
	_ =	sdelay $0x1  }
0x59f: {  	v4 =	vadd.s32 v1, v4;
	_ =	sdelay $0x4  }
0x5a0: {  	[tilespmem:s13], [sflag:$0x4] =	stream.indirect_vreg.gather [hbm4b:s2+s3], $0x80, v4, vm0, $0xb8;
	[tilespmem:$0x1E400] =	vst v63  }
0x5a1: {  	s22 =	simm.s32 $0x12C00;
	v3 =	vperm.xlane v3, v2  }
0x5a2: {  	[tilespmem:s22], [sflag:$0x4] =	stream.indirect_vreg.gather [hbm4b:s5+s3], $0x80, v4, vm0, $0xb8;
	[tilespmem:$0x1E400] =	vst v63  }
0x5a3: {  	s8 =	simm.s32 $0x13400;
	v3 =	vadd.s32 v1, v3  }
0x5a4: {  	[tilespmem:s8], [sflag:$0x4] =	stream.indirect_vreg.gather [hbm4b:s6+s3], $0x80, v4, vm0, $0xb8;
	[tilespmem:$0x1E400] =	vst v63  }
0x5a5: {  	_ = 	snop  }
0x5a6: {  	[tilespmem:s12], [sflag:$0x4] =	stream.indirect_vreg.gather [hbm4b:s7+s3], $0x80, v4, vm0, $0xb8;
	[tilespmem:$0x1E400] =	vst v63  }
0x5a7: {  	s13 =	simm.s32 $0x14400  }
0x5a8: {  	[tilespmem:s13], [sflag:$0x4] =	stream.indirect_vreg.gather [hbm4b:s2+s3], $0x80, v3, vm0, $0xb8;
	[tilespmem:$0x1E400] =	vst v63  }
0x5a9: {  	s16 =	simm.s32 $0x14C00  }
0x5aa: {  	[tilespmem:s16], [sflag:$0x4] =	stream.indirect_vreg.gather [hbm4b:s5+s3], $0x80, v3, vm0, $0xb8;
	[tilespmem:$0x1E400] =	vst v63  }
0x5ab: {  	s20 =	simm.s32 $0x15400  }
0x5ac: {  	[tilespmem:s20], [sflag:$0x4] =	stream.indirect_vreg.gather [hbm4b:s6+s3], $0x80, v3, vm0, $0xb8;
	[tilespmem:$0x1E400] =	vst v63  }
0x5ad: {  	s22 =	simm.s32 $0x15C00  }
0x5ae: {  	[tilespmem:s22], [sflag:$0x4] =	stream.indirect_vreg.gather [hbm4b:s7+s3], $0x80, v3, vm0, $0xb8;
	[tilespmem:$0x1E400] =	vst v63  }
0x5af: {  	v3 =	vld.msk [tilespmem:$0x328], $0xff;
	_ =	sdelay $0x4  }
0x5b0: {  	v46 =	vshll.u32 v3, $0x3  }
0x5b1: {  	v3 =	vand.u32 $0x7, v3;
	v4 =	vand.u32 $0xFFFFFFC0, v46  }
0x5b2: {  	v3 =	vor.u32 v3, v4  }
0x5b3: {  	v3 =	vperm.xlane v3, v0;
	_ =	sdelay $0x1  }
0x5b4: {  	v3 =	vadd.s32 v1, v3;
	_ =	sdelay $0x3  }
0x5b5: {  	s8 =	simm.s32 $0x16400  }
0x5b6: {  	[tilespmem:s8], [sflag:$0x4] =	stream.indirect_vreg.gather [hbm4b:s2+s3], $0x80, v3, vm0, $0xb8;
	[tilespmem:$0x1E400] =	vst v63  }
0x5b7: {  	s12 =	simm.s32 $0x16C00  }
0x5b8: {  	[tilespmem:s12], [sflag:$0x4] =	stream.indirect_vreg.gather [hbm4b:s5+s3], $0x80, v3, vm0, $0xb8;
	[tilespmem:$0x1E400] =	vst v63  }
0x5b9: {  	s8 =	simm.s32 $0x17400  }
0x5ba: {  	[tilespmem:s8], [sflag:$0x4] =	stream.indirect_vreg.gather [hbm4b:s6+s3], $0x80, v3, vm0, $0xb8;
	[tilespmem:$0x1E400] =	vst v63  }
0x5bb: {  	s13 =	simm.s32 $0x17C00  }
0x5bc: {  	[tilespmem:s13], [sflag:$0x4] =	stream.indirect_vreg.gather [hbm4b:s7+s3], $0x80, v3, vm0, $0xb8;
	[tilespmem:$0x1E400] =	vst v63  }
0x5bd: {  	_ =	swait.ge [sflag:s19], $0x6000  }
0x5be: {  	s16 =	sld [smem:$0x7EF]  }
0x5bf: {  	[sflag:s19] =	ssyncset.done $0x0  }
0x5c0: {  	s12 =	simm.s32 $0x400;
	[sflag:s19] =	ssyncadd.s32 $0xFFFFA000  }
0x5c1: {  	[hbm4b:s16+s3] =	stream.linear.scatter [tilespmem:s12], [sflag:$0x6], $0x6000, $0x38;
	[tilespmem:$0x1E400] =	vst v63  }
0x5c2: {  	_ =	swait.ge [sflag:s31], $0x6000  }
0x5c3: {  	[sflag:s31] =	ssyncset.done $0x0  }
0x5c4: {  	[sflag:s31] =	ssyncadd.s32 $0xFFFFA000  }
0x5c5: {  	v3 =	vld [tilespmem:$0x330];
	_ =	sdelay $0x4  }
0x5c6: {  	v47 =	vshll.u32 v3, $0x3  }
0x5c7: {  	v3 =	vand.u32 $0x7, v3;
	v4 =	vand.u32 $0xFFFFFFC0, v47  }
0x5c8: {  	v3 =	vor.u32 v3, v4  }
0x5c9: {  	v4 =	vperm.xlane v3, v0;
	_ =	sdelay $0x1  }
0x5ca: {  	v4 =	vadd.s32 v1, v4;
	_ =	sdelay $0x4  }
0x5cb: {  	[tilespmem:s14], [sflag:$0x5] =	stream.indirect_vreg.gather [hbm4b:s2+s3], $0x80, v4, vm0, $0xb8;
	[tilespmem:$0x1E400] =	vst v63  }
0x5cc: {  	s20 =	simm.s32 $0x18C00;
	v3 =	vperm.xlane v3, v2  }
0x5cd: {  	[tilespmem:s20], [sflag:$0x5] =	stream.indirect_vreg.gather [hbm4b:s5+s3], $0x80, v4, vm0, $0xb8;
	[tilespmem:$0x1E400] =	vst v63  }
0x5ce: {  	s13 =	simm.s32 $0x19400;
	v3 =	vadd.s32 v1, v3  }
0x5cf: {  	[tilespmem:s13], [sflag:$0x5] =	stream.indirect_vreg.gather [hbm4b:s6+s3], $0x80, v4, vm0, $0xb8;
	[tilespmem:$0x1E400] =	vst v63  }
0x5d0: {  	s22 =	simm.s32 $0x19C00  }
0x5d1: {  	[tilespmem:s22], [sflag:$0x5] =	stream.indirect_vreg.gather [hbm4b:s7+s3], $0x80, v4, vm0, $0xb8;
	[tilespmem:$0x1E400] =	vst v63  }
0x5d2: {  	s14 =	simm.s32 $0x1A400  }
0x5d3: {  	[tilespmem:s14], [sflag:$0x5] =	stream.indirect_vreg.gather [hbm4b:s2+s3], $0x80, v3, vm0, $0xb8;
	[tilespmem:$0x1E400] =	vst v63  }
0x5d4: {  	s22 =	simm.s32 $0x1AC00  }
0x5d5: {  	[tilespmem:s22], [sflag:$0x5] =	stream.indirect_vreg.gather [hbm4b:s5+s3], $0x80, v3, vm0, $0xb8;
	[tilespmem:$0x1E400] =	vst v63  }
0x5d6: {  	s14 =	simm.s32 $0x1B400  }
0x5d7: {  	[tilespmem:s14], [sflag:$0x5] =	stream.indirect_vreg.gather [hbm4b:s6+s3], $0x80, v3, vm0, $0xb8;
	[tilespmem:$0x1E400] =	vst v63  }
0x5d8: {  	s22 =	simm.s32 $0x1BC00  }
0x5d9: {  	[tilespmem:s22], [sflag:$0x5] =	stream.indirect_vreg.gather [hbm4b:s7+s3], $0x80, v3, vm0, $0xb8;
	[tilespmem:$0x1E400] =	vst v63  }
0x5da: {  	v3 =	vld.msk [tilespmem:$0x340], $0xff;
	_ =	sdelay $0x4  }
0x5db: {  	v48 =	vshll.u32 v3, $0x3  }
0x5dc: {  	v3 =	vand.u32 $0x7, v3;
	v4 =	vand.u32 $0xFFFFFFC0, v48  }
0x5dd: {  	v3 =	vor.u32 v3, v4  }
0x5de: {  	v3 =	vperm.xlane v3, v0;
	_ =	sdelay $0x1  }
0x5df: {  	v3 =	vadd.s32 v1, v3;
	_ =	sdelay $0x3  }
0x5e0: {  	s14 =	simm.s32 $0x1C400  }
0x5e1: {  	[tilespmem:s14], [sflag:$0x5] =	stream.indirect_vreg.gather [hbm4b:s2+s3], $0x80, v3, vm0, $0xb8;
	[tilespmem:$0x1E400] =	vst v63  }
0x5e2: {  	s14 =	simm.s32 $0x1CC00  }
0x5e3: {  	[tilespmem:s14], [sflag:$0x5] =	stream.indirect_vreg.gather [hbm4b:s5+s3], $0x80, v3, vm0, $0xb8;
	[tilespmem:$0x1E400] =	vst v63  }
0x5e4: {  	s14 =	simm.s32 $0x1D400  }
0x5e5: {  	[tilespmem:s14], [sflag:$0x5] =	stream.indirect_vreg.gather [hbm4b:s6+s3], $0x80, v3, vm0, $0xb8;
	[tilespmem:$0x1E400] =	vst v63  }
0x5e6: {  	s14 =	simm.s32 $0x1DC00  }
0x5e7: {  	[tilespmem:s14], [sflag:$0x5] =	stream.indirect_vreg.gather [hbm4b:s7+s3], $0x80, v3, vm0, $0xb8;
	[tilespmem:$0x1E400] =	vst v63  }
0x5e8: {  	_ =	swait.ge [sflag:s21], $0x6000  }
0x5e9: {  	s14 =	sld [smem:$0x7F0]  }
0x5ea: {  	[sflag:s21] =	ssyncset.done $0x0  }
0x5eb: {  	s17 =	simm.s32 $0x6400;
	[sflag:s21] =	ssyncadd.s32 $0xFFFFA000  }
0x5ec: {  	[hbm4b:s14+s3] =	stream.linear.scatter [tilespmem:s17], [sflag:$0x7], $0x6000, $0x38;
	[tilespmem:$0x1E400] =	vst v63  }
0x5ed: {  	_ =	swait.ge [sflag:s23], $0x6000  }
0x5ee: {  	[sflag:s23] =	ssyncset.done $0x0  }
0x5ef: {  	[sflag:s23] =	ssyncadd.s32 $0xFFFFA000  }
0x5f0: {  	v3 =	vld [tilespmem:$0x348];
	_ =	sdelay $0x4  }
0x5f1: {  	v49 =	vshll.u32 v3, $0x3  }
0x5f2: {  	v3 =	vand.u32 $0x7, v3;
	v4 =	vand.u32 $0xFFFFFFC0, v49  }
0x5f3: {  	v3 =	vor.u32 v3, v4  }
0x5f4: {  	v4 =	vperm.xlane v3, v0;
	_ =	sdelay $0x1  }
0x5f5: {  	v4 =	vadd.s32 v1, v4;
	_ =	sdelay $0x4  }
0x5f6: {  	[tilespmem:s12], [sflag:$0x1] =	stream.indirect_vreg.gather [hbm4b:s2+s3], $0x80, v4, vm0, $0xb8;
	[tilespmem:$0x1E400] =	vst v63  }
0x5f7: {  	v3 =	vperm.xlane v3, v2;
	s12 =	simm.s32 $0xC00  }
0x5f8: {  	[tilespmem:s12], [sflag:$0x1] =	stream.indirect_vreg.gather [hbm4b:s5+s3], $0x80, v4, vm0, $0xb8;
	[tilespmem:$0x1E400] =	vst v63  }
0x5f9: {  	s0 =	simm.s32 $0x1400;
	v3 =	vadd.s32 v1, v3  }
0x5fa: {  	[tilespmem:s0], [sflag:$0x1] =	stream.indirect_vreg.gather [hbm4b:s6+s3], $0x80, v4, vm0, $0xb8;
	[tilespmem:$0x1E400] =	vst v63  }
0x5fb: {  	s0 =	simm.s32 $0x1C00  }
0x5fc: {  	[tilespmem:s0], [sflag:$0x1] =	stream.indirect_vreg.gather [hbm4b:s7+s3], $0x80, v4, vm0, $0xb8;
	[tilespmem:$0x1E400] =	vst v63  }
0x5fd: {  	_ = 	snop  }
0x5fe: {  	[tilespmem:s9], [sflag:$0x1] =	stream.indirect_vreg.gather [hbm4b:s2+s3], $0x80, v3, vm0, $0xb8;
	[tilespmem:$0x1E400] =	vst v63  }
0x5ff: {  	s0 =	simm.s32 $0x2C00  }
0x600: {  	[tilespmem:s0], [sflag:$0x1] =	stream.indirect_vreg.gather [hbm4b:s5+s3], $0x80, v3, vm0, $0xb8;
	[tilespmem:$0x1E400] =	vst v63  }
0x601: {  	_ = 	snop  }
0x602: {  	[tilespmem:s10], [sflag:$0x1] =	stream.indirect_vreg.gather [hbm4b:s6+s3], $0x80, v3, vm0, $0xb8;
	[tilespmem:$0x1E400] =	vst v63  }
0x603: {  	s0 =	simm.s32 $0x3C00  }
0x604: {  	[tilespmem:s0], [sflag:$0x1] =	stream.indirect_vreg.gather [hbm4b:s7+s3], $0x80, v3, vm0, $0xb8;
	[tilespmem:$0x1E400] =	vst v63  }
0x605: {  	v3 =	vld.msk [tilespmem:$0x358], $0xff;
	_ =	sdelay $0x4  }
0x606: {  	v50 =	vshll.u32 v3, $0x3  }
0x607: {  	v3 =	vand.u32 $0x7, v3;
	v4 =	vand.u32 $0xFFFFFFC0, v50  }
0x608: {  	v3 =	vor.u32 v3, v4  }
0x609: {  	v3 =	vperm.xlane v3, v0;
	_ =	sdelay $0x1  }
0x60a: {  	v3 =	vadd.s32 v1, v3;
	_ =	sdelay $0x3  }
0x60b: {  	s0 =	simm.s32 $0x4400  }
0x60c: {  	[tilespmem:s0], [sflag:$0x1] =	stream.indirect_vreg.gather [hbm4b:s2+s3], $0x80, v3, vm0, $0xb8;
	[tilespmem:$0x1E400] =	vst v63  }
0x60d: {  	_ = 	snop  }
0x60e: {  	[tilespmem:s4], [sflag:$0x1] =	stream.indirect_vreg.gather [hbm4b:s5+s3], $0x80, v3, vm0, $0xb8;
	[tilespmem:$0x1E400] =	vst v63  }
0x60f: {  	s0 =	simm.s32 $0x5400  }
0x610: {  	[tilespmem:s0], [sflag:$0x1] =	stream.indirect_vreg.gather [hbm4b:s6+s3], $0x80, v3, vm0, $0xb8;
	[tilespmem:$0x1E400] =	vst v63  }
0x611: {  	s0 =	simm.s32 $0x5C00  }
0x612: {  	[tilespmem:s0], [sflag:$0x1] =	stream.indirect_vreg.gather [hbm4b:s7+s3], $0x80, v3, vm0, $0xb8;
	[tilespmem:$0x1E400] =	vst v63  }
0x613: {  	_ =	swait.ge [sflag:s24], $0x6000  }
0x614: {  	s0 =	sld [smem:$0x7F1]  }
0x615: {  	[sflag:s24] =	ssyncset.done $0x0  }
0x616: {  	s15 =	simm.s32 $0xC400;
	[sflag:s24] =	ssyncadd.s32 $0xFFFFA000  }
0x617: {  	[hbm4b:s0+s3] =	stream.linear.scatter [tilespmem:s15], [sflag:$0x8], $0x6000, $0x38;
	[tilespmem:$0x1E400] =	vst v63  }
0x618: {  	_ =	swait.ge [sflag:s25], $0x6000  }
0x619: {  	[sflag:s25] =	ssyncset.done $0x0  }
0x61a: {  	[sflag:s25] =	ssyncadd.s32 $0xFFFFA000  }
0x61b: {  	v3 =	vld [tilespmem:$0x360];
	_ =	sdelay $0x4  }
0x61c: {  	v51 =	vshll.u32 v3, $0x3  }
0x61d: {  	v3 =	vand.u32 $0x7, v3;
	v4 =	vand.u32 $0xFFFFFFC0, v51  }
0x61e: {  	v3 =	vor.u32 v3, v4  }
0x61f: {  	v4 =	vperm.xlane v3, v0;
	_ =	sdelay $0x1  }
0x620: {  	v4 =	vadd.s32 v1, v4;
	_ =	sdelay $0x4  }
0x621: {  	[tilespmem:s17], [sflag:$0x2] =	stream.indirect_vreg.gather [hbm4b:s2+s3], $0x80, v4, vm0, $0xb8;
	[tilespmem:$0x1E400] =	vst v63  }
0x622: {  	v3 =	vperm.xlane v3, v2  }
0x623: {  	[tilespmem:s11], [sflag:$0x2] =	stream.indirect_vreg.gather [hbm4b:s5+s3], $0x80, v4, vm0, $0xb8;
	[tilespmem:$0x1E400] =	vst v63  }
0x624: {  	s0 =	simm.s32 $0x7400;
	v3 =	vadd.s32 v1, v3  }
0x625: {  	[tilespmem:s0], [sflag:$0x2] =	stream.indirect_vreg.gather [hbm4b:s6+s3], $0x80, v4, vm0, $0xb8;
	[tilespmem:$0x1E400] =	vst v63  }
0x626: {  	s0 =	simm.s32 $0x7C00  }
0x627: {  	[tilespmem:s0], [sflag:$0x2] =	stream.indirect_vreg.gather [hbm4b:s7+s3], $0x80, v4, vm0, $0xb8;
	[tilespmem:$0x1E400] =	vst v63  }
0x628: {  	s0 =	simm.s32 $0x8400  }
0x629: {  	[tilespmem:s0], [sflag:$0x2] =	stream.indirect_vreg.gather [hbm4b:s2+s3], $0x80, v3, vm0, $0xb8;
	[tilespmem:$0x1E400] =	vst v63  }
0x62a: {  	s0 =	simm.s32 $0x8C00  }
0x62b: {  	[tilespmem:s0], [sflag:$0x2] =	stream.indirect_vreg.gather [hbm4b:s5+s3], $0x80, v3, vm0, $0xb8;
	[tilespmem:$0x1E400] =	vst v63  }
0x62c: {  	s0 =	simm.s32 $0x9400  }
0x62d: {  	[tilespmem:s0], [sflag:$0x2] =	stream.indirect_vreg.gather [hbm4b:s6+s3], $0x80, v3, vm0, $0xb8;
	[tilespmem:$0x1E400] =	vst v63  }
0x62e: {  	s0 =	simm.s32 $0x9C00  }
0x62f: {  	[tilespmem:s0], [sflag:$0x2] =	stream.indirect_vreg.gather [hbm4b:s7+s3], $0x80, v3, vm0, $0xb8;
	[tilespmem:$0x1E400] =	vst v63  }
0x630: {  	v3 =	vld.msk [tilespmem:$0x370], $0xff;
	_ =	sdelay $0x4  }
0x631: {  	v52 =	vshll.u32 v3, $0x3  }
0x632: {  	v3 =	vand.u32 $0x7, v3;
	v4 =	vand.u32 $0xFFFFFFC0, v52  }
0x633: {  	v3 =	vor.u32 v3, v4  }
0x634: {  	v3 =	vperm.xlane v3, v0;
	_ =	sdelay $0x1  }
0x635: {  	v3 =	vadd.s32 v1, v3;
	_ =	sdelay $0x3  }
0x636: {  	s0 =	simm.s32 $0xA400  }
0x637: {  	[tilespmem:s0], [sflag:$0x2] =	stream.indirect_vreg.gather [hbm4b:s2+s3], $0x80, v3, vm0, $0xb8;
	[tilespmem:$0x1E400] =	vst v63  }
0x638: {  	s0 =	simm.s32 $0xAC00  }
0x639: {  	[tilespmem:s0], [sflag:$0x2] =	stream.indirect_vreg.gather [hbm4b:s5+s3], $0x80, v3, vm0, $0xb8;
	[tilespmem:$0x1E400] =	vst v63  }
0x63a: {  	s0 =	simm.s32 $0xB400  }
0x63b: {  	[tilespmem:s0], [sflag:$0x2] =	stream.indirect_vreg.gather [hbm4b:s6+s3], $0x80, v3, vm0, $0xb8;
	[tilespmem:$0x1E400] =	vst v63  }
0x63c: {  	s0 =	simm.s32 $0xBC00  }
0x63d: {  	[tilespmem:s0], [sflag:$0x2] =	stream.indirect_vreg.gather [hbm4b:s7+s3], $0x80, v3, vm0, $0xb8;
	[tilespmem:$0x1E400] =	vst v63  }
0x63e: {  	_ =	swait.ge [sflag:s26], $0x6000  }
0x63f: {  	s0 =	sld [smem:$0x7F2]  }
0x640: {  	[sflag:s26] =	ssyncset.done $0x0  }
0x641: {  	s18 =	simm.s32 $0x12400;
	[sflag:s26] =	ssyncadd.s32 $0xFFFFA000  }
0x642: {  	[hbm4b:s0+s3] =	stream.linear.scatter [tilespmem:s18], [sflag:$0x9], $0x6000, $0x38;
	[tilespmem:$0x1E400] =	vst v63  }
0x643: {  	_ =	swait.ge [sflag:s28], $0x6000  }
0x644: {  	[sflag:s28] =	ssyncset.done $0x0  }
0x645: {  	[sflag:s28] =	ssyncadd.s32 $0xFFFFA000  }
0x646: {  	v3 =	vld [tilespmem:$0x378];
	_ =	sdelay $0x4  }
0x647: {  	v53 =	vshll.u32 v3, $0x3  }
0x648: {  	v3 =	vand.u32 $0x7, v3;
	v4 =	vand.u32 $0xFFFFFFC0, v53  }
0x649: {  	v3 =	vor.u32 v3, v4  }
0x64a: {  	v4 =	vperm.xlane v3, v0;
	_ =	sdelay $0x1  }
0x64b: {  	v4 =	vadd.s32 v1, v4;
	_ =	sdelay $0x4  }
0x64c: {  	[tilespmem:s15], [sflag:$0x3] =	stream.indirect_vreg.gather [hbm4b:s2+s3], $0x80, v4, vm0, $0xb8;
	[tilespmem:$0x1E400] =	vst v63  }
0x64d: {  	v3 =	vperm.xlane v3, v2  }
0x64e: {  	[tilespmem:s1], [sflag:$0x3] =	stream.indirect_vreg.gather [hbm4b:s5+s3], $0x80, v4, vm0, $0xb8;
	[tilespmem:$0x1E400] =	vst v63  }
0x64f: {  	s0 =	simm.s32 $0xD400;
	v3 =	vadd.s32 v1, v3  }
0x650: {  	[tilespmem:s0], [sflag:$0x3] =	stream.indirect_vreg.gather [hbm4b:s6+s3], $0x80, v4, vm0, $0xb8;
	[tilespmem:$0x1E400] =	vst v63  }
0x651: {  	s0 =	simm.s32 $0xDC00  }
0x652: {  	[tilespmem:s0], [sflag:$0x3] =	stream.indirect_vreg.gather [hbm4b:s7+s3], $0x80, v4, vm0, $0xb8;
	[tilespmem:$0x1E400] =	vst v63  }
0x653: {  	s0 =	simm.s32 $0xE400  }
0x654: {  	[tilespmem:s0], [sflag:$0x3] =	stream.indirect_vreg.gather [hbm4b:s2+s3], $0x80, v3, vm0, $0xb8;
	[tilespmem:$0x1E400] =	vst v63  }
0x655: {  	s0 =	simm.s32 $0xEC00  }
0x656: {  	[tilespmem:s0], [sflag:$0x3] =	stream.indirect_vreg.gather [hbm4b:s5+s3], $0x80, v3, vm0, $0xb8;
	[tilespmem:$0x1E400] =	vst v63  }
0x657: {  	s0 =	simm.s32 $0xF400  }
0x658: {  	[tilespmem:s0], [sflag:$0x3] =	stream.indirect_vreg.gather [hbm4b:s6+s3], $0x80, v3, vm0, $0xb8;
	[tilespmem:$0x1E400] =	vst v63  }
0x659: {  	s0 =	simm.s32 $0xFC00  }
0x65a: {  	[tilespmem:s0], [sflag:$0x3] =	stream.indirect_vreg.gather [hbm4b:s7+s3], $0x80, v3, vm0, $0xb8;
	[tilespmem:$0x1E400] =	vst v63  }
0x65b: {  	v3 =	vld.msk [tilespmem:$0x388], $0xff;
	_ =	sdelay $0x4  }
0x65c: {  	v54 =	vshll.u32 v3, $0x3  }
0x65d: {  	v3 =	vand.u32 $0x7, v3;
	v4 =	vand.u32 $0xFFFFFFC0, v54  }
0x65e: {  	v3 =	vor.u32 v3, v4  }
0x65f: {  	v3 =	vperm.xlane v3, v0;
	_ =	sdelay $0x1  }
0x660: {  	v3 =	vadd.s32 v1, v3;
	_ =	sdelay $0x3  }
0x661: {  	s0 =	simm.s32 $0x10400  }
0x662: {  	[tilespmem:s0], [sflag:$0x3] =	stream.indirect_vreg.gather [hbm4b:s2+s3], $0x80, v3, vm0, $0xb8;
	[tilespmem:$0x1E400] =	vst v63  }
0x663: {  	s0 =	simm.s32 $0x10C00  }
0x664: {  	[tilespmem:s0], [sflag:$0x3] =	stream.indirect_vreg.gather [hbm4b:s5+s3], $0x80, v3, vm0, $0xb8;
	[tilespmem:$0x1E400] =	vst v63  }
0x665: {  	s0 =	simm.s32 $0x11400  }
0x666: {  	[tilespmem:s0], [sflag:$0x3] =	stream.indirect_vreg.gather [hbm4b:s6+s3], $0x80, v3, vm0, $0xb8;
	[tilespmem:$0x1E400] =	vst v63  }
0x667: {  	s0 =	simm.s32 $0x11C00  }
0x668: {  	[tilespmem:s0], [sflag:$0x3] =	stream.indirect_vreg.gather [hbm4b:s7+s3], $0x80, v3, vm0, $0xb8;
	[tilespmem:$0x1E400] =	vst v63  }
0x669: {  	_ =	swait.ge [sflag:s29], $0x6000  }
0x66a: {  	s0 =	sld [smem:$0x7F3]  }
0x66b: {  	[sflag:s29] =	ssyncset.done $0x0  }
0x66c: {  	s16 =	simm.s32 $0x18400;
	[sflag:s29] =	ssyncadd.s32 $0xFFFFA000  }
0x66d: {  	[hbm4b:s0+s3] =	stream.linear.scatter [tilespmem:s16], [sflag:$0xA], $0x6000, $0x38;
	[tilespmem:$0x1E400] =	vst v63  }
0x66e: {  	_ =	swait.ge [sflag:s30], $0x6000  }
0x66f: {  	[sflag:s30] =	ssyncset.done $0x0  }
0x670: {  	[sflag:s30] =	ssyncadd.s32 $0xFFFFA000  }
0x671: {  	v3 =	vld [tilespmem:$0x390];
	_ =	sdelay $0x4  }
0x672: {  	v55 =	vshll.u32 v3, $0x3  }
0x673: {  	v3 =	vand.u32 $0x7, v3;
	v4 =	vand.u32 $0xFFFFFFC0, v55  }
0x674: {  	v3 =	vor.u32 v3, v4  }
0x675: {  	v4 =	vperm.xlane v3, v0;
	_ =	sdelay $0x1  }
0x676: {  	v4 =	vadd.s32 v1, v4;
	_ =	sdelay $0x4  }
0x677: {  	[tilespmem:s18], [sflag:$0x4] =	stream.indirect_vreg.gather [hbm4b:s2+s3], $0x80, v4, vm0, $0xb8;
	[tilespmem:$0x1E400] =	vst v63  }
0x678: {  	s0 =	simm.s32 $0x12C00;
	v3 =	vperm.xlane v3, v2  }
0x679: {  	[tilespmem:s0], [sflag:$0x4] =	stream.indirect_vreg.gather [hbm4b:s5+s3], $0x80, v4, vm0, $0xb8;
	[tilespmem:$0x1E400] =	vst v63  }
0x67a: {  	v3 =	vadd.s32 v1, v3;
	s0 =	simm.s32 $0x13400  }
0x67b: {  	[tilespmem:s0], [sflag:$0x4] =	stream.indirect_vreg.gather [hbm4b:s6+s3], $0x80, v4, vm0, $0xb8;
	[tilespmem:$0x1E400] =	vst v63  }
0x67c: {  	s0 =	simm.s32 $0x13C00  }
0x67d: {  	[tilespmem:s0], [sflag:$0x4] =	stream.indirect_vreg.gather [hbm4b:s7+s3], $0x80, v4, vm0, $0xb8;
	[tilespmem:$0x1E400] =	vst v63  }
0x67e: {  	s0 =	simm.s32 $0x14400  }
0x67f: {  	[tilespmem:s0], [sflag:$0x4] =	stream.indirect_vreg.gather [hbm4b:s2+s3], $0x80, v3, vm0, $0xb8;
	[tilespmem:$0x1E400] =	vst v63  }
0x680: {  	s0 =	simm.s32 $0x14C00  }
0x681: {  	[tilespmem:s0], [sflag:$0x4] =	stream.indirect_vreg.gather [hbm4b:s5+s3], $0x80, v3, vm0, $0xb8;
	[tilespmem:$0x1E400] =	vst v63  }
0x682: {  	s0 =	simm.s32 $0x15400  }
0x683: {  	[tilespmem:s0], [sflag:$0x4] =	stream.indirect_vreg.gather [hbm4b:s6+s3], $0x80, v3, vm0, $0xb8;
	[tilespmem:$0x1E400] =	vst v63  }
0x684: {  	s0 =	simm.s32 $0x15C00  }
0x685: {  	[tilespmem:s0], [sflag:$0x4] =	stream.indirect_vreg.gather [hbm4b:s7+s3], $0x80, v3, vm0, $0xb8;
	[tilespmem:$0x1E400] =	vst v63  }
0x686: {  	v3 =	vld.msk [tilespmem:$0x3A0], $0xff;
	_ =	sdelay $0x4  }
0x687: {  	v56 =	vshll.u32 v3, $0x3  }
0x688: {  	v3 =	vand.u32 $0x7, v3;
	v4 =	vand.u32 $0xFFFFFFC0, v56  }
0x689: {  	v3 =	vor.u32 v3, v4  }
0x68a: {  	v3 =	vperm.xlane v3, v0;
	_ =	sdelay $0x1  }
0x68b: {  	v3 =	vadd.s32 v1, v3;
	_ =	sdelay $0x3  }
0x68c: {  	s0 =	simm.s32 $0x16400  }
0x68d: {  	[tilespmem:s0], [sflag:$0x4] =	stream.indirect_vreg.gather [hbm4b:s2+s3], $0x80, v3, vm0, $0xb8;
	[tilespmem:$0x1E400] =	vst v63  }
0x68e: {  	s0 =	simm.s32 $0x16C00  }
0x68f: {  	[tilespmem:s0], [sflag:$0x4] =	stream.indirect_vreg.gather [hbm4b:s5+s3], $0x80, v3, vm0, $0xb8;
	[tilespmem:$0x1E400] =	vst v63  }
0x690: {  	_ = 	snop  }
0x691: {  	[tilespmem:s8], [sflag:$0x4] =	stream.indirect_vreg.gather [hbm4b:s6+s3], $0x80, v3, vm0, $0xb8;
	[tilespmem:$0x1E400] =	vst v63  }
0x692: {  	s8 =	simm.s32 $0x17C00  }
0x693: {  	[tilespmem:s8], [sflag:$0x4] =	stream.indirect_vreg.gather [hbm4b:s7+s3], $0x80, v3, vm0, $0xb8;
	[tilespmem:$0x1E400] =	vst v63  }
0x694: {  	_ =	swait.ge [sflag:s19], $0x6000  }
0x695: {  	s8 =	sld [smem:$0x7F4]  }
0x696: {  	[sflag:s19] =	ssyncset.done $0x0  }
0x697: {  	s14 =	simm.s32 $0x400;
	[sflag:s19] =	ssyncadd.s32 $0xFFFFA000  }
0x698: {  	[hbm4b:s8+s3] =	stream.linear.scatter [tilespmem:s14], [sflag:$0x6], $0x6000, $0x38;
	[tilespmem:$0x1E400] =	vst v63  }
0x699: {  	_ =	swait.ge [sflag:s31], $0x6000  }
0x69a: {  	[sflag:s31] =	ssyncset.done $0x0  }
0x69b: {  	[sflag:s31] =	ssyncadd.s32 $0xFFFFA000  }
0x69c: {  	v3 =	vld [tilespmem:$0x3A8];
	_ =	sdelay $0x4  }
0x69d: {  	v57 =	vshll.u32 v3, $0x3  }
0x69e: {  	v3 =	vand.u32 $0x7, v3;
	v4 =	vand.u32 $0xFFFFFFC0, v57  }
0x69f: {  	v3 =	vor.u32 v3, v4  }
0x6a0: {  	v4 =	vperm.xlane v3, v0;
	_ =	sdelay $0x1  }
0x6a1: {  	v4 =	vadd.s32 v1, v4;
	_ =	sdelay $0x4  }
0x6a2: {  	[tilespmem:s16], [sflag:$0x5] =	stream.indirect_vreg.gather [hbm4b:s2+s3], $0x80, v4, vm0, $0xb8;
	[tilespmem:$0x1E400] =	vst v63  }
0x6a3: {  	s20 =	simm.s32 $0x18C00;
	v3 =	vperm.xlane v3, v2  }
0x6a4: {  	[tilespmem:s20], [sflag:$0x5] =	stream.indirect_vreg.gather [hbm4b:s5+s3], $0x80, v4, vm0, $0xb8;
	[tilespmem:$0x1E400] =	vst v63  }
0x6a5: {  	v3 =	vadd.s32 v1, v3  }
0x6a6: {  	[tilespmem:s13], [sflag:$0x5] =	stream.indirect_vreg.gather [hbm4b:s6+s3], $0x80, v4, vm0, $0xb8;
	[tilespmem:$0x1E400] =	vst v63  }
0x6a7: {  	s20 =	simm.s32 $0x19C00  }
0x6a8: {  	[tilespmem:s20], [sflag:$0x5] =	stream.indirect_vreg.gather [hbm4b:s7+s3], $0x80, v4, vm0, $0xb8;
	[tilespmem:$0x1E400] =	vst v63  }
0x6a9: {  	s8 =	simm.s32 $0x1A400  }
0x6aa: {  	[tilespmem:s8], [sflag:$0x5] =	stream.indirect_vreg.gather [hbm4b:s2+s3], $0x80, v3, vm0, $0xb8;
	[tilespmem:$0x1E400] =	vst v63  }
0x6ab: {  	s13 =	simm.s32 $0x1AC00  }
0x6ac: {  	[tilespmem:s13], [sflag:$0x5] =	stream.indirect_vreg.gather [hbm4b:s5+s3], $0x80, v3, vm0, $0xb8;
	[tilespmem:$0x1E400] =	vst v63  }
0x6ad: {  	s20 =	simm.s32 $0x1B400  }
0x6ae: {  	[tilespmem:s20], [sflag:$0x5] =	stream.indirect_vreg.gather [hbm4b:s6+s3], $0x80, v3, vm0, $0xb8;
	[tilespmem:$0x1E400] =	vst v63  }
0x6af: {  	s22 =	simm.s32 $0x1BC00  }
0x6b0: {  	[tilespmem:s22], [sflag:$0x5] =	stream.indirect_vreg.gather [hbm4b:s7+s3], $0x80, v3, vm0, $0xb8;
	[tilespmem:$0x1E400] =	vst v63  }
0x6b1: {  	v3 =	vld.msk [tilespmem:$0x3B8], $0xff;
	_ =	sdelay $0x4  }
0x6b2: {  	v58 =	vshll.u32 v3, $0x3  }
0x6b3: {  	v3 =	vand.u32 $0x7, v3;
	v4 =	vand.u32 $0xFFFFFFC0, v58  }
0x6b4: {  	v3 =	vor.u32 v3, v4  }
0x6b5: {  	v3 =	vperm.xlane v3, v0;
	_ =	sdelay $0x1  }
0x6b6: {  	v3 =	vadd.s32 v1, v3;
	_ =	sdelay $0x3  }
0x6b7: {  	s8 =	simm.s32 $0x1C400  }
0x6b8: {  	[tilespmem:s8], [sflag:$0x5] =	stream.indirect_vreg.gather [hbm4b:s2+s3], $0x80, v3, vm0, $0xb8;
	[tilespmem:$0x1E400] =	vst v63  }
0x6b9: {  	s13 =	simm.s32 $0x1CC00  }
0x6ba: {  	[tilespmem:s13], [sflag:$0x5] =	stream.indirect_vreg.gather [hbm4b:s5+s3], $0x80, v3, vm0, $0xb8;
	[tilespmem:$0x1E400] =	vst v63  }
0x6bb: {  	s20 =	simm.s32 $0x1D400  }
0x6bc: {  	[tilespmem:s20], [sflag:$0x5] =	stream.indirect_vreg.gather [hbm4b:s6+s3], $0x80, v3, vm0, $0xb8;
	[tilespmem:$0x1E400] =	vst v63  }
0x6bd: {  	s22 =	simm.s32 $0x1DC00  }
0x6be: {  	[tilespmem:s22], [sflag:$0x5] =	stream.indirect_vreg.gather [hbm4b:s7+s3], $0x80, v3, vm0, $0xb8;
	[tilespmem:$0x1E400] =	vst v63  }
0x6bf: {  	_ =	swait.ge [sflag:s21], $0x6000  }
0x6c0: {  	s8 =	sld [smem:$0x7F5]  }
0x6c1: {  	[sflag:s21] =	ssyncset.done $0x0  }
0x6c2: {  	[sflag:s21] =	ssyncadd.s32 $0xFFFFA000  }
0x6c3: {  	[hbm4b:s8+s3] =	stream.linear.scatter [tilespmem:s17], [sflag:$0x7], $0x6000, $0x38;
	[tilespmem:$0x1E400] =	vst v63  }
0x6c4: {  	_ =	swait.ge [sflag:s23], $0x6000  }
0x6c5: {  	[sflag:s23] =	ssyncset.done $0x0  }
0x6c6: {  	[sflag:s23] =	ssyncadd.s32 $0xFFFFA000  }
0x6c7: {  	v3 =	vld [tilespmem:$0x3C0];
	_ =	sdelay $0x4  }
0x6c8: {  	v59 =	vshll.u32 v3, $0x3  }
0x6c9: {  	v3 =	vand.u32 $0x7, v3;
	v4 =	vand.u32 $0xFFFFFFC0, v59  }
0x6ca: {  	v3 =	vor.u32 v3, v4  }
0x6cb: {  	v4 =	vperm.xlane v3, v0;
	_ =	sdelay $0x1  }
0x6cc: {  	v4 =	vadd.s32 v1, v4;
	_ =	sdelay $0x4  }
0x6cd: {  	[tilespmem:s14], [sflag:$0x1] =	stream.indirect_vreg.gather [hbm4b:s2+s3], $0x80, v4, vm0, $0xb8;
	[tilespmem:$0x1E400] =	vst v63  }
0x6ce: {  	v3 =	vperm.xlane v3, v2  }
0x6cf: {  	[tilespmem:s12], [sflag:$0x1] =	stream.indirect_vreg.gather [hbm4b:s5+s3], $0x80, v4, vm0, $0xb8;
	[tilespmem:$0x1E400] =	vst v63  }
0x6d0: {  	s13 =	simm.s32 $0x1400;
	v3 =	vadd.s32 v1, v3  }
0x6d1: {  	[tilespmem:s13], [sflag:$0x1] =	stream.indirect_vreg.gather [hbm4b:s6+s3], $0x80, v4, vm0, $0xb8;
	[tilespmem:$0x1E400] =	vst v63  }
0x6d2: {  	s20 =	simm.s32 $0x1C00  }
0x6d3: {  	[tilespmem:s20], [sflag:$0x1] =	stream.indirect_vreg.gather [hbm4b:s7+s3], $0x80, v4, vm0, $0xb8;
	[tilespmem:$0x1E400] =	vst v63  }
0x6d4: {  	s9 =	simm.s32 $0x2400  }
0x6d5: {  	[tilespmem:s9], [sflag:$0x1] =	stream.indirect_vreg.gather [hbm4b:s2+s3], $0x80, v3, vm0, $0xb8;
	[tilespmem:$0x1E400] =	vst v63  }
0x6d6: {  	s22 =	simm.s32 $0x2C00  }
0x6d7: {  	[tilespmem:s22], [sflag:$0x1] =	stream.indirect_vreg.gather [hbm4b:s5+s3], $0x80, v3, vm0, $0xb8;
	[tilespmem:$0x1E400] =	vst v63  }
0x6d8: {  	s10 =	simm.s32 $0x3400  }
0x6d9: {  	[tilespmem:s10], [sflag:$0x1] =	stream.indirect_vreg.gather [hbm4b:s6+s3], $0x80, v3, vm0, $0xb8;
	[tilespmem:$0x1E400] =	vst v63  }
0x6da: {  	s8 =	simm.s32 $0x3C00  }
0x6db: {  	[tilespmem:s8], [sflag:$0x1] =	stream.indirect_vreg.gather [hbm4b:s7+s3], $0x80, v3, vm0, $0xb8;
	[tilespmem:$0x1E400] =	vst v63  }
0x6dc: {  	v3 =	vld.msk [tilespmem:$0x3D0], $0xff;
	_ =	sdelay $0x4  }
0x6dd: {  	v60 =	vshll.u32 v3, $0x3  }
0x6de: {  	v3 =	vand.u32 $0x7, v3;
	v4 =	vand.u32 $0xFFFFFFC0, v60  }
0x6df: {  	v3 =	vor.u32 v3, v4  }
0x6e0: {  	v3 =	vperm.xlane v3, v0;
	_ =	sdelay $0x1  }
0x6e1: {  	v3 =	vadd.s32 v1, v3;
	_ =	sdelay $0x3  }
0x6e2: {  	s9 =	simm.s32 $0x4400  }
0x6e3: {  	[tilespmem:s9], [sflag:$0x1] =	stream.indirect_vreg.gather [hbm4b:s2+s3], $0x80, v3, vm0, $0xb8;
	[tilespmem:$0x1E400] =	vst v63  }
0x6e4: {  	s4 =	simm.s32 $0x4C00  }
0x6e5: {  	[tilespmem:s4], [sflag:$0x1] =	stream.indirect_vreg.gather [hbm4b:s5+s3], $0x80, v3, vm0, $0xb8;
	[tilespmem:$0x1E400] =	vst v63  }
0x6e6: {  	s10 =	simm.s32 $0x5400  }
0x6e7: {  	[tilespmem:s10], [sflag:$0x1] =	stream.indirect_vreg.gather [hbm4b:s6+s3], $0x80, v3, vm0, $0xb8;
	[tilespmem:$0x1E400] =	vst v63  }
0x6e8: {  	s12 =	simm.s32 $0x5C00  }
0x6e9: {  	[tilespmem:s12], [sflag:$0x1] =	stream.indirect_vreg.gather [hbm4b:s7+s3], $0x80, v3, vm0, $0xb8;
	[tilespmem:$0x1E400] =	vst v63  }
0x6ea: {  	_ =	swait.ge [sflag:s24], $0x6000  }
0x6eb: {  	s13 =	sld [smem:$0x7F6]  }
0x6ec: {  	[sflag:s24] =	ssyncset.done $0x0  }
0x6ed: {  	[sflag:s24] =	ssyncadd.s32 $0xFFFFA000  }
0x6ee: {  	[hbm4b:s13+s3] =	stream.linear.scatter [tilespmem:s15], [sflag:$0x8], $0x6000, $0x38;
	[tilespmem:$0x1E400] =	vst v63  }
0x6ef: {  	_ =	swait.ge [sflag:s25], $0x6000  }
0x6f0: {  	[sflag:s25] =	ssyncset.done $0x0  }
0x6f1: {  	[sflag:s25] =	ssyncadd.s32 $0xFFFFA000  }
0x6f2: {  	v3 =	vld [tilespmem:$0x3D8];
	_ =	sdelay $0x4  }
0x6f3: {  	v61 =	vshll.u32 v3, $0x3  }
0x6f4: {  	v3 =	vand.u32 $0x7, v3;
	v4 =	vand.u32 $0xFFFFFFC0, v61  }
0x6f5: {  	v3 =	vor.u32 v3, v4  }
0x6f6: {  	v4 =	vperm.xlane v3, v0;
	_ =	sdelay $0x1  }
0x6f7: {  	v4 =	vadd.s32 v1, v4;
	_ =	sdelay $0x4  }
0x6f8: {  	[tilespmem:s17], [sflag:$0x2] =	stream.indirect_vreg.gather [hbm4b:s2+s3], $0x80, v4, vm0, $0xb8;
	[tilespmem:$0x1E400] =	vst v63  }
0x6f9: {  	s11 =	simm.s32 $0x6C00;
	v3 =	vperm.xlane v3, v2  }
0x6fa: {  	[tilespmem:s11], [sflag:$0x2] =	stream.indirect_vreg.gather [hbm4b:s5+s3], $0x80, v4, vm0, $0xb8;
	[tilespmem:$0x1E400] =	vst v63  }
0x6fb: {  	s20 =	simm.s32 $0x7400;
	v3 =	vadd.s32 v1, v3  }
0x6fc: {  	[tilespmem:s20], [sflag:$0x2] =	stream.indirect_vreg.gather [hbm4b:s6+s3], $0x80, v4, vm0, $0xb8;
	[tilespmem:$0x1E400] =	vst v63  }
0x6fd: {  	s22 =	simm.s32 $0x7C00  }
0x6fe: {  	[tilespmem:s22], [sflag:$0x2] =	stream.indirect_vreg.gather [hbm4b:s7+s3], $0x80, v4, vm0, $0xb8;
	[tilespmem:$0x1E400] =	vst v63  }
0x6ff: {  	s4 =	simm.s32 $0x8400  }
0x700: {  	[tilespmem:s4], [sflag:$0x2] =	stream.indirect_vreg.gather [hbm4b:s2+s3], $0x80, v3, vm0, $0xb8;
	[tilespmem:$0x1E400] =	vst v63  }
0x701: {  	s8 =	simm.s32 $0x8C00  }
0x702: {  	[tilespmem:s8], [sflag:$0x2] =	stream.indirect_vreg.gather [hbm4b:s5+s3], $0x80, v3, vm0, $0xb8;
	[tilespmem:$0x1E400] =	vst v63  }
0x703: {  	s9 =	simm.s32 $0x9400  }
0x704: {  	[tilespmem:s9], [sflag:$0x2] =	stream.indirect_vreg.gather [hbm4b:s6+s3], $0x80, v3, vm0, $0xb8;
	[tilespmem:$0x1E400] =	vst v63  }
0x705: {  	s10 =	simm.s32 $0x9C00  }
0x706: {  	[tilespmem:s10], [sflag:$0x2] =	stream.indirect_vreg.gather [hbm4b:s7+s3], $0x80, v3, vm0, $0xb8;
	[tilespmem:$0x1E400] =	vst v63  }
0x707: {  	v3 =	vld.msk [tilespmem:$0x3E8], $0xff;
	_ =	sdelay $0x4  }
0x708: {  	v62 =	vshll.u32 v3, $0x3  }
0x709: {  	v3 =	vand.u32 $0x7, v3;
	v4 =	vand.u32 $0xFFFFFFC0, v62  }
0x70a: {  	v3 =	vor.u32 v3, v4  }
0x70b: {  	v3 =	vperm.xlane v3, v0;
	_ =	sdelay $0x1  }
0x70c: {  	v3 =	vadd.s32 v1, v3;
	_ =	sdelay $0x3  }
0x70d: {  	s11 =	simm.s32 $0xA400  }
0x70e: {  	[tilespmem:s11], [sflag:$0x2] =	stream.indirect_vreg.gather [hbm4b:s2+s3], $0x80, v3, vm0, $0xb8;
	[tilespmem:$0x1E400] =	vst v63  }
0x70f: {  	s12 =	simm.s32 $0xAC00  }
0x710: {  	[tilespmem:s12], [sflag:$0x2] =	stream.indirect_vreg.gather [hbm4b:s5+s3], $0x80, v3, vm0, $0xb8;
	[tilespmem:$0x1E400] =	vst v63  }
0x711: {  	s13 =	simm.s32 $0xB400  }
0x712: {  	[tilespmem:s13], [sflag:$0x2] =	stream.indirect_vreg.gather [hbm4b:s6+s3], $0x80, v3, vm0, $0xb8;
	[tilespmem:$0x1E400] =	vst v63  }
0x713: {  	s20 =	simm.s32 $0xBC00  }
0x714: {  	[tilespmem:s20], [sflag:$0x2] =	stream.indirect_vreg.gather [hbm4b:s7+s3], $0x80, v3, vm0, $0xb8;
	[tilespmem:$0x1E400] =	vst v63  }
0x715: {  	_ =	swait.ge [sflag:s26], $0x6000  }
0x716: {  	s22 =	sld [smem:$0x7F7]  }
0x717: {  	[sflag:s26] =	ssyncset.done $0x0  }
0x718: {  	[sflag:s26] =	ssyncadd.s32 $0xFFFFA000  }
0x719: {  	[hbm4b:s22+s3] =	stream.linear.scatter [tilespmem:s18], [sflag:$0x9], $0x6000, $0x38;
	[tilespmem:$0x1E400] =	vst v63  }
0x71a: {  	_ =	swait.ge [sflag:s28], $0x6000  }
0x71b: {  	[sflag:s28] =	ssyncset.done $0x0  }
0x71c: {  	[sflag:s28] =	ssyncadd.s32 $0xFFFFA000  }
0x71d: {  	v3 =	vld [tilespmem:$0x3F0];
	_ =	sdelay $0x4  }
0x71e: {  	v63 =	vshll.u32 v3, $0x3  }
0x71f: {  	v3 =	vand.u32 $0x7, v3;
	v4 =	vand.u32 $0xFFFFFFC0, v63  }
0x720: {  	v3 =	vor.u32 v3, v4  }
0x721: {  	v4 =	vperm.xlane v3, v0;
	_ =	sdelay $0x1  }
0x722: {  	v4 =	vadd.s32 v1, v4;
	_ =	sdelay $0x4  }
0x723: {  	[tilespmem:s15], [sflag:$0x3] =	stream.indirect_vreg.gather [hbm4b:s2+s3], $0x80, v4, vm0, $0xb8;
	[tilespmem:$0x1E400] =	vst v63  }
0x724: {  	s1 =	simm.s32 $0xCC00;
	v3 =	vperm.xlane v3, v2  }
0x725: {  	[tilespmem:s1], [sflag:$0x3] =	stream.indirect_vreg.gather [hbm4b:s5+s3], $0x80, v4, vm0, $0xb8;
	[tilespmem:$0x1E400] =	vst v63  }
0x726: {  	v3 =	vadd.s32 v1, v3;
	s1 =	simm.s32 $0xD400  }
0x727: {  	[tilespmem:s1], [sflag:$0x3] =	stream.indirect_vreg.gather [hbm4b:s6+s3], $0x80, v4, vm0, $0xb8;
	[tilespmem:$0x1E400] =	vst v63  }
0x728: {  	s4 =	simm.s32 $0xDC00  }
0x729: {  	[tilespmem:s4], [sflag:$0x3] =	stream.indirect_vreg.gather [hbm4b:s7+s3], $0x80, v4, vm0, $0xb8;
	[tilespmem:$0x1E400] =	vst v63  }
0x72a: {  	s9 =	simm.s32 $0xE400  }
0x72b: {  	[tilespmem:s9], [sflag:$0x3] =	stream.indirect_vreg.gather [hbm4b:s2+s3], $0x80, v3, vm0, $0xb8;
	[tilespmem:$0x1E400] =	vst v63  }
0x72c: {  	s10 =	simm.s32 $0xEC00  }
0x72d: {  	[tilespmem:s10], [sflag:$0x3] =	stream.indirect_vreg.gather [hbm4b:s5+s3], $0x80, v3, vm0, $0xb8;
	[tilespmem:$0x1E400] =	vst v63  }
0x72e: {  	s11 =	simm.s32 $0xF400  }
0x72f: {  	[tilespmem:s11], [sflag:$0x3] =	stream.indirect_vreg.gather [hbm4b:s6+s3], $0x80, v3, vm0, $0xb8;
	[tilespmem:$0x1E400] =	vst v63  }
0x730: {  	s12 =	simm.s32 $0xFC00  }
0x731: {  	[tilespmem:s12], [sflag:$0x3] =	stream.indirect_vreg.gather [hbm4b:s7+s3], $0x80, v3, vm0, $0xb8;
	[tilespmem:$0x1E400] =	vst v63  }
0x732: {  	s8 =	sld [smem:$0x7EB];
	_ =	swait.ge [sflag:s29], $0x6000  }
0x733: {  	s13 =	sld [smem:$0x7F8]  }
0x734: {  	[sflag:s29] =	ssyncset.done $0x0  }
0x735: {  	[sflag:s29] =	ssyncadd.s32 $0xFFFFA000  }
0x736: {  	[hbm4b:s13+s3] =	stream.linear.scatter [tilespmem:s16], [sflag:$0xA], $0x6000, $0x38;
	[tilespmem:$0x1E400] =	vst v63  }
0x737: {  	_ =	swait.ge [sflag:s19], $0x6000  }
0x738: {  	s18 =	sld [smem:$0x7F9]  }
0x739: {  	[sflag:s19] =	ssyncset.done $0x0  }
0x73a: {  	[sflag:s19] =	ssyncadd.s32 $0xFFFFA000  }
0x73b: {  	[hbm4b:s18+s3] =	stream.linear.scatter [tilespmem:s14], [sflag:$0x6], $0x6000, $0x38;
	[tilespmem:$0x1E400] =	vst v63  }
0x73c: {  	_ =	swait.ge [sflag:s21], $0x6000  }
0x73d: {  	s20 =	sld [smem:$0x7FA]  }
0x73e: {  	[sflag:s21] =	ssyncset.done $0x0  }
0x73f: {  	[sflag:s21] =	ssyncadd.s32 $0xFFFFA000  }
0x740: {  	[hbm4b:s20+s3] =	stream.linear.scatter [tilespmem:s17], [sflag:$0x7], $0x6000, $0x38;
	[tilespmem:$0x1E400] =	vst v63  }
0x741: {  	_ =	swait.ge [sflag:s24], $0x4000  }
0x742: {  	s22 =	sld [smem:$0x7FC]  }
0x743: {  	[sflag:s24] =	ssyncset.done $0x0  }
0x744: {  	[sflag:s24] =	ssyncadd.s32 $0xFFFFC000  }
0x745: {  	[hbm4b:s22+s3] =	stream.linear.scatter [tilespmem:s15], [sflag:$0x8], $0x4000, $0x38;
	[tilespmem:$0x1E400] =	vst v63  }
0x746: {  	_ =	swait.ge [sflag:s30], $0x6000  }
0x747: {  	[sflag:s30] =	ssyncset.done $0x0  }
0x748: {  	[sflag:s30] =	ssyncadd.s32 $0xFFFFA000  }
0x749: {  	_ =	swait.ge [sflag:s31], $0x6000  }
0x74a: {  	[sflag:s31] =	ssyncset.done $0x0  }
0x74b: {  	[sflag:s31] =	ssyncadd.s32 $0xFFFFA000  }
0x74c: {  	_ =	swait.ge [sflag:s23], $0x6000  }
0x74d: {  	[sflag:s23] =	ssyncset.done $0x0  }
0x74e: {  	[sflag:s23] =	ssyncadd.s32 $0xFFFFA000  }
0x74f: {  	p0 =	sne.s32 s8, $0x1;
	_ =	swait.ge [sflag:s25], $0x6000  }
.Ltmp0:
0x750: {  	[sflag:s25] =	ssyncset.done $0x0;
	(pc) =	sbr.rel @p0 .LBB2_1-.Ltmp0, $4  }
0x751: {  	[sflag:s25] =	ssyncadd.s32 $0xFFFFA000  }
0x752: {  	_ =	swait.ge [sflag:s28], $0x4000  }
0x753: {  	[sflag:s28] =	ssyncset.done $0x0  }
0x754: {  	s1 =	sadd.s32 $0xFFFFFFFF, s8;
	[sflag:s28] =	ssyncadd.s32 $0xFFFFC000  }
0x755: {  	_ =	sfence.sel $0x180000  }
0x756: {  	[bflag:$0x0] =	sbarrier.arrive $0xFFFF  }
0x757: {  	_ =	strace $0x90000047  }
0x758: {  	s0 =	stileid.u32;
	[bflag:$0x2] =	sbarrier.arrive $0xFFFF  }
0x759: {  	p0 =	sne.s32 s0, $0x0;
	s0 =	rddreg [dreg:$0x3]  }
0x75a: {  	s0 =	sadd.s32 @!p0 $0x100000, s0  }
0x75b: {  	[sflag:s0] =	ssyncadd.tile.s32 @!p0 $0x1;
	_ =	shalt  }
.Lfunc_end2:
_tile_overlayer_lowered:
.L_overlay_start_2:
0x75c: {  	(tag) =	ssettag $0x2  }
0x75d: {  	s0 =	rddreg [dreg:$0x0];
	s2 =	stileid.u32  }
0x75e: {  	s1 =	rddreg [dreg:$0x1];
	p0 =	sne.s32 s2, $0x0  }
0x75f: {  	s3 =	rddreg [dreg:$0x2];
	[bflag:$0x3] =	sbarrier.arrive $0xFFFF;
	s2 =	simm.s32 @!p0 $0x1C0B  }
0x760: {  	[timem:s3], [sflag:s2] =	dma.local @!p0 [hbm:s0], s1  }
0x761: {  	s0 =	simm.s32 @!p0 $0xB  }
0x762: {  	_ =	swait.ge @!p0 [sflag:s0], s1  }
0x763: {  	s1 =	ssub.s32 @!p0 $0x0, s1;
	[sflag:s0] =	ssyncset.done @!p0 $0x0  }
0x764: {  	[sflag:s0] =	ssyncadd.s32 @!p0 s1  }
0x765: {  	[bflag:$0x3] =	sbarrier.arrive $0xFFFF  }
0x766: {  	_ =	shalt  }

</sc_bundles>
